<compile_context>
chip_gen: v7x
topology: tpu7x:2x2x1
jax: 0.10.2.dev20260603
libtpu: 0.0.44.dev20260713+nightly
codegen_flags: <defaults>
</compile_context>

<pallas_src>
import functools

import jax
import jax.numpy as jnp
from jax import lax
from jax.experimental import pallas as pl
from jax.experimental.pallas import tpu as pltpu
from jax.experimental.pallas import tpu_sc as plsc

_NC = 2
_NS = 16
_NW = _NC * _NS
_L = 16
_CHUNK = 128


def _rsqrt_newton(x):
    x = jnp.maximum(x, jnp.float32(1e-24))
    i = lax.bitcast_convert_type(x, jnp.int32)
    i = jnp.int32(0x5F3759DF) - lax.shift_right_arithmetic(i, 1)
    y = lax.bitcast_convert_type(i, jnp.float32)
    for _ in range(3):
        y = y * (jnp.float32(1.5) - jnp.float32(0.5) * x * y * y)
    return y


def kernel(h, r, t, entity_embed, relation_embed):
    B = h.shape[0]
    D = entity_embed.shape[1]
    bpw = B // _NW
    nch = bpw // _CHUNK
    ngrp = bpw // _L

    h3 = h.reshape(_NW, nch, _CHUNK)
    r3 = r.reshape(_NW, nch, _CHUNK)
    t3 = t.reshape(_NW, nch, _CHUNK)

    mesh = plsc.VectorSubcoreMesh(core_axis_name="c", subcore_axis_name="s")

    @functools.partial(
        pl.kernel,
        out_type=jax.ShapeDtypeStruct((B,), jnp.float32),
        mesh=mesh,
        compiler_params=pltpu.CompilerParams(
            needs_layout_passes=False, use_tc_tiling_on_sc=False),
        scratch_types=[
            pltpu.VMEM((nch, _CHUNK), jnp.int32),
            pltpu.VMEM((nch, _CHUNK), jnp.int32),
            pltpu.VMEM((nch, _CHUNK), jnp.int32),
            pltpu.VMEM((bpw, D), jnp.float32),
            pltpu.VMEM((bpw, D), jnp.float32),
            pltpu.VMEM((bpw, D), jnp.float32),
            pltpu.VMEM((bpw,), jnp.float32),
            pltpu.SemaphoreType.DMA,
        ],
    )
    def run(h_hbm, r_hbm, t_hbm, ent_hbm, rel_hbm, out_hbm,
            hi, ri, ti, hv, rv, tv, ov, sem):
        wid = lax.axis_index("s") * _NC + lax.axis_index("c")

        pltpu.sync_copy(h_hbm.at[wid], hi)
        pltpu.sync_copy(r_hbm.at[wid], ri)
        pltpu.sync_copy(t_hbm.at[wid], ti)

        copies = []
        for c in range(nch):
            dst = pl.ds(c * _CHUNK, _CHUNK)
            copies.append(pltpu.async_copy(ent_hbm.at[hi.at[c]], hv.at[dst], sem))
            copies.append(pltpu.async_copy(ent_hbm.at[ti.at[c]], tv.at[dst], sem))
            copies.append(pltpu.async_copy(rel_hbm.at[ri.at[c]], rv.at[dst], sem))
        for cp in copies:
            cp.wait()

        def group(g, carry):
            rows = g * _L + lax.iota(jnp.int32, _L)
            h2 = jnp.zeros((_L,), jnp.float32)
            t2 = jnp.zeros((_L,), jnp.float32)
            for j in range(D):
                cj = jnp.full((_L,), j, jnp.int32)
                hj = plsc.load_gather(hv, [rows, cj])
                tj = plsc.load_gather(tv, [rows, cj])
                h2 = h2 + hj * hj
                t2 = t2 + tj * tj
            ih = _rsqrt_newton(h2)
            it = _rsqrt_newton(t2)
            d = jnp.zeros((_L,), jnp.float32)
            for j in range(D):
                cj = jnp.full((_L,), j, jnp.int32)
                hj = plsc.load_gather(hv, [rows, cj])
                rj = plsc.load_gather(rv, [rows, cj])
                tj = plsc.load_gather(tv, [rows, cj])
                d = d + jnp.abs(hj * ih + rj - tj * it)
            ov[pl.ds(pl.multiple_of(g * _L, _L), _L)] = -d
            return carry

        lax.fori_loop(0, ngrp, group, 0)
        pltpu.sync_copy(ov, out_hbm.at[pl.ds(wid * bpw, bpw)])

    one = jnp.float32(1.0) + jnp.float32(0.0) * lax.convert_element_type(h[0], jnp.float32)
    return run(h3, r3, t3, entity_embed * one, relation_embed)

# --- scband reference (transcript-rebuilt; emitter-appended) ---
"""Pipeline reference for scband-trans-e-24498493457034 (READ-ONLY COPY).

The authoritative reference and input builder live on the scoring server;
editing this copy changes nothing except your own understanding.
"""

import jax, jax.numpy as jnp
import numpy as np

N_ENTITIES = 1000000
N_RELATIONS = 1000
EMBED_DIM = 64
BATCH = 16384
EPS = 1e-12
P_NORM = 1


def setup_inputs(seed: int = 0) -> dict:
    key = jax.random.key(seed)
    k1, k2, k3, k4, k5 = jax.random.split(key, 5)
    bound = 6.0 / np.sqrt(EMBED_DIM)
    entity_embed = jax.random.uniform(k1, (N_ENTITIES, EMBED_DIM), minval=-bound, maxval=bound, dtype=jnp.float32)
    # TransE init: L2-normalize entity rows
    entity_embed = entity_embed / jnp.clip(jnp.linalg.norm(entity_embed, axis=-1, keepdims=True), EPS, None)
    relation_embed = jax.random.uniform(k2, (N_RELATIONS, EMBED_DIM), minval=-bound, maxval=bound, dtype=jnp.float32)
    h = jax.random.randint(k3, (BATCH,), 0, N_ENTITIES, dtype=jnp.int32)
    r = jax.random.randint(k4, (BATCH,), 0, N_RELATIONS, dtype=jnp.int32)
    t = jax.random.randint(k5, (BATCH,), 0, N_ENTITIES, dtype=jnp.int32)
    return {"h": h, "r": r, "t": t, "entity_embed": entity_embed, "relation_embed": relation_embed}


def _l2_normalize(x, eps=EPS):
    # matches torch F.normalize(p=2): x / max(||x||_2, eps)
    n = jnp.linalg.norm(x, axis=-1, keepdims=True)
    return x / jnp.clip(n, eps, None)


def reference(h, r, t, entity_embed, relation_embed):
    h_emb = jnp.take(entity_embed, h, axis=0)
    r_emb = jnp.take(relation_embed, r, axis=0)
    t_emb = jnp.take(entity_embed, t, axis=0)
    h_emb = _l2_normalize(h_emb)
    t_emb = _l2_normalize(t_emb)
    diff = h_emb + r_emb - t_emb
    # p-norm with cfg.norm = 1
    dist = jnp.sum(jnp.abs(diff), axis=-1)
    return -dist

if __name__ == "__main__":
    import jax
    _d = setup_inputs()
    print(jax.jit(kernel)(*tuple(_d.values())))

</pallas_src>

<mosaic_0001>
#map = affine_map<(d0, d1) -> (0, 0, 0)>
#map1 = affine_map<(d0, d1) -> (0, 0)>
#map2 = affine_map<(d0, d1) -> (0)>
module attributes {stable_mosaic.version = 14 : i64} {
  func.func @run(%arg0: i32, %arg1: i32, %arg2: memref<32x4x128xi32, #tpu.memory_space<hbm>>, %arg3: memref<32x4x128xi32, #tpu.memory_space<hbm>>, %arg4: memref<32x4x128xi32, #tpu.memory_space<hbm>>, %arg5: memref<1000000x64xf32, #tpu.memory_space<hbm>>, %arg6: memref<1000x64xf32, #tpu.memory_space<hbm>>, %arg7: memref<16384xf32, #tpu.memory_space<hbm>>, %arg8: memref<4x128xi32, #tpu.memory_space<vmem>>, %arg9: memref<4x128xi32, #tpu.memory_space<vmem>>, %arg10: memref<4x128xi32, #tpu.memory_space<vmem>>, %arg11: memref<512x64xf32, #tpu.memory_space<vmem>>, %arg12: memref<512x64xf32, #tpu.memory_space<vmem>>, %arg13: memref<512x64xf32, #tpu.memory_space<vmem>>, %arg14: memref<512xf32, #tpu.memory_space<vmem>>, %arg15: memref<!tpu.dma_semaphore, #tpu.memory_space<semaphore_mem>>) attributes {dimension_semantics = [#tpu.dimension_semantics<core_parallel>, #tpu.dimension_semantics<subcore_parallel>], iteration_bounds = array<i64: 2, 16>, scalar_prefetch = 0 : i64, scratch_operands = 8 : i64, tpu.core_type = #tpu.core_type<sc_vector_subcore>, window_params = [{transform_indices = #map}, {transform_indices = #map}, {transform_indices = #map}, {transform_indices = #map1}, {transform_indices = #map1}, {transform_indices = #map2}]} {
    %mul3A = arith.constant 2 : i32
    %mul3A_0 = arith.muli %arg1, %mul3A : i32
    %add3A = arith.addi %mul3A_0, %arg0 : i32
    "tpu.region"() ({
      %run_scoped3A = tpu.sem_alloc : memref<!tpu.dma_semaphore, #tpu.memory_space<semaphore_mem>>
      %dma_start3A_246 = arith.constant 0 : i32
      %dma_start3A_247 = arith.constant 0 : i32
      %dma_start3A_248 = tpu.memref_slice %arg2[%add3A, %dma_start3A_246, %dma_start3A_247] : memref<32x4x128xi32, #tpu.memory_space<hbm>> -> memref<1x4x128xi32, #tpu.memory_space<hbm>>
      %dma_start3A_249 = tpu.memref_squeeze %dma_start3A_248 : memref<1x4x128xi32, #tpu.memory_space<hbm>> -> memref<4x128xi32, #tpu.memory_space<hbm>>
      %dma_start3A_250 = arith.constant 0 : i32
      %dma_start3A_251 = arith.constant 0 : i32
      %dma_start3A_252 = tpu.memref_slice %arg2[%add3A, %dma_start3A_250, %dma_start3A_251] : memref<32x4x128xi32, #tpu.memory_space<hbm>> -> memref<1x4x128xi32, #tpu.memory_space<hbm>>
      %dma_start3A_253 = tpu.memref_squeeze %dma_start3A_252 : memref<1x4x128xi32, #tpu.memory_space<hbm>> -> memref<4x128xi32, #tpu.memory_space<hbm>>
      tpu.enqueue_dma source(%dma_start3A_253 : memref<4x128xi32, #tpu.memory_space<hbm>>) target(%arg8 : memref<4x128xi32, #tpu.memory_space<vmem>>) target_semaphore(%run_scoped3A : memref<!tpu.dma_semaphore, #tpu.memory_space<semaphore_mem>>)
      %dma_wait3A_254 = arith.constant 0 : i32
      %dma_wait3A_255 = arith.constant 0 : i32
      %dma_wait3A_256 = tpu.memref_slice %arg2[%add3A, %dma_wait3A_254, %dma_wait3A_255] : memref<32x4x128xi32, #tpu.memory_space<hbm>> -> memref<1x4x128xi32, #tpu.memory_space<hbm>>
      %dma_wait3A_257 = tpu.memref_squeeze %dma_wait3A_256 : memref<1x4x128xi32, #tpu.memory_space<hbm>> -> memref<4x128xi32, #tpu.memory_space<hbm>>
      %dma_wait3A_258 = arith.constant 0 : i32
      %dma_wait3A_259 = arith.constant 0 : i32
      %dma_wait3A_260 = tpu.memref_slice %arg2[%add3A, %dma_wait3A_258, %dma_wait3A_259] : memref<32x4x128xi32, #tpu.memory_space<hbm>> -> memref<1x4x128xi32, #tpu.memory_space<hbm>>
      %dma_wait3A_261 = tpu.memref_squeeze %dma_wait3A_260 : memref<1x4x128xi32, #tpu.memory_space<hbm>> -> memref<4x128xi32, #tpu.memory_space<hbm>>
      tpu.wait_dma2 semaphore(%run_scoped3A : memref<!tpu.dma_semaphore, #tpu.memory_space<semaphore_mem>>) src(%dma_wait3A_261 : memref<4x128xi32, #tpu.memory_space<hbm>>) dst(%arg8 : memref<4x128xi32, #tpu.memory_space<vmem>>)
      tpu.yield
    }) : () -> ()
    "tpu.region"() ({
      %run_scoped3A = tpu.sem_alloc : memref<!tpu.dma_semaphore, #tpu.memory_space<semaphore_mem>>
      %dma_start3A_246 = arith.constant 0 : i32
      %dma_start3A_247 = arith.constant 0 : i32
      %dma_start3A_248 = tpu.memref_slice %arg3[%add3A, %dma_start3A_246, %dma_start3A_247] : memref<32x4x128xi32, #tpu.memory_space<hbm>> -> memref<1x4x128xi32, #tpu.memory_space<hbm>>
      %dma_start3A_249 = tpu.memref_squeeze %dma_start3A_248 : memref<1x4x128xi32, #tpu.memory_space<hbm>> -> memref<4x128xi32, #tpu.memory_space<hbm>>
      %dma_start3A_250 = arith.constant 0 : i32
      %dma_start3A_251 = arith.constant 0 : i32
      %dma_start3A_252 = tpu.memref_slice %arg3[%add3A, %dma_start3A_250, %dma_start3A_251] : memref<32x4x128xi32, #tpu.memory_space<hbm>> -> memref<1x4x128xi32, #tpu.memory_space<hbm>>
      %dma_start3A_253 = tpu.memref_squeeze %dma_start3A_252 : memref<1x4x128xi32, #tpu.memory_space<hbm>> -> memref<4x128xi32, #tpu.memory_space<hbm>>
      tpu.enqueue_dma source(%dma_start3A_253 : memref<4x128xi32, #tpu.memory_space<hbm>>) target(%arg9 : memref<4x128xi32, #tpu.memory_space<vmem>>) target_semaphore(%run_scoped3A : memref<!tpu.dma_semaphore, #tpu.memory_space<semaphore_mem>>)
      %dma_wait3A_254 = arith.constant 0 : i32
      %dma_wait3A_255 = arith.constant 0 : i32
      %dma_wait3A_256 = tpu.memref_slice %arg3[%add3A, %dma_wait3A_254, %dma_wait3A_255] : memref<32x4x128xi32, #tpu.memory_space<hbm>> -> memref<1x4x128xi32, #tpu.memory_space<hbm>>
      %dma_wait3A_257 = tpu.memref_squeeze %dma_wait3A_256 : memref<1x4x128xi32, #tpu.memory_space<hbm>> -> memref<4x128xi32, #tpu.memory_space<hbm>>
      %dma_wait3A_258 = arith.constant 0 : i32
      %dma_wait3A_259 = arith.constant 0 : i32
      %dma_wait3A_260 = tpu.memref_slice %arg3[%add3A, %dma_wait3A_258, %dma_wait3A_259] : memref<32x4x128xi32, #tpu.memory_space<hbm>> -> memref<1x4x128xi32, #tpu.memory_space<hbm>>
      %dma_wait3A_261 = tpu.memref_squeeze %dma_wait3A_260 : memref<1x4x128xi32, #tpu.memory_space<hbm>> -> memref<4x128xi32, #tpu.memory_space<hbm>>
      tpu.wait_dma2 semaphore(%run_scoped3A : memref<!tpu.dma_semaphore, #tpu.memory_space<semaphore_mem>>) src(%dma_wait3A_261 : memref<4x128xi32, #tpu.memory_space<hbm>>) dst(%arg9 : memref<4x128xi32, #tpu.memory_space<vmem>>)
      tpu.yield
    }) : () -> ()
    "tpu.region"() ({
      %run_scoped3A = tpu.sem_alloc : memref<!tpu.dma_semaphore, #tpu.memory_space<semaphore_mem>>
      %dma_start3A_246 = arith.constant 0 : i32
      %dma_start3A_247 = arith.constant 0 : i32
      %dma_start3A_248 = tpu.memref_slice %arg4[%add3A, %dma_start3A_246, %dma_start3A_247] : memref<32x4x128xi32, #tpu.memory_space<hbm>> -> memref<1x4x128xi32, #tpu.memory_space<hbm>>
      %dma_start3A_249 = tpu.memref_squeeze %dma_start3A_248 : memref<1x4x128xi32, #tpu.memory_space<hbm>> -> memref<4x128xi32, #tpu.memory_space<hbm>>
      %dma_start3A_250 = arith.constant 0 : i32
      %dma_start3A_251 = arith.constant 0 : i32
      %dma_start3A_252 = tpu.memref_slice %arg4[%add3A, %dma_start3A_250, %dma_start3A_251] : memref<32x4x128xi32, #tpu.memory_space<hbm>> -> memref<1x4x128xi32, #tpu.memory_space<hbm>>
      %dma_start3A_253 = tpu.memref_squeeze %dma_start3A_252 : memref<1x4x128xi32, #tpu.memory_space<hbm>> -> memref<4x128xi32, #tpu.memory_space<hbm>>
      tpu.enqueue_dma source(%dma_start3A_253 : memref<4x128xi32, #tpu.memory_space<hbm>>) target(%arg10 : memref<4x128xi32, #tpu.memory_space<vmem>>) target_semaphore(%run_scoped3A : memref<!tpu.dma_semaphore, #tpu.memory_space<semaphore_mem>>)
      %dma_wait3A_254 = arith.constant 0 : i32
      %dma_wait3A_255 = arith.constant 0 : i32
      %dma_wait3A_256 = tpu.memref_slice %arg4[%add3A, %dma_wait3A_254, %dma_wait3A_255] : memref<32x4x128xi32, #tpu.memory_space<hbm>> -> memref<1x4x128xi32, #tpu.memory_space<hbm>>
      %dma_wait3A_257 = tpu.memref_squeeze %dma_wait3A_256 : memref<1x4x128xi32, #tpu.memory_space<hbm>> -> memref<4x128xi32, #tpu.memory_space<hbm>>
      %dma_wait3A_258 = arith.constant 0 : i32
      %dma_wait3A_259 = arith.constant 0 : i32
      %dma_wait3A_260 = tpu.memref_slice %arg4[%add3A, %dma_wait3A_258, %dma_wait3A_259] : memref<32x4x128xi32, #tpu.memory_space<hbm>> -> memref<1x4x128xi32, #tpu.memory_space<hbm>>
      %dma_wait3A_261 = tpu.memref_squeeze %dma_wait3A_260 : memref<1x4x128xi32, #tpu.memory_space<hbm>> -> memref<4x128xi32, #tpu.memory_space<hbm>>
      tpu.wait_dma2 semaphore(%run_scoped3A : memref<!tpu.dma_semaphore, #tpu.memory_space<semaphore_mem>>) src(%dma_wait3A_261 : memref<4x128xi32, #tpu.memory_space<hbm>>) dst(%arg10 : memref<4x128xi32, #tpu.memory_space<vmem>>)
      tpu.yield
    }) : () -> ()
    %dma_start3A = arith.constant 0 : i32
    %dma_start3A_1 = arith.constant 0 : i32
    %dma_start3A_2 = arith.constant 0 : i32
    %dma_start3A_3 = tpu.memref_slice %arg11[%dma_start3A_1, %dma_start3A_2] : memref<512x64xf32, #tpu.memory_space<vmem>> -> memref<128x64xf32, #tpu.memory_space<vmem>>
    %dma_start3A_4 = arith.constant 0 : i32
    %dma_start3A_5 = tpu.memref_slice %arg8[%dma_start3A, %dma_start3A_4] : memref<4x128xi32, #tpu.memory_space<vmem>> -> memref<1x128xi32, #tpu.memory_space<vmem>>
    %dma_start3A_6 = tpu.memref_squeeze %dma_start3A_5 : memref<1x128xi32, #tpu.memory_space<vmem>> -> memref<128xi32, #tpu.memory_space<vmem>>
    %dma_start3A_7 = arith.constant 0 : i32
    %dma_start3A_8 = arith.constant 0 : i32
    %dma_start3A_9 = tpu.memref_slice %arg5[%dma_start3A_7, %dma_start3A_8] : memref<1000000x64xf32, #tpu.memory_space<hbm>> -> memref<1000000x64xf32, #tpu.memory_space<hbm>>
    tpu.enqueue_indirect_dma source(%dma_start3A_9 : memref<1000000x64xf32, #tpu.memory_space<hbm>>) target(%dma_start3A_3 : memref<128x64xf32, #tpu.memory_space<vmem>>) offsets(%dma_start3A_6 : memref<128xi32, #tpu.memory_space<vmem>>) semaphore(%arg15 : memref<!tpu.dma_semaphore, #tpu.memory_space<semaphore_mem>>)
    %dma_start3A_10 = arith.constant 0 : i32
    %dma_start3A_11 = arith.constant 0 : i32
    %dma_start3A_12 = arith.constant 0 : i32
    %dma_start3A_13 = tpu.memref_slice %arg13[%dma_start3A_11, %dma_start3A_12] : memref<512x64xf32, #tpu.memory_space<vmem>> -> memref<128x64xf32, #tpu.memory_space<vmem>>
    %dma_start3A_14 = arith.constant 0 : i32
    %dma_start3A_15 = tpu.memref_slice %arg10[%dma_start3A_10, %dma_start3A_14] : memref<4x128xi32, #tpu.memory_space<vmem>> -> memref<1x128xi32, #tpu.memory_space<vmem>>
    %dma_start3A_16 = tpu.memref_squeeze %dma_start3A_15 : memref<1x128xi32, #tpu.memory_space<vmem>> -> memref<128xi32, #tpu.memory_space<vmem>>
    %dma_start3A_17 = arith.constant 0 : i32
    %dma_start3A_18 = arith.constant 0 : i32
    %dma_start3A_19 = tpu.memref_slice %arg5[%dma_start3A_17, %dma_start3A_18] : memref<1000000x64xf32, #tpu.memory_space<hbm>> -> memref<1000000x64xf32, #tpu.memory_space<hbm>>
    tpu.enqueue_indirect_dma source(%dma_start3A_19 : memref<1000000x64xf32, #tpu.memory_space<hbm>>) target(%dma_start3A_13 : memref<128x64xf32, #tpu.memory_space<vmem>>) offsets(%dma_start3A_16 : memref<128xi32, #tpu.memory_space<vmem>>) semaphore(%arg15 : memref<!tpu.dma_semaphore, #tpu.memory_space<semaphore_mem>>)
    %dma_start3A_20 = arith.constant 0 : i32
    %dma_start3A_21 = arith.constant 0 : i32
    %dma_start3A_22 = arith.constant 0 : i32
    %dma_start3A_23 = tpu.memref_slice %arg12[%dma_start3A_21, %dma_start3A_22] : memref<512x64xf32, #tpu.memory_space<vmem>> -> memref<128x64xf32, #tpu.memory_space<vmem>>
    %dma_start3A_24 = arith.constant 0 : i32
    %dma_start3A_25 = tpu.memref_slice %arg9[%dma_start3A_20, %dma_start3A_24] : memref<4x128xi32, #tpu.memory_space<vmem>> -> memref<1x128xi32, #tpu.memory_space<vmem>>
    %dma_start3A_26 = tpu.memref_squeeze %dma_start3A_25 : memref<1x128xi32, #tpu.memory_space<vmem>> -> memref<128xi32, #tpu.memory_space<vmem>>
    %dma_start3A_27 = arith.constant 0 : i32
    %dma_start3A_28 = arith.constant 0 : i32
    %dma_start3A_29 = tpu.memref_slice %arg6[%dma_start3A_27, %dma_start3A_28] : memref<1000x64xf32, #tpu.memory_space<hbm>> -> memref<1000x64xf32, #tpu.memory_space<hbm>>
    tpu.enqueue_indirect_dma source(%dma_start3A_29 : memref<1000x64xf32, #tpu.memory_space<hbm>>) target(%dma_start3A_23 : memref<128x64xf32, #tpu.memory_space<vmem>>) offsets(%dma_start3A_26 : memref<128xi32, #tpu.memory_space<vmem>>) semaphore(%arg15 : memref<!tpu.dma_semaphore, #tpu.memory_space<semaphore_mem>>)
    %dma_start3A_30 = arith.constant 1 : i32
    %dma_start3A_31 = arith.constant 128 : i32
    %dma_start3A_32 = arith.constant 0 : i32
    %dma_start3A_33 = tpu.memref_slice %arg11[%dma_start3A_31, %dma_start3A_32] : memref<512x64xf32, #tpu.memory_space<vmem>> -> memref<128x64xf32, #tpu.memory_space<vmem>>
    %dma_start3A_34 = arith.constant 0 : i32
    %dma_start3A_35 = tpu.memref_slice %arg8[%dma_start3A_30, %dma_start3A_34] : memref<4x128xi32, #tpu.memory_space<vmem>> -> memref<1x128xi32, #tpu.memory_space<vmem>>
    %dma_start3A_36 = tpu.memref_squeeze %dma_start3A_35 : memref<1x128xi32, #tpu.memory_space<vmem>> -> memref<128xi32, #tpu.memory_space<vmem>>
    %dma_start3A_37 = arith.constant 0 : i32
    %dma_start3A_38 = arith.constant 0 : i32
    %dma_start3A_39 = tpu.memref_slice %arg5[%dma_start3A_37, %dma_start3A_38] : memref<1000000x64xf32, #tpu.memory_space<hbm>> -> memref<1000000x64xf32, #tpu.memory_space<hbm>>
    tpu.enqueue_indirect_dma source(%dma_start3A_39 : memref<1000000x64xf32, #tpu.memory_space<hbm>>) target(%dma_start3A_33 : memref<128x64xf32, #tpu.memory_space<vmem>>) offsets(%dma_start3A_36 : memref<128xi32, #tpu.memory_space<vmem>>) semaphore(%arg15 : memref<!tpu.dma_semaphore, #tpu.memory_space<semaphore_mem>>)
    %dma_start3A_40 = arith.constant 1 : i32
    %dma_start3A_41 = arith.constant 128 : i32
    %dma_start3A_42 = arith.constant 0 : i32
    %dma_start3A_43 = tpu.memref_slice %arg13[%dma_start3A_41, %dma_start3A_42] : memref<512x64xf32, #tpu.memory_space<vmem>> -> memref<128x64xf32, #tpu.memory_space<vmem>>
    %dma_start3A_44 = arith.constant 0 : i32
    %dma_start3A_45 = tpu.memref_slice %arg10[%dma_start3A_40, %dma_start3A_44] : memref<4x128xi32, #tpu.memory_space<vmem>> -> memref<1x128xi32, #tpu.memory_space<vmem>>
    %dma_start3A_46 = tpu.memref_squeeze %dma_start3A_45 : memref<1x128xi32, #tpu.memory_space<vmem>> -> memref<128xi32, #tpu.memory_space<vmem>>
    %dma_start3A_47 = arith.constant 0 : i32
    %dma_start3A_48 = arith.constant 0 : i32
    %dma_start3A_49 = tpu.memref_slice %arg5[%dma_start3A_47, %dma_start3A_48] : memref<1000000x64xf32, #tpu.memory_space<hbm>> -> memref<1000000x64xf32, #tpu.memory_space<hbm>>
    tpu.enqueue_indirect_dma source(%dma_start3A_49 : memref<1000000x64xf32, #tpu.memory_space<hbm>>) target(%dma_start3A_43 : memref<128x64xf32, #tpu.memory_space<vmem>>) offsets(%dma_start3A_46 : memref<128xi32, #tpu.memory_space<vmem>>) semaphore(%arg15 : memref<!tpu.dma_semaphore, #tpu.memory_space<semaphore_mem>>)
    %dma_start3A_50 = arith.constant 1 : i32
    %dma_start3A_51 = arith.constant 128 : i32
    %dma_start3A_52 = arith.constant 0 : i32
    %dma_start3A_53 = tpu.memref_slice %arg12[%dma_start3A_51, %dma_start3A_52] : memref<512x64xf32, #tpu.memory_space<vmem>> -> memref<128x64xf32, #tpu.memory_space<vmem>>
    %dma_start3A_54 = arith.constant 0 : i32
    %dma_start3A_55 = tpu.memref_slice %arg9[%dma_start3A_50, %dma_start3A_54] : memref<4x128xi32, #tpu.memory_space<vmem>> -> memref<1x128xi32, #tpu.memory_space<vmem>>
    %dma_start3A_56 = tpu.memref_squeeze %dma_start3A_55 : memref<1x128xi32, #tpu.memory_space<vmem>> -> memref<128xi32, #tpu.memory_space<vmem>>
    %dma_start3A_57 = arith.constant 0 : i32
    %dma_start3A_58 = arith.constant 0 : i32
    %dma_start3A_59 = tpu.memref_slice %arg6[%dma_start3A_57, %dma_start3A_58] : memref<1000x64xf32, #tpu.memory_space<hbm>> -> memref<1000x64xf32, #tpu.memory_space<hbm>>
    tpu.enqueue_indirect_dma source(%dma_start3A_59 : memref<1000x64xf32, #tpu.memory_space<hbm>>) target(%dma_start3A_53 : memref<128x64xf32, #tpu.memory_space<vmem>>) offsets(%dma_start3A_56 : memref<128xi32, #tpu.memory_space<vmem>>) semaphore(%arg15 : memref<!tpu.dma_semaphore, #tpu.memory_space<semaphore_mem>>)
    %dma_start3A_60 = arith.constant 2 : i32
    %dma_start3A_61 = arith.constant 256 : i32
    %dma_start3A_62 = arith.constant 0 : i32
    %dma_start3A_63 = tpu.memref_slice %arg11[%dma_start3A_61, %dma_start3A_62] : memref<512x64xf32, #tpu.memory_space<vmem>> -> memref<128x64xf32, #tpu.memory_space<vmem>>
    %dma_start3A_64 = arith.constant 0 : i32
    %dma_start3A_65 = tpu.memref_slice %arg8[%dma_start3A_60, %dma_start3A_64] : memref<4x128xi32, #tpu.memory_space<vmem>> -> memref<1x128xi32, #tpu.memory_space<vmem>>
    %dma_start3A_66 = tpu.memref_squeeze %dma_start3A_65 : memref<1x128xi32, #tpu.memory_space<vmem>> -> memref<128xi32, #tpu.memory_space<vmem>>
    %dma_start3A_67 = arith.constant 0 : i32
    %dma_start3A_68 = arith.constant 0 : i32
    %dma_start3A_69 = tpu.memref_slice %arg5[%dma_start3A_67, %dma_start3A_68] : memref<1000000x64xf32, #tpu.memory_space<hbm>> -> memref<1000000x64xf32, #tpu.memory_space<hbm>>
    tpu.enqueue_indirect_dma source(%dma_start3A_69 : memref<1000000x64xf32, #tpu.memory_space<hbm>>) target(%dma_start3A_63 : memref<128x64xf32, #tpu.memory_space<vmem>>) offsets(%dma_start3A_66 : memref<128xi32, #tpu.memory_space<vmem>>) semaphore(%arg15 : memref<!tpu.dma_semaphore, #tpu.memory_space<semaphore_mem>>)
    %dma_start3A_70 = arith.constant 2 : i32
    %dma_start3A_71 = arith.constant 256 : i32
    %dma_start3A_72 = arith.constant 0 : i32
    %dma_start3A_73 = tpu.memref_slice %arg13[%dma_start3A_71, %dma_start3A_72] : memref<512x64xf32, #tpu.memory_space<vmem>> -> memref<128x64xf32, #tpu.memory_space<vmem>>
    %dma_start3A_74 = arith.constant 0 : i32
    %dma_start3A_75 = tpu.memref_slice %arg10[%dma_start3A_70, %dma_start3A_74] : memref<4x128xi32, #tpu.memory_space<vmem>> -> memref<1x128xi32, #tpu.memory_space<vmem>>
    %dma_start3A_76 = tpu.memref_squeeze %dma_start3A_75 : memref<1x128xi32, #tpu.memory_space<vmem>> -> memref<128xi32, #tpu.memory_space<vmem>>
    %dma_start3A_77 = arith.constant 0 : i32
    %dma_start3A_78 = arith.constant 0 : i32
    %dma_start3A_79 = tpu.memref_slice %arg5[%dma_start3A_77, %dma_start3A_78] : memref<1000000x64xf32, #tpu.memory_space<hbm>> -> memref<1000000x64xf32, #tpu.memory_space<hbm>>
    tpu.enqueue_indirect_dma source(%dma_start3A_79 : memref<1000000x64xf32, #tpu.memory_space<hbm>>) target(%dma_start3A_73 : memref<128x64xf32, #tpu.memory_space<vmem>>) offsets(%dma_start3A_76 : memref<128xi32, #tpu.memory_space<vmem>>) semaphore(%arg15 : memref<!tpu.dma_semaphore, #tpu.memory_space<semaphore_mem>>)
    %dma_start3A_80 = arith.constant 2 : i32
    %dma_start3A_81 = arith.constant 256 : i32
    %dma_start3A_82 = arith.constant 0 : i32
    %dma_start3A_83 = tpu.memref_slice %arg12[%dma_start3A_81, %dma_start3A_82] : memref<512x64xf32, #tpu.memory_space<vmem>> -> memref<128x64xf32, #tpu.memory_space<vmem>>
    %dma_start3A_84 = arith.constant 0 : i32
    %dma_start3A_85 = tpu.memref_slice %arg9[%dma_start3A_80, %dma_start3A_84] : memref<4x128xi32, #tpu.memory_space<vmem>> -> memref<1x128xi32, #tpu.memory_space<vmem>>
    %dma_start3A_86 = tpu.memref_squeeze %dma_start3A_85 : memref<1x128xi32, #tpu.memory_space<vmem>> -> memref<128xi32, #tpu.memory_space<vmem>>
    %dma_start3A_87 = arith.constant 0 : i32
    %dma_start3A_88 = arith.constant 0 : i32
    %dma_start3A_89 = tpu.memref_slice %arg6[%dma_start3A_87, %dma_start3A_88] : memref<1000x64xf32, #tpu.memory_space<hbm>> -> memref<1000x64xf32, #tpu.memory_space<hbm>>
    tpu.enqueue_indirect_dma source(%dma_start3A_89 : memref<1000x64xf32, #tpu.memory_space<hbm>>) target(%dma_start3A_83 : memref<128x64xf32, #tpu.memory_space<vmem>>) offsets(%dma_start3A_86 : memref<128xi32, #tpu.memory_space<vmem>>) semaphore(%arg15 : memref<!tpu.dma_semaphore, #tpu.memory_space<semaphore_mem>>)
    %dma_start3A_90 = arith.constant 3 : i32
    %dma_start3A_91 = arith.constant 384 : i32
    %dma_start3A_92 = arith.constant 0 : i32
    %dma_start3A_93 = tpu.memref_slice %arg11[%dma_start3A_91, %dma_start3A_92] : memref<512x64xf32, #tpu.memory_space<vmem>> -> memref<128x64xf32, #tpu.memory_space<vmem>>
    %dma_start3A_94 = arith.constant 0 : i32
    %dma_start3A_95 = tpu.memref_slice %arg8[%dma_start3A_90, %dma_start3A_94] : memref<4x128xi32, #tpu.memory_space<vmem>> -> memref<1x128xi32, #tpu.memory_space<vmem>>
    %dma_start3A_96 = tpu.memref_squeeze %dma_start3A_95 : memref<1x128xi32, #tpu.memory_space<vmem>> -> memref<128xi32, #tpu.memory_space<vmem>>
    %dma_start3A_97 = arith.constant 0 : i32
    %dma_start3A_98 = arith.constant 0 : i32
    %dma_start3A_99 = tpu.memref_slice %arg5[%dma_start3A_97, %dma_start3A_98] : memref<1000000x64xf32, #tpu.memory_space<hbm>> -> memref<1000000x64xf32, #tpu.memory_space<hbm>>
    tpu.enqueue_indirect_dma source(%dma_start3A_99 : memref<1000000x64xf32, #tpu.memory_space<hbm>>) target(%dma_start3A_93 : memref<128x64xf32, #tpu.memory_space<vmem>>) offsets(%dma_start3A_96 : memref<128xi32, #tpu.memory_space<vmem>>) semaphore(%arg15 : memref<!tpu.dma_semaphore, #tpu.memory_space<semaphore_mem>>)
    %dma_start3A_100 = arith.constant 3 : i32
    %dma_start3A_101 = arith.constant 384 : i32
    %dma_start3A_102 = arith.constant 0 : i32
    %dma_start3A_103 = tpu.memref_slice %arg13[%dma_start3A_101, %dma_start3A_102] : memref<512x64xf32, #tpu.memory_space<vmem>> -> memref<128x64xf32, #tpu.memory_space<vmem>>
    %dma_start3A_104 = arith.constant 0 : i32
    %dma_start3A_105 = tpu.memref_slice %arg10[%dma_start3A_100, %dma_start3A_104] : memref<4x128xi32, #tpu.memory_space<vmem>> -> memref<1x128xi32, #tpu.memory_space<vmem>>
    %dma_start3A_106 = tpu.memref_squeeze %dma_start3A_105 : memref<1x128xi32, #tpu.memory_space<vmem>> -> memref<128xi32, #tpu.memory_space<vmem>>
    %dma_start3A_107 = arith.constant 0 : i32
    %dma_start3A_108 = arith.constant 0 : i32
    %dma_start3A_109 = tpu.memref_slice %arg5[%dma_start3A_107, %dma_start3A_108] : memref<1000000x64xf32, #tpu.memory_space<hbm>> -> memref<1000000x64xf32, #tpu.memory_space<hbm>>
    tpu.enqueue_indirect_dma source(%dma_start3A_109 : memref<1000000x64xf32, #tpu.memory_space<hbm>>) target(%dma_start3A_103 : memref<128x64xf32, #tpu.memory_space<vmem>>) offsets(%dma_start3A_106 : memref<128xi32, #tpu.memory_space<vmem>>) semaphore(%arg15 : memref<!tpu.dma_semaphore, #tpu.memory_space<semaphore_mem>>)
    %dma_start3A_110 = arith.constant 3 : i32
    %dma_start3A_111 = arith.constant 384 : i32
    %dma_start3A_112 = arith.constant 0 : i32
    %dma_start3A_113 = tpu.memref_slice %arg12[%dma_start3A_111, %dma_start3A_112] : memref<512x64xf32, #tpu.memory_space<vmem>> -> memref<128x64xf32, #tpu.memory_space<vmem>>
    %dma_start3A_114 = arith.constant 0 : i32
    %dma_start3A_115 = tpu.memref_slice %arg9[%dma_start3A_110, %dma_start3A_114] : memref<4x128xi32, #tpu.memory_space<vmem>> -> memref<1x128xi32, #tpu.memory_space<vmem>>
    %dma_start3A_116 = tpu.memref_squeeze %dma_start3A_115 : memref<1x128xi32, #tpu.memory_space<vmem>> -> memref<128xi32, #tpu.memory_space<vmem>>
    %dma_start3A_117 = arith.constant 0 : i32
    %dma_start3A_118 = arith.constant 0 : i32
    %dma_start3A_119 = tpu.memref_slice %arg6[%dma_start3A_117, %dma_start3A_118] : memref<1000x64xf32, #tpu.memory_space<hbm>> -> memref<1000x64xf32, #tpu.memory_space<hbm>>
    tpu.enqueue_indirect_dma source(%dma_start3A_119 : memref<1000x64xf32, #tpu.memory_space<hbm>>) target(%dma_start3A_113 : memref<128x64xf32, #tpu.memory_space<vmem>>) offsets(%dma_start3A_116 : memref<128xi32, #tpu.memory_space<vmem>>) semaphore(%arg15 : memref<!tpu.dma_semaphore, #tpu.memory_space<semaphore_mem>>)
    %dma_wait3A = arith.constant 0 : i32
    %dma_wait3A_120 = arith.constant 0 : i32
    %dma_wait3A_121 = arith.constant 0 : i32
    %dma_wait3A_122 = tpu.memref_slice %arg11[%dma_wait3A_120, %dma_wait3A_121] : memref<512x64xf32, #tpu.memory_space<vmem>> -> memref<128x64xf32, #tpu.memory_space<vmem>>
    %dma_wait3A_123 = arith.constant 0 : i32
    %dma_wait3A_124 = tpu.memref_slice %arg8[%dma_wait3A, %dma_wait3A_123] : memref<4x128xi32, #tpu.memory_space<vmem>> -> memref<1x128xi32, #tpu.memory_space<vmem>>
    %dma_wait3A_125 = tpu.memref_squeeze %dma_wait3A_124 : memref<1x128xi32, #tpu.memory_space<vmem>> -> memref<128xi32, #tpu.memory_space<vmem>>
    %dma_wait3A_126 = arith.constant 0 : i32
    %dma_wait3A_127 = arith.constant 0 : i32
    %dma_wait3A_128 = tpu.memref_slice %arg5[%dma_wait3A_126, %dma_wait3A_127] : memref<1000000x64xf32, #tpu.memory_space<hbm>> -> memref<1000000x64xf32, #tpu.memory_space<hbm>>
    tpu.wait_indirect_dma semaphore(%arg15 : memref<!tpu.dma_semaphore, #tpu.memory_space<semaphore_mem>>) src(%dma_wait3A_128 : memref<1000000x64xf32, #tpu.memory_space<hbm>>) dst(%dma_wait3A_122 : memref<128x64xf32, #tpu.memory_space<vmem>>)
    %dma_wait3A_129 = arith.constant 0 : i32
    %dma_wait3A_130 = arith.constant 0 : i32
    %dma_wait3A_131 = arith.constant 0 : i32
    %dma_wait3A_132 = tpu.memref_slice %arg13[%dma_wait3A_130, %dma_wait3A_131] : memref<512x64xf32, #tpu.memory_space<vmem>> -> memref<128x64xf32, #tpu.memory_space<vmem>>
    %dma_wait3A_133 = arith.constant 0 : i32
    %dma_wait3A_134 = tpu.memref_slice %arg10[%dma_wait3A_129, %dma_wait3A_133] : memref<4x128xi32, #tpu.memory_space<vmem>> -> memref<1x128xi32, #tpu.memory_space<vmem>>
    %dma_wait3A_135 = tpu.memref_squeeze %dma_wait3A_134 : memref<1x128xi32, #tpu.memory_space<vmem>> -> memref<128xi32, #tpu.memory_space<vmem>>
    %dma_wait3A_136 = arith.constant 0 : i32
    %dma_wait3A_137 = arith.constant 0 : i32
    %dma_wait3A_138 = tpu.memref_slice %arg5[%dma_wait3A_136, %dma_wait3A_137] : memref<1000000x64xf32, #tpu.memory_space<hbm>> -> memref<1000000x64xf32, #tpu.memory_space<hbm>>
    tpu.wait_indirect_dma semaphore(%arg15 : memref<!tpu.dma_semaphore, #tpu.memory_space<semaphore_mem>>) src(%dma_wait3A_138 : memref<1000000x64xf32, #tpu.memory_space<hbm>>) dst(%dma_wait3A_132 : memref<128x64xf32, #tpu.memory_space<vmem>>)
    %dma_wait3A_139 = arith.constant 0 : i32
    %dma_wait3A_140 = arith.constant 0 : i32
    %dma_wait3A_141 = arith.constant 0 : i32
    %dma_wait3A_142 = tpu.memref_slice %arg12[%dma_wait3A_140, %dma_wait3A_141] : memref<512x64xf32, #tpu.memory_space<vmem>> -> memref<128x64xf32, #tpu.memory_space<vmem>>
    %dma_wait3A_143 = arith.constant 0 : i32
    %dma_wait3A_144 = tpu.memref_slice %arg9[%dma_wait3A_139, %dma_wait3A_143] : memref<4x128xi32, #tpu.memory_space<vmem>> -> memref<1x128xi32, #tpu.memory_space<vmem>>
    %dma_wait3A_145 = tpu.memref_squeeze %dma_wait3A_144 : memref<1x128xi32, #tpu.memory_space<vmem>> -> memref<128xi32, #tpu.memory_space<vmem>>
    %dma_wait3A_146 = arith.constant 0 : i32
    %dma_wait3A_147 = arith.constant 0 : i32
    %dma_wait3A_148 = tpu.memref_slice %arg6[%dma_wait3A_146, %dma_wait3A_147] : memref<1000x64xf32, #tpu.memory_space<hbm>> -> memref<1000x64xf32, #tpu.memory_space<hbm>>
    tpu.wait_indirect_dma semaphore(%arg15 : memref<!tpu.dma_semaphore, #tpu.memory_space<semaphore_mem>>) src(%dma_wait3A_148 : memref<1000x64xf32, #tpu.memory_space<hbm>>) dst(%dma_wait3A_142 : memref<128x64xf32, #tpu.memory_space<vmem>>)
    %dma_wait3A_149 = arith.constant 1 : i32
    %dma_wait3A_150 = arith.constant 128 : i32
    %dma_wait3A_151 = arith.constant 0 : i32
    %dma_wait3A_152 = tpu.memref_slice %arg11[%dma_wait3A_150, %dma_wait3A_151] : memref<512x64xf32, #tpu.memory_space<vmem>> -> memref<128x64xf32, #tpu.memory_space<vmem>>
    %dma_wait3A_153 = arith.constant 0 : i32
    %dma_wait3A_154 = tpu.memref_slice %arg8[%dma_wait3A_149, %dma_wait3A_153] : memref<4x128xi32, #tpu.memory_space<vmem>> -> memref<1x128xi32, #tpu.memory_space<vmem>>
    %dma_wait3A_155 = tpu.memref_squeeze %dma_wait3A_154 : memref<1x128xi32, #tpu.memory_space<vmem>> -> memref<128xi32, #tpu.memory_space<vmem>>
    %dma_wait3A_156 = arith.constant 0 : i32
    %dma_wait3A_157 = arith.constant 0 : i32
    %dma_wait3A_158 = tpu.memref_slice %arg5[%dma_wait3A_156, %dma_wait3A_157] : memref<1000000x64xf32, #tpu.memory_space<hbm>> -> memref<1000000x64xf32, #tpu.memory_space<hbm>>
    tpu.wait_indirect_dma semaphore(%arg15 : memref<!tpu.dma_semaphore, #tpu.memory_space<semaphore_mem>>) src(%dma_wait3A_158 : memref<1000000x64xf32, #tpu.memory_space<hbm>>) dst(%dma_wait3A_152 : memref<128x64xf32, #tpu.memory_space<vmem>>)
    %dma_wait3A_159 = arith.constant 1 : i32
    %dma_wait3A_160 = arith.constant 128 : i32
    %dma_wait3A_161 = arith.constant 0 : i32
    %dma_wait3A_162 = tpu.memref_slice %arg13[%dma_wait3A_160, %dma_wait3A_161] : memref<512x64xf32, #tpu.memory_space<vmem>> -> memref<128x64xf32, #tpu.memory_space<vmem>>
    %dma_wait3A_163 = arith.constant 0 : i32
    %dma_wait3A_164 = tpu.memref_slice %arg10[%dma_wait3A_159, %dma_wait3A_163] : memref<4x128xi32, #tpu.memory_space<vmem>> -> memref<1x128xi32, #tpu.memory_space<vmem>>
    %dma_wait3A_165 = tpu.memref_squeeze %dma_wait3A_164 : memref<1x128xi32, #tpu.memory_space<vmem>> -> memref<128xi32, #tpu.memory_space<vmem>>
    %dma_wait3A_166 = arith.constant 0 : i32
    %dma_wait3A_167 = arith.constant 0 : i32
    %dma_wait3A_168 = tpu.memref_slice %arg5[%dma_wait3A_166, %dma_wait3A_167] : memref<1000000x64xf32, #tpu.memory_space<hbm>> -> memref<1000000x64xf32, #tpu.memory_space<hbm>>
    tpu.wait_indirect_dma semaphore(%arg15 : memref<!tpu.dma_semaphore, #tpu.memory_space<semaphore_mem>>) src(%dma_wait3A_168 : memref<1000000x64xf32, #tpu.memory_space<hbm>>) dst(%dma_wait3A_162 : memref<128x64xf32, #tpu.memory_space<vmem>>)
    %dma_wait3A_169 = arith.constant 1 : i32
    %dma_wait3A_170 = arith.constant 128 : i32
    %dma_wait3A_171 = arith.constant 0 : i32
    %dma_wait3A_172 = tpu.memref_slice %arg12[%dma_wait3A_170, %dma_wait3A_171] : memref<512x64xf32, #tpu.memory_space<vmem>> -> memref<128x64xf32, #tpu.memory_space<vmem>>
    %dma_wait3A_173 = arith.constant 0 : i32
    %dma_wait3A_174 = tpu.memref_slice %arg9[%dma_wait3A_169, %dma_wait3A_173] : memref<4x128xi32, #tpu.memory_space<vmem>> -> memref<1x128xi32, #tpu.memory_space<vmem>>
    %dma_wait3A_175 = tpu.memref_squeeze %dma_wait3A_174 : memref<1x128xi32, #tpu.memory_space<vmem>> -> memref<128xi32, #tpu.memory_space<vmem>>
    %dma_wait3A_176 = arith.constant 0 : i32
    %dma_wait3A_177 = arith.constant 0 : i32
    %dma_wait3A_178 = tpu.memref_slice %arg6[%dma_wait3A_176, %dma_wait3A_177] : memref<1000x64xf32, #tpu.memory_space<hbm>> -> memref<1000x64xf32, #tpu.memory_space<hbm>>
    tpu.wait_indirect_dma semaphore(%arg15 : memref<!tpu.dma_semaphore, #tpu.memory_space<semaphore_mem>>) src(%dma_wait3A_178 : memref<1000x64xf32, #tpu.memory_space<hbm>>) dst(%dma_wait3A_172 : memref<128x64xf32, #tpu.memory_space<vmem>>)
    %dma_wait3A_179 = arith.constant 2 : i32
    %dma_wait3A_180 = arith.constant 256 : i32
    %dma_wait3A_181 = arith.constant 0 : i32
    %dma_wait3A_182 = tpu.memref_slice %arg11[%dma_wait3A_180, %dma_wait3A_181] : memref<512x64xf32, #tpu.memory_space<vmem>> -> memref<128x64xf32, #tpu.memory_space<vmem>>
    %dma_wait3A_183 = arith.constant 0 : i32
    %dma_wait3A_184 = tpu.memref_slice %arg8[%dma_wait3A_179, %dma_wait3A_183] : memref<4x128xi32, #tpu.memory_space<vmem>> -> memref<1x128xi32, #tpu.memory_space<vmem>>
    %dma_wait3A_185 = tpu.memref_squeeze %dma_wait3A_184 : memref<1x128xi32, #tpu.memory_space<vmem>> -> memref<128xi32, #tpu.memory_space<vmem>>
    %dma_wait3A_186 = arith.constant 0 : i32
    %dma_wait3A_187 = arith.constant 0 : i32
    %dma_wait3A_188 = tpu.memref_slice %arg5[%dma_wait3A_186, %dma_wait3A_187] : memref<1000000x64xf32, #tpu.memory_space<hbm>> -> memref<1000000x64xf32, #tpu.memory_space<hbm>>
    tpu.wait_indirect_dma semaphore(%arg15 : memref<!tpu.dma_semaphore, #tpu.memory_space<semaphore_mem>>) src(%dma_wait3A_188 : memref<1000000x64xf32, #tpu.memory_space<hbm>>) dst(%dma_wait3A_182 : memref<128x64xf32, #tpu.memory_space<vmem>>)
    %dma_wait3A_189 = arith.constant 2 : i32
    %dma_wait3A_190 = arith.constant 256 : i32
    %dma_wait3A_191 = arith.constant 0 : i32
    %dma_wait3A_192 = tpu.memref_slice %arg13[%dma_wait3A_190, %dma_wait3A_191] : memref<512x64xf32, #tpu.memory_space<vmem>> -> memref<128x64xf32, #tpu.memory_space<vmem>>
    %dma_wait3A_193 = arith.constant 0 : i32
    %dma_wait3A_194 = tpu.memref_slice %arg10[%dma_wait3A_189, %dma_wait3A_193] : memref<4x128xi32, #tpu.memory_space<vmem>> -> memref<1x128xi32, #tpu.memory_space<vmem>>
    %dma_wait3A_195 = tpu.memref_squeeze %dma_wait3A_194 : memref<1x128xi32, #tpu.memory_space<vmem>> -> memref<128xi32, #tpu.memory_space<vmem>>
    %dma_wait3A_196 = arith.constant 0 : i32
    %dma_wait3A_197 = arith.constant 0 : i32
    %dma_wait3A_198 = tpu.memref_slice %arg5[%dma_wait3A_196, %dma_wait3A_197] : memref<1000000x64xf32, #tpu.memory_space<hbm>> -> memref<1000000x64xf32, #tpu.memory_space<hbm>>
    tpu.wait_indirect_dma semaphore(%arg15 : memref<!tpu.dma_semaphore, #tpu.memory_space<semaphore_mem>>) src(%dma_wait3A_198 : memref<1000000x64xf32, #tpu.memory_space<hbm>>) dst(%dma_wait3A_192 : memref<128x64xf32, #tpu.memory_space<vmem>>)
    %dma_wait3A_199 = arith.constant 2 : i32
    %dma_wait3A_200 = arith.constant 256 : i32
    %dma_wait3A_201 = arith.constant 0 : i32
    %dma_wait3A_202 = tpu.memref_slice %arg12[%dma_wait3A_200, %dma_wait3A_201] : memref<512x64xf32, #tpu.memory_space<vmem>> -> memref<128x64xf32, #tpu.memory_space<vmem>>
    %dma_wait3A_203 = arith.constant 0 : i32
    %dma_wait3A_204 = tpu.memref_slice %arg9[%dma_wait3A_199, %dma_wait3A_203] : memref<4x128xi32, #tpu.memory_space<vmem>> -> memref<1x128xi32, #tpu.memory_space<vmem>>
    %dma_wait3A_205 = tpu.memref_squeeze %dma_wait3A_204 : memref<1x128xi32, #tpu.memory_space<vmem>> -> memref<128xi32, #tpu.memory_space<vmem>>
    %dma_wait3A_206 = arith.constant 0 : i32
    %dma_wait3A_207 = arith.constant 0 : i32
    %dma_wait3A_208 = tpu.memref_slice %arg6[%dma_wait3A_206, %dma_wait3A_207] : memref<1000x64xf32, #tpu.memory_space<hbm>> -> memref<1000x64xf32, #tpu.memory_space<hbm>>
    tpu.wait_indirect_dma semaphore(%arg15 : memref<!tpu.dma_semaphore, #tpu.memory_space<semaphore_mem>>) src(%dma_wait3A_208 : memref<1000x64xf32, #tpu.memory_space<hbm>>) dst(%dma_wait3A_202 : memref<128x64xf32, #tpu.memory_space<vmem>>)
    %dma_wait3A_209 = arith.constant 3 : i32
    %dma_wait3A_210 = arith.constant 384 : i32
    %dma_wait3A_211 = arith.constant 0 : i32
    %dma_wait3A_212 = tpu.memref_slice %arg11[%dma_wait3A_210, %dma_wait3A_211] : memref<512x64xf32, #tpu.memory_space<vmem>> -> memref<128x64xf32, #tpu.memory_space<vmem>>
    %dma_wait3A_213 = arith.constant 0 : i32
    %dma_wait3A_214 = tpu.memref_slice %arg8[%dma_wait3A_209, %dma_wait3A_213] : memref<4x128xi32, #tpu.memory_space<vmem>> -> memref<1x128xi32, #tpu.memory_space<vmem>>
    %dma_wait3A_215 = tpu.memref_squeeze %dma_wait3A_214 : memref<1x128xi32, #tpu.memory_space<vmem>> -> memref<128xi32, #tpu.memory_space<vmem>>
    %dma_wait3A_216 = arith.constant 0 : i32
    %dma_wait3A_217 = arith.constant 0 : i32
    %dma_wait3A_218 = tpu.memref_slice %arg5[%dma_wait3A_216, %dma_wait3A_217] : memref<1000000x64xf32, #tpu.memory_space<hbm>> -> memref<1000000x64xf32, #tpu.memory_space<hbm>>
    tpu.wait_indirect_dma semaphore(%arg15 : memref<!tpu.dma_semaphore, #tpu.memory_space<semaphore_mem>>) src(%dma_wait3A_218 : memref<1000000x64xf32, #tpu.memory_space<hbm>>) dst(%dma_wait3A_212 : memref<128x64xf32, #tpu.memory_space<vmem>>)
    %dma_wait3A_219 = arith.constant 3 : i32
    %dma_wait3A_220 = arith.constant 384 : i32
    %dma_wait3A_221 = arith.constant 0 : i32
    %dma_wait3A_222 = tpu.memref_slice %arg13[%dma_wait3A_220, %dma_wait3A_221] : memref<512x64xf32, #tpu.memory_space<vmem>> -> memref<128x64xf32, #tpu.memory_space<vmem>>
    %dma_wait3A_223 = arith.constant 0 : i32
    %dma_wait3A_224 = tpu.memref_slice %arg10[%dma_wait3A_219, %dma_wait3A_223] : memref<4x128xi32, #tpu.memory_space<vmem>> -> memref<1x128xi32, #tpu.memory_space<vmem>>
    %dma_wait3A_225 = tpu.memref_squeeze %dma_wait3A_224 : memref<1x128xi32, #tpu.memory_space<vmem>> -> memref<128xi32, #tpu.memory_space<vmem>>
    %dma_wait3A_226 = arith.constant 0 : i32
    %dma_wait3A_227 = arith.constant 0 : i32
    %dma_wait3A_228 = tpu.memref_slice %arg5[%dma_wait3A_226, %dma_wait3A_227] : memref<1000000x64xf32, #tpu.memory_space<hbm>> -> memref<1000000x64xf32, #tpu.memory_space<hbm>>
    tpu.wait_indirect_dma semaphore(%arg15 : memref<!tpu.dma_semaphore, #tpu.memory_space<semaphore_mem>>) src(%dma_wait3A_228 : memref<1000000x64xf32, #tpu.memory_space<hbm>>) dst(%dma_wait3A_222 : memref<128x64xf32, #tpu.memory_space<vmem>>)
    %dma_wait3A_229 = arith.constant 3 : i32
    %dma_wait3A_230 = arith.constant 384 : i32
    %dma_wait3A_231 = arith.constant 0 : i32
    %dma_wait3A_232 = tpu.memref_slice %arg12[%dma_wait3A_230, %dma_wait3A_231] : memref<512x64xf32, #tpu.memory_space<vmem>> -> memref<128x64xf32, #tpu.memory_space<vmem>>
    %dma_wait3A_233 = arith.constant 0 : i32
    %dma_wait3A_234 = tpu.memref_slice %arg9[%dma_wait3A_229, %dma_wait3A_233] : memref<4x128xi32, #tpu.memory_space<vmem>> -> memref<1x128xi32, #tpu.memory_space<vmem>>
    %dma_wait3A_235 = tpu.memref_squeeze %dma_wait3A_234 : memref<1x128xi32, #tpu.memory_space<vmem>> -> memref<128xi32, #tpu.memory_space<vmem>>
    %dma_wait3A_236 = arith.constant 0 : i32
    %dma_wait3A_237 = arith.constant 0 : i32
    %dma_wait3A_238 = tpu.memref_slice %arg6[%dma_wait3A_236, %dma_wait3A_237] : memref<1000x64xf32, #tpu.memory_space<hbm>> -> memref<1000x64xf32, #tpu.memory_space<hbm>>
    tpu.wait_indirect_dma semaphore(%arg15 : memref<!tpu.dma_semaphore, #tpu.memory_space<semaphore_mem>>) src(%dma_wait3A_238 : memref<1000x64xf32, #tpu.memory_space<hbm>>) dst(%dma_wait3A_232 : memref<128x64xf32, #tpu.memory_space<vmem>>)
    %scan3A = arith.constant 0 : i32
    %scan3A_239 = arith.constant 0 : i32
    %scan3A_240 = arith.constant 32 : i32
    %scan3A_241 = arith.addi %scan3A_239, %scan3A_240 : i32
    %scan3A_242 = arith.constant 1 : i32
    scf.for %scan3A_246 = %scan3A_239 to %scan3A_241 step %scan3A_242  : i32 {
      %mul3A_247 = arith.constant 16 : i32
      %mul3A_248 = arith.muli %scan3A_246, %mul3A_247 : i32
      %iota3A = tpu.iota {dimensions = array<i32: 0>} : vector<16xi32>
      %add3A_249 = vector.broadcast %mul3A_248 : i32 to vector<16xi32>
      %add3A_250 = arith.addi %add3A_249, %iota3A : vector<16xi32>
      %broadcast_in_dim3A = arith.constant 0.000000e+00 : f32
      %broadcast_in_dim3A_251 = vector.broadcast %broadcast_in_dim3A : f32 to vector<16xf32>
      %broadcast_in_dim3A_252 = arith.constant 0.000000e+00 : f32
      %broadcast_in_dim3A_253 = vector.broadcast %broadcast_in_dim3A_252 : f32 to vector<16xf32>
      %broadcast_in_dim3A_254 = arith.constant 0 : i32
      %broadcast_in_dim3A_255 = vector.broadcast %broadcast_in_dim3A_254 : i32 to vector<16xi32>
      %gather3A = tpu.vector_load_idx %arg11[%add3A_250, %broadcast_in_dim3A_255] : memref<512x64xf32, #tpu.memory_space<vmem>>[vector<16xi32>, vector<16xi32>], vector<16xf32>,
      %gather3A_256 = tpu.vector_load_idx %arg13[%add3A_250, %broadcast_in_dim3A_255] : memref<512x64xf32, #tpu.memory_space<vmem>>[vector<16xi32>, vector<16xi32>], vector<16xf32>,
      %mul3A_257 = arith.mulf %gather3A, %gather3A : vector<16xf32>
      %add3A_258 = arith.addf %broadcast_in_dim3A_251, %mul3A_257 : vector<16xf32>
      %mul3A_259 = arith.mulf %gather3A_256, %gather3A_256 : vector<16xf32>
      %add3A_260 = arith.addf %broadcast_in_dim3A_253, %mul3A_259 : vector<16xf32>
      %broadcast_in_dim3A_261 = arith.constant 1 : i32
      %broadcast_in_dim3A_262 = vector.broadcast %broadcast_in_dim3A_261 : i32 to vector<16xi32>
      %gather3A_263 = tpu.vector_load_idx %arg11[%add3A_250, %broadcast_in_dim3A_262] : memref<512x64xf32, #tpu.memory_space<vmem>>[vector<16xi32>, vector<16xi32>], vector<16xf32>,
      %gather3A_264 = tpu.vector_load_idx %arg13[%add3A_250, %broadcast_in_dim3A_262] : memref<512x64xf32, #tpu.memory_space<vmem>>[vector<16xi32>, vector<16xi32>], vector<16xf32>,
      %mul3A_265 = arith.mulf %gather3A_263, %gather3A_263 : vector<16xf32>
      %add3A_266 = arith.addf %add3A_258, %mul3A_265 : vector<16xf32>
      %mul3A_267 = arith.mulf %gather3A_264, %gather3A_264 : vector<16xf32>
      %add3A_268 = arith.addf %add3A_260, %mul3A_267 : vector<16xf32>
      %broadcast_in_dim3A_269 = arith.constant 2 : i32
      %broadcast_in_dim3A_270 = vector.broadcast %broadcast_in_dim3A_269 : i32 to vector<16xi32>
      %gather3A_271 = tpu.vector_load_idx %arg11[%add3A_250, %broadcast_in_dim3A_270] : memref<512x64xf32, #tpu.memory_space<vmem>>[vector<16xi32>, vector<16xi32>], vector<16xf32>,
      %gather3A_272 = tpu.vector_load_idx %arg13[%add3A_250, %broadcast_in_dim3A_270] : memref<512x64xf32, #tpu.memory_space<vmem>>[vector<16xi32>, vector<16xi32>], vector<16xf32>,
      %mul3A_273 = arith.mulf %gather3A_271, %gather3A_271 : vector<16xf32>
      %add3A_274 = arith.addf %add3A_266, %mul3A_273 : vector<16xf32>
      %mul3A_275 = arith.mulf %gather3A_272, %gather3A_272 : vector<16xf32>
      %add3A_276 = arith.addf %add3A_268, %mul3A_275 : vector<16xf32>
      %broadcast_in_dim3A_277 = arith.constant 3 : i32
      %broadcast_in_dim3A_278 = vector.broadcast %broadcast_in_dim3A_277 : i32 to vector<16xi32>
      %gather3A_279 = tpu.vector_load_idx %arg11[%add3A_250, %broadcast_in_dim3A_278] : memref<512x64xf32, #tpu.memory_space<vmem>>[vector<16xi32>, vector<16xi32>], vector<16xf32>,
      %gather3A_280 = tpu.vector_load_idx %arg13[%add3A_250, %broadcast_in_dim3A_278] : memref<512x64xf32, #tpu.memory_space<vmem>>[vector<16xi32>, vector<16xi32>], vector<16xf32>,
      %mul3A_281 = arith.mulf %gather3A_279, %gather3A_279 : vector<16xf32>
      %add3A_282 = arith.addf %add3A_274, %mul3A_281 : vector<16xf32>
      %mul3A_283 = arith.mulf %gather3A_280, %gather3A_280 : vector<16xf32>
      %add3A_284 = arith.addf %add3A_276, %mul3A_283 : vector<16xf32>
      %broadcast_in_dim3A_285 = arith.constant 4 : i32
      %broadcast_in_dim3A_286 = vector.broadcast %broadcast_in_dim3A_285 : i32 to vector<16xi32>
      %gather3A_287 = tpu.vector_load_idx %arg11[%add3A_250, %broadcast_in_dim3A_286] : memref<512x64xf32, #tpu.memory_space<vmem>>[vector<16xi32>, vector<16xi32>], vector<16xf32>,
      %gather3A_288 = tpu.vector_load_idx %arg13[%add3A_250, %broadcast_in_dim3A_286] : memref<512x64xf32, #tpu.memory_space<vmem>>[vector<16xi32>, vector<16xi32>], vector<16xf32>,
      %mul3A_289 = arith.mulf %gather3A_287, %gather3A_287 : vector<16xf32>
      %add3A_290 = arith.addf %add3A_282, %mul3A_289 : vector<16xf32>
      %mul3A_291 = arith.mulf %gather3A_288, %gather3A_288 : vector<16xf32>
      %add3A_292 = arith.addf %add3A_284, %mul3A_291 : vector<16xf32>
      %broadcast_in_dim3A_293 = arith.constant 5 : i32
      %broadcast_in_dim3A_294 = vector.broadcast %broadcast_in_dim3A_293 : i32 to vector<16xi32>
      %gather3A_295 = tpu.vector_load_idx %arg11[%add3A_250, %broadcast_in_dim3A_294] : memref<512x64xf32, #tpu.memory_space<vmem>>[vector<16xi32>, vector<16xi32>], vector<16xf32>,
      %gather3A_296 = tpu.vector_load_idx %arg13[%add3A_250, %broadcast_in_dim3A_294] : memref<512x64xf32, #tpu.memory_space<vmem>>[vector<16xi32>, vector<16xi32>], vector<16xf32>,
      %mul3A_297 = arith.mulf %gather3A_295, %gather3A_295 : vector<16xf32>
      %add3A_298 = arith.addf %add3A_290, %mul3A_297 : vector<16xf32>
      %mul3A_299 = arith.mulf %gather3A_296, %gather3A_296 : vector<16xf32>
      %add3A_300 = arith.addf %add3A_292, %mul3A_299 : vector<16xf32>
      %broadcast_in_dim3A_301 = arith.constant 6 : i32
      %broadcast_in_dim3A_302 = vector.broadcast %broadcast_in_dim3A_301 : i32 to vector<16xi32>
      %gather3A_303 = tpu.vector_load_idx %arg11[%add3A_250, %broadcast_in_dim3A_302] : memref<512x64xf32, #tpu.memory_space<vmem>>[vector<16xi32>, vector<16xi32>], vector<16xf32>,
      %gather3A_304 = tpu.vector_load_idx %arg13[%add3A_250, %broadcast_in_dim3A_302] : memref<512x64xf32, #tpu.memory_space<vmem>>[vector<16xi32>, vector<16xi32>], vector<16xf32>,
      %mul3A_305 = arith.mulf %gather3A_303, %gather3A_303 : vector<16xf32>
      %add3A_306 = arith.addf %add3A_298, %mul3A_305 : vector<16xf32>
      %mul3A_307 = arith.mulf %gather3A_304, %gather3A_304 : vector<16xf32>
      %add3A_308 = arith.addf %add3A_300, %mul3A_307 : vector<16xf32>
      %broadcast_in_dim3A_309 = arith.constant 7 : i32
      %broadcast_in_dim3A_310 = vector.broadcast %broadcast_in_dim3A_309 : i32 to vector<16xi32>
      %gather3A_311 = tpu.vector_load_idx %arg11[%add3A_250, %broadcast_in_dim3A_310] : memref<512x64xf32, #tpu.memory_space<vmem>>[vector<16xi32>, vector<16xi32>], vector<16xf32>,
      %gather3A_312 = tpu.vector_load_idx %arg13[%add3A_250, %broadcast_in_dim3A_310] : memref<512x64xf32, #tpu.memory_space<vmem>>[vector<16xi32>, vector<16xi32>], vector<16xf32>,
      %mul3A_313 = arith.mulf %gather3A_311, %gather3A_311 : vector<16xf32>
      %add3A_314 = arith.addf %add3A_306, %mul3A_313 : vector<16xf32>
      %mul3A_315 = arith.mulf %gather3A_312, %gather3A_312 : vector<16xf32>
      %add3A_316 = arith.addf %add3A_308, %mul3A_315 : vector<16xf32>
      %broadcast_in_dim3A_317 = arith.constant 8 : i32
      %broadcast_in_dim3A_318 = vector.broadcast %broadcast_in_dim3A_317 : i32 to vector<16xi32>
      %gather3A_319 = tpu.vector_load_idx %arg11[%add3A_250, %broadcast_in_dim3A_318] : memref<512x64xf32, #tpu.memory_space<vmem>>[vector<16xi32>, vector<16xi32>], vector<16xf32>,
      %gather3A_320 = tpu.vector_load_idx %arg13[%add3A_250, %broadcast_in_dim3A_318] : memref<512x64xf32, #tpu.memory_space<vmem>>[vector<16xi32>, vector<16xi32>], vector<16xf32>,
      %mul3A_321 = arith.mulf %gather3A_319, %gather3A_319 : vector<16xf32>
      %add3A_322 = arith.addf %add3A_314, %mul3A_321 : vector<16xf32>
      %mul3A_323 = arith.mulf %gather3A_320, %gather3A_320 : vector<16xf32>
      %add3A_324 = arith.addf %add3A_316, %mul3A_323 : vector<16xf32>
      %broadcast_in_dim3A_325 = arith.constant 9 : i32
      %broadcast_in_dim3A_326 = vector.broadcast %broadcast_in_dim3A_325 : i32 to vector<16xi32>
      %gather3A_327 = tpu.vector_load_idx %arg11[%add3A_250, %broadcast_in_dim3A_326] : memref<512x64xf32, #tpu.memory_space<vmem>>[vector<16xi32>, vector<16xi32>], vector<16xf32>,
      %gather3A_328 = tpu.vector_load_idx %arg13[%add3A_250, %broadcast_in_dim3A_326] : memref<512x64xf32, #tpu.memory_space<vmem>>[vector<16xi32>, vector<16xi32>], vector<16xf32>,
      %mul3A_329 = arith.mulf %gather3A_327, %gather3A_327 : vector<16xf32>
      %add3A_330 = arith.addf %add3A_322, %mul3A_329 : vector<16xf32>
      %mul3A_331 = arith.mulf %gather3A_328, %gather3A_328 : vector<16xf32>
      %add3A_332 = arith.addf %add3A_324, %mul3A_331 : vector<16xf32>
      %broadcast_in_dim3A_333 = arith.constant 10 : i32
      %broadcast_in_dim3A_334 = vector.broadcast %broadcast_in_dim3A_333 : i32 to vector<16xi32>
      %gather3A_335 = tpu.vector_load_idx %arg11[%add3A_250, %broadcast_in_dim3A_334] : memref<512x64xf32, #tpu.memory_space<vmem>>[vector<16xi32>, vector<16xi32>], vector<16xf32>,
      %gather3A_336 = tpu.vector_load_idx %arg13[%add3A_250, %broadcast_in_dim3A_334] : memref<512x64xf32, #tpu.memory_space<vmem>>[vector<16xi32>, vector<16xi32>], vector<16xf32>,
      %mul3A_337 = arith.mulf %gather3A_335, %gather3A_335 : vector<16xf32>
      %add3A_338 = arith.addf %add3A_330, %mul3A_337 : vector<16xf32>
      %mul3A_339 = arith.mulf %gather3A_336, %gather3A_336 : vector<16xf32>
      %add3A_340 = arith.addf %add3A_332, %mul3A_339 : vector<16xf32>
      %broadcast_in_dim3A_341 = arith.constant 11 : i32
      %broadcast_in_dim3A_342 = vector.broadcast %broadcast_in_dim3A_341 : i32 to vector<16xi32>
      %gather3A_343 = tpu.vector_load_idx %arg11[%add3A_250, %broadcast_in_dim3A_342] : memref<512x64xf32, #tpu.memory_space<vmem>>[vector<16xi32>, vector<16xi32>], vector<16xf32>,
      %gather3A_344 = tpu.vector_load_idx %arg13[%add3A_250, %broadcast_in_dim3A_342] : memref<512x64xf32, #tpu.memory_space<vmem>>[vector<16xi32>, vector<16xi32>], vector<16xf32>,
      %mul3A_345 = arith.mulf %gather3A_343, %gather3A_343 : vector<16xf32>
      %add3A_346 = arith.addf %add3A_338, %mul3A_345 : vector<16xf32>
      %mul3A_347 = arith.mulf %gather3A_344, %gather3A_344 : vector<16xf32>
      %add3A_348 = arith.addf %add3A_340, %mul3A_347 : vector<16xf32>
      %broadcast_in_dim3A_349 = arith.constant 12 : i32
      %broadcast_in_dim3A_350 = vector.broadcast %broadcast_in_dim3A_349 : i32 to vector<16xi32>
      %gather3A_351 = tpu.vector_load_idx %arg11[%add3A_250, %broadcast_in_dim3A_350] : memref<512x64xf32, #tpu.memory_space<vmem>>[vector<16xi32>, vector<16xi32>], vector<16xf32>,
      %gather3A_352 = tpu.vector_load_idx %arg13[%add3A_250, %broadcast_in_dim3A_350] : memref<512x64xf32, #tpu.memory_space<vmem>>[vector<16xi32>, vector<16xi32>], vector<16xf32>,
      %mul3A_353 = arith.mulf %gather3A_351, %gather3A_351 : vector<16xf32>
      %add3A_354 = arith.addf %add3A_346, %mul3A_353 : vector<16xf32>
      %mul3A_355 = arith.mulf %gather3A_352, %gather3A_352 : vector<16xf32>
      %add3A_356 = arith.addf %add3A_348, %mul3A_355 : vector<16xf32>
      %broadcast_in_dim3A_357 = arith.constant 13 : i32
      %broadcast_in_dim3A_358 = vector.broadcast %broadcast_in_dim3A_357 : i32 to vector<16xi32>
      %gather3A_359 = tpu.vector_load_idx %arg11[%add3A_250, %broadcast_in_dim3A_358] : memref<512x64xf32, #tpu.memory_space<vmem>>[vector<16xi32>, vector<16xi32>], vector<16xf32>,
      %gather3A_360 = tpu.vector_load_idx %arg13[%add3A_250, %broadcast_in_dim3A_358] : memref<512x64xf32, #tpu.memory_space<vmem>>[vector<16xi32>, vector<16xi32>], vector<16xf32>,
      %mul3A_361 = arith.mulf %gather3A_359, %gather3A_359 : vector<16xf32>
      %add3A_362 = arith.addf %add3A_354, %mul3A_361 : vector<16xf32>
      %mul3A_363 = arith.mulf %gather3A_360, %gather3A_360 : vector<16xf32>
      %add3A_364 = arith.addf %add3A_356, %mul3A_363 : vector<16xf32>
      %broadcast_in_dim3A_365 = arith.constant 14 : i32
      %broadcast_in_dim3A_366 = vector.broadcast %broadcast_in_dim3A_365 : i32 to vector<16xi32>
      %gather3A_367 = tpu.vector_load_idx %arg11[%add3A_250, %broadcast_in_dim3A_366] : memref<512x64xf32, #tpu.memory_space<vmem>>[vector<16xi32>, vector<16xi32>], vector<16xf32>,
      %gather3A_368 = tpu.vector_load_idx %arg13[%add3A_250, %broadcast_in_dim3A_366] : memref<512x64xf32, #tpu.memory_space<vmem>>[vector<16xi32>, vector<16xi32>], vector<16xf32>,
      %mul3A_369 = arith.mulf %gather3A_367, %gather3A_367 : vector<16xf32>
      %add3A_370 = arith.addf %add3A_362, %mul3A_369 : vector<16xf32>
      %mul3A_371 = arith.mulf %gather3A_368, %gather3A_368 : vector<16xf32>
      %add3A_372 = arith.addf %add3A_364, %mul3A_371 : vector<16xf32>
      %broadcast_in_dim3A_373 = arith.constant 15 : i32
      %broadcast_in_dim3A_374 = vector.broadcast %broadcast_in_dim3A_373 : i32 to vector<16xi32>
      %gather3A_375 = tpu.vector_load_idx %arg11[%add3A_250, %broadcast_in_dim3A_374] : memref<512x64xf32, #tpu.memory_space<vmem>>[vector<16xi32>, vector<16xi32>], vector<16xf32>,
      %gather3A_376 = tpu.vector_load_idx %arg13[%add3A_250, %broadcast_in_dim3A_374] : memref<512x64xf32, #tpu.memory_space<vmem>>[vector<16xi32>, vector<16xi32>], vector<16xf32>,
      %mul3A_377 = arith.mulf %gather3A_375, %gather3A_375 : vector<16xf32>
      %add3A_378 = arith.addf %add3A_370, %mul3A_377 : vector<16xf32>
      %mul3A_379 = arith.mulf %gather3A_376, %gather3A_376 : vector<16xf32>
      %add3A_380 = arith.addf %add3A_372, %mul3A_379 : vector<16xf32>
      %broadcast_in_dim3A_381 = arith.constant 16 : i32
      %broadcast_in_dim3A_382 = vector.broadcast %broadcast_in_dim3A_381 : i32 to vector<16xi32>
      %gather3A_383 = tpu.vector_load_idx %arg11[%add3A_250, %broadcast_in_dim3A_382] : memref<512x64xf32, #tpu.memory_space<vmem>>[vector<16xi32>, vector<16xi32>], vector<16xf32>,
      %gather3A_384 = tpu.vector_load_idx %arg13[%add3A_250, %broadcast_in_dim3A_382] : memref<512x64xf32, #tpu.memory_space<vmem>>[vector<16xi32>, vector<16xi32>], vector<16xf32>,
      %mul3A_385 = arith.mulf %gather3A_383, %gather3A_383 : vector<16xf32>
      %add3A_386 = arith.addf %add3A_378, %mul3A_385 : vector<16xf32>
      %mul3A_387 = arith.mulf %gather3A_384, %gather3A_384 : vector<16xf32>
      %add3A_388 = arith.addf %add3A_380, %mul3A_387 : vector<16xf32>
      %broadcast_in_dim3A_389 = arith.constant 17 : i32
      %broadcast_in_dim3A_390 = vector.broadcast %broadcast_in_dim3A_389 : i32 to vector<16xi32>
      %gather3A_391 = tpu.vector_load_idx %arg11[%add3A_250, %broadcast_in_dim3A_390] : memref<512x64xf32, #tpu.memory_space<vmem>>[vector<16xi32>, vector<16xi32>], vector<16xf32>,
      %gather3A_392 = tpu.vector_load_idx %arg13[%add3A_250, %broadcast_in_dim3A_390] : memref<512x64xf32, #tpu.memory_space<vmem>>[vector<16xi32>, vector<16xi32>], vector<16xf32>,
      %mul3A_393 = arith.mulf %gather3A_391, %gather3A_391 : vector<16xf32>
      %add3A_394 = arith.addf %add3A_386, %mul3A_393 : vector<16xf32>
      %mul3A_395 = arith.mulf %gather3A_392, %gather3A_392 : vector<16xf32>
      %add3A_396 = arith.addf %add3A_388, %mul3A_395 : vector<16xf32>
      %broadcast_in_dim3A_397 = arith.constant 18 : i32
      %broadcast_in_dim3A_398 = vector.broadcast %broadcast_in_dim3A_397 : i32 to vector<16xi32>
      %gather3A_399 = tpu.vector_load_idx %arg11[%add3A_250, %broadcast_in_dim3A_398] : memref<512x64xf32, #tpu.memory_space<vmem>>[vector<16xi32>, vector<16xi32>], vector<16xf32>,
      %gather3A_400 = tpu.vector_load_idx %arg13[%add3A_250, %broadcast_in_dim3A_398] : memref<512x64xf32, #tpu.memory_space<vmem>>[vector<16xi32>, vector<16xi32>], vector<16xf32>,
      %mul3A_401 = arith.mulf %gather3A_399, %gather3A_399 : vector<16xf32>
      %add3A_402 = arith.addf %add3A_394, %mul3A_401 : vector<16xf32>
      %mul3A_403 = arith.mulf %gather3A_400, %gather3A_400 : vector<16xf32>
      %add3A_404 = arith.addf %add3A_396, %mul3A_403 : vector<16xf32>
      %broadcast_in_dim3A_405 = arith.constant 19 : i32
      %broadcast_in_dim3A_406 = vector.broadcast %broadcast_in_dim3A_405 : i32 to vector<16xi32>
      %gather3A_407 = tpu.vector_load_idx %arg11[%add3A_250, %broadcast_in_dim3A_406] : memref<512x64xf32, #tpu.memory_space<vmem>>[vector<16xi32>, vector<16xi32>], vector<16xf32>,
      %gather3A_408 = tpu.vector_load_idx %arg13[%add3A_250, %broadcast_in_dim3A_406] : memref<512x64xf32, #tpu.memory_space<vmem>>[vector<16xi32>, vector<16xi32>], vector<16xf32>,
      %mul3A_409 = arith.mulf %gather3A_407, %gather3A_407 : vector<16xf32>
      %add3A_410 = arith.addf %add3A_402, %mul3A_409 : vector<16xf32>
      %mul3A_411 = arith.mulf %gather3A_408, %gather3A_408 : vector<16xf32>
      %add3A_412 = arith.addf %add3A_404, %mul3A_411 : vector<16xf32>
      %broadcast_in_dim3A_413 = arith.constant 20 : i32
      %broadcast_in_dim3A_414 = vector.broadcast %broadcast_in_dim3A_413 : i32 to vector<16xi32>
      %gather3A_415 = tpu.vector_load_idx %arg11[%add3A_250, %broadcast_in_dim3A_414] : memref<512x64xf32, #tpu.memory_space<vmem>>[vector<16xi32>, vector<16xi32>], vector<16xf32>,
      %gather3A_416 = tpu.vector_load_idx %arg13[%add3A_250, %broadcast_in_dim3A_414] : memref<512x64xf32, #tpu.memory_space<vmem>>[vector<16xi32>, vector<16xi32>], vector<16xf32>,
      %mul3A_417 = arith.mulf %gather3A_415, %gather3A_415 : vector<16xf32>
      %add3A_418 = arith.addf %add3A_410, %mul3A_417 : vector<16xf32>
      %mul3A_419 = arith.mulf %gather3A_416, %gather3A_416 : vector<16xf32>
      %add3A_420 = arith.addf %add3A_412, %mul3A_419 : vector<16xf32>
      %broadcast_in_dim3A_421 = arith.constant 21 : i32
      %broadcast_in_dim3A_422 = vector.broadcast %broadcast_in_dim3A_421 : i32 to vector<16xi32>
      %gather3A_423 = tpu.vector_load_idx %arg11[%add3A_250, %broadcast_in_dim3A_422] : memref<512x64xf32, #tpu.memory_space<vmem>>[vector<16xi32>, vector<16xi32>], vector<16xf32>,
      %gather3A_424 = tpu.vector_load_idx %arg13[%add3A_250, %broadcast_in_dim3A_422] : memref<512x64xf32, #tpu.memory_space<vmem>>[vector<16xi32>, vector<16xi32>], vector<16xf32>,
      %mul3A_425 = arith.mulf %gather3A_423, %gather3A_423 : vector<16xf32>
      %add3A_426 = arith.addf %add3A_418, %mul3A_425 : vector<16xf32>
      %mul3A_427 = arith.mulf %gather3A_424, %gather3A_424 : vector<16xf32>
      %add3A_428 = arith.addf %add3A_420, %mul3A_427 : vector<16xf32>
      %broadcast_in_dim3A_429 = arith.constant 22 : i32
      %broadcast_in_dim3A_430 = vector.broadcast %broadcast_in_dim3A_429 : i32 to vector<16xi32>
      %gather3A_431 = tpu.vector_load_idx %arg11[%add3A_250, %broadcast_in_dim3A_430] : memref<512x64xf32, #tpu.memory_space<vmem>>[vector<16xi32>, vector<16xi32>], vector<16xf32>,
      %gather3A_432 = tpu.vector_load_idx %arg13[%add3A_250, %broadcast_in_dim3A_430] : memref<512x64xf32, #tpu.memory_space<vmem>>[vector<16xi32>, vector<16xi32>], vector<16xf32>,
      %mul3A_433 = arith.mulf %gather3A_431, %gather3A_431 : vector<16xf32>
      %add3A_434 = arith.addf %add3A_426, %mul3A_433 : vector<16xf32>
      %mul3A_435 = arith.mulf %gather3A_432, %gather3A_432 : vector<16xf32>
      %add3A_436 = arith.addf %add3A_428, %mul3A_435 : vector<16xf32>
      %broadcast_in_dim3A_437 = arith.constant 23 : i32
      %broadcast_in_dim3A_438 = vector.broadcast %broadcast_in_dim3A_437 : i32 to vector<16xi32>
      %gather3A_439 = tpu.vector_load_idx %arg11[%add3A_250, %broadcast_in_dim3A_438] : memref<512x64xf32, #tpu.memory_space<vmem>>[vector<16xi32>, vector<16xi32>], vector<16xf32>,
      %gather3A_440 = tpu.vector_load_idx %arg13[%add3A_250, %broadcast_in_dim3A_438] : memref<512x64xf32, #tpu.memory_space<vmem>>[vector<16xi32>, vector<16xi32>], vector<16xf32>,
      %mul3A_441 = arith.mulf %gather3A_439, %gather3A_439 : vector<16xf32>
      %add3A_442 = arith.addf %add3A_434, %mul3A_441 : vector<16xf32>
      %mul3A_443 = arith.mulf %gather3A_440, %gather3A_440 : vector<16xf32>
      %add3A_444 = arith.addf %add3A_436, %mul3A_443 : vector<16xf32>
      %broadcast_in_dim3A_445 = arith.constant 24 : i32
      %broadcast_in_dim3A_446 = vector.broadcast %broadcast_in_dim3A_445 : i32 to vector<16xi32>
      %gather3A_447 = tpu.vector_load_idx %arg11[%add3A_250, %broadcast_in_dim3A_446] : memref<512x64xf32, #tpu.memory_space<vmem>>[vector<16xi32>, vector<16xi32>], vector<16xf32>,
      %gather3A_448 = tpu.vector_load_idx %arg13[%add3A_250, %broadcast_in_dim3A_446] : memref<512x64xf32, #tpu.memory_space<vmem>>[vector<16xi32>, vector<16xi32>], vector<16xf32>,
      %mul3A_449 = arith.mulf %gather3A_447, %gather3A_447 : vector<16xf32>
      %add3A_450 = arith.addf %add3A_442, %mul3A_449 : vector<16xf32>
      %mul3A_451 = arith.mulf %gather3A_448, %gather3A_448 : vector<16xf32>
      %add3A_452 = arith.addf %add3A_444, %mul3A_451 : vector<16xf32>
      %broadcast_in_dim3A_453 = arith.constant 25 : i32
      %broadcast_in_dim3A_454 = vector.broadcast %broadcast_in_dim3A_453 : i32 to vector<16xi32>
      %gather3A_455 = tpu.vector_load_idx %arg11[%add3A_250, %broadcast_in_dim3A_454] : memref<512x64xf32, #tpu.memory_space<vmem>>[vector<16xi32>, vector<16xi32>], vector<16xf32>,
      %gather3A_456 = tpu.vector_load_idx %arg13[%add3A_250, %broadcast_in_dim3A_454] : memref<512x64xf32, #tpu.memory_space<vmem>>[vector<16xi32>, vector<16xi32>], vector<16xf32>,
      %mul3A_457 = arith.mulf %gather3A_455, %gather3A_455 : vector<16xf32>
      %add3A_458 = arith.addf %add3A_450, %mul3A_457 : vector<16xf32>
      %mul3A_459 = arith.mulf %gather3A_456, %gather3A_456 : vector<16xf32>
      %add3A_460 = arith.addf %add3A_452, %mul3A_459 : vector<16xf32>
      %broadcast_in_dim3A_461 = arith.constant 26 : i32
      %broadcast_in_dim3A_462 = vector.broadcast %broadcast_in_dim3A_461 : i32 to vector<16xi32>
      %gather3A_463 = tpu.vector_load_idx %arg11[%add3A_250, %broadcast_in_dim3A_462] : memref<512x64xf32, #tpu.memory_space<vmem>>[vector<16xi32>, vector<16xi32>], vector<16xf32>,
      %gather3A_464 = tpu.vector_load_idx %arg13[%add3A_250, %broadcast_in_dim3A_462] : memref<512x64xf32, #tpu.memory_space<vmem>>[vector<16xi32>, vector<16xi32>], vector<16xf32>,
      %mul3A_465 = arith.mulf %gather3A_463, %gather3A_463 : vector<16xf32>
      %add3A_466 = arith.addf %add3A_458, %mul3A_465 : vector<16xf32>
      %mul3A_467 = arith.mulf %gather3A_464, %gather3A_464 : vector<16xf32>
      %add3A_468 = arith.addf %add3A_460, %mul3A_467 : vector<16xf32>
      %broadcast_in_dim3A_469 = arith.constant 27 : i32
      %broadcast_in_dim3A_470 = vector.broadcast %broadcast_in_dim3A_469 : i32 to vector<16xi32>
      %gather3A_471 = tpu.vector_load_idx %arg11[%add3A_250, %broadcast_in_dim3A_470] : memref<512x64xf32, #tpu.memory_space<vmem>>[vector<16xi32>, vector<16xi32>], vector<16xf32>,
      %gather3A_472 = tpu.vector_load_idx %arg13[%add3A_250, %broadcast_in_dim3A_470] : memref<512x64xf32, #tpu.memory_space<vmem>>[vector<16xi32>, vector<16xi32>], vector<16xf32>,
      %mul3A_473 = arith.mulf %gather3A_471, %gather3A_471 : vector<16xf32>
      %add3A_474 = arith.addf %add3A_466, %mul3A_473 : vector<16xf32>
      %mul3A_475 = arith.mulf %gather3A_472, %gather3A_472 : vector<16xf32>
      %add3A_476 = arith.addf %add3A_468, %mul3A_475 : vector<16xf32>
      %broadcast_in_dim3A_477 = arith.constant 28 : i32
      %broadcast_in_dim3A_478 = vector.broadcast %broadcast_in_dim3A_477 : i32 to vector<16xi32>
      %gather3A_479 = tpu.vector_load_idx %arg11[%add3A_250, %broadcast_in_dim3A_478] : memref<512x64xf32, #tpu.memory_space<vmem>>[vector<16xi32>, vector<16xi32>], vector<16xf32>,
      %gather3A_480 = tpu.vector_load_idx %arg13[%add3A_250, %broadcast_in_dim3A_478] : memref<512x64xf32, #tpu.memory_space<vmem>>[vector<16xi32>, vector<16xi32>], vector<16xf32>,
      %mul3A_481 = arith.mulf %gather3A_479, %gather3A_479 : vector<16xf32>
      %add3A_482 = arith.addf %add3A_474, %mul3A_481 : vector<16xf32>
      %mul3A_483 = arith.mulf %gather3A_480, %gather3A_480 : vector<16xf32>
      %add3A_484 = arith.addf %add3A_476, %mul3A_483 : vector<16xf32>
      %broadcast_in_dim3A_485 = arith.constant 29 : i32
      %broadcast_in_dim3A_486 = vector.broadcast %broadcast_in_dim3A_485 : i32 to vector<16xi32>
      %gather3A_487 = tpu.vector_load_idx %arg11[%add3A_250, %broadcast_in_dim3A_486] : memref<512x64xf32, #tpu.memory_space<vmem>>[vector<16xi32>, vector<16xi32>], vector<16xf32>,
      %gather3A_488 = tpu.vector_load_idx %arg13[%add3A_250, %broadcast_in_dim3A_486] : memref<512x64xf32, #tpu.memory_space<vmem>>[vector<16xi32>, vector<16xi32>], vector<16xf32>,
      %mul3A_489 = arith.mulf %gather3A_487, %gather3A_487 : vector<16xf32>
      %add3A_490 = arith.addf %add3A_482, %mul3A_489 : vector<16xf32>
      %mul3A_491 = arith.mulf %gather3A_488, %gather3A_488 : vector<16xf32>
      %add3A_492 = arith.addf %add3A_484, %mul3A_491 : vector<16xf32>
      %broadcast_in_dim3A_493 = arith.constant 30 : i32
      %broadcast_in_dim3A_494 = vector.broadcast %broadcast_in_dim3A_493 : i32 to vector<16xi32>
      %gather3A_495 = tpu.vector_load_idx %arg11[%add3A_250, %broadcast_in_dim3A_494] : memref<512x64xf32, #tpu.memory_space<vmem>>[vector<16xi32>, vector<16xi32>], vector<16xf32>,
      %gather3A_496 = tpu.vector_load_idx %arg13[%add3A_250, %broadcast_in_dim3A_494] : memref<512x64xf32, #tpu.memory_space<vmem>>[vector<16xi32>, vector<16xi32>], vector<16xf32>,
      %mul3A_497 = arith.mulf %gather3A_495, %gather3A_495 : vector<16xf32>
      %add3A_498 = arith.addf %add3A_490, %mul3A_497 : vector<16xf32>
      %mul3A_499 = arith.mulf %gather3A_496, %gather3A_496 : vector<16xf32>
      %add3A_500 = arith.addf %add3A_492, %mul3A_499 : vector<16xf32>
      %broadcast_in_dim3A_501 = arith.constant 31 : i32
      %broadcast_in_dim3A_502 = vector.broadcast %broadcast_in_dim3A_501 : i32 to vector<16xi32>
      %gather3A_503 = tpu.vector_load_idx %arg11[%add3A_250, %broadcast_in_dim3A_502] : memref<512x64xf32, #tpu.memory_space<vmem>>[vector<16xi32>, vector<16xi32>], vector<16xf32>,
      %gather3A_504 = tpu.vector_load_idx %arg13[%add3A_250, %broadcast_in_dim3A_502] : memref<512x64xf32, #tpu.memory_space<vmem>>[vector<16xi32>, vector<16xi32>], vector<16xf32>,
      %mul3A_505 = arith.mulf %gather3A_503, %gather3A_503 : vector<16xf32>
      %add3A_506 = arith.addf %add3A_498, %mul3A_505 : vector<16xf32>
      %mul3A_507 = arith.mulf %gather3A_504, %gather3A_504 : vector<16xf32>
      %add3A_508 = arith.addf %add3A_500, %mul3A_507 : vector<16xf32>
      %broadcast_in_dim3A_509 = arith.constant 32 : i32
      %broadcast_in_dim3A_510 = vector.broadcast %broadcast_in_dim3A_509 : i32 to vector<16xi32>
      %gather3A_511 = tpu.vector_load_idx %arg11[%add3A_250, %broadcast_in_dim3A_510] : memref<512x64xf32, #tpu.memory_space<vmem>>[vector<16xi32>, vector<16xi32>], vector<16xf32>,
      %gather3A_512 = tpu.vector_load_idx %arg13[%add3A_250, %broadcast_in_dim3A_510] : memref<512x64xf32, #tpu.memory_space<vmem>>[vector<16xi32>, vector<16xi32>], vector<16xf32>,
      %mul3A_513 = arith.mulf %gather3A_511, %gather3A_511 : vector<16xf32>
      %add3A_514 = arith.addf %add3A_506, %mul3A_513 : vector<16xf32>
      %mul3A_515 = arith.mulf %gather3A_512, %gather3A_512 : vector<16xf32>
      %add3A_516 = arith.addf %add3A_508, %mul3A_515 : vector<16xf32>
      %broadcast_in_dim3A_517 = arith.constant 33 : i32
      %broadcast_in_dim3A_518 = vector.broadcast %broadcast_in_dim3A_517 : i32 to vector<16xi32>
      %gather3A_519 = tpu.vector_load_idx %arg11[%add3A_250, %broadcast_in_dim3A_518] : memref<512x64xf32, #tpu.memory_space<vmem>>[vector<16xi32>, vector<16xi32>], vector<16xf32>,
      %gather3A_520 = tpu.vector_load_idx %arg13[%add3A_250, %broadcast_in_dim3A_518] : memref<512x64xf32, #tpu.memory_space<vmem>>[vector<16xi32>, vector<16xi32>], vector<16xf32>,
      %mul3A_521 = arith.mulf %gather3A_519, %gather3A_519 : vector<16xf32>
      %add3A_522 = arith.addf %add3A_514, %mul3A_521 : vector<16xf32>
      %mul3A_523 = arith.mulf %gather3A_520, %gather3A_520 : vector<16xf32>
      %add3A_524 = arith.addf %add3A_516, %mul3A_523 : vector<16xf32>
      %broadcast_in_dim3A_525 = arith.constant 34 : i32
      %broadcast_in_dim3A_526 = vector.broadcast %broadcast_in_dim3A_525 : i32 to vector<16xi32>
      %gather3A_527 = tpu.vector_load_idx %arg11[%add3A_250, %broadcast_in_dim3A_526] : memref<512x64xf32, #tpu.memory_space<vmem>>[vector<16xi32>, vector<16xi32>], vector<16xf32>,
      %gather3A_528 = tpu.vector_load_idx %arg13[%add3A_250, %broadcast_in_dim3A_526] : memref<512x64xf32, #tpu.memory_space<vmem>>[vector<16xi32>, vector<16xi32>], vector<16xf32>,
      %mul3A_529 = arith.mulf %gather3A_527, %gather3A_527 : vector<16xf32>
      %add3A_530 = arith.addf %add3A_522, %mul3A_529 : vector<16xf32>
      %mul3A_531 = arith.mulf %gather3A_528, %gather3A_528 : vector<16xf32>
      %add3A_532 = arith.addf %add3A_524, %mul3A_531 : vector<16xf32>
      %broadcast_in_dim3A_533 = arith.constant 35 : i32
      %broadcast_in_dim3A_534 = vector.broadcast %broadcast_in_dim3A_533 : i32 to vector<16xi32>
      %gather3A_535 = tpu.vector_load_idx %arg11[%add3A_250, %broadcast_in_dim3A_534] : memref<512x64xf32, #tpu.memory_space<vmem>>[vector<16xi32>, vector<16xi32>], vector<16xf32>,
      %gather3A_536 = tpu.vector_load_idx %arg13[%add3A_250, %broadcast_in_dim3A_534] : memref<512x64xf32, #tpu.memory_space<vmem>>[vector<16xi32>, vector<16xi32>], vector<16xf32>,
      %mul3A_537 = arith.mulf %gather3A_535, %gather3A_535 : vector<16xf32>
      %add3A_538 = arith.addf %add3A_530, %mul3A_537 : vector<16xf32>
      %mul3A_539 = arith.mulf %gather3A_536, %gather3A_536 : vector<16xf32>
      %add3A_540 = arith.addf %add3A_532, %mul3A_539 : vector<16xf32>
      %broadcast_in_dim3A_541 = arith.constant 36 : i32
      %broadcast_in_dim3A_542 = vector.broadcast %broadcast_in_dim3A_541 : i32 to vector<16xi32>
      %gather3A_543 = tpu.vector_load_idx %arg11[%add3A_250, %broadcast_in_dim3A_542] : memref<512x64xf32, #tpu.memory_space<vmem>>[vector<16xi32>, vector<16xi32>], vector<16xf32>,
      %gather3A_544 = tpu.vector_load_idx %arg13[%add3A_250, %broadcast_in_dim3A_542] : memref<512x64xf32, #tpu.memory_space<vmem>>[vector<16xi32>, vector<16xi32>], vector<16xf32>,
      %mul3A_545 = arith.mulf %gather3A_543, %gather3A_543 : vector<16xf32>
      %add3A_546 = arith.addf %add3A_538, %mul3A_545 : vector<16xf32>
      %mul3A_547 = arith.mulf %gather3A_544, %gather3A_544 : vector<16xf32>
      %add3A_548 = arith.addf %add3A_540, %mul3A_547 : vector<16xf32>
      %broadcast_in_dim3A_549 = arith.constant 37 : i32
      %broadcast_in_dim3A_550 = vector.broadcast %broadcast_in_dim3A_549 : i32 to vector<16xi32>
      %gather3A_551 = tpu.vector_load_idx %arg11[%add3A_250, %broadcast_in_dim3A_550] : memref<512x64xf32, #tpu.memory_space<vmem>>[vector<16xi32>, vector<16xi32>], vector<16xf32>,
      %gather3A_552 = tpu.vector_load_idx %arg13[%add3A_250, %broadcast_in_dim3A_550] : memref<512x64xf32, #tpu.memory_space<vmem>>[vector<16xi32>, vector<16xi32>], vector<16xf32>,
      %mul3A_553 = arith.mulf %gather3A_551, %gather3A_551 : vector<16xf32>
      %add3A_554 = arith.addf %add3A_546, %mul3A_553 : vector<16xf32>
      %mul3A_555 = arith.mulf %gather3A_552, %gather3A_552 : vector<16xf32>
      %add3A_556 = arith.addf %add3A_548, %mul3A_555 : vector<16xf32>
      %broadcast_in_dim3A_557 = arith.constant 38 : i32
      %broadcast_in_dim3A_558 = vector.broadcast %broadcast_in_dim3A_557 : i32 to vector<16xi32>
      %gather3A_559 = tpu.vector_load_idx %arg11[%add3A_250, %broadcast_in_dim3A_558] : memref<512x64xf32, #tpu.memory_space<vmem>>[vector<16xi32>, vector<16xi32>], vector<16xf32>,
      %gather3A_560 = tpu.vector_load_idx %arg13[%add3A_250, %broadcast_in_dim3A_558] : memref<512x64xf32, #tpu.memory_space<vmem>>[vector<16xi32>, vector<16xi32>], vector<16xf32>,
      %mul3A_561 = arith.mulf %gather3A_559, %gather3A_559 : vector<16xf32>
      %add3A_562 = arith.addf %add3A_554, %mul3A_561 : vector<16xf32>
      %mul3A_563 = arith.mulf %gather3A_560, %gather3A_560 : vector<16xf32>
      %add3A_564 = arith.addf %add3A_556, %mul3A_563 : vector<16xf32>
      %broadcast_in_dim3A_565 = arith.constant 39 : i32
      %broadcast_in_dim3A_566 = vector.broadcast %broadcast_in_dim3A_565 : i32 to vector<16xi32>
      %gather3A_567 = tpu.vector_load_idx %arg11[%add3A_250, %broadcast_in_dim3A_566] : memref<512x64xf32, #tpu.memory_space<vmem>>[vector<16xi32>, vector<16xi32>], vector<16xf32>,
      %gather3A_568 = tpu.vector_load_idx %arg13[%add3A_250, %broadcast_in_dim3A_566] : memref<512x64xf32, #tpu.memory_space<vmem>>[vector<16xi32>, vector<16xi32>], vector<16xf32>,
      %mul3A_569 = arith.mulf %gather3A_567, %gather3A_567 : vector<16xf32>
      %add3A_570 = arith.addf %add3A_562, %mul3A_569 : vector<16xf32>
      %mul3A_571 = arith.mulf %gather3A_568, %gather3A_568 : vector<16xf32>
      %add3A_572 = arith.addf %add3A_564, %mul3A_571 : vector<16xf32>
      %broadcast_in_dim3A_573 = arith.constant 40 : i32
      %broadcast_in_dim3A_574 = vector.broadcast %broadcast_in_dim3A_573 : i32 to vector<16xi32>
      %gather3A_575 = tpu.vector_load_idx %arg11[%add3A_250, %broadcast_in_dim3A_574] : memref<512x64xf32, #tpu.memory_space<vmem>>[vector<16xi32>, vector<16xi32>], vector<16xf32>,
      %gather3A_576 = tpu.vector_load_idx %arg13[%add3A_250, %broadcast_in_dim3A_574] : memref<512x64xf32, #tpu.memory_space<vmem>>[vector<16xi32>, vector<16xi32>], vector<16xf32>,
      %mul3A_577 = arith.mulf %gather3A_575, %gather3A_575 : vector<16xf32>
      %add3A_578 = arith.addf %add3A_570, %mul3A_577 : vector<16xf32>
      %mul3A_579 = arith.mulf %gather3A_576, %gather3A_576 : vector<16xf32>
      %add3A_580 = arith.addf %add3A_572, %mul3A_579 : vector<16xf32>
      %broadcast_in_dim3A_581 = arith.constant 41 : i32
      %broadcast_in_dim3A_582 = vector.broadcast %broadcast_in_dim3A_581 : i32 to vector<16xi32>
      %gather3A_583 = tpu.vector_load_idx %arg11[%add3A_250, %broadcast_in_dim3A_582] : memref<512x64xf32, #tpu.memory_space<vmem>>[vector<16xi32>, vector<16xi32>], vector<16xf32>,
      %gather3A_584 = tpu.vector_load_idx %arg13[%add3A_250, %broadcast_in_dim3A_582] : memref<512x64xf32, #tpu.memory_space<vmem>>[vector<16xi32>, vector<16xi32>], vector<16xf32>,
      %mul3A_585 = arith.mulf %gather3A_583, %gather3A_583 : vector<16xf32>
      %add3A_586 = arith.addf %add3A_578, %mul3A_585 : vector<16xf32>
      %mul3A_587 = arith.mulf %gather3A_584, %gather3A_584 : vector<16xf32>
      %add3A_588 = arith.addf %add3A_580, %mul3A_587 : vector<16xf32>
      %broadcast_in_dim3A_589 = arith.constant 42 : i32
      %broadcast_in_dim3A_590 = vector.broadcast %broadcast_in_dim3A_589 : i32 to vector<16xi32>
      %gather3A_591 = tpu.vector_load_idx %arg11[%add3A_250, %broadcast_in_dim3A_590] : memref<512x64xf32, #tpu.memory_space<vmem>>[vector<16xi32>, vector<16xi32>], vector<16xf32>,
      %gather3A_592 = tpu.vector_load_idx %arg13[%add3A_250, %broadcast_in_dim3A_590] : memref<512x64xf32, #tpu.memory_space<vmem>>[vector<16xi32>, vector<16xi32>], vector<16xf32>,
      %mul3A_593 = arith.mulf %gather3A_591, %gather3A_591 : vector<16xf32>
      %add3A_594 = arith.addf %add3A_586, %mul3A_593 : vector<16xf32>
      %mul3A_595 = arith.mulf %gather3A_592, %gather3A_592 : vector<16xf32>
      %add3A_596 = arith.addf %add3A_588, %mul3A_595 : vector<16xf32>
      %broadcast_in_dim3A_597 = arith.constant 43 : i32
      %broadcast_in_dim3A_598 = vector.broadcast %broadcast_in_dim3A_597 : i32 to vector<16xi32>
      %gather3A_599 = tpu.vector_load_idx %arg11[%add3A_250, %broadcast_in_dim3A_598] : memref<512x64xf32, #tpu.memory_space<vmem>>[vector<16xi32>, vector<16xi32>], vector<16xf32>,
      %gather3A_600 = tpu.vector_load_idx %arg13[%add3A_250, %broadcast_in_dim3A_598] : memref<512x64xf32, #tpu.memory_space<vmem>>[vector<16xi32>, vector<16xi32>], vector<16xf32>,
      %mul3A_601 = arith.mulf %gather3A_599, %gather3A_599 : vector<16xf32>
      %add3A_602 = arith.addf %add3A_594, %mul3A_601 : vector<16xf32>
      %mul3A_603 = arith.mulf %gather3A_600, %gather3A_600 : vector<16xf32>
      %add3A_604 = arith.addf %add3A_596, %mul3A_603 : vector<16xf32>
      %broadcast_in_dim3A_605 = arith.constant 44 : i32
      %broadcast_in_dim3A_606 = vector.broadcast %broadcast_in_dim3A_605 : i32 to vector<16xi32>
      %gather3A_607 = tpu.vector_load_idx %arg11[%add3A_250, %broadcast_in_dim3A_606] : memref<512x64xf32, #tpu.memory_space<vmem>>[vector<16xi32>, vector<16xi32>], vector<16xf32>,
      %gather3A_608 = tpu.vector_load_idx %arg13[%add3A_250, %broadcast_in_dim3A_606] : memref<512x64xf32, #tpu.memory_space<vmem>>[vector<16xi32>, vector<16xi32>], vector<16xf32>,
      %mul3A_609 = arith.mulf %gather3A_607, %gather3A_607 : vector<16xf32>
      %add3A_610 = arith.addf %add3A_602, %mul3A_609 : vector<16xf32>
      %mul3A_611 = arith.mulf %gather3A_608, %gather3A_608 : vector<16xf32>
      %add3A_612 = arith.addf %add3A_604, %mul3A_611 : vector<16xf32>
      %broadcast_in_dim3A_613 = arith.constant 45 : i32
      %broadcast_in_dim3A_614 = vector.broadcast %broadcast_in_dim3A_613 : i32 to vector<16xi32>
      %gather3A_615 = tpu.vector_load_idx %arg11[%add3A_250, %broadcast_in_dim3A_614] : memref<512x64xf32, #tpu.memory_space<vmem>>[vector<16xi32>, vector<16xi32>], vector<16xf32>,
      %gather3A_616 = tpu.vector_load_idx %arg13[%add3A_250, %broadcast_in_dim3A_614] : memref<512x64xf32, #tpu.memory_space<vmem>>[vector<16xi32>, vector<16xi32>], vector<16xf32>,
      %mul3A_617 = arith.mulf %gather3A_615, %gather3A_615 : vector<16xf32>
      %add3A_618 = arith.addf %add3A_610, %mul3A_617 : vector<16xf32>
      %mul3A_619 = arith.mulf %gather3A_616, %gather3A_616 : vector<16xf32>
      %add3A_620 = arith.addf %add3A_612, %mul3A_619 : vector<16xf32>
      %broadcast_in_dim3A_621 = arith.constant 46 : i32
      %broadcast_in_dim3A_622 = vector.broadcast %broadcast_in_dim3A_621 : i32 to vector<16xi32>
      %gather3A_623 = tpu.vector_load_idx %arg11[%add3A_250, %broadcast_in_dim3A_622] : memref<512x64xf32, #tpu.memory_space<vmem>>[vector<16xi32>, vector<16xi32>], vector<16xf32>,
      %gather3A_624 = tpu.vector_load_idx %arg13[%add3A_250, %broadcast_in_dim3A_622] : memref<512x64xf32, #tpu.memory_space<vmem>>[vector<16xi32>, vector<16xi32>], vector<16xf32>,
      %mul3A_625 = arith.mulf %gather3A_623, %gather3A_623 : vector<16xf32>
      %add3A_626 = arith.addf %add3A_618, %mul3A_625 : vector<16xf32>
      %mul3A_627 = arith.mulf %gather3A_624, %gather3A_624 : vector<16xf32>
      %add3A_628 = arith.addf %add3A_620, %mul3A_627 : vector<16xf32>
      %broadcast_in_dim3A_629 = arith.constant 47 : i32
      %broadcast_in_dim3A_630 = vector.broadcast %broadcast_in_dim3A_629 : i32 to vector<16xi32>
      %gather3A_631 = tpu.vector_load_idx %arg11[%add3A_250, %broadcast_in_dim3A_630] : memref<512x64xf32, #tpu.memory_space<vmem>>[vector<16xi32>, vector<16xi32>], vector<16xf32>,
      %gather3A_632 = tpu.vector_load_idx %arg13[%add3A_250, %broadcast_in_dim3A_630] : memref<512x64xf32, #tpu.memory_space<vmem>>[vector<16xi32>, vector<16xi32>], vector<16xf32>,
      %mul3A_633 = arith.mulf %gather3A_631, %gather3A_631 : vector<16xf32>
      %add3A_634 = arith.addf %add3A_626, %mul3A_633 : vector<16xf32>
      %mul3A_635 = arith.mulf %gather3A_632, %gather3A_632 : vector<16xf32>
      %add3A_636 = arith.addf %add3A_628, %mul3A_635 : vector<16xf32>
      %broadcast_in_dim3A_637 = arith.constant 48 : i32
      %broadcast_in_dim3A_638 = vector.broadcast %broadcast_in_dim3A_637 : i32 to vector<16xi32>
      %gather3A_639 = tpu.vector_load_idx %arg11[%add3A_250, %broadcast_in_dim3A_638] : memref<512x64xf32, #tpu.memory_space<vmem>>[vector<16xi32>, vector<16xi32>], vector<16xf32>,
      %gather3A_640 = tpu.vector_load_idx %arg13[%add3A_250, %broadcast_in_dim3A_638] : memref<512x64xf32, #tpu.memory_space<vmem>>[vector<16xi32>, vector<16xi32>], vector<16xf32>,
      %mul3A_641 = arith.mulf %gather3A_639, %gather3A_639 : vector<16xf32>
      %add3A_642 = arith.addf %add3A_634, %mul3A_641 : vector<16xf32>
      %mul3A_643 = arith.mulf %gather3A_640, %gather3A_640 : vector<16xf32>
      %add3A_644 = arith.addf %add3A_636, %mul3A_643 : vector<16xf32>
      %broadcast_in_dim3A_645 = arith.constant 49 : i32
      %broadcast_in_dim3A_646 = vector.broadcast %broadcast_in_dim3A_645 : i32 to vector<16xi32>
      %gather3A_647 = tpu.vector_load_idx %arg11[%add3A_250, %broadcast_in_dim3A_646] : memref<512x64xf32, #tpu.memory_space<vmem>>[vector<16xi32>, vector<16xi32>], vector<16xf32>,
      %gather3A_648 = tpu.vector_load_idx %arg13[%add3A_250, %broadcast_in_dim3A_646] : memref<512x64xf32, #tpu.memory_space<vmem>>[vector<16xi32>, vector<16xi32>], vector<16xf32>,
      %mul3A_649 = arith.mulf %gather3A_647, %gather3A_647 : vector<16xf32>
      %add3A_650 = arith.addf %add3A_642, %mul3A_649 : vector<16xf32>
      %mul3A_651 = arith.mulf %gather3A_648, %gather3A_648 : vector<16xf32>
      %add3A_652 = arith.addf %add3A_644, %mul3A_651 : vector<16xf32>
      %broadcast_in_dim3A_653 = arith.constant 50 : i32
      %broadcast_in_dim3A_654 = vector.broadcast %broadcast_in_dim3A_653 : i32 to vector<16xi32>
      %gather3A_655 = tpu.vector_load_idx %arg11[%add3A_250, %broadcast_in_dim3A_654] : memref<512x64xf32, #tpu.memory_space<vmem>>[vector<16xi32>, vector<16xi32>], vector<16xf32>,
      %gather3A_656 = tpu.vector_load_idx %arg13[%add3A_250, %broadcast_in_dim3A_654] : memref<512x64xf32, #tpu.memory_space<vmem>>[vector<16xi32>, vector<16xi32>], vector<16xf32>,
      %mul3A_657 = arith.mulf %gather3A_655, %gather3A_655 : vector<16xf32>
      %add3A_658 = arith.addf %add3A_650, %mul3A_657 : vector<16xf32>
      %mul3A_659 = arith.mulf %gather3A_656, %gather3A_656 : vector<16xf32>
      %add3A_660 = arith.addf %add3A_652, %mul3A_659 : vector<16xf32>
      %broadcast_in_dim3A_661 = arith.constant 51 : i32
      %broadcast_in_dim3A_662 = vector.broadcast %broadcast_in_dim3A_661 : i32 to vector<16xi32>
      %gather3A_663 = tpu.vector_load_idx %arg11[%add3A_250, %broadcast_in_dim3A_662] : memref<512x64xf32, #tpu.memory_space<vmem>>[vector<16xi32>, vector<16xi32>], vector<16xf32>,
      %gather3A_664 = tpu.vector_load_idx %arg13[%add3A_250, %broadcast_in_dim3A_662] : memref<512x64xf32, #tpu.memory_space<vmem>>[vector<16xi32>, vector<16xi32>], vector<16xf32>,
      %mul3A_665 = arith.mulf %gather3A_663, %gather3A_663 : vector<16xf32>
      %add3A_666 = arith.addf %add3A_658, %mul3A_665 : vector<16xf32>
      %mul3A_667 = arith.mulf %gather3A_664, %gather3A_664 : vector<16xf32>
      %add3A_668 = arith.addf %add3A_660, %mul3A_667 : vector<16xf32>
      %broadcast_in_dim3A_669 = arith.constant 52 : i32
      %broadcast_in_dim3A_670 = vector.broadcast %broadcast_in_dim3A_669 : i32 to vector<16xi32>
      %gather3A_671 = tpu.vector_load_idx %arg11[%add3A_250, %broadcast_in_dim3A_670] : memref<512x64xf32, #tpu.memory_space<vmem>>[vector<16xi32>, vector<16xi32>], vector<16xf32>,
      %gather3A_672 = tpu.vector_load_idx %arg13[%add3A_250, %broadcast_in_dim3A_670] : memref<512x64xf32, #tpu.memory_space<vmem>>[vector<16xi32>, vector<16xi32>], vector<16xf32>,
      %mul3A_673 = arith.mulf %gather3A_671, %gather3A_671 : vector<16xf32>
      %add3A_674 = arith.addf %add3A_666, %mul3A_673 : vector<16xf32>
      %mul3A_675 = arith.mulf %gather3A_672, %gather3A_672 : vector<16xf32>
      %add3A_676 = arith.addf %add3A_668, %mul3A_675 : vector<16xf32>
      %broadcast_in_dim3A_677 = arith.constant 53 : i32
      %broadcast_in_dim3A_678 = vector.broadcast %broadcast_in_dim3A_677 : i32 to vector<16xi32>
      %gather3A_679 = tpu.vector_load_idx %arg11[%add3A_250, %broadcast_in_dim3A_678] : memref<512x64xf32, #tpu.memory_space<vmem>>[vector<16xi32>, vector<16xi32>], vector<16xf32>,
      %gather3A_680 = tpu.vector_load_idx %arg13[%add3A_250, %broadcast_in_dim3A_678] : memref<512x64xf32, #tpu.memory_space<vmem>>[vector<16xi32>, vector<16xi32>], vector<16xf32>,
      %mul3A_681 = arith.mulf %gather3A_679, %gather3A_679 : vector<16xf32>
      %add3A_682 = arith.addf %add3A_674, %mul3A_681 : vector<16xf32>
      %mul3A_683 = arith.mulf %gather3A_680, %gather3A_680 : vector<16xf32>
      %add3A_684 = arith.addf %add3A_676, %mul3A_683 : vector<16xf32>
      %broadcast_in_dim3A_685 = arith.constant 54 : i32
      %broadcast_in_dim3A_686 = vector.broadcast %broadcast_in_dim3A_685 : i32 to vector<16xi32>
      %gather3A_687 = tpu.vector_load_idx %arg11[%add3A_250, %broadcast_in_dim3A_686] : memref<512x64xf32, #tpu.memory_space<vmem>>[vector<16xi32>, vector<16xi32>], vector<16xf32>,
      %gather3A_688 = tpu.vector_load_idx %arg13[%add3A_250, %broadcast_in_dim3A_686] : memref<512x64xf32, #tpu.memory_space<vmem>>[vector<16xi32>, vector<16xi32>], vector<16xf32>,
      %mul3A_689 = arith.mulf %gather3A_687, %gather3A_687 : vector<16xf32>
      %add3A_690 = arith.addf %add3A_682, %mul3A_689 : vector<16xf32>
      %mul3A_691 = arith.mulf %gather3A_688, %gather3A_688 : vector<16xf32>
      %add3A_692 = arith.addf %add3A_684, %mul3A_691 : vector<16xf32>
      %broadcast_in_dim3A_693 = arith.constant 55 : i32
      %broadcast_in_dim3A_694 = vector.broadcast %broadcast_in_dim3A_693 : i32 to vector<16xi32>
      %gather3A_695 = tpu.vector_load_idx %arg11[%add3A_250, %broadcast_in_dim3A_694] : memref<512x64xf32, #tpu.memory_space<vmem>>[vector<16xi32>, vector<16xi32>], vector<16xf32>,
      %gather3A_696 = tpu.vector_load_idx %arg13[%add3A_250, %broadcast_in_dim3A_694] : memref<512x64xf32, #tpu.memory_space<vmem>>[vector<16xi32>, vector<16xi32>], vector<16xf32>,
      %mul3A_697 = arith.mulf %gather3A_695, %gather3A_695 : vector<16xf32>
      %add3A_698 = arith.addf %add3A_690, %mul3A_697 : vector<16xf32>
      %mul3A_699 = arith.mulf %gather3A_696, %gather3A_696 : vector<16xf32>
      %add3A_700 = arith.addf %add3A_692, %mul3A_699 : vector<16xf32>
      %broadcast_in_dim3A_701 = arith.constant 56 : i32
      %broadcast_in_dim3A_702 = vector.broadcast %broadcast_in_dim3A_701 : i32 to vector<16xi32>
      %gather3A_703 = tpu.vector_load_idx %arg11[%add3A_250, %broadcast_in_dim3A_702] : memref<512x64xf32, #tpu.memory_space<vmem>>[vector<16xi32>, vector<16xi32>], vector<16xf32>,
      %gather3A_704 = tpu.vector_load_idx %arg13[%add3A_250, %broadcast_in_dim3A_702] : memref<512x64xf32, #tpu.memory_space<vmem>>[vector<16xi32>, vector<16xi32>], vector<16xf32>,
      %mul3A_705 = arith.mulf %gather3A_703, %gather3A_703 : vector<16xf32>
      %add3A_706 = arith.addf %add3A_698, %mul3A_705 : vector<16xf32>
      %mul3A_707 = arith.mulf %gather3A_704, %gather3A_704 : vector<16xf32>
      %add3A_708 = arith.addf %add3A_700, %mul3A_707 : vector<16xf32>
      %broadcast_in_dim3A_709 = arith.constant 57 : i32
      %broadcast_in_dim3A_710 = vector.broadcast %broadcast_in_dim3A_709 : i32 to vector<16xi32>
      %gather3A_711 = tpu.vector_load_idx %arg11[%add3A_250, %broadcast_in_dim3A_710] : memref<512x64xf32, #tpu.memory_space<vmem>>[vector<16xi32>, vector<16xi32>], vector<16xf32>,
      %gather3A_712 = tpu.vector_load_idx %arg13[%add3A_250, %broadcast_in_dim3A_710] : memref<512x64xf32, #tpu.memory_space<vmem>>[vector<16xi32>, vector<16xi32>], vector<16xf32>,
      %mul3A_713 = arith.mulf %gather3A_711, %gather3A_711 : vector<16xf32>
      %add3A_714 = arith.addf %add3A_706, %mul3A_713 : vector<16xf32>
      %mul3A_715 = arith.mulf %gather3A_712, %gather3A_712 : vector<16xf32>
      %add3A_716 = arith.addf %add3A_708, %mul3A_715 : vector<16xf32>
      %broadcast_in_dim3A_717 = arith.constant 58 : i32
      %broadcast_in_dim3A_718 = vector.broadcast %broadcast_in_dim3A_717 : i32 to vector<16xi32>
      %gather3A_719 = tpu.vector_load_idx %arg11[%add3A_250, %broadcast_in_dim3A_718] : memref<512x64xf32, #tpu.memory_space<vmem>>[vector<16xi32>, vector<16xi32>], vector<16xf32>,
      %gather3A_720 = tpu.vector_load_idx %arg13[%add3A_250, %broadcast_in_dim3A_718] : memref<512x64xf32, #tpu.memory_space<vmem>>[vector<16xi32>, vector<16xi32>], vector<16xf32>,
      %mul3A_721 = arith.mulf %gather3A_719, %gather3A_719 : vector<16xf32>
      %add3A_722 = arith.addf %add3A_714, %mul3A_721 : vector<16xf32>
      %mul3A_723 = arith.mulf %gather3A_720, %gather3A_720 : vector<16xf32>
      %add3A_724 = arith.addf %add3A_716, %mul3A_723 : vector<16xf32>
      %broadcast_in_dim3A_725 = arith.constant 59 : i32
      %broadcast_in_dim3A_726 = vector.broadcast %broadcast_in_dim3A_725 : i32 to vector<16xi32>
      %gather3A_727 = tpu.vector_load_idx %arg11[%add3A_250, %broadcast_in_dim3A_726] : memref<512x64xf32, #tpu.memory_space<vmem>>[vector<16xi32>, vector<16xi32>], vector<16xf32>,
      %gather3A_728 = tpu.vector_load_idx %arg13[%add3A_250, %broadcast_in_dim3A_726] : memref<512x64xf32, #tpu.memory_space<vmem>>[vector<16xi32>, vector<16xi32>], vector<16xf32>,
      %mul3A_729 = arith.mulf %gather3A_727, %gather3A_727 : vector<16xf32>
      %add3A_730 = arith.addf %add3A_722, %mul3A_729 : vector<16xf32>
      %mul3A_731 = arith.mulf %gather3A_728, %gather3A_728 : vector<16xf32>
      %add3A_732 = arith.addf %add3A_724, %mul3A_731 : vector<16xf32>
      %broadcast_in_dim3A_733 = arith.constant 60 : i32
      %broadcast_in_dim3A_734 = vector.broadcast %broadcast_in_dim3A_733 : i32 to vector<16xi32>
      %gather3A_735 = tpu.vector_load_idx %arg11[%add3A_250, %broadcast_in_dim3A_734] : memref<512x64xf32, #tpu.memory_space<vmem>>[vector<16xi32>, vector<16xi32>], vector<16xf32>,
      %gather3A_736 = tpu.vector_load_idx %arg13[%add3A_250, %broadcast_in_dim3A_734] : memref<512x64xf32, #tpu.memory_space<vmem>>[vector<16xi32>, vector<16xi32>], vector<16xf32>,
      %mul3A_737 = arith.mulf %gather3A_735, %gather3A_735 : vector<16xf32>
      %add3A_738 = arith.addf %add3A_730, %mul3A_737 : vector<16xf32>
      %mul3A_739 = arith.mulf %gather3A_736, %gather3A_736 : vector<16xf32>
      %add3A_740 = arith.addf %add3A_732, %mul3A_739 : vector<16xf32>
      %broadcast_in_dim3A_741 = arith.constant 61 : i32
      %broadcast_in_dim3A_742 = vector.broadcast %broadcast_in_dim3A_741 : i32 to vector<16xi32>
      %gather3A_743 = tpu.vector_load_idx %arg11[%add3A_250, %broadcast_in_dim3A_742] : memref<512x64xf32, #tpu.memory_space<vmem>>[vector<16xi32>, vector<16xi32>], vector<16xf32>,
      %gather3A_744 = tpu.vector_load_idx %arg13[%add3A_250, %broadcast_in_dim3A_742] : memref<512x64xf32, #tpu.memory_space<vmem>>[vector<16xi32>, vector<16xi32>], vector<16xf32>,
      %mul3A_745 = arith.mulf %gather3A_743, %gather3A_743 : vector<16xf32>
      %add3A_746 = arith.addf %add3A_738, %mul3A_745 : vector<16xf32>
      %mul3A_747 = arith.mulf %gather3A_744, %gather3A_744 : vector<16xf32>
      %add3A_748 = arith.addf %add3A_740, %mul3A_747 : vector<16xf32>
      %broadcast_in_dim3A_749 = arith.constant 62 : i32
      %broadcast_in_dim3A_750 = vector.broadcast %broadcast_in_dim3A_749 : i32 to vector<16xi32>
      %gather3A_751 = tpu.vector_load_idx %arg11[%add3A_250, %broadcast_in_dim3A_750] : memref<512x64xf32, #tpu.memory_space<vmem>>[vector<16xi32>, vector<16xi32>], vector<16xf32>,
      %gather3A_752 = tpu.vector_load_idx %arg13[%add3A_250, %broadcast_in_dim3A_750] : memref<512x64xf32, #tpu.memory_space<vmem>>[vector<16xi32>, vector<16xi32>], vector<16xf32>,
      %mul3A_753 = arith.mulf %gather3A_751, %gather3A_751 : vector<16xf32>
      %add3A_754 = arith.addf %add3A_746, %mul3A_753 : vector<16xf32>
      %mul3A_755 = arith.mulf %gather3A_752, %gather3A_752 : vector<16xf32>
      %add3A_756 = arith.addf %add3A_748, %mul3A_755 : vector<16xf32>
      %broadcast_in_dim3A_757 = arith.constant 63 : i32
      %broadcast_in_dim3A_758 = vector.broadcast %broadcast_in_dim3A_757 : i32 to vector<16xi32>
      %gather3A_759 = tpu.vector_load_idx %arg11[%add3A_250, %broadcast_in_dim3A_758] : memref<512x64xf32, #tpu.memory_space<vmem>>[vector<16xi32>, vector<16xi32>], vector<16xf32>,
      %gather3A_760 = tpu.vector_load_idx %arg13[%add3A_250, %broadcast_in_dim3A_758] : memref<512x64xf32, #tpu.memory_space<vmem>>[vector<16xi32>, vector<16xi32>], vector<16xf32>,
      %mul3A_761 = arith.mulf %gather3A_759, %gather3A_759 : vector<16xf32>
      %add3A_762 = arith.addf %add3A_754, %mul3A_761 : vector<16xf32>
      %mul3A_763 = arith.mulf %gather3A_760, %gather3A_760 : vector<16xf32>
      %add3A_764 = arith.addf %add3A_756, %mul3A_763 : vector<16xf32>
      %max3A = arith.constant 1.000000e-24 : f32
      %max3A_765 = vector.broadcast %max3A : f32 to vector<16xf32>
      %max3A_766 = arith.maximumf %add3A_762, %max3A_765 : vector<16xf32>
      %bitcast_convert_type3A = tpu.bitcast %max3A_766 : vector<16xf32> -> vector<16xi32>
      %shift_right_arithmetic3A = arith.constant 1 : i32
      %shift_right_arithmetic3A_767 = vector.broadcast %shift_right_arithmetic3A : i32 to vector<16xi32>
      %shift_right_arithmetic3A_768 = arith.shrsi %bitcast_convert_type3A, %shift_right_arithmetic3A_767 : vector<16xi32>
      %sub3A = arith.constant 1597463007 : i32
      %sub3A_769 = vector.broadcast %sub3A : i32 to vector<16xi32>
      %sub3A_770 = arith.subi %sub3A_769, %shift_right_arithmetic3A_768 : vector<16xi32>
      %bitcast_convert_type3A_771 = tpu.bitcast %sub3A_770 : vector<16xi32> -> vector<16xf32>
      %mul3A_772 = arith.constant 5.000000e-01 : f32
      %mul3A_773 = vector.broadcast %mul3A_772 : f32 to vector<16xf32>
      %mul3A_774 = arith.mulf %mul3A_773, %max3A_766 : vector<16xf32>
      %mul3A_775 = arith.mulf %mul3A_774, %bitcast_convert_type3A_771 : vector<16xf32>
      %mul3A_776 = arith.mulf %mul3A_775, %bitcast_convert_type3A_771 : vector<16xf32>
      %sub3A_777 = arith.constant 1.500000e+00 : f32
      %sub3A_778 = vector.broadcast %sub3A_777 : f32 to vector<16xf32>
      %sub3A_779 = arith.subf %sub3A_778, %mul3A_776 : vector<16xf32>
      %mul3A_780 = arith.mulf %bitcast_convert_type3A_771, %sub3A_779 : vector<16xf32>
      %mul3A_781 = arith.constant 5.000000e-01 : f32
      %mul3A_782 = vector.broadcast %mul3A_781 : f32 to vector<16xf32>
      %mul3A_783 = arith.mulf %mul3A_782, %max3A_766 : vector<16xf32>
      %mul3A_784 = arith.mulf %mul3A_783, %mul3A_780 : vector<16xf32>
      %mul3A_785 = arith.mulf %mul3A_784, %mul3A_780 : vector<16xf32>
      %sub3A_786 = arith.constant 1.500000e+00 : f32
      %sub3A_787 = vector.broadcast %sub3A_786 : f32 to vector<16xf32>
      %sub3A_788 = arith.subf %sub3A_787, %mul3A_785 : vector<16xf32>
      %mul3A_789 = arith.mulf %mul3A_780, %sub3A_788 : vector<16xf32>
      %mul3A_790 = arith.constant 5.000000e-01 : f32
      %mul3A_791 = vector.broadcast %mul3A_790 : f32 to vector<16xf32>
      %mul3A_792 = arith.mulf %mul3A_791, %max3A_766 : vector<16xf32>
      %mul3A_793 = arith.mulf %mul3A_792, %mul3A_789 : vector<16xf32>
      %mul3A_794 = arith.mulf %mul3A_793, %mul3A_789 : vector<16xf32>
      %sub3A_795 = arith.constant 1.500000e+00 : f32
      %sub3A_796 = vector.broadcast %sub3A_795 : f32 to vector<16xf32>
      %sub3A_797 = arith.subf %sub3A_796, %mul3A_794 : vector<16xf32>
      %mul3A_798 = arith.mulf %mul3A_789, %sub3A_797 : vector<16xf32>
      %max3A_799 = arith.constant 1.000000e-24 : f32
      %max3A_800 = vector.broadcast %max3A_799 : f32 to vector<16xf32>
      %max3A_801 = arith.maximumf %add3A_764, %max3A_800 : vector<16xf32>
      %bitcast_convert_type3A_802 = tpu.bitcast %max3A_801 : vector<16xf32> -> vector<16xi32>
      %shift_right_arithmetic3A_803 = arith.constant 1 : i32
      %shift_right_arithmetic3A_804 = vector.broadcast %shift_right_arithmetic3A_803 : i32 to vector<16xi32>
      %shift_right_arithmetic3A_805 = arith.shrsi %bitcast_convert_type3A_802, %shift_right_arithmetic3A_804 : vector<16xi32>
      %sub3A_806 = arith.constant 1597463007 : i32
      %sub3A_807 = vector.broadcast %sub3A_806 : i32 to vector<16xi32>
      %sub3A_808 = arith.subi %sub3A_807, %shift_right_arithmetic3A_805 : vector<16xi32>
      %bitcast_convert_type3A_809 = tpu.bitcast %sub3A_808 : vector<16xi32> -> vector<16xf32>
      %mul3A_810 = arith.constant 5.000000e-01 : f32
      %mul3A_811 = vector.broadcast %mul3A_810 : f32 to vector<16xf32>
      %mul3A_812 = arith.mulf %mul3A_811, %max3A_801 : vector<16xf32>
      %mul3A_813 = arith.mulf %mul3A_812, %bitcast_convert_type3A_809 : vector<16xf32>
      %mul3A_814 = arith.mulf %mul3A_813, %bitcast_convert_type3A_809 : vector<16xf32>
      %sub3A_815 = arith.constant 1.500000e+00 : f32
      %sub3A_816 = vector.broadcast %sub3A_815 : f32 to vector<16xf32>
      %sub3A_817 = arith.subf %sub3A_816, %mul3A_814 : vector<16xf32>
      %mul3A_818 = arith.mulf %bitcast_convert_type3A_809, %sub3A_817 : vector<16xf32>
      %mul3A_819 = arith.constant 5.000000e-01 : f32
      %mul3A_820 = vector.broadcast %mul3A_819 : f32 to vector<16xf32>
      %mul3A_821 = arith.mulf %mul3A_820, %max3A_801 : vector<16xf32>
      %mul3A_822 = arith.mulf %mul3A_821, %mul3A_818 : vector<16xf32>
      %mul3A_823 = arith.mulf %mul3A_822, %mul3A_818 : vector<16xf32>
      %sub3A_824 = arith.constant 1.500000e+00 : f32
      %sub3A_825 = vector.broadcast %sub3A_824 : f32 to vector<16xf32>
      %sub3A_826 = arith.subf %sub3A_825, %mul3A_823 : vector<16xf32>
      %mul3A_827 = arith.mulf %mul3A_818, %sub3A_826 : vector<16xf32>
      %mul3A_828 = arith.constant 5.000000e-01 : f32
      %mul3A_829 = vector.broadcast %mul3A_828 : f32 to vector<16xf32>
      %mul3A_830 = arith.mulf %mul3A_829, %max3A_801 : vector<16xf32>
      %mul3A_831 = arith.mulf %mul3A_830, %mul3A_827 : vector<16xf32>
      %mul3A_832 = arith.mulf %mul3A_831, %mul3A_827 : vector<16xf32>
      %sub3A_833 = arith.constant 1.500000e+00 : f32
      %sub3A_834 = vector.broadcast %sub3A_833 : f32 to vector<16xf32>
      %sub3A_835 = arith.subf %sub3A_834, %mul3A_832 : vector<16xf32>
      %mul3A_836 = arith.mulf %mul3A_827, %sub3A_835 : vector<16xf32>
      %broadcast_in_dim3A_837 = arith.constant 0.000000e+00 : f32
      %broadcast_in_dim3A_838 = vector.broadcast %broadcast_in_dim3A_837 : f32 to vector<16xf32>
      %broadcast_in_dim3A_839 = arith.constant 0 : i32
      %broadcast_in_dim3A_840 = vector.broadcast %broadcast_in_dim3A_839 : i32 to vector<16xi32>
      %gather3A_841 = tpu.vector_load_idx %arg11[%add3A_250, %broadcast_in_dim3A_840] : memref<512x64xf32, #tpu.memory_space<vmem>>[vector<16xi32>, vector<16xi32>], vector<16xf32>,
      %gather3A_842 = tpu.vector_load_idx %arg12[%add3A_250, %broadcast_in_dim3A_840] : memref<512x64xf32, #tpu.memory_space<vmem>>[vector<16xi32>, vector<16xi32>], vector<16xf32>,
      %gather3A_843 = tpu.vector_load_idx %arg13[%add3A_250, %broadcast_in_dim3A_840] : memref<512x64xf32, #tpu.memory_space<vmem>>[vector<16xi32>, vector<16xi32>], vector<16xf32>,
      %mul3A_844 = arith.mulf %gather3A_841, %mul3A_798 : vector<16xf32>
      %add3A_845 = arith.addf %mul3A_844, %gather3A_842 : vector<16xf32>
      %mul3A_846 = arith.mulf %gather3A_843, %mul3A_836 : vector<16xf32>
      %sub3A_847 = arith.subf %add3A_845, %mul3A_846 : vector<16xf32>
      %abs3A = math.absf %sub3A_847 : vector<16xf32>
      %add3A_848 = arith.addf %broadcast_in_dim3A_838, %abs3A : vector<16xf32>
      %broadcast_in_dim3A_849 = arith.constant 1 : i32
      %broadcast_in_dim3A_850 = vector.broadcast %broadcast_in_dim3A_849 : i32 to vector<16xi32>
      %gather3A_851 = tpu.vector_load_idx %arg11[%add3A_250, %broadcast_in_dim3A_850] : memref<512x64xf32, #tpu.memory_space<vmem>>[vector<16xi32>, vector<16xi32>], vector<16xf32>,
      %gather3A_852 = tpu.vector_load_idx %arg12[%add3A_250, %broadcast_in_dim3A_850] : memref<512x64xf32, #tpu.memory_space<vmem>>[vector<16xi32>, vector<16xi32>], vector<16xf32>,
      %gather3A_853 = tpu.vector_load_idx %arg13[%add3A_250, %broadcast_in_dim3A_850] : memref<512x64xf32, #tpu.memory_space<vmem>>[vector<16xi32>, vector<16xi32>], vector<16xf32>,
      %mul3A_854 = arith.mulf %gather3A_851, %mul3A_798 : vector<16xf32>
      %add3A_855 = arith.addf %mul3A_854, %gather3A_852 : vector<16xf32>
      %mul3A_856 = arith.mulf %gather3A_853, %mul3A_836 : vector<16xf32>
      %sub3A_857 = arith.subf %add3A_855, %mul3A_856 : vector<16xf32>
      %abs3A_858 = math.absf %sub3A_857 : vector<16xf32>
      %add3A_859 = arith.addf %add3A_848, %abs3A_858 : vector<16xf32>
      %broadcast_in_dim3A_860 = arith.constant 2 : i32
      %broadcast_in_dim3A_861 = vector.broadcast %broadcast_in_dim3A_860 : i32 to vector<16xi32>
      %gather3A_862 = tpu.vector_load_idx %arg11[%add3A_250, %broadcast_in_dim3A_861] : memref<512x64xf32, #tpu.memory_space<vmem>>[vector<16xi32>, vector<16xi32>], vector<16xf32>,
      %gather3A_863 = tpu.vector_load_idx %arg12[%add3A_250, %broadcast_in_dim3A_861] : memref<512x64xf32, #tpu.memory_space<vmem>>[vector<16xi32>, vector<16xi32>], vector<16xf32>,
      %gather3A_864 = tpu.vector_load_idx %arg13[%add3A_250, %broadcast_in_dim3A_861] : memref<512x64xf32, #tpu.memory_space<vmem>>[vector<16xi32>, vector<16xi32>], vector<16xf32>,
      %mul3A_865 = arith.mulf %gather3A_862, %mul3A_798 : vector<16xf32>
      %add3A_866 = arith.addf %mul3A_865, %gather3A_863 : vector<16xf32>
      %mul3A_867 = arith.mulf %gather3A_864, %mul3A_836 : vector<16xf32>
      %sub3A_868 = arith.subf %add3A_866, %mul3A_867 : vector<16xf32>
      %abs3A_869 = math.absf %sub3A_868 : vector<16xf32>
      %add3A_870 = arith.addf %add3A_859, %abs3A_869 : vector<16xf32>
      %broadcast_in_dim3A_871 = arith.constant 3 : i32
      %broadcast_in_dim3A_872 = vector.broadcast %broadcast_in_dim3A_871 : i32 to vector<16xi32>
      %gather3A_873 = tpu.vector_load_idx %arg11[%add3A_250, %broadcast_in_dim3A_872] : memref<512x64xf32, #tpu.memory_space<vmem>>[vector<16xi32>, vector<16xi32>], vector<16xf32>,
      %gather3A_874 = tpu.vector_load_idx %arg12[%add3A_250, %broadcast_in_dim3A_872] : memref<512x64xf32, #tpu.memory_space<vmem>>[vector<16xi32>, vector<16xi32>], vector<16xf32>,
      %gather3A_875 = tpu.vector_load_idx %arg13[%add3A_250, %broadcast_in_dim3A_872] : memref<512x64xf32, #tpu.memory_space<vmem>>[vector<16xi32>, vector<16xi32>], vector<16xf32>,
      %mul3A_876 = arith.mulf %gather3A_873, %mul3A_798 : vector<16xf32>
      %add3A_877 = arith.addf %mul3A_876, %gather3A_874 : vector<16xf32>
      %mul3A_878 = arith.mulf %gather3A_875, %mul3A_836 : vector<16xf32>
      %sub3A_879 = arith.subf %add3A_877, %mul3A_878 : vector<16xf32>
      %abs3A_880 = math.absf %sub3A_879 : vector<16xf32>
      %add3A_881 = arith.addf %add3A_870, %abs3A_880 : vector<16xf32>
      %broadcast_in_dim3A_882 = arith.constant 4 : i32
      %broadcast_in_dim3A_883 = vector.broadcast %broadcast_in_dim3A_882 : i32 to vector<16xi32>
      %gather3A_884 = tpu.vector_load_idx %arg11[%add3A_250, %broadcast_in_dim3A_883] : memref<512x64xf32, #tpu.memory_space<vmem>>[vector<16xi32>, vector<16xi32>], vector<16xf32>,
      %gather3A_885 = tpu.vector_load_idx %arg12[%add3A_250, %broadcast_in_dim3A_883] : memref<512x64xf32, #tpu.memory_space<vmem>>[vector<16xi32>, vector<16xi32>], vector<16xf32>,
      %gather3A_886 = tpu.vector_load_idx %arg13[%add3A_250, %broadcast_in_dim3A_883] : memref<512x64xf32, #tpu.memory_space<vmem>>[vector<16xi32>, vector<16xi32>], vector<16xf32>,
      %mul3A_887 = arith.mulf %gather3A_884, %mul3A_798 : vector<16xf32>
      %add3A_888 = arith.addf %mul3A_887, %gather3A_885 : vector<16xf32>
      %mul3A_889 = arith.mulf %gather3A_886, %mul3A_836 : vector<16xf32>
      %sub3A_890 = arith.subf %add3A_888, %mul3A_889 : vector<16xf32>
      %abs3A_891 = math.absf %sub3A_890 : vector<16xf32>
      %add3A_892 = arith.addf %add3A_881, %abs3A_891 : vector<16xf32>
      %broadcast_in_dim3A_893 = arith.constant 5 : i32
      %broadcast_in_dim3A_894 = vector.broadcast %broadcast_in_dim3A_893 : i32 to vector<16xi32>
      %gather3A_895 = tpu.vector_load_idx %arg11[%add3A_250, %broadcast_in_dim3A_894] : memref<512x64xf32, #tpu.memory_space<vmem>>[vector<16xi32>, vector<16xi32>], vector<16xf32>,
      %gather3A_896 = tpu.vector_load_idx %arg12[%add3A_250, %broadcast_in_dim3A_894] : memref<512x64xf32, #tpu.memory_space<vmem>>[vector<16xi32>, vector<16xi32>], vector<16xf32>,
      %gather3A_897 = tpu.vector_load_idx %arg13[%add3A_250, %broadcast_in_dim3A_894] : memref<512x64xf32, #tpu.memory_space<vmem>>[vector<16xi32>, vector<16xi32>], vector<16xf32>,
      %mul3A_898 = arith.mulf %gather3A_895, %mul3A_798 : vector<16xf32>
      %add3A_899 = arith.addf %mul3A_898, %gather3A_896 : vector<16xf32>
      %mul3A_900 = arith.mulf %gather3A_897, %mul3A_836 : vector<16xf32>
      %sub3A_901 = arith.subf %add3A_899, %mul3A_900 : vector<16xf32>
      %abs3A_902 = math.absf %sub3A_901 : vector<16xf32>
      %add3A_903 = arith.addf %add3A_892, %abs3A_902 : vector<16xf32>
      %broadcast_in_dim3A_904 = arith.constant 6 : i32
      %broadcast_in_dim3A_905 = vector.broadcast %broadcast_in_dim3A_904 : i32 to vector<16xi32>
      %gather3A_906 = tpu.vector_load_idx %arg11[%add3A_250, %broadcast_in_dim3A_905] : memref<512x64xf32, #tpu.memory_space<vmem>>[vector<16xi32>, vector<16xi32>], vector<16xf32>,
      %gather3A_907 = tpu.vector_load_idx %arg12[%add3A_250, %broadcast_in_dim3A_905] : memref<512x64xf32, #tpu.memory_space<vmem>>[vector<16xi32>, vector<16xi32>], vector<16xf32>,
      %gather3A_908 = tpu.vector_load_idx %arg13[%add3A_250, %broadcast_in_dim3A_905] : memref<512x64xf32, #tpu.memory_space<vmem>>[vector<16xi32>, vector<16xi32>], vector<16xf32>,
      %mul3A_909 = arith.mulf %gather3A_906, %mul3A_798 : vector<16xf32>
      %add3A_910 = arith.addf %mul3A_909, %gather3A_907 : vector<16xf32>
      %mul3A_911 = arith.mulf %gather3A_908, %mul3A_836 : vector<16xf32>
      %sub3A_912 = arith.subf %add3A_910, %mul3A_911 : vector<16xf32>
      %abs3A_913 = math.absf %sub3A_912 : vector<16xf32>
      %add3A_914 = arith.addf %add3A_903, %abs3A_913 : vector<16xf32>
      %broadcast_in_dim3A_915 = arith.constant 7 : i32
      %broadcast_in_dim3A_916 = vector.broadcast %broadcast_in_dim3A_915 : i32 to vector<16xi32>
      %gather3A_917 = tpu.vector_load_idx %arg11[%add3A_250, %broadcast_in_dim3A_916] : memref<512x64xf32, #tpu.memory_space<vmem>>[vector<16xi32>, vector<16xi32>], vector<16xf32>,
      %gather3A_918 = tpu.vector_load_idx %arg12[%add3A_250, %broadcast_in_dim3A_916] : memref<512x64xf32, #tpu.memory_space<vmem>>[vector<16xi32>, vector<16xi32>], vector<16xf32>,
      %gather3A_919 = tpu.vector_load_idx %arg13[%add3A_250, %broadcast_in_dim3A_916] : memref<512x64xf32, #tpu.memory_space<vmem>>[vector<16xi32>, vector<16xi32>], vector<16xf32>,
      %mul3A_920 = arith.mulf %gather3A_917, %mul3A_798 : vector<16xf32>
      %add3A_921 = arith.addf %mul3A_920, %gather3A_918 : vector<16xf32>
      %mul3A_922 = arith.mulf %gather3A_919, %mul3A_836 : vector<16xf32>
      %sub3A_923 = arith.subf %add3A_921, %mul3A_922 : vector<16xf32>
      %abs3A_924 = math.absf %sub3A_923 : vector<16xf32>
      %add3A_925 = arith.addf %add3A_914, %abs3A_924 : vector<16xf32>
      %broadcast_in_dim3A_926 = arith.constant 8 : i32
      %broadcast_in_dim3A_927 = vector.broadcast %broadcast_in_dim3A_926 : i32 to vector<16xi32>
      %gather3A_928 = tpu.vector_load_idx %arg11[%add3A_250, %broadcast_in_dim3A_927] : memref<512x64xf32, #tpu.memory_space<vmem>>[vector<16xi32>, vector<16xi32>], vector<16xf32>,
      %gather3A_929 = tpu.vector_load_idx %arg12[%add3A_250, %broadcast_in_dim3A_927] : memref<512x64xf32, #tpu.memory_space<vmem>>[vector<16xi32>, vector<16xi32>], vector<16xf32>,
      %gather3A_930 = tpu.vector_load_idx %arg13[%add3A_250, %broadcast_in_dim3A_927] : memref<512x64xf32, #tpu.memory_space<vmem>>[vector<16xi32>, vector<16xi32>], vector<16xf32>,
      %mul3A_931 = arith.mulf %gather3A_928, %mul3A_798 : vector<16xf32>
      %add3A_932 = arith.addf %mul3A_931, %gather3A_929 : vector<16xf32>
      %mul3A_933 = arith.mulf %gather3A_930, %mul3A_836 : vector<16xf32>
      %sub3A_934 = arith.subf %add3A_932, %mul3A_933 : vector<16xf32>
      %abs3A_935 = math.absf %sub3A_934 : vector<16xf32>
      %add3A_936 = arith.addf %add3A_925, %abs3A_935 : vector<16xf32>
      %broadcast_in_dim3A_937 = arith.constant 9 : i32
      %broadcast_in_dim3A_938 = vector.broadcast %broadcast_in_dim3A_937 : i32 to vector<16xi32>
      %gather3A_939 = tpu.vector_load_idx %arg11[%add3A_250, %broadcast_in_dim3A_938] : memref<512x64xf32, #tpu.memory_space<vmem>>[vector<16xi32>, vector<16xi32>], vector<16xf32>,
      %gather3A_940 = tpu.vector_load_idx %arg12[%add3A_250, %broadcast_in_dim3A_938] : memref<512x64xf32, #tpu.memory_space<vmem>>[vector<16xi32>, vector<16xi32>], vector<16xf32>,
      %gather3A_941 = tpu.vector_load_idx %arg13[%add3A_250, %broadcast_in_dim3A_938] : memref<512x64xf32, #tpu.memory_space<vmem>>[vector<16xi32>, vector<16xi32>], vector<16xf32>,
      %mul3A_942 = arith.mulf %gather3A_939, %mul3A_798 : vector<16xf32>
      %add3A_943 = arith.addf %mul3A_942, %gather3A_940 : vector<16xf32>
      %mul3A_944 = arith.mulf %gather3A_941, %mul3A_836 : vector<16xf32>
      %sub3A_945 = arith.subf %add3A_943, %mul3A_944 : vector<16xf32>
      %abs3A_946 = math.absf %sub3A_945 : vector<16xf32>
      %add3A_947 = arith.addf %add3A_936, %abs3A_946 : vector<16xf32>
      %broadcast_in_dim3A_948 = arith.constant 10 : i32
      %broadcast_in_dim3A_949 = vector.broadcast %broadcast_in_dim3A_948 : i32 to vector<16xi32>
      %gather3A_950 = tpu.vector_load_idx %arg11[%add3A_250, %broadcast_in_dim3A_949] : memref<512x64xf32, #tpu.memory_space<vmem>>[vector<16xi32>, vector<16xi32>], vector<16xf32>,
      %gather3A_951 = tpu.vector_load_idx %arg12[%add3A_250, %broadcast_in_dim3A_949] : memref<512x64xf32, #tpu.memory_space<vmem>>[vector<16xi32>, vector<16xi32>], vector<16xf32>,
      %gather3A_952 = tpu.vector_load_idx %arg13[%add3A_250, %broadcast_in_dim3A_949] : memref<512x64xf32, #tpu.memory_space<vmem>>[vector<16xi32>, vector<16xi32>], vector<16xf32>,
      %mul3A_953 = arith.mulf %gather3A_950, %mul3A_798 : vector<16xf32>
      %add3A_954 = arith.addf %mul3A_953, %gather3A_951 : vector<16xf32>
      %mul3A_955 = arith.mulf %gather3A_952, %mul3A_836 : vector<16xf32>
      %sub3A_956 = arith.subf %add3A_954, %mul3A_955 : vector<16xf32>
      %abs3A_957 = math.absf %sub3A_956 : vector<16xf32>
      %add3A_958 = arith.addf %add3A_947, %abs3A_957 : vector<16xf32>
      %broadcast_in_dim3A_959 = arith.constant 11 : i32
      %broadcast_in_dim3A_960 = vector.broadcast %broadcast_in_dim3A_959 : i32 to vector<16xi32>
      %gather3A_961 = tpu.vector_load_idx %arg11[%add3A_250, %broadcast_in_dim3A_960] : memref<512x64xf32, #tpu.memory_space<vmem>>[vector<16xi32>, vector<16xi32>], vector<16xf32>,
      %gather3A_962 = tpu.vector_load_idx %arg12[%add3A_250, %broadcast_in_dim3A_960] : memref<512x64xf32, #tpu.memory_space<vmem>>[vector<16xi32>, vector<16xi32>], vector<16xf32>,
      %gather3A_963 = tpu.vector_load_idx %arg13[%add3A_250, %broadcast_in_dim3A_960] : memref<512x64xf32, #tpu.memory_space<vmem>>[vector<16xi32>, vector<16xi32>], vector<16xf32>,
      %mul3A_964 = arith.mulf %gather3A_961, %mul3A_798 : vector<16xf32>
      %add3A_965 = arith.addf %mul3A_964, %gather3A_962 : vector<16xf32>
      %mul3A_966 = arith.mulf %gather3A_963, %mul3A_836 : vector<16xf32>
      %sub3A_967 = arith.subf %add3A_965, %mul3A_966 : vector<16xf32>
      %abs3A_968 = math.absf %sub3A_967 : vector<16xf32>
      %add3A_969 = arith.addf %add3A_958, %abs3A_968 : vector<16xf32>
      %broadcast_in_dim3A_970 = arith.constant 12 : i32
      %broadcast_in_dim3A_971 = vector.broadcast %broadcast_in_dim3A_970 : i32 to vector<16xi32>
      %gather3A_972 = tpu.vector_load_idx %arg11[%add3A_250, %broadcast_in_dim3A_971] : memref<512x64xf32, #tpu.memory_space<vmem>>[vector<16xi32>, vector<16xi32>], vector<16xf32>,
      %gather3A_973 = tpu.vector_load_idx %arg12[%add3A_250, %broadcast_in_dim3A_971] : memref<512x64xf32, #tpu.memory_space<vmem>>[vector<16xi32>, vector<16xi32>], vector<16xf32>,
      %gather3A_974 = tpu.vector_load_idx %arg13[%add3A_250, %broadcast_in_dim3A_971] : memref<512x64xf32, #tpu.memory_space<vmem>>[vector<16xi32>, vector<16xi32>], vector<16xf32>,
      %mul3A_975 = arith.mulf %gather3A_972, %mul3A_798 : vector<16xf32>
      %add3A_976 = arith.addf %mul3A_975, %gather3A_973 : vector<16xf32>
      %mul3A_977 = arith.mulf %gather3A_974, %mul3A_836 : vector<16xf32>
      %sub3A_978 = arith.subf %add3A_976, %mul3A_977 : vector<16xf32>
      %abs3A_979 = math.absf %sub3A_978 : vector<16xf32>
      %add3A_980 = arith.addf %add3A_969, %abs3A_979 : vector<16xf32>
      %broadcast_in_dim3A_981 = arith.constant 13 : i32
      %broadcast_in_dim3A_982 = vector.broadcast %broadcast_in_dim3A_981 : i32 to vector<16xi32>
      %gather3A_983 = tpu.vector_load_idx %arg11[%add3A_250, %broadcast_in_dim3A_982] : memref<512x64xf32, #tpu.memory_space<vmem>>[vector<16xi32>, vector<16xi32>], vector<16xf32>,
      %gather3A_984 = tpu.vector_load_idx %arg12[%add3A_250, %broadcast_in_dim3A_982] : memref<512x64xf32, #tpu.memory_space<vmem>>[vector<16xi32>, vector<16xi32>], vector<16xf32>,
      %gather3A_985 = tpu.vector_load_idx %arg13[%add3A_250, %broadcast_in_dim3A_982] : memref<512x64xf32, #tpu.memory_space<vmem>>[vector<16xi32>, vector<16xi32>], vector<16xf32>,
      %mul3A_986 = arith.mulf %gather3A_983, %mul3A_798 : vector<16xf32>
      %add3A_987 = arith.addf %mul3A_986, %gather3A_984 : vector<16xf32>
      %mul3A_988 = arith.mulf %gather3A_985, %mul3A_836 : vector<16xf32>
      %sub3A_989 = arith.subf %add3A_987, %mul3A_988 : vector<16xf32>
      %abs3A_990 = math.absf %sub3A_989 : vector<16xf32>
      %add3A_991 = arith.addf %add3A_980, %abs3A_990 : vector<16xf32>
      %broadcast_in_dim3A_992 = arith.constant 14 : i32
      %broadcast_in_dim3A_993 = vector.broadcast %broadcast_in_dim3A_992 : i32 to vector<16xi32>
      %gather3A_994 = tpu.vector_load_idx %arg11[%add3A_250, %broadcast_in_dim3A_993] : memref<512x64xf32, #tpu.memory_space<vmem>>[vector<16xi32>, vector<16xi32>], vector<16xf32>,
      %gather3A_995 = tpu.vector_load_idx %arg12[%add3A_250, %broadcast_in_dim3A_993] : memref<512x64xf32, #tpu.memory_space<vmem>>[vector<16xi32>, vector<16xi32>], vector<16xf32>,
      %gather3A_996 = tpu.vector_load_idx %arg13[%add3A_250, %broadcast_in_dim3A_993] : memref<512x64xf32, #tpu.memory_space<vmem>>[vector<16xi32>, vector<16xi32>], vector<16xf32>,
      %mul3A_997 = arith.mulf %gather3A_994, %mul3A_798 : vector<16xf32>
      %add3A_998 = arith.addf %mul3A_997, %gather3A_995 : vector<16xf32>
      %mul3A_999 = arith.mulf %gather3A_996, %mul3A_836 : vector<16xf32>
      %sub3A_1000 = arith.subf %add3A_998, %mul3A_999 : vector<16xf32>
      %abs3A_1001 = math.absf %sub3A_1000 : vector<16xf32>
      %add3A_1002 = arith.addf %add3A_991, %abs3A_1001 : vector<16xf32>
      %broadcast_in_dim3A_1003 = arith.constant 15 : i32
      %broadcast_in_dim3A_1004 = vector.broadcast %broadcast_in_dim3A_1003 : i32 to vector<16xi32>
      %gather3A_1005 = tpu.vector_load_idx %arg11[%add3A_250, %broadcast_in_dim3A_1004] : memref<512x64xf32, #tpu.memory_space<vmem>>[vector<16xi32>, vector<16xi32>], vector<16xf32>,
      %gather3A_1006 = tpu.vector_load_idx %arg12[%add3A_250, %broadcast_in_dim3A_1004] : memref<512x64xf32, #tpu.memory_space<vmem>>[vector<16xi32>, vector<16xi32>], vector<16xf32>,
      %gather3A_1007 = tpu.vector_load_idx %arg13[%add3A_250, %broadcast_in_dim3A_1004] : memref<512x64xf32, #tpu.memory_space<vmem>>[vector<16xi32>, vector<16xi32>], vector<16xf32>,
      %mul3A_1008 = arith.mulf %gather3A_1005, %mul3A_798 : vector<16xf32>
      %add3A_1009 = arith.addf %mul3A_1008, %gather3A_1006 : vector<16xf32>
      %mul3A_1010 = arith.mulf %gather3A_1007, %mul3A_836 : vector<16xf32>
      %sub3A_1011 = arith.subf %add3A_1009, %mul3A_1010 : vector<16xf32>
      %abs3A_1012 = math.absf %sub3A_1011 : vector<16xf32>
      %add3A_1013 = arith.addf %add3A_1002, %abs3A_1012 : vector<16xf32>
      %broadcast_in_dim3A_1014 = arith.constant 16 : i32
      %broadcast_in_dim3A_1015 = vector.broadcast %broadcast_in_dim3A_1014 : i32 to vector<16xi32>
      %gather3A_1016 = tpu.vector_load_idx %arg11[%add3A_250, %broadcast_in_dim3A_1015] : memref<512x64xf32, #tpu.memory_space<vmem>>[vector<16xi32>, vector<16xi32>], vector<16xf32>,
      %gather3A_1017 = tpu.vector_load_idx %arg12[%add3A_250, %broadcast_in_dim3A_1015] : memref<512x64xf32, #tpu.memory_space<vmem>>[vector<16xi32>, vector<16xi32>], vector<16xf32>,
      %gather3A_1018 = tpu.vector_load_idx %arg13[%add3A_250, %broadcast_in_dim3A_1015] : memref<512x64xf32, #tpu.memory_space<vmem>>[vector<16xi32>, vector<16xi32>], vector<16xf32>,
      %mul3A_1019 = arith.mulf %gather3A_1016, %mul3A_798 : vector<16xf32>
      %add3A_1020 = arith.addf %mul3A_1019, %gather3A_1017 : vector<16xf32>
      %mul3A_1021 = arith.mulf %gather3A_1018, %mul3A_836 : vector<16xf32>
      %sub3A_1022 = arith.subf %add3A_1020, %mul3A_1021 : vector<16xf32>
      %abs3A_1023 = math.absf %sub3A_1022 : vector<16xf32>
      %add3A_1024 = arith.addf %add3A_1013, %abs3A_1023 : vector<16xf32>
      %broadcast_in_dim3A_1025 = arith.constant 17 : i32
      %broadcast_in_dim3A_1026 = vector.broadcast %broadcast_in_dim3A_1025 : i32 to vector<16xi32>
      %gather3A_1027 = tpu.vector_load_idx %arg11[%add3A_250, %broadcast_in_dim3A_1026] : memref<512x64xf32, #tpu.memory_space<vmem>>[vector<16xi32>, vector<16xi32>], vector<16xf32>,
      %gather3A_1028 = tpu.vector_load_idx %arg12[%add3A_250, %broadcast_in_dim3A_1026] : memref<512x64xf32, #tpu.memory_space<vmem>>[vector<16xi32>, vector<16xi32>], vector<16xf32>,
      %gather3A_1029 = tpu.vector_load_idx %arg13[%add3A_250, %broadcast_in_dim3A_1026] : memref<512x64xf32, #tpu.memory_space<vmem>>[vector<16xi32>, vector<16xi32>], vector<16xf32>,
      %mul3A_1030 = arith.mulf %gather3A_1027, %mul3A_798 : vector<16xf32>
      %add3A_1031 = arith.addf %mul3A_1030, %gather3A_1028 : vector<16xf32>
      %mul3A_1032 = arith.mulf %gather3A_1029, %mul3A_836 : vector<16xf32>
      %sub3A_1033 = arith.subf %add3A_1031, %mul3A_1032 : vector<16xf32>
      %abs3A_1034 = math.absf %sub3A_1033 : vector<16xf32>
      %add3A_1035 = arith.addf %add3A_1024, %abs3A_1034 : vector<16xf32>
      %broadcast_in_dim3A_1036 = arith.constant 18 : i32
      %broadcast_in_dim3A_1037 = vector.broadcast %broadcast_in_dim3A_1036 : i32 to vector<16xi32>
      %gather3A_1038 = tpu.vector_load_idx %arg11[%add3A_250, %broadcast_in_dim3A_1037] : memref<512x64xf32, #tpu.memory_space<vmem>>[vector<16xi32>, vector<16xi32>], vector<16xf32>,
      %gather3A_1039 = tpu.vector_load_idx %arg12[%add3A_250, %broadcast_in_dim3A_1037] : memref<512x64xf32, #tpu.memory_space<vmem>>[vector<16xi32>, vector<16xi32>], vector<16xf32>,
      %gather3A_1040 = tpu.vector_load_idx %arg13[%add3A_250, %broadcast_in_dim3A_1037] : memref<512x64xf32, #tpu.memory_space<vmem>>[vector<16xi32>, vector<16xi32>], vector<16xf32>,
      %mul3A_1041 = arith.mulf %gather3A_1038, %mul3A_798 : vector<16xf32>
      %add3A_1042 = arith.addf %mul3A_1041, %gather3A_1039 : vector<16xf32>
      %mul3A_1043 = arith.mulf %gather3A_1040, %mul3A_836 : vector<16xf32>
      %sub3A_1044 = arith.subf %add3A_1042, %mul3A_1043 : vector<16xf32>
      %abs3A_1045 = math.absf %sub3A_1044 : vector<16xf32>
      %add3A_1046 = arith.addf %add3A_1035, %abs3A_1045 : vector<16xf32>
      %broadcast_in_dim3A_1047 = arith.constant 19 : i32
      %broadcast_in_dim3A_1048 = vector.broadcast %broadcast_in_dim3A_1047 : i32 to vector<16xi32>
      %gather3A_1049 = tpu.vector_load_idx %arg11[%add3A_250, %broadcast_in_dim3A_1048] : memref<512x64xf32, #tpu.memory_space<vmem>>[vector<16xi32>, vector<16xi32>], vector<16xf32>,
      %gather3A_1050 = tpu.vector_load_idx %arg12[%add3A_250, %broadcast_in_dim3A_1048] : memref<512x64xf32, #tpu.memory_space<vmem>>[vector<16xi32>, vector<16xi32>], vector<16xf32>,
      %gather3A_1051 = tpu.vector_load_idx %arg13[%add3A_250, %broadcast_in_dim3A_1048] : memref<512x64xf32, #tpu.memory_space<vmem>>[vector<16xi32>, vector<16xi32>], vector<16xf32>,
      %mul3A_1052 = arith.mulf %gather3A_1049, %mul3A_798 : vector<16xf32>
      %add3A_1053 = arith.addf %mul3A_1052, %gather3A_1050 : vector<16xf32>
      %mul3A_1054 = arith.mulf %gather3A_1051, %mul3A_836 : vector<16xf32>
      %sub3A_1055 = arith.subf %add3A_1053, %mul3A_1054 : vector<16xf32>
      %abs3A_1056 = math.absf %sub3A_1055 : vector<16xf32>
      %add3A_1057 = arith.addf %add3A_1046, %abs3A_1056 : vector<16xf32>
      %broadcast_in_dim3A_1058 = arith.constant 20 : i32
      %broadcast_in_dim3A_1059 = vector.broadcast %broadcast_in_dim3A_1058 : i32 to vector<16xi32>
      %gather3A_1060 = tpu.vector_load_idx %arg11[%add3A_250, %broadcast_in_dim3A_1059] : memref<512x64xf32, #tpu.memory_space<vmem>>[vector<16xi32>, vector<16xi32>], vector<16xf32>,
      %gather3A_1061 = tpu.vector_load_idx %arg12[%add3A_250, %broadcast_in_dim3A_1059] : memref<512x64xf32, #tpu.memory_space<vmem>>[vector<16xi32>, vector<16xi32>], vector<16xf32>,
      %gather3A_1062 = tpu.vector_load_idx %arg13[%add3A_250, %broadcast_in_dim3A_1059] : memref<512x64xf32, #tpu.memory_space<vmem>>[vector<16xi32>, vector<16xi32>], vector<16xf32>,
      %mul3A_1063 = arith.mulf %gather3A_1060, %mul3A_798 : vector<16xf32>
      %add3A_1064 = arith.addf %mul3A_1063, %gather3A_1061 : vector<16xf32>
      %mul3A_1065 = arith.mulf %gather3A_1062, %mul3A_836 : vector<16xf32>
      %sub3A_1066 = arith.subf %add3A_1064, %mul3A_1065 : vector<16xf32>
      %abs3A_1067 = math.absf %sub3A_1066 : vector<16xf32>
      %add3A_1068 = arith.addf %add3A_1057, %abs3A_1067 : vector<16xf32>
      %broadcast_in_dim3A_1069 = arith.constant 21 : i32
      %broadcast_in_dim3A_1070 = vector.broadcast %broadcast_in_dim3A_1069 : i32 to vector<16xi32>
      %gather3A_1071 = tpu.vector_load_idx %arg11[%add3A_250, %broadcast_in_dim3A_1070] : memref<512x64xf32, #tpu.memory_space<vmem>>[vector<16xi32>, vector<16xi32>], vector<16xf32>,
      %gather3A_1072 = tpu.vector_load_idx %arg12[%add3A_250, %broadcast_in_dim3A_1070] : memref<512x64xf32, #tpu.memory_space<vmem>>[vector<16xi32>, vector<16xi32>], vector<16xf32>,
      %gather3A_1073 = tpu.vector_load_idx %arg13[%add3A_250, %broadcast_in_dim3A_1070] : memref<512x64xf32, #tpu.memory_space<vmem>>[vector<16xi32>, vector<16xi32>], vector<16xf32>,
      %mul3A_1074 = arith.mulf %gather3A_1071, %mul3A_798 : vector<16xf32>
      %add3A_1075 = arith.addf %mul3A_1074, %gather3A_1072 : vector<16xf32>
      %mul3A_1076 = arith.mulf %gather3A_1073, %mul3A_836 : vector<16xf32>
      %sub3A_1077 = arith.subf %add3A_1075, %mul3A_1076 : vector<16xf32>
      %abs3A_1078 = math.absf %sub3A_1077 : vector<16xf32>
      %add3A_1079 = arith.addf %add3A_1068, %abs3A_1078 : vector<16xf32>
      %broadcast_in_dim3A_1080 = arith.constant 22 : i32
      %broadcast_in_dim3A_1081 = vector.broadcast %broadcast_in_dim3A_1080 : i32 to vector<16xi32>
      %gather3A_1082 = tpu.vector_load_idx %arg11[%add3A_250, %broadcast_in_dim3A_1081] : memref<512x64xf32, #tpu.memory_space<vmem>>[vector<16xi32>, vector<16xi32>], vector<16xf32>,
      %gather3A_1083 = tpu.vector_load_idx %arg12[%add3A_250, %broadcast_in_dim3A_1081] : memref<512x64xf32, #tpu.memory_space<vmem>>[vector<16xi32>, vector<16xi32>], vector<16xf32>,
      %gather3A_1084 = tpu.vector_load_idx %arg13[%add3A_250, %broadcast_in_dim3A_1081] : memref<512x64xf32, #tpu.memory_space<vmem>>[vector<16xi32>, vector<16xi32>], vector<16xf32>,
      %mul3A_1085 = arith.mulf %gather3A_1082, %mul3A_798 : vector<16xf32>
      %add3A_1086 = arith.addf %mul3A_1085, %gather3A_1083 : vector<16xf32>
      %mul3A_1087 = arith.mulf %gather3A_1084, %mul3A_836 : vector<16xf32>
      %sub3A_1088 = arith.subf %add3A_1086, %mul3A_1087 : vector<16xf32>
      %abs3A_1089 = math.absf %sub3A_1088 : vector<16xf32>
      %add3A_1090 = arith.addf %add3A_1079, %abs3A_1089 : vector<16xf32>
      %broadcast_in_dim3A_1091 = arith.constant 23 : i32
      %broadcast_in_dim3A_1092 = vector.broadcast %broadcast_in_dim3A_1091 : i32 to vector<16xi32>
      %gather3A_1093 = tpu.vector_load_idx %arg11[%add3A_250, %broadcast_in_dim3A_1092] : memref<512x64xf32, #tpu.memory_space<vmem>>[vector<16xi32>, vector<16xi32>], vector<16xf32>,
      %gather3A_1094 = tpu.vector_load_idx %arg12[%add3A_250, %broadcast_in_dim3A_1092] : memref<512x64xf32, #tpu.memory_space<vmem>>[vector<16xi32>, vector<16xi32>], vector<16xf32>,
      %gather3A_1095 = tpu.vector_load_idx %arg13[%add3A_250, %broadcast_in_dim3A_1092] : memref<512x64xf32, #tpu.memory_space<vmem>>[vector<16xi32>, vector<16xi32>], vector<16xf32>,
      %mul3A_1096 = arith.mulf %gather3A_1093, %mul3A_798 : vector<16xf32>
      %add3A_1097 = arith.addf %mul3A_1096, %gather3A_1094 : vector<16xf32>
      %mul3A_1098 = arith.mulf %gather3A_1095, %mul3A_836 : vector<16xf32>
      %sub3A_1099 = arith.subf %add3A_1097, %mul3A_1098 : vector<16xf32>
      %abs3A_1100 = math.absf %sub3A_1099 : vector<16xf32>
      %add3A_1101 = arith.addf %add3A_1090, %abs3A_1100 : vector<16xf32>
      %broadcast_in_dim3A_1102 = arith.constant 24 : i32
      %broadcast_in_dim3A_1103 = vector.broadcast %broadcast_in_dim3A_1102 : i32 to vector<16xi32>
      %gather3A_1104 = tpu.vector_load_idx %arg11[%add3A_250, %broadcast_in_dim3A_1103] : memref<512x64xf32, #tpu.memory_space<vmem>>[vector<16xi32>, vector<16xi32>], vector<16xf32>,
      %gather3A_1105 = tpu.vector_load_idx %arg12[%add3A_250, %broadcast_in_dim3A_1103] : memref<512x64xf32, #tpu.memory_space<vmem>>[vector<16xi32>, vector<16xi32>], vector<16xf32>,
      %gather3A_1106 = tpu.vector_load_idx %arg13[%add3A_250, %broadcast_in_dim3A_1103] : memref<512x64xf32, #tpu.memory_space<vmem>>[vector<16xi32>, vector<16xi32>], vector<16xf32>,
      %mul3A_1107 = arith.mulf %gather3A_1104, %mul3A_798 : vector<16xf32>
      %add3A_1108 = arith.addf %mul3A_1107, %gather3A_1105 : vector<16xf32>
      %mul3A_1109 = arith.mulf %gather3A_1106, %mul3A_836 : vector<16xf32>
      %sub3A_1110 = arith.subf %add3A_1108, %mul3A_1109 : vector<16xf32>
      %abs3A_1111 = math.absf %sub3A_1110 : vector<16xf32>
      %add3A_1112 = arith.addf %add3A_1101, %abs3A_1111 : vector<16xf32>
      %broadcast_in_dim3A_1113 = arith.constant 25 : i32
      %broadcast_in_dim3A_1114 = vector.broadcast %broadcast_in_dim3A_1113 : i32 to vector<16xi32>
      %gather3A_1115 = tpu.vector_load_idx %arg11[%add3A_250, %broadcast_in_dim3A_1114] : memref<512x64xf32, #tpu.memory_space<vmem>>[vector<16xi32>, vector<16xi32>], vector<16xf32>,
      %gather3A_1116 = tpu.vector_load_idx %arg12[%add3A_250, %broadcast_in_dim3A_1114] : memref<512x64xf32, #tpu.memory_space<vmem>>[vector<16xi32>, vector<16xi32>], vector<16xf32>,
      %gather3A_1117 = tpu.vector_load_idx %arg13[%add3A_250, %broadcast_in_dim3A_1114] : memref<512x64xf32, #tpu.memory_space<vmem>>[vector<16xi32>, vector<16xi32>], vector<16xf32>,
      %mul3A_1118 = arith.mulf %gather3A_1115, %mul3A_798 : vector<16xf32>
      %add3A_1119 = arith.addf %mul3A_1118, %gather3A_1116 : vector<16xf32>
      %mul3A_1120 = arith.mulf %gather3A_1117, %mul3A_836 : vector<16xf32>
      %sub3A_1121 = arith.subf %add3A_1119, %mul3A_1120 : vector<16xf32>
      %abs3A_1122 = math.absf %sub3A_1121 : vector<16xf32>
      %add3A_1123 = arith.addf %add3A_1112, %abs3A_1122 : vector<16xf32>
      %broadcast_in_dim3A_1124 = arith.constant 26 : i32
      %broadcast_in_dim3A_1125 = vector.broadcast %broadcast_in_dim3A_1124 : i32 to vector<16xi32>
      %gather3A_1126 = tpu.vector_load_idx %arg11[%add3A_250, %broadcast_in_dim3A_1125] : memref<512x64xf32, #tpu.memory_space<vmem>>[vector<16xi32>, vector<16xi32>], vector<16xf32>,
      %gather3A_1127 = tpu.vector_load_idx %arg12[%add3A_250, %broadcast_in_dim3A_1125] : memref<512x64xf32, #tpu.memory_space<vmem>>[vector<16xi32>, vector<16xi32>], vector<16xf32>,
      %gather3A_1128 = tpu.vector_load_idx %arg13[%add3A_250, %broadcast_in_dim3A_1125] : memref<512x64xf32, #tpu.memory_space<vmem>>[vector<16xi32>, vector<16xi32>], vector<16xf32>,
      %mul3A_1129 = arith.mulf %gather3A_1126, %mul3A_798 : vector<16xf32>
      %add3A_1130 = arith.addf %mul3A_1129, %gather3A_1127 : vector<16xf32>
      %mul3A_1131 = arith.mulf %gather3A_1128, %mul3A_836 : vector<16xf32>
      %sub3A_1132 = arith.subf %add3A_1130, %mul3A_1131 : vector<16xf32>
      %abs3A_1133 = math.absf %sub3A_1132 : vector<16xf32>
      %add3A_1134 = arith.addf %add3A_1123, %abs3A_1133 : vector<16xf32>
      %broadcast_in_dim3A_1135 = arith.constant 27 : i32
      %broadcast_in_dim3A_1136 = vector.broadcast %broadcast_in_dim3A_1135 : i32 to vector<16xi32>
      %gather3A_1137 = tpu.vector_load_idx %arg11[%add3A_250, %broadcast_in_dim3A_1136] : memref<512x64xf32, #tpu.memory_space<vmem>>[vector<16xi32>, vector<16xi32>], vector<16xf32>,
      %gather3A_1138 = tpu.vector_load_idx %arg12[%add3A_250, %broadcast_in_dim3A_1136] : memref<512x64xf32, #tpu.memory_space<vmem>>[vector<16xi32>, vector<16xi32>], vector<16xf32>,
      %gather3A_1139 = tpu.vector_load_idx %arg13[%add3A_250, %broadcast_in_dim3A_1136] : memref<512x64xf32, #tpu.memory_space<vmem>>[vector<16xi32>, vector<16xi32>], vector<16xf32>,
      %mul3A_1140 = arith.mulf %gather3A_1137, %mul3A_798 : vector<16xf32>
      %add3A_1141 = arith.addf %mul3A_1140, %gather3A_1138 : vector<16xf32>
      %mul3A_1142 = arith.mulf %gather3A_1139, %mul3A_836 : vector<16xf32>
      %sub3A_1143 = arith.subf %add3A_1141, %mul3A_1142 : vector<16xf32>
      %abs3A_1144 = math.absf %sub3A_1143 : vector<16xf32>
      %add3A_1145 = arith.addf %add3A_1134, %abs3A_1144 : vector<16xf32>
      %broadcast_in_dim3A_1146 = arith.constant 28 : i32
      %broadcast_in_dim3A_1147 = vector.broadcast %broadcast_in_dim3A_1146 : i32 to vector<16xi32>
      %gather3A_1148 = tpu.vector_load_idx %arg11[%add3A_250, %broadcast_in_dim3A_1147] : memref<512x64xf32, #tpu.memory_space<vmem>>[vector<16xi32>, vector<16xi32>], vector<16xf32>,
      %gather3A_1149 = tpu.vector_load_idx %arg12[%add3A_250, %broadcast_in_dim3A_1147] : memref<512x64xf32, #tpu.memory_space<vmem>>[vector<16xi32>, vector<16xi32>], vector<16xf32>,
      %gather3A_1150 = tpu.vector_load_idx %arg13[%add3A_250, %broadcast_in_dim3A_1147] : memref<512x64xf32, #tpu.memory_space<vmem>>[vector<16xi32>, vector<16xi32>], vector<16xf32>,
      %mul3A_1151 = arith.mulf %gather3A_1148, %mul3A_798 : vector<16xf32>
      %add3A_1152 = arith.addf %mul3A_1151, %gather3A_1149 : vector<16xf32>
      %mul3A_1153 = arith.mulf %gather3A_1150, %mul3A_836 : vector<16xf32>
      %sub3A_1154 = arith.subf %add3A_1152, %mul3A_1153 : vector<16xf32>
      %abs3A_1155 = math.absf %sub3A_1154 : vector<16xf32>
      %add3A_1156 = arith.addf %add3A_1145, %abs3A_1155 : vector<16xf32>
      %broadcast_in_dim3A_1157 = arith.constant 29 : i32
      %broadcast_in_dim3A_1158 = vector.broadcast %broadcast_in_dim3A_1157 : i32 to vector<16xi32>
      %gather3A_1159 = tpu.vector_load_idx %arg11[%add3A_250, %broadcast_in_dim3A_1158] : memref<512x64xf32, #tpu.memory_space<vmem>>[vector<16xi32>, vector<16xi32>], vector<16xf32>,
      %gather3A_1160 = tpu.vector_load_idx %arg12[%add3A_250, %broadcast_in_dim3A_1158] : memref<512x64xf32, #tpu.memory_space<vmem>>[vector<16xi32>, vector<16xi32>], vector<16xf32>,
      %gather3A_1161 = tpu.vector_load_idx %arg13[%add3A_250, %broadcast_in_dim3A_1158] : memref<512x64xf32, #tpu.memory_space<vmem>>[vector<16xi32>, vector<16xi32>], vector<16xf32>,
      %mul3A_1162 = arith.mulf %gather3A_1159, %mul3A_798 : vector<16xf32>
      %add3A_1163 = arith.addf %mul3A_1162, %gather3A_1160 : vector<16xf32>
      %mul3A_1164 = arith.mulf %gather3A_1161, %mul3A_836 : vector<16xf32>
      %sub3A_1165 = arith.subf %add3A_1163, %mul3A_1164 : vector<16xf32>
      %abs3A_1166 = math.absf %sub3A_1165 : vector<16xf32>
      %add3A_1167 = arith.addf %add3A_1156, %abs3A_1166 : vector<16xf32>
      %broadcast_in_dim3A_1168 = arith.constant 30 : i32
      %broadcast_in_dim3A_1169 = vector.broadcast %broadcast_in_dim3A_1168 : i32 to vector<16xi32>
      %gather3A_1170 = tpu.vector_load_idx %arg11[%add3A_250, %broadcast_in_dim3A_1169] : memref<512x64xf32, #tpu.memory_space<vmem>>[vector<16xi32>, vector<16xi32>], vector<16xf32>,
      %gather3A_1171 = tpu.vector_load_idx %arg12[%add3A_250, %broadcast_in_dim3A_1169] : memref<512x64xf32, #tpu.memory_space<vmem>>[vector<16xi32>, vector<16xi32>], vector<16xf32>,
      %gather3A_1172 = tpu.vector_load_idx %arg13[%add3A_250, %broadcast_in_dim3A_1169] : memref<512x64xf32, #tpu.memory_space<vmem>>[vector<16xi32>, vector<16xi32>], vector<16xf32>,
      %mul3A_1173 = arith.mulf %gather3A_1170, %mul3A_798 : vector<16xf32>
      %add3A_1174 = arith.addf %mul3A_1173, %gather3A_1171 : vector<16xf32>
      %mul3A_1175 = arith.mulf %gather3A_1172, %mul3A_836 : vector<16xf32>
      %sub3A_1176 = arith.subf %add3A_1174, %mul3A_1175 : vector<16xf32>
      %abs3A_1177 = math.absf %sub3A_1176 : vector<16xf32>
      %add3A_1178 = arith.addf %add3A_1167, %abs3A_1177 : vector<16xf32>
      %broadcast_in_dim3A_1179 = arith.constant 31 : i32
      %broadcast_in_dim3A_1180 = vector.broadcast %broadcast_in_dim3A_1179 : i32 to vector<16xi32>
      %gather3A_1181 = tpu.vector_load_idx %arg11[%add3A_250, %broadcast_in_dim3A_1180] : memref<512x64xf32, #tpu.memory_space<vmem>>[vector<16xi32>, vector<16xi32>], vector<16xf32>,
      %gather3A_1182 = tpu.vector_load_idx %arg12[%add3A_250, %broadcast_in_dim3A_1180] : memref<512x64xf32, #tpu.memory_space<vmem>>[vector<16xi32>, vector<16xi32>], vector<16xf32>,
      %gather3A_1183 = tpu.vector_load_idx %arg13[%add3A_250, %broadcast_in_dim3A_1180] : memref<512x64xf32, #tpu.memory_space<vmem>>[vector<16xi32>, vector<16xi32>], vector<16xf32>,
      %mul3A_1184 = arith.mulf %gather3A_1181, %mul3A_798 : vector<16xf32>
      %add3A_1185 = arith.addf %mul3A_1184, %gather3A_1182 : vector<16xf32>
      %mul3A_1186 = arith.mulf %gather3A_1183, %mul3A_836 : vector<16xf32>
      %sub3A_1187 = arith.subf %add3A_1185, %mul3A_1186 : vector<16xf32>
      %abs3A_1188 = math.absf %sub3A_1187 : vector<16xf32>
      %add3A_1189 = arith.addf %add3A_1178, %abs3A_1188 : vector<16xf32>
      %broadcast_in_dim3A_1190 = arith.constant 32 : i32
      %broadcast_in_dim3A_1191 = vector.broadcast %broadcast_in_dim3A_1190 : i32 to vector<16xi32>
      %gather3A_1192 = tpu.vector_load_idx %arg11[%add3A_250, %broadcast_in_dim3A_1191] : memref<512x64xf32, #tpu.memory_space<vmem>>[vector<16xi32>, vector<16xi32>], vector<16xf32>,
      %gather3A_1193 = tpu.vector_load_idx %arg12[%add3A_250, %broadcast_in_dim3A_1191] : memref<512x64xf32, #tpu.memory_space<vmem>>[vector<16xi32>, vector<16xi32>], vector<16xf32>,
      %gather3A_1194 = tpu.vector_load_idx %arg13[%add3A_250, %broadcast_in_dim3A_1191] : memref<512x64xf32, #tpu.memory_space<vmem>>[vector<16xi32>, vector<16xi32>], vector<16xf32>,
      %mul3A_1195 = arith.mulf %gather3A_1192, %mul3A_798 : vector<16xf32>
      %add3A_1196 = arith.addf %mul3A_1195, %gather3A_1193 : vector<16xf32>
      %mul3A_1197 = arith.mulf %gather3A_1194, %mul3A_836 : vector<16xf32>
      %sub3A_1198 = arith.subf %add3A_1196, %mul3A_1197 : vector<16xf32>
      %abs3A_1199 = math.absf %sub3A_1198 : vector<16xf32>
      %add3A_1200 = arith.addf %add3A_1189, %abs3A_1199 : vector<16xf32>
      %broadcast_in_dim3A_1201 = arith.constant 33 : i32
      %broadcast_in_dim3A_1202 = vector.broadcast %broadcast_in_dim3A_1201 : i32 to vector<16xi32>
      %gather3A_1203 = tpu.vector_load_idx %arg11[%add3A_250, %broadcast_in_dim3A_1202] : memref<512x64xf32, #tpu.memory_space<vmem>>[vector<16xi32>, vector<16xi32>], vector<16xf32>,
      %gather3A_1204 = tpu.vector_load_idx %arg12[%add3A_250, %broadcast_in_dim3A_1202] : memref<512x64xf32, #tpu.memory_space<vmem>>[vector<16xi32>, vector<16xi32>], vector<16xf32>,
      %gather3A_1205 = tpu.vector_load_idx %arg13[%add3A_250, %broadcast_in_dim3A_1202] : memref<512x64xf32, #tpu.memory_space<vmem>>[vector<16xi32>, vector<16xi32>], vector<16xf32>,
      %mul3A_1206 = arith.mulf %gather3A_1203, %mul3A_798 : vector<16xf32>
      %add3A_1207 = arith.addf %mul3A_1206, %gather3A_1204 : vector<16xf32>
      %mul3A_1208 = arith.mulf %gather3A_1205, %mul3A_836 : vector<16xf32>
      %sub3A_1209 = arith.subf %add3A_1207, %mul3A_1208 : vector<16xf32>
      %abs3A_1210 = math.absf %sub3A_1209 : vector<16xf32>
      %add3A_1211 = arith.addf %add3A_1200, %abs3A_1210 : vector<16xf32>
      %broadcast_in_dim3A_1212 = arith.constant 34 : i32
      %broadcast_in_dim3A_1213 = vector.broadcast %broadcast_in_dim3A_1212 : i32 to vector<16xi32>
      %gather3A_1214 = tpu.vector_load_idx %arg11[%add3A_250, %broadcast_in_dim3A_1213] : memref<512x64xf32, #tpu.memory_space<vmem>>[vector<16xi32>, vector<16xi32>], vector<16xf32>,
      %gather3A_1215 = tpu.vector_load_idx %arg12[%add3A_250, %broadcast_in_dim3A_1213] : memref<512x64xf32, #tpu.memory_space<vmem>>[vector<16xi32>, vector<16xi32>], vector<16xf32>,
      %gather3A_1216 = tpu.vector_load_idx %arg13[%add3A_250, %broadcast_in_dim3A_1213] : memref<512x64xf32, #tpu.memory_space<vmem>>[vector<16xi32>, vector<16xi32>], vector<16xf32>,
      %mul3A_1217 = arith.mulf %gather3A_1214, %mul3A_798 : vector<16xf32>
      %add3A_1218 = arith.addf %mul3A_1217, %gather3A_1215 : vector<16xf32>
      %mul3A_1219 = arith.mulf %gather3A_1216, %mul3A_836 : vector<16xf32>
      %sub3A_1220 = arith.subf %add3A_1218, %mul3A_1219 : vector<16xf32>
      %abs3A_1221 = math.absf %sub3A_1220 : vector<16xf32>
      %add3A_1222 = arith.addf %add3A_1211, %abs3A_1221 : vector<16xf32>
      %broadcast_in_dim3A_1223 = arith.constant 35 : i32
      %broadcast_in_dim3A_1224 = vector.broadcast %broadcast_in_dim3A_1223 : i32 to vector<16xi32>
      %gather3A_1225 = tpu.vector_load_idx %arg11[%add3A_250, %broadcast_in_dim3A_1224] : memref<512x64xf32, #tpu.memory_space<vmem>>[vector<16xi32>, vector<16xi32>], vector<16xf32>,
      %gather3A_1226 = tpu.vector_load_idx %arg12[%add3A_250, %broadcast_in_dim3A_1224] : memref<512x64xf32, #tpu.memory_space<vmem>>[vector<16xi32>, vector<16xi32>], vector<16xf32>,
      %gather3A_1227 = tpu.vector_load_idx %arg13[%add3A_250, %broadcast_in_dim3A_1224] : memref<512x64xf32, #tpu.memory_space<vmem>>[vector<16xi32>, vector<16xi32>], vector<16xf32>,
      %mul3A_1228 = arith.mulf %gather3A_1225, %mul3A_798 : vector<16xf32>
      %add3A_1229 = arith.addf %mul3A_1228, %gather3A_1226 : vector<16xf32>
      %mul3A_1230 = arith.mulf %gather3A_1227, %mul3A_836 : vector<16xf32>
      %sub3A_1231 = arith.subf %add3A_1229, %mul3A_1230 : vector<16xf32>
      %abs3A_1232 = math.absf %sub3A_1231 : vector<16xf32>
      %add3A_1233 = arith.addf %add3A_1222, %abs3A_1232 : vector<16xf32>
      %broadcast_in_dim3A_1234 = arith.constant 36 : i32
      %broadcast_in_dim3A_1235 = vector.broadcast %broadcast_in_dim3A_1234 : i32 to vector<16xi32>
      %gather3A_1236 = tpu.vector_load_idx %arg11[%add3A_250, %broadcast_in_dim3A_1235] : memref<512x64xf32, #tpu.memory_space<vmem>>[vector<16xi32>, vector<16xi32>], vector<16xf32>,
      %gather3A_1237 = tpu.vector_load_idx %arg12[%add3A_250, %broadcast_in_dim3A_1235] : memref<512x64xf32, #tpu.memory_space<vmem>>[vector<16xi32>, vector<16xi32>], vector<16xf32>,
      %gather3A_1238 = tpu.vector_load_idx %arg13[%add3A_250, %broadcast_in_dim3A_1235] : memref<512x64xf32, #tpu.memory_space<vmem>>[vector<16xi32>, vector<16xi32>], vector<16xf32>,
      %mul3A_1239 = arith.mulf %gather3A_1236, %mul3A_798 : vector<16xf32>
      %add3A_1240 = arith.addf %mul3A_1239, %gather3A_1237 : vector<16xf32>
      %mul3A_1241 = arith.mulf %gather3A_1238, %mul3A_836 : vector<16xf32>
      %sub3A_1242 = arith.subf %add3A_1240, %mul3A_1241 : vector<16xf32>
      %abs3A_1243 = math.absf %sub3A_1242 : vector<16xf32>
      %add3A_1244 = arith.addf %add3A_1233, %abs3A_1243 : vector<16xf32>
      %broadcast_in_dim3A_1245 = arith.constant 37 : i32
      %broadcast_in_dim3A_1246 = vector.broadcast %broadcast_in_dim3A_1245 : i32 to vector<16xi32>
      %gather3A_1247 = tpu.vector_load_idx %arg11[%add3A_250, %broadcast_in_dim3A_1246] : memref<512x64xf32, #tpu.memory_space<vmem>>[vector<16xi32>, vector<16xi32>], vector<16xf32>,
      %gather3A_1248 = tpu.vector_load_idx %arg12[%add3A_250, %broadcast_in_dim3A_1246] : memref<512x64xf32, #tpu.memory_space<vmem>>[vector<16xi32>, vector<16xi32>], vector<16xf32>,
      %gather3A_1249 = tpu.vector_load_idx %arg13[%add3A_250, %broadcast_in_dim3A_1246] : memref<512x64xf32, #tpu.memory_space<vmem>>[vector<16xi32>, vector<16xi32>], vector<16xf32>,
      %mul3A_1250 = arith.mulf %gather3A_1247, %mul3A_798 : vector<16xf32>
      %add3A_1251 = arith.addf %mul3A_1250, %gather3A_1248 : vector<16xf32>
      %mul3A_1252 = arith.mulf %gather3A_1249, %mul3A_836 : vector<16xf32>
      %sub3A_1253 = arith.subf %add3A_1251, %mul3A_1252 : vector<16xf32>
      %abs3A_1254 = math.absf %sub3A_1253 : vector<16xf32>
      %add3A_1255 = arith.addf %add3A_1244, %abs3A_1254 : vector<16xf32>
      %broadcast_in_dim3A_1256 = arith.constant 38 : i32
      %broadcast_in_dim3A_1257 = vector.broadcast %broadcast_in_dim3A_1256 : i32 to vector<16xi32>
      %gather3A_1258 = tpu.vector_load_idx %arg11[%add3A_250, %broadcast_in_dim3A_1257] : memref<512x64xf32, #tpu.memory_space<vmem>>[vector<16xi32>, vector<16xi32>], vector<16xf32>,
      %gather3A_1259 = tpu.vector_load_idx %arg12[%add3A_250, %broadcast_in_dim3A_1257] : memref<512x64xf32, #tpu.memory_space<vmem>>[vector<16xi32>, vector<16xi32>], vector<16xf32>,
      %gather3A_1260 = tpu.vector_load_idx %arg13[%add3A_250, %broadcast_in_dim3A_1257] : memref<512x64xf32, #tpu.memory_space<vmem>>[vector<16xi32>, vector<16xi32>], vector<16xf32>,
      %mul3A_1261 = arith.mulf %gather3A_1258, %mul3A_798 : vector<16xf32>
      %add3A_1262 = arith.addf %mul3A_1261, %gather3A_1259 : vector<16xf32>
      %mul3A_1263 = arith.mulf %gather3A_1260, %mul3A_836 : vector<16xf32>
      %sub3A_1264 = arith.subf %add3A_1262, %mul3A_1263 : vector<16xf32>
      %abs3A_1265 = math.absf %sub3A_1264 : vector<16xf32>
      %add3A_1266 = arith.addf %add3A_1255, %abs3A_1265 : vector<16xf32>
      %broadcast_in_dim3A_1267 = arith.constant 39 : i32
      %broadcast_in_dim3A_1268 = vector.broadcast %broadcast_in_dim3A_1267 : i32 to vector<16xi32>
      %gather3A_1269 = tpu.vector_load_idx %arg11[%add3A_250, %broadcast_in_dim3A_1268] : memref<512x64xf32, #tpu.memory_space<vmem>>[vector<16xi32>, vector<16xi32>], vector<16xf32>,
      %gather3A_1270 = tpu.vector_load_idx %arg12[%add3A_250, %broadcast_in_dim3A_1268] : memref<512x64xf32, #tpu.memory_space<vmem>>[vector<16xi32>, vector<16xi32>], vector<16xf32>,
      %gather3A_1271 = tpu.vector_load_idx %arg13[%add3A_250, %broadcast_in_dim3A_1268] : memref<512x64xf32, #tpu.memory_space<vmem>>[vector<16xi32>, vector<16xi32>], vector<16xf32>,
      %mul3A_1272 = arith.mulf %gather3A_1269, %mul3A_798 : vector<16xf32>
      %add3A_1273 = arith.addf %mul3A_1272, %gather3A_1270 : vector<16xf32>
      %mul3A_1274 = arith.mulf %gather3A_1271, %mul3A_836 : vector<16xf32>
      %sub3A_1275 = arith.subf %add3A_1273, %mul3A_1274 : vector<16xf32>
      %abs3A_1276 = math.absf %sub3A_1275 : vector<16xf32>
      %add3A_1277 = arith.addf %add3A_1266, %abs3A_1276 : vector<16xf32>
      %broadcast_in_dim3A_1278 = arith.constant 40 : i32
      %broadcast_in_dim3A_1279 = vector.broadcast %broadcast_in_dim3A_1278 : i32 to vector<16xi32>
      %gather3A_1280 = tpu.vector_load_idx %arg11[%add3A_250, %broadcast_in_dim3A_1279] : memref<512x64xf32, #tpu.memory_space<vmem>>[vector<16xi32>, vector<16xi32>], vector<16xf32>,
      %gather3A_1281 = tpu.vector_load_idx %arg12[%add3A_250, %broadcast_in_dim3A_1279] : memref<512x64xf32, #tpu.memory_space<vmem>>[vector<16xi32>, vector<16xi32>], vector<16xf32>,
      %gather3A_1282 = tpu.vector_load_idx %arg13[%add3A_250, %broadcast_in_dim3A_1279] : memref<512x64xf32, #tpu.memory_space<vmem>>[vector<16xi32>, vector<16xi32>], vector<16xf32>,
      %mul3A_1283 = arith.mulf %gather3A_1280, %mul3A_798 : vector<16xf32>
      %add3A_1284 = arith.addf %mul3A_1283, %gather3A_1281 : vector<16xf32>
      %mul3A_1285 = arith.mulf %gather3A_1282, %mul3A_836 : vector<16xf32>
      %sub3A_1286 = arith.subf %add3A_1284, %mul3A_1285 : vector<16xf32>
      %abs3A_1287 = math.absf %sub3A_1286 : vector<16xf32>
      %add3A_1288 = arith.addf %add3A_1277, %abs3A_1287 : vector<16xf32>
      %broadcast_in_dim3A_1289 = arith.constant 41 : i32
      %broadcast_in_dim3A_1290 = vector.broadcast %broadcast_in_dim3A_1289 : i32 to vector<16xi32>
      %gather3A_1291 = tpu.vector_load_idx %arg11[%add3A_250, %broadcast_in_dim3A_1290] : memref<512x64xf32, #tpu.memory_space<vmem>>[vector<16xi32>, vector<16xi32>], vector<16xf32>,
      %gather3A_1292 = tpu.vector_load_idx %arg12[%add3A_250, %broadcast_in_dim3A_1290] : memref<512x64xf32, #tpu.memory_space<vmem>>[vector<16xi32>, vector<16xi32>], vector<16xf32>,
      %gather3A_1293 = tpu.vector_load_idx %arg13[%add3A_250, %broadcast_in_dim3A_1290] : memref<512x64xf32, #tpu.memory_space<vmem>>[vector<16xi32>, vector<16xi32>], vector<16xf32>,
      %mul3A_1294 = arith.mulf %gather3A_1291, %mul3A_798 : vector<16xf32>
      %add3A_1295 = arith.addf %mul3A_1294, %gather3A_1292 : vector<16xf32>
      %mul3A_1296 = arith.mulf %gather3A_1293, %mul3A_836 : vector<16xf32>
      %sub3A_1297 = arith.subf %add3A_1295, %mul3A_1296 : vector<16xf32>
      %abs3A_1298 = math.absf %sub3A_1297 : vector<16xf32>
      %add3A_1299 = arith.addf %add3A_1288, %abs3A_1298 : vector<16xf32>
      %broadcast_in_dim3A_1300 = arith.constant 42 : i32
      %broadcast_in_dim3A_1301 = vector.broadcast %broadcast_in_dim3A_1300 : i32 to vector<16xi32>
      %gather3A_1302 = tpu.vector_load_idx %arg11[%add3A_250, %broadcast_in_dim3A_1301] : memref<512x64xf32, #tpu.memory_space<vmem>>[vector<16xi32>, vector<16xi32>], vector<16xf32>,
      %gather3A_1303 = tpu.vector_load_idx %arg12[%add3A_250, %broadcast_in_dim3A_1301] : memref<512x64xf32, #tpu.memory_space<vmem>>[vector<16xi32>, vector<16xi32>], vector<16xf32>,
      %gather3A_1304 = tpu.vector_load_idx %arg13[%add3A_250, %broadcast_in_dim3A_1301] : memref<512x64xf32, #tpu.memory_space<vmem>>[vector<16xi32>, vector<16xi32>], vector<16xf32>,
      %mul3A_1305 = arith.mulf %gather3A_1302, %mul3A_798 : vector<16xf32>
      %add3A_1306 = arith.addf %mul3A_1305, %gather3A_1303 : vector<16xf32>
      %mul3A_1307 = arith.mulf %gather3A_1304, %mul3A_836 : vector<16xf32>
      %sub3A_1308 = arith.subf %add3A_1306, %mul3A_1307 : vector<16xf32>
      %abs3A_1309 = math.absf %sub3A_1308 : vector<16xf32>
      %add3A_1310 = arith.addf %add3A_1299, %abs3A_1309 : vector<16xf32>
      %broadcast_in_dim3A_1311 = arith.constant 43 : i32
      %broadcast_in_dim3A_1312 = vector.broadcast %broadcast_in_dim3A_1311 : i32 to vector<16xi32>
      %gather3A_1313 = tpu.vector_load_idx %arg11[%add3A_250, %broadcast_in_dim3A_1312] : memref<512x64xf32, #tpu.memory_space<vmem>>[vector<16xi32>, vector<16xi32>], vector<16xf32>,
      %gather3A_1314 = tpu.vector_load_idx %arg12[%add3A_250, %broadcast_in_dim3A_1312] : memref<512x64xf32, #tpu.memory_space<vmem>>[vector<16xi32>, vector<16xi32>], vector<16xf32>,
      %gather3A_1315 = tpu.vector_load_idx %arg13[%add3A_250, %broadcast_in_dim3A_1312] : memref<512x64xf32, #tpu.memory_space<vmem>>[vector<16xi32>, vector<16xi32>], vector<16xf32>,
      %mul3A_1316 = arith.mulf %gather3A_1313, %mul3A_798 : vector<16xf32>
      %add3A_1317 = arith.addf %mul3A_1316, %gather3A_1314 : vector<16xf32>
      %mul3A_1318 = arith.mulf %gather3A_1315, %mul3A_836 : vector<16xf32>
      %sub3A_1319 = arith.subf %add3A_1317, %mul3A_1318 : vector<16xf32>
      %abs3A_1320 = math.absf %sub3A_1319 : vector<16xf32>
      %add3A_1321 = arith.addf %add3A_1310, %abs3A_1320 : vector<16xf32>
      %broadcast_in_dim3A_1322 = arith.constant 44 : i32
      %broadcast_in_dim3A_1323 = vector.broadcast %broadcast_in_dim3A_1322 : i32 to vector<16xi32>
      %gather3A_1324 = tpu.vector_load_idx %arg11[%add3A_250, %broadcast_in_dim3A_1323] : memref<512x64xf32, #tpu.memory_space<vmem>>[vector<16xi32>, vector<16xi32>], vector<16xf32>,
      %gather3A_1325 = tpu.vector_load_idx %arg12[%add3A_250, %broadcast_in_dim3A_1323] : memref<512x64xf32, #tpu.memory_space<vmem>>[vector<16xi32>, vector<16xi32>], vector<16xf32>,
      %gather3A_1326 = tpu.vector_load_idx %arg13[%add3A_250, %broadcast_in_dim3A_1323] : memref<512x64xf32, #tpu.memory_space<vmem>>[vector<16xi32>, vector<16xi32>], vector<16xf32>,
      %mul3A_1327 = arith.mulf %gather3A_1324, %mul3A_798 : vector<16xf32>
      %add3A_1328 = arith.addf %mul3A_1327, %gather3A_1325 : vector<16xf32>
      %mul3A_1329 = arith.mulf %gather3A_1326, %mul3A_836 : vector<16xf32>
      %sub3A_1330 = arith.subf %add3A_1328, %mul3A_1329 : vector<16xf32>
      %abs3A_1331 = math.absf %sub3A_1330 : vector<16xf32>
      %add3A_1332 = arith.addf %add3A_1321, %abs3A_1331 : vector<16xf32>
      %broadcast_in_dim3A_1333 = arith.constant 45 : i32
      %broadcast_in_dim3A_1334 = vector.broadcast %broadcast_in_dim3A_1333 : i32 to vector<16xi32>
      %gather3A_1335 = tpu.vector_load_idx %arg11[%add3A_250, %broadcast_in_dim3A_1334] : memref<512x64xf32, #tpu.memory_space<vmem>>[vector<16xi32>, vector<16xi32>], vector<16xf32>,
      %gather3A_1336 = tpu.vector_load_idx %arg12[%add3A_250, %broadcast_in_dim3A_1334] : memref<512x64xf32, #tpu.memory_space<vmem>>[vector<16xi32>, vector<16xi32>], vector<16xf32>,
      %gather3A_1337 = tpu.vector_load_idx %arg13[%add3A_250, %broadcast_in_dim3A_1334] : memref<512x64xf32, #tpu.memory_space<vmem>>[vector<16xi32>, vector<16xi32>], vector<16xf32>,
      %mul3A_1338 = arith.mulf %gather3A_1335, %mul3A_798 : vector<16xf32>
      %add3A_1339 = arith.addf %mul3A_1338, %gather3A_1336 : vector<16xf32>
      %mul3A_1340 = arith.mulf %gather3A_1337, %mul3A_836 : vector<16xf32>
      %sub3A_1341 = arith.subf %add3A_1339, %mul3A_1340 : vector<16xf32>
      %abs3A_1342 = math.absf %sub3A_1341 : vector<16xf32>
      %add3A_1343 = arith.addf %add3A_1332, %abs3A_1342 : vector<16xf32>
      %broadcast_in_dim3A_1344 = arith.constant 46 : i32
      %broadcast_in_dim3A_1345 = vector.broadcast %broadcast_in_dim3A_1344 : i32 to vector<16xi32>
      %gather3A_1346 = tpu.vector_load_idx %arg11[%add3A_250, %broadcast_in_dim3A_1345] : memref<512x64xf32, #tpu.memory_space<vmem>>[vector<16xi32>, vector<16xi32>], vector<16xf32>,
      %gather3A_1347 = tpu.vector_load_idx %arg12[%add3A_250, %broadcast_in_dim3A_1345] : memref<512x64xf32, #tpu.memory_space<vmem>>[vector<16xi32>, vector<16xi32>], vector<16xf32>,
      %gather3A_1348 = tpu.vector_load_idx %arg13[%add3A_250, %broadcast_in_dim3A_1345] : memref<512x64xf32, #tpu.memory_space<vmem>>[vector<16xi32>, vector<16xi32>], vector<16xf32>,
      %mul3A_1349 = arith.mulf %gather3A_1346, %mul3A_798 : vector<16xf32>
      %add3A_1350 = arith.addf %mul3A_1349, %gather3A_1347 : vector<16xf32>
      %mul3A_1351 = arith.mulf %gather3A_1348, %mul3A_836 : vector<16xf32>
      %sub3A_1352 = arith.subf %add3A_1350, %mul3A_1351 : vector<16xf32>
      %abs3A_1353 = math.absf %sub3A_1352 : vector<16xf32>
      %add3A_1354 = arith.addf %add3A_1343, %abs3A_1353 : vector<16xf32>
      %broadcast_in_dim3A_1355 = arith.constant 47 : i32
      %broadcast_in_dim3A_1356 = vector.broadcast %broadcast_in_dim3A_1355 : i32 to vector<16xi32>
      %gather3A_1357 = tpu.vector_load_idx %arg11[%add3A_250, %broadcast_in_dim3A_1356] : memref<512x64xf32, #tpu.memory_space<vmem>>[vector<16xi32>, vector<16xi32>], vector<16xf32>,
      %gather3A_1358 = tpu.vector_load_idx %arg12[%add3A_250, %broadcast_in_dim3A_1356] : memref<512x64xf32, #tpu.memory_space<vmem>>[vector<16xi32>, vector<16xi32>], vector<16xf32>,
      %gather3A_1359 = tpu.vector_load_idx %arg13[%add3A_250, %broadcast_in_dim3A_1356] : memref<512x64xf32, #tpu.memory_space<vmem>>[vector<16xi32>, vector<16xi32>], vector<16xf32>,
      %mul3A_1360 = arith.mulf %gather3A_1357, %mul3A_798 : vector<16xf32>
      %add3A_1361 = arith.addf %mul3A_1360, %gather3A_1358 : vector<16xf32>
      %mul3A_1362 = arith.mulf %gather3A_1359, %mul3A_836 : vector<16xf32>
      %sub3A_1363 = arith.subf %add3A_1361, %mul3A_1362 : vector<16xf32>
      %abs3A_1364 = math.absf %sub3A_1363 : vector<16xf32>
      %add3A_1365 = arith.addf %add3A_1354, %abs3A_1364 : vector<16xf32>
      %broadcast_in_dim3A_1366 = arith.constant 48 : i32
      %broadcast_in_dim3A_1367 = vector.broadcast %broadcast_in_dim3A_1366 : i32 to vector<16xi32>
      %gather3A_1368 = tpu.vector_load_idx %arg11[%add3A_250, %broadcast_in_dim3A_1367] : memref<512x64xf32, #tpu.memory_space<vmem>>[vector<16xi32>, vector<16xi32>], vector<16xf32>,
      %gather3A_1369 = tpu.vector_load_idx %arg12[%add3A_250, %broadcast_in_dim3A_1367] : memref<512x64xf32, #tpu.memory_space<vmem>>[vector<16xi32>, vector<16xi32>], vector<16xf32>,
      %gather3A_1370 = tpu.vector_load_idx %arg13[%add3A_250, %broadcast_in_dim3A_1367] : memref<512x64xf32, #tpu.memory_space<vmem>>[vector<16xi32>, vector<16xi32>], vector<16xf32>,
      %mul3A_1371 = arith.mulf %gather3A_1368, %mul3A_798 : vector<16xf32>
      %add3A_1372 = arith.addf %mul3A_1371, %gather3A_1369 : vector<16xf32>
      %mul3A_1373 = arith.mulf %gather3A_1370, %mul3A_836 : vector<16xf32>
      %sub3A_1374 = arith.subf %add3A_1372, %mul3A_1373 : vector<16xf32>
      %abs3A_1375 = math.absf %sub3A_1374 : vector<16xf32>
      %add3A_1376 = arith.addf %add3A_1365, %abs3A_1375 : vector<16xf32>
      %broadcast_in_dim3A_1377 = arith.constant 49 : i32
      %broadcast_in_dim3A_1378 = vector.broadcast %broadcast_in_dim3A_1377 : i32 to vector<16xi32>
      %gather3A_1379 = tpu.vector_load_idx %arg11[%add3A_250, %broadcast_in_dim3A_1378] : memref<512x64xf32, #tpu.memory_space<vmem>>[vector<16xi32>, vector<16xi32>], vector<16xf32>,
      %gather3A_1380 = tpu.vector_load_idx %arg12[%add3A_250, %broadcast_in_dim3A_1378] : memref<512x64xf32, #tpu.memory_space<vmem>>[vector<16xi32>, vector<16xi32>], vector<16xf32>,
      %gather3A_1381 = tpu.vector_load_idx %arg13[%add3A_250, %broadcast_in_dim3A_1378] : memref<512x64xf32, #tpu.memory_space<vmem>>[vector<16xi32>, vector<16xi32>], vector<16xf32>,
      %mul3A_1382 = arith.mulf %gather3A_1379, %mul3A_798 : vector<16xf32>
      %add3A_1383 = arith.addf %mul3A_1382, %gather3A_1380 : vector<16xf32>
      %mul3A_1384 = arith.mulf %gather3A_1381, %mul3A_836 : vector<16xf32>
      %sub3A_1385 = arith.subf %add3A_1383, %mul3A_1384 : vector<16xf32>
      %abs3A_1386 = math.absf %sub3A_1385 : vector<16xf32>
      %add3A_1387 = arith.addf %add3A_1376, %abs3A_1386 : vector<16xf32>
      %broadcast_in_dim3A_1388 = arith.constant 50 : i32
      %broadcast_in_dim3A_1389 = vector.broadcast %broadcast_in_dim3A_1388 : i32 to vector<16xi32>
      %gather3A_1390 = tpu.vector_load_idx %arg11[%add3A_250, %broadcast_in_dim3A_1389] : memref<512x64xf32, #tpu.memory_space<vmem>>[vector<16xi32>, vector<16xi32>], vector<16xf32>,
      %gather3A_1391 = tpu.vector_load_idx %arg12[%add3A_250, %broadcast_in_dim3A_1389] : memref<512x64xf32, #tpu.memory_space<vmem>>[vector<16xi32>, vector<16xi32>], vector<16xf32>,
      %gather3A_1392 = tpu.vector_load_idx %arg13[%add3A_250, %broadcast_in_dim3A_1389] : memref<512x64xf32, #tpu.memory_space<vmem>>[vector<16xi32>, vector<16xi32>], vector<16xf32>,
      %mul3A_1393 = arith.mulf %gather3A_1390, %mul3A_798 : vector<16xf32>
      %add3A_1394 = arith.addf %mul3A_1393, %gather3A_1391 : vector<16xf32>
      %mul3A_1395 = arith.mulf %gather3A_1392, %mul3A_836 : vector<16xf32>
      %sub3A_1396 = arith.subf %add3A_1394, %mul3A_1395 : vector<16xf32>
      %abs3A_1397 = math.absf %sub3A_1396 : vector<16xf32>
      %add3A_1398 = arith.addf %add3A_1387, %abs3A_1397 : vector<16xf32>
      %broadcast_in_dim3A_1399 = arith.constant 51 : i32
      %broadcast_in_dim3A_1400 = vector.broadcast %broadcast_in_dim3A_1399 : i32 to vector<16xi32>
      %gather3A_1401 = tpu.vector_load_idx %arg11[%add3A_250, %broadcast_in_dim3A_1400] : memref<512x64xf32, #tpu.memory_space<vmem>>[vector<16xi32>, vector<16xi32>], vector<16xf32>,
      %gather3A_1402 = tpu.vector_load_idx %arg12[%add3A_250, %broadcast_in_dim3A_1400] : memref<512x64xf32, #tpu.memory_space<vmem>>[vector<16xi32>, vector<16xi32>], vector<16xf32>,
      %gather3A_1403 = tpu.vector_load_idx %arg13[%add3A_250, %broadcast_in_dim3A_1400] : memref<512x64xf32, #tpu.memory_space<vmem>>[vector<16xi32>, vector<16xi32>], vector<16xf32>,
      %mul3A_1404 = arith.mulf %gather3A_1401, %mul3A_798 : vector<16xf32>
      %add3A_1405 = arith.addf %mul3A_1404, %gather3A_1402 : vector<16xf32>
      %mul3A_1406 = arith.mulf %gather3A_1403, %mul3A_836 : vector<16xf32>
      %sub3A_1407 = arith.subf %add3A_1405, %mul3A_1406 : vector<16xf32>
      %abs3A_1408 = math.absf %sub3A_1407 : vector<16xf32>
      %add3A_1409 = arith.addf %add3A_1398, %abs3A_1408 : vector<16xf32>
      %broadcast_in_dim3A_1410 = arith.constant 52 : i32
      %broadcast_in_dim3A_1411 = vector.broadcast %broadcast_in_dim3A_1410 : i32 to vector<16xi32>
      %gather3A_1412 = tpu.vector_load_idx %arg11[%add3A_250, %broadcast_in_dim3A_1411] : memref<512x64xf32, #tpu.memory_space<vmem>>[vector<16xi32>, vector<16xi32>], vector<16xf32>,
      %gather3A_1413 = tpu.vector_load_idx %arg12[%add3A_250, %broadcast_in_dim3A_1411] : memref<512x64xf32, #tpu.memory_space<vmem>>[vector<16xi32>, vector<16xi32>], vector<16xf32>,
      %gather3A_1414 = tpu.vector_load_idx %arg13[%add3A_250, %broadcast_in_dim3A_1411] : memref<512x64xf32, #tpu.memory_space<vmem>>[vector<16xi32>, vector<16xi32>], vector<16xf32>,
      %mul3A_1415 = arith.mulf %gather3A_1412, %mul3A_798 : vector<16xf32>
      %add3A_1416 = arith.addf %mul3A_1415, %gather3A_1413 : vector<16xf32>
      %mul3A_1417 = arith.mulf %gather3A_1414, %mul3A_836 : vector<16xf32>
      %sub3A_1418 = arith.subf %add3A_1416, %mul3A_1417 : vector<16xf32>
      %abs3A_1419 = math.absf %sub3A_1418 : vector<16xf32>
      %add3A_1420 = arith.addf %add3A_1409, %abs3A_1419 : vector<16xf32>
      %broadcast_in_dim3A_1421 = arith.constant 53 : i32
      %broadcast_in_dim3A_1422 = vector.broadcast %broadcast_in_dim3A_1421 : i32 to vector<16xi32>
      %gather3A_1423 = tpu.vector_load_idx %arg11[%add3A_250, %broadcast_in_dim3A_1422] : memref<512x64xf32, #tpu.memory_space<vmem>>[vector<16xi32>, vector<16xi32>], vector<16xf32>,
      %gather3A_1424 = tpu.vector_load_idx %arg12[%add3A_250, %broadcast_in_dim3A_1422] : memref<512x64xf32, #tpu.memory_space<vmem>>[vector<16xi32>, vector<16xi32>], vector<16xf32>,
      %gather3A_1425 = tpu.vector_load_idx %arg13[%add3A_250, %broadcast_in_dim3A_1422] : memref<512x64xf32, #tpu.memory_space<vmem>>[vector<16xi32>, vector<16xi32>], vector<16xf32>,
      %mul3A_1426 = arith.mulf %gather3A_1423, %mul3A_798 : vector<16xf32>
      %add3A_1427 = arith.addf %mul3A_1426, %gather3A_1424 : vector<16xf32>
      %mul3A_1428 = arith.mulf %gather3A_1425, %mul3A_836 : vector<16xf32>
      %sub3A_1429 = arith.subf %add3A_1427, %mul3A_1428 : vector<16xf32>
      %abs3A_1430 = math.absf %sub3A_1429 : vector<16xf32>
      %add3A_1431 = arith.addf %add3A_1420, %abs3A_1430 : vector<16xf32>
      %broadcast_in_dim3A_1432 = arith.constant 54 : i32
      %broadcast_in_dim3A_1433 = vector.broadcast %broadcast_in_dim3A_1432 : i32 to vector<16xi32>
      %gather3A_1434 = tpu.vector_load_idx %arg11[%add3A_250, %broadcast_in_dim3A_1433] : memref<512x64xf32, #tpu.memory_space<vmem>>[vector<16xi32>, vector<16xi32>], vector<16xf32>,
      %gather3A_1435 = tpu.vector_load_idx %arg12[%add3A_250, %broadcast_in_dim3A_1433] : memref<512x64xf32, #tpu.memory_space<vmem>>[vector<16xi32>, vector<16xi32>], vector<16xf32>,
      %gather3A_1436 = tpu.vector_load_idx %arg13[%add3A_250, %broadcast_in_dim3A_1433] : memref<512x64xf32, #tpu.memory_space<vmem>>[vector<16xi32>, vector<16xi32>], vector<16xf32>,
      %mul3A_1437 = arith.mulf %gather3A_1434, %mul3A_798 : vector<16xf32>
      %add3A_1438 = arith.addf %mul3A_1437, %gather3A_1435 : vector<16xf32>
      %mul3A_1439 = arith.mulf %gather3A_1436, %mul3A_836 : vector<16xf32>
      %sub3A_1440 = arith.subf %add3A_1438, %mul3A_1439 : vector<16xf32>
      %abs3A_1441 = math.absf %sub3A_1440 : vector<16xf32>
      %add3A_1442 = arith.addf %add3A_1431, %abs3A_1441 : vector<16xf32>
      %broadcast_in_dim3A_1443 = arith.constant 55 : i32
      %broadcast_in_dim3A_1444 = vector.broadcast %broadcast_in_dim3A_1443 : i32 to vector<16xi32>
      %gather3A_1445 = tpu.vector_load_idx %arg11[%add3A_250, %broadcast_in_dim3A_1444] : memref<512x64xf32, #tpu.memory_space<vmem>>[vector<16xi32>, vector<16xi32>], vector<16xf32>,
      %gather3A_1446 = tpu.vector_load_idx %arg12[%add3A_250, %broadcast_in_dim3A_1444] : memref<512x64xf32, #tpu.memory_space<vmem>>[vector<16xi32>, vector<16xi32>], vector<16xf32>,
      %gather3A_1447 = tpu.vector_load_idx %arg13[%add3A_250, %broadcast_in_dim3A_1444] : memref<512x64xf32, #tpu.memory_space<vmem>>[vector<16xi32>, vector<16xi32>], vector<16xf32>,
      %mul3A_1448 = arith.mulf %gather3A_1445, %mul3A_798 : vector<16xf32>
      %add3A_1449 = arith.addf %mul3A_1448, %gather3A_1446 : vector<16xf32>
      %mul3A_1450 = arith.mulf %gather3A_1447, %mul3A_836 : vector<16xf32>
      %sub3A_1451 = arith.subf %add3A_1449, %mul3A_1450 : vector<16xf32>
      %abs3A_1452 = math.absf %sub3A_1451 : vector<16xf32>
      %add3A_1453 = arith.addf %add3A_1442, %abs3A_1452 : vector<16xf32>
      %broadcast_in_dim3A_1454 = arith.constant 56 : i32
      %broadcast_in_dim3A_1455 = vector.broadcast %broadcast_in_dim3A_1454 : i32 to vector<16xi32>
      %gather3A_1456 = tpu.vector_load_idx %arg11[%add3A_250, %broadcast_in_dim3A_1455] : memref<512x64xf32, #tpu.memory_space<vmem>>[vector<16xi32>, vector<16xi32>], vector<16xf32>,
      %gather3A_1457 = tpu.vector_load_idx %arg12[%add3A_250, %broadcast_in_dim3A_1455] : memref<512x64xf32, #tpu.memory_space<vmem>>[vector<16xi32>, vector<16xi32>], vector<16xf32>,
      %gather3A_1458 = tpu.vector_load_idx %arg13[%add3A_250, %broadcast_in_dim3A_1455] : memref<512x64xf32, #tpu.memory_space<vmem>>[vector<16xi32>, vector<16xi32>], vector<16xf32>,
      %mul3A_1459 = arith.mulf %gather3A_1456, %mul3A_798 : vector<16xf32>
      %add3A_1460 = arith.addf %mul3A_1459, %gather3A_1457 : vector<16xf32>
      %mul3A_1461 = arith.mulf %gather3A_1458, %mul3A_836 : vector<16xf32>
      %sub3A_1462 = arith.subf %add3A_1460, %mul3A_1461 : vector<16xf32>
      %abs3A_1463 = math.absf %sub3A_1462 : vector<16xf32>
      %add3A_1464 = arith.addf %add3A_1453, %abs3A_1463 : vector<16xf32>
      %broadcast_in_dim3A_1465 = arith.constant 57 : i32
      %broadcast_in_dim3A_1466 = vector.broadcast %broadcast_in_dim3A_1465 : i32 to vector<16xi32>
      %gather3A_1467 = tpu.vector_load_idx %arg11[%add3A_250, %broadcast_in_dim3A_1466] : memref<512x64xf32, #tpu.memory_space<vmem>>[vector<16xi32>, vector<16xi32>], vector<16xf32>,
      %gather3A_1468 = tpu.vector_load_idx %arg12[%add3A_250, %broadcast_in_dim3A_1466] : memref<512x64xf32, #tpu.memory_space<vmem>>[vector<16xi32>, vector<16xi32>], vector<16xf32>,
      %gather3A_1469 = tpu.vector_load_idx %arg13[%add3A_250, %broadcast_in_dim3A_1466] : memref<512x64xf32, #tpu.memory_space<vmem>>[vector<16xi32>, vector<16xi32>], vector<16xf32>,
      %mul3A_1470 = arith.mulf %gather3A_1467, %mul3A_798 : vector<16xf32>
      %add3A_1471 = arith.addf %mul3A_1470, %gather3A_1468 : vector<16xf32>
      %mul3A_1472 = arith.mulf %gather3A_1469, %mul3A_836 : vector<16xf32>
      %sub3A_1473 = arith.subf %add3A_1471, %mul3A_1472 : vector<16xf32>
      %abs3A_1474 = math.absf %sub3A_1473 : vector<16xf32>
      %add3A_1475 = arith.addf %add3A_1464, %abs3A_1474 : vector<16xf32>
      %broadcast_in_dim3A_1476 = arith.constant 58 : i32
      %broadcast_in_dim3A_1477 = vector.broadcast %broadcast_in_dim3A_1476 : i32 to vector<16xi32>
      %gather3A_1478 = tpu.vector_load_idx %arg11[%add3A_250, %broadcast_in_dim3A_1477] : memref<512x64xf32, #tpu.memory_space<vmem>>[vector<16xi32>, vector<16xi32>], vector<16xf32>,
      %gather3A_1479 = tpu.vector_load_idx %arg12[%add3A_250, %broadcast_in_dim3A_1477] : memref<512x64xf32, #tpu.memory_space<vmem>>[vector<16xi32>, vector<16xi32>], vector<16xf32>,
      %gather3A_1480 = tpu.vector_load_idx %arg13[%add3A_250, %broadcast_in_dim3A_1477] : memref<512x64xf32, #tpu.memory_space<vmem>>[vector<16xi32>, vector<16xi32>], vector<16xf32>,
      %mul3A_1481 = arith.mulf %gather3A_1478, %mul3A_798 : vector<16xf32>
      %add3A_1482 = arith.addf %mul3A_1481, %gather3A_1479 : vector<16xf32>
      %mul3A_1483 = arith.mulf %gather3A_1480, %mul3A_836 : vector<16xf32>
      %sub3A_1484 = arith.subf %add3A_1482, %mul3A_1483 : vector<16xf32>
      %abs3A_1485 = math.absf %sub3A_1484 : vector<16xf32>
      %add3A_1486 = arith.addf %add3A_1475, %abs3A_1485 : vector<16xf32>
      %broadcast_in_dim3A_1487 = arith.constant 59 : i32
      %broadcast_in_dim3A_1488 = vector.broadcast %broadcast_in_dim3A_1487 : i32 to vector<16xi32>
      %gather3A_1489 = tpu.vector_load_idx %arg11[%add3A_250, %broadcast_in_dim3A_1488] : memref<512x64xf32, #tpu.memory_space<vmem>>[vector<16xi32>, vector<16xi32>], vector<16xf32>,
      %gather3A_1490 = tpu.vector_load_idx %arg12[%add3A_250, %broadcast_in_dim3A_1488] : memref<512x64xf32, #tpu.memory_space<vmem>>[vector<16xi32>, vector<16xi32>], vector<16xf32>,
      %gather3A_1491 = tpu.vector_load_idx %arg13[%add3A_250, %broadcast_in_dim3A_1488] : memref<512x64xf32, #tpu.memory_space<vmem>>[vector<16xi32>, vector<16xi32>], vector<16xf32>,
      %mul3A_1492 = arith.mulf %gather3A_1489, %mul3A_798 : vector<16xf32>
      %add3A_1493 = arith.addf %mul3A_1492, %gather3A_1490 : vector<16xf32>
      %mul3A_1494 = arith.mulf %gather3A_1491, %mul3A_836 : vector<16xf32>
      %sub3A_1495 = arith.subf %add3A_1493, %mul3A_1494 : vector<16xf32>
      %abs3A_1496 = math.absf %sub3A_1495 : vector<16xf32>
      %add3A_1497 = arith.addf %add3A_1486, %abs3A_1496 : vector<16xf32>
      %broadcast_in_dim3A_1498 = arith.constant 60 : i32
      %broadcast_in_dim3A_1499 = vector.broadcast %broadcast_in_dim3A_1498 : i32 to vector<16xi32>
      %gather3A_1500 = tpu.vector_load_idx %arg11[%add3A_250, %broadcast_in_dim3A_1499] : memref<512x64xf32, #tpu.memory_space<vmem>>[vector<16xi32>, vector<16xi32>], vector<16xf32>,
      %gather3A_1501 = tpu.vector_load_idx %arg12[%add3A_250, %broadcast_in_dim3A_1499] : memref<512x64xf32, #tpu.memory_space<vmem>>[vector<16xi32>, vector<16xi32>], vector<16xf32>,
      %gather3A_1502 = tpu.vector_load_idx %arg13[%add3A_250, %broadcast_in_dim3A_1499] : memref<512x64xf32, #tpu.memory_space<vmem>>[vector<16xi32>, vector<16xi32>], vector<16xf32>,
      %mul3A_1503 = arith.mulf %gather3A_1500, %mul3A_798 : vector<16xf32>
      %add3A_1504 = arith.addf %mul3A_1503, %gather3A_1501 : vector<16xf32>
      %mul3A_1505 = arith.mulf %gather3A_1502, %mul3A_836 : vector<16xf32>
      %sub3A_1506 = arith.subf %add3A_1504, %mul3A_1505 : vector<16xf32>
      %abs3A_1507 = math.absf %sub3A_1506 : vector<16xf32>
      %add3A_1508 = arith.addf %add3A_1497, %abs3A_1507 : vector<16xf32>
      %broadcast_in_dim3A_1509 = arith.constant 61 : i32
      %broadcast_in_dim3A_1510 = vector.broadcast %broadcast_in_dim3A_1509 : i32 to vector<16xi32>
      %gather3A_1511 = tpu.vector_load_idx %arg11[%add3A_250, %broadcast_in_dim3A_1510] : memref<512x64xf32, #tpu.memory_space<vmem>>[vector<16xi32>, vector<16xi32>], vector<16xf32>,
      %gather3A_1512 = tpu.vector_load_idx %arg12[%add3A_250, %broadcast_in_dim3A_1510] : memref<512x64xf32, #tpu.memory_space<vmem>>[vector<16xi32>, vector<16xi32>], vector<16xf32>,
      %gather3A_1513 = tpu.vector_load_idx %arg13[%add3A_250, %broadcast_in_dim3A_1510] : memref<512x64xf32, #tpu.memory_space<vmem>>[vector<16xi32>, vector<16xi32>], vector<16xf32>,
      %mul3A_1514 = arith.mulf %gather3A_1511, %mul3A_798 : vector<16xf32>
      %add3A_1515 = arith.addf %mul3A_1514, %gather3A_1512 : vector<16xf32>
      %mul3A_1516 = arith.mulf %gather3A_1513, %mul3A_836 : vector<16xf32>
      %sub3A_1517 = arith.subf %add3A_1515, %mul3A_1516 : vector<16xf32>
      %abs3A_1518 = math.absf %sub3A_1517 : vector<16xf32>
      %add3A_1519 = arith.addf %add3A_1508, %abs3A_1518 : vector<16xf32>
      %broadcast_in_dim3A_1520 = arith.constant 62 : i32
      %broadcast_in_dim3A_1521 = vector.broadcast %broadcast_in_dim3A_1520 : i32 to vector<16xi32>
      %gather3A_1522 = tpu.vector_load_idx %arg11[%add3A_250, %broadcast_in_dim3A_1521] : memref<512x64xf32, #tpu.memory_space<vmem>>[vector<16xi32>, vector<16xi32>], vector<16xf32>,
      %gather3A_1523 = tpu.vector_load_idx %arg12[%add3A_250, %broadcast_in_dim3A_1521] : memref<512x64xf32, #tpu.memory_space<vmem>>[vector<16xi32>, vector<16xi32>], vector<16xf32>,
      %gather3A_1524 = tpu.vector_load_idx %arg13[%add3A_250, %broadcast_in_dim3A_1521] : memref<512x64xf32, #tpu.memory_space<vmem>>[vector<16xi32>, vector<16xi32>], vector<16xf32>,
      %mul3A_1525 = arith.mulf %gather3A_1522, %mul3A_798 : vector<16xf32>
      %add3A_1526 = arith.addf %mul3A_1525, %gather3A_1523 : vector<16xf32>
      %mul3A_1527 = arith.mulf %gather3A_1524, %mul3A_836 : vector<16xf32>
      %sub3A_1528 = arith.subf %add3A_1526, %mul3A_1527 : vector<16xf32>
      %abs3A_1529 = math.absf %sub3A_1528 : vector<16xf32>
      %add3A_1530 = arith.addf %add3A_1519, %abs3A_1529 : vector<16xf32>
      %broadcast_in_dim3A_1531 = arith.constant 63 : i32
      %broadcast_in_dim3A_1532 = vector.broadcast %broadcast_in_dim3A_1531 : i32 to vector<16xi32>
      %gather3A_1533 = tpu.vector_load_idx %arg11[%add3A_250, %broadcast_in_dim3A_1532] : memref<512x64xf32, #tpu.memory_space<vmem>>[vector<16xi32>, vector<16xi32>], vector<16xf32>,
      %gather3A_1534 = tpu.vector_load_idx %arg12[%add3A_250, %broadcast_in_dim3A_1532] : memref<512x64xf32, #tpu.memory_space<vmem>>[vector<16xi32>, vector<16xi32>], vector<16xf32>,
      %gather3A_1535 = tpu.vector_load_idx %arg13[%add3A_250, %broadcast_in_dim3A_1532] : memref<512x64xf32, #tpu.memory_space<vmem>>[vector<16xi32>, vector<16xi32>], vector<16xf32>,
      %mul3A_1536 = arith.mulf %gather3A_1533, %mul3A_798 : vector<16xf32>
      %add3A_1537 = arith.addf %mul3A_1536, %gather3A_1534 : vector<16xf32>
      %mul3A_1538 = arith.mulf %gather3A_1535, %mul3A_836 : vector<16xf32>
      %sub3A_1539 = arith.subf %add3A_1537, %mul3A_1538 : vector<16xf32>
      %abs3A_1540 = math.absf %sub3A_1539 : vector<16xf32>
      %add3A_1541 = arith.addf %add3A_1530, %abs3A_1540 : vector<16xf32>
      %neg3A = arith.constant 0.000000e+00 : f32
      %neg3A_1542 = vector.broadcast %neg3A : f32 to vector<16xf32>
      %neg3A_1543 = arith.subf %neg3A_1542, %add3A_1541 : vector<16xf32>
      %mul3A_1544 = arith.constant 16 : i32
      %mul3A_1545 = arith.muli %scan3A_246, %mul3A_1544 : i32
      %multiple_of3A = tpu.assume_multiple %mul3A_1545, 16 : i32
      %swap3A = arith.index_cast %multiple_of3A : i32 to index
      %swap3A_1546 = tpu.vector_load %arg14[%swap3A] {strides = array<i32>} : memref<512xf32, #tpu.memory_space<vmem>>, vector<16xf32>,
      tpu.vector_store %arg14[%swap3A], %neg3A_1543 {strides = array<i32>} : memref<512xf32, #tpu.memory_space<vmem>>, vector<16xf32>,
    }
    %scan3A_243 = arith.constant 32 : i32
    %mul3A_244 = arith.constant 512 : i32
    %mul3A_245 = arith.muli %add3A, %mul3A_244 : i32
    "tpu.region"() ({
      %run_scoped3A = tpu.sem_alloc : memref<!tpu.dma_semaphore, #tpu.memory_space<semaphore_mem>>
      %dma_start3A_246 = tpu.memref_slice %arg7[%mul3A_245] : memref<16384xf32, #tpu.memory_space<hbm>> -> memref<512xf32, #tpu.memory_space<hbm>>
      %dma_start3A_247 = tpu.memref_slice %arg7[%mul3A_245] : memref<16384xf32, #tpu.memory_space<hbm>> -> memref<512xf32, #tpu.memory_space<hbm>>
      tpu.enqueue_dma source(%arg14 : memref<512xf32, #tpu.memory_space<vmem>>) target(%dma_start3A_247 : memref<512xf32, #tpu.memory_space<hbm>>) target_semaphore(%run_scoped3A : memref<!tpu.dma_semaphore, #tpu.memory_space<semaphore_mem>>)
      %dma_wait3A_248 = tpu.memref_slice %arg7[%mul3A_245] : memref<16384xf32, #tpu.memory_space<hbm>> -> memref<512xf32, #tpu.memory_space<hbm>>
      %dma_wait3A_249 = tpu.memref_slice %arg7[%mul3A_245] : memref<16384xf32, #tpu.memory_space<hbm>> -> memref<512xf32, #tpu.memory_space<hbm>>
      tpu.wait_dma2 semaphore(%run_scoped3A : memref<!tpu.dma_semaphore, #tpu.memory_space<semaphore_mem>>) src(%arg14 : memref<512xf32, #tpu.memory_space<vmem>>) dst(%dma_wait3A_249 : memref<512xf32, #tpu.memory_space<hbm>>)
      tpu.yield
    }) : () -> ()
    return
  }
}

</mosaic_0001>

<sc_bundles>
// kernel: kernel.3.cloned.1.call-start
scs
__scs_entry_jumppad:
0x0: {  	(pc) =	sbr.rel $0x88, $3  }
0x1: {  	(tag) =	ssettag $0x0;
	lr =	simm.s32 $0x1  }
0x2: {  	[smem:$0x3F9C] =	sst lr;
	_ =	strace $0xD0000000  }
0x3: {  	_ = 	snop  }
0x4: {  	_ = 	snop  }
0x5: {  	_ = 	snop  }
0x6: {  	_ = 	snop  }
0x7: {  	_ = 	snop  }
__scs_overlays_trampoline_lowered:
0x8: {  	[smem:$0x3FAB] =	sst s0  }
0x9: {  	[smem:$0x3FAC] =	sst s1  }
0xa: {  	[smem:$0x3FAD] =	sst s2  }
0xb: {  	[smem:$0x3FAE] =	sst s3  }
0xc: {  	[smem:$0x3FAF] =	sst s4  }
0xd: {  	[smem:$0x3FB0] =	sst s5  }
0xe: {  	[smem:$0x3FB1] =	sst s6  }
0xf: {  	[smem:$0x3FB2] =	sst s7  }
0x10: {  	[smem:$0x3FB3] =	sst s8  }
0x11: {  	[smem:$0x3FB4] =	sst s9;
	s0 =	simm.s32 @!p0 $0x0  }
0x12: {  	s1 =	sld [smem:$0x3F9A];
	s0 =	simm.s32 @p0 $0x1  }
0x13: {  	[smem:$0x3FB5] =	sst s0;
	s0 =	simm.s32 @!p1 $0x0  }
0x14: {  	s2 =	sld [smem:$0x3F99];
	s0 =	simm.s32 @p1 $0x1  }
0x15: {  	[smem:$0x3FB6] =	sst s0;
	s0 =	simm.s32 @!p2 $0x0  }
0x16: {  	s3 =	sld [smem:$0x3FDB];
	s0 =	simm.s32 @p2 $0x1  }
0x17: {  	s4 =	simm.s32 $0x1BF5;
	[smem:$0x3FB8] =	sst s0  }
0x18: {  	s0 =	sld [smem:$0x3F9B];
	_ =	swait.ge [sflag:s4], $0x0  }
0x19: {  	s7 =	sld [smem:$0x3F9C]  }
0x1a: {  	s8 =	sadd.s32 $0xFFFFE003, lr  }
0x1b: {  	s9 =	sadd.s32 $0xFFFFFEF7, lr;
	s5 =	simm.s32 $0xFFFFFFFF;
	p2 =	slt.u32 s8, $0xFFFFF086  }
0x1c: {  	p1 =	slt.u32 s9, $0xF7A;
	s5 =	simm.s32 @!p2 $0x0  }
0x1d: {  	s5 =	simm.s32 @p1 $0x1;
	p0 =	seq.s32 s7, s2  }
0x1e: {  	s7 =	smul.u32 @!p0 $0xF7A, s2;
	p2 =	seq.s32 @!p0 s5, $0x0  }
0x1f: {  	s9 =	smul.u32 $0xF7A, s1;
	s8 =	simm.s32 @!p0 $0x1BF5;
	p2 =	por !p2, p0  }
0x20: {  	[sflag:s8] =	ssyncset.s32 @!p0 $0xFFFFF086;
	s6 =	sadd.s32 @!p0 s3, s7;
	s7 =	simm.s32 @!p0 $0x108  }
0x21: {  	s3 =	sadd.s32 s3, s9;
	s6 =	sadd.s32 @!p0 $0x88, s6;
	s7 =	simm.s32 @p2 $0x1082  }
0x22: {  	[simem:s7], [sflag:s8] =	dma.local @!p0 [hbm:s6], $0xF7A  }
0x23: {  	s9 =	sor.u32 $0xD0000000, s2;
	s6 =	simm.s32 $0x108;
	_ =	swait.ge @!p0 [sflag:s8], $0x0  }
0x24: {  	s3 =	sadd.s32 $0x88, s3;
	s6 =	simm.s32 @!p1 $0x1082;
	[sflag:s4] =	ssyncset.s32 $0xFFFFF086  }
0x25: {  	[simem:s6], [sflag:s4] =	dma.local [hbm:s3], $0xF7A  }
0x26: {  	[smem:$0x3F9C] =	sst s1;
	(tag) =	ssettag s2;
	_ =	strace s9  }
0x27: {  	s1 =	sld [smem:$0x3FAC]  }
0x28: {  	s2 =	sld [smem:$0x3FAD]  }
0x29: {  	s4 =	sld [smem:$0x3FAF]  }
0x2a: {  	p0 =	seq.s32 s5, $0x0;
	s5 =	sld [smem:$0x3FB0]  }
0x2b: {  	s6 =	sld [smem:$0x3FB1]  }
0x2c: {  	s7 =	sld [smem:$0x3FB2]  }
0x2d: {  	s3 =	simm.s32 $0x108;
	s8 =	sld [smem:$0x3FB3]  }
0x2e: {  	s3 =	simm.s32 @!p0 $0x1082;
	s9 =	sld [smem:$0x3FB4]  }
0x2f: {  	lr =	sadd.s32 s0, s3;
	s0 =	sld [smem:$0x3FAB]  }
0x30: {  	s3 =	sld [smem:$0x3FAE]  }
0x31: {  	[smem:$0x3FB7] =	sst s10  }
0x32: {  	s10 =	sld [smem:$0x3FB5];
	_ =	sdelay $0x3  }
0x33: {  	p0 =	seq.s32 s10, $0x1;
	s10 =	sld [smem:$0x3FB7];
	_ =	sdelay $0x3  }
0x34: {  	[smem:$0x3FB7] =	sst s10  }
0x35: {  	s10 =	sld [smem:$0x3FB6];
	_ =	sdelay $0x3  }
0x36: {  	p1 =	seq.s32 s10, $0x1;
	s10 =	sld [smem:$0x3FB7];
	_ =	sdelay $0x3  }
0x37: {  	[smem:$0x3FB7] =	sst s10  }
0x38: {  	s10 =	sld [smem:$0x3FB8]  }
0x39: {  	_ = 	snop;
	(pc) =	sbr.ind lr, $3  }
0x3a: {  	_ = 	snop  }
0x3b: {  	_ = 	snop  }
0x3c: {  	p2 =	seq.s32 s10, $0x1;
	s10 =	sld [smem:$0x3FB7]  }
0x3d: {  	_ =	shalt  }
0x3e: {  	_ =	shalt  }
0x3f: {  	_ =	shalt  }
0x40: {  	_ =	shalt  }
0x41: {  	_ =	shalt  }
0x42: {  	_ =	shalt  }
0x43: {  	_ =	shalt  }
0x44: {  	_ =	shalt  }
0x45: {  	_ =	shalt  }
0x46: {  	_ =	shalt  }
0x47: {  	_ =	shalt  }
0x48: {  	_ =	shalt  }
0x49: {  	_ =	shalt  }
0x4a: {  	_ =	shalt  }
0x4b: {  	_ =	shalt  }
0x4c: {  	_ =	shalt  }
0x4d: {  	_ =	shalt  }
0x4e: {  	_ =	shalt  }
0x4f: {  	_ =	shalt  }
0x50: {  	_ =	shalt  }
0x51: {  	_ =	shalt  }
0x52: {  	_ =	shalt  }
0x53: {  	_ =	shalt  }
0x54: {  	_ =	shalt  }
0x55: {  	_ =	shalt  }
0x56: {  	_ =	shalt  }
0x57: {  	_ =	shalt  }
0x58: {  	_ =	shalt  }
0x59: {  	_ =	shalt  }
0x5a: {  	_ =	shalt  }
0x5b: {  	_ =	shalt  }
0x5c: {  	_ =	shalt  }
0x5d: {  	_ =	shalt  }
0x5e: {  	_ =	shalt  }
0x5f: {  	_ =	shalt  }
0x60: {  	_ =	shalt  }
0x61: {  	_ =	shalt  }
0x62: {  	_ =	shalt  }
0x63: {  	_ =	shalt  }
0x64: {  	_ =	shalt  }
0x65: {  	_ =	shalt  }
0x66: {  	_ =	shalt  }
0x67: {  	_ =	shalt  }
0x68: {  	_ =	shalt  }
0x69: {  	_ =	shalt  }
0x6a: {  	_ =	shalt  }
0x6b: {  	_ =	shalt  }
0x6c: {  	_ =	shalt  }
0x6d: {  	_ =	shalt  }
0x6e: {  	_ =	shalt  }
0x6f: {  	_ =	shalt  }
0x70: {  	_ =	shalt  }
0x71: {  	_ =	shalt  }
0x72: {  	_ =	shalt  }
0x73: {  	_ =	shalt  }
0x74: {  	_ =	shalt  }
0x75: {  	_ =	shalt  }
0x76: {  	_ =	shalt  }
0x77: {  	_ =	shalt  }
0x78: {  	_ =	shalt  }
0x79: {  	_ =	shalt  }
0x7a: {  	_ =	shalt  }
0x7b: {  	_ =	shalt  }
0x7c: {  	_ =	shalt  }
0x7d: {  	_ =	shalt  }
0x7e: {  	_ =	shalt  }
0x7f: {  	_ =	shalt  }
0x80: {  	_ =	shalt  }
0x81: {  	_ =	shalt  }
0x82: {  	_ =	shalt  }
0x83: {  	_ =	shalt  }
0x84: {  	_ =	shalt  }
0x85: {  	_ =	shalt  }
0x86: {  	_ =	shalt  }
0x87: {  	_ =	shalt  }
.Lfunc_end0:
.L_simem_size_0:
called_computation_lowered:
.L_overlay_start_0:
0x88: {  	s2 =	sld [smem:$0x3FD9]  }
0x89: {  	s3 =	sld [smem:$0x3FFE];
	_ =	sdelay $0x1  }
0x8a: {  	s1 =	srdreg.scid  }
0x8b: {  	s0 =	sand.u32 $0x1, s1  }
0x8c: {  	s17 =	sshll.u32 s0, $0xA;
	s2 =	sadd.s32 s3, s2  }
0x8d: {  	s2 =	sadd.s32 s2, s17  }
0x8e: {  	[smem:$0x3FC3] =	sst s2  }
0x8f: {  	_ = 	snop  }
0x90: {  	s2 =	sld [smem:$0x3FC9]  }
0x91: {  	s18 =	sld [smem:$0x3FC8]  }
0x92: {  	s4 =	sld [smem:$0x3FC7]  }
0x93: {  	s5 =	sld [smem:$0x3FD0];
	(tm) =	ssettm $0x1  }
0x94: {  	s6 =	sld [smem:$0x3FFB];
	_ =	sdelay $0x3  }
0x95: {  	_ =	strace s6  }
0x96: {  	s6 =	sld [smem:$0x3FFC];
	_ =	sdelay $0x3  }
0x97: {  	_ =	strace s6  }
0x98: {  	s6 =	sld [smem:$0x3FFD];
	_ =	sdelay $0x3  }
0x99: {  	_ =	strace s6  }
0x9a: {  	_ =	strace $0x8FFFFFFF  }
0x9b: {  	s19 =	sld [smem:$0x3FDB];
	_ =	sdelay $0x1  }
0x9c: {  	s7 =	simm.s32 $_scs_section_size  }
0x9d: {  	s8 =	simm.s32 $_size__tile_overlayer_lowered;
	s9 =	simm.s32 $_tile_overlayer_lowered  }
0x9e: {  	s22 =	simm.s32 $0x1BFF;
	s21 =	sshll.u32 s9, $0x1;
	s6 =	sadd.s32 s7, s19  }
0x9f: {  	s10 =	simm.s32 $0x0;
	s20 =	sshll.u32 s8, $0x1;
	s8 =	sadd.s32 s21, s6  }
0xa0: {  	[timem:s10], [sflag:s22] =	dma.local [hbm:s8], s20  }
0xa1: {  	_ =	swait.ge [sflag:s22], s20  }
0xa2: {  	s7 =	ssub.s32 $0x0, s20;
	[sflag:s22] =	ssyncset.done $0x0  }
0xa3: {  	[sflag:s22] =	ssyncadd.s32 s7;
	_ =	sdelay $0x1  }
0xa4: {  	s23 =	simm.s32 $0x1B8B  }
0xa5: {  	_ =	swait.ge [sflag:s23], $0x1  }
0xa6: {  	[sflag:s23] =	ssyncset.done $0x0  }
0xa7: {  	s25 =	simm.s32 $0x1B8E;
	s24 =	sld [smem:$0x3FFE];
	[sflag:s23] =	ssyncadd.s32 $0xFFFFFFFF  }
0xa8: {  	s26 =	simm.s32 $execute0_lowered;
	[smem:$0x3FD2] =	sst s25  }
0xa9: {  	s8 =	sshll.u32 s26, $0x1;
	_ =	strace $0x80000046;
	[dreg:$0x1] =	wrdreg $0xFFFFFFFF  }
0xaa: {  	s28 =	simm.s32 $_size_execute0_lowered;
	s6 =	sadd.s32 s6, s8;
	[dreg:$0x0] =	wrdreg $0x0  }
0xab: {  	s8 =	sshll.u32 s28, $0x1;
	[dreg:$0x2] =	wrdreg s6  }
0xac: {  	[dreg:$0x3] =	wrdreg s8  }
0xad: {  	[dreg:$0x4] =	wrdreg $0xC0  }
0xae: {  	_ =	task [dreg:s10], $0x5FFFF  }
0xaf: {  	[dreg:$0x1] =	wrdreg $0xFFFFFFFF  }
0xb0: {  	[dreg:$0x0] =	wrdreg $0x60  }
0xb1: {  	[dreg:$0x2] =	wrdreg s2  }
0xb2: {  	[dreg:$0x3] =	wrdreg s18  }
0xb3: {  	[dreg:$0x4] =	wrdreg s4  }
0xb4: {  	[dreg:$0x5] =	wrdreg s24  }
0xb5: {  	[dreg:$0x6] =	wrdreg s5  }
0xb6: {  	[dreg:$0x7] =	wrdreg $0x9  }
0xb7: {  	_ =	task.clear_ibuf [dreg:s10], $0x8FFFF;
	_ =	strace $0x90000046  }
0xb8: {  	s29 =	simm.s32 $0x9;
	_ =	strace $0x80000048  }
0xb9: {  	_ =	swait.ge [sflag:s29], $0x1  }
0xba: {  	[sflag:s29] =	ssyncadd.s32 $0xFFFFFFFF  }
0xbb: {  	_ =	strace $0x90000048  }
0xbc: {  	_ =	sfence  }
0xbd: {  	s30 =	sld [smem:$0x0];
	_ =	sdelay $0x2  }
0xbe: {  	s31 =	sshll.u32 s1, $0xD;
	s1 =	sshrl.u32 s1, $0x2  }
0xbf: {  	s3 =	sand.u32 $0x4000, s31;
	s1 =	sadd.s32 s1, s30  }
0xc0: {  	s0 =	sor.u32 s3, s0;
	s1 =	sshll.u32 s1, $0x11  }
0xc1: {  	s0 =	sor.u32 s1, s0  }
0xc2: {  	s0 =	sadd.s32 $0x8F2B, s0  }
0xc3: {  	[sflag:s0] =	ssyncadd.remote.s32 $0x1  }
0xc4: {  	_ =	sfence.sel $0xFFFF  }
0xc5: {  	[dreg:$0x0] =	wrdreg $0xFFFFFFFF;
	(pc) =	sbr.abs _section_cstart, $3  }
0xc6: {  	[dreg:$0x1] =	wrdreg $0xFFFFFFFF  }
0xc7: {  	_ =	task.clear_ibuf [dreg:s10], $0x2FFFF;
	_ =	strace $0x9FFFFFFF  }
0xc8: {  	(tm) =	ssettm $0x7FFFFFFF  }
0xc9: {  	_ =	shalt  }
tec
execute0_lowered:
.L_overlay_start_1:
0x0: {  	(tag) =	ssettag $0x1  }
0x1: {  	s0 =	rddreg [dreg:$0x0]  }
0x2: {  	s2 =	rddreg [dreg:$0x1]  }
0x3: {  	s7 =	rddreg [dreg:$0x2]  }
0x4: {  	s4 =	rddreg [dreg:$0x3]  }
0x5: {  	s8 =	rddreg [dreg:$0x4];
	s1 =	simm.s32 $0x0  }
0x6: {  	s5 =	srdreg.scid;
	s9 =	stileid.u32;
	s11 =	simm.s32 $0x200  }
0x7: {  	s12 =	simm.s32 $0x400;
	s13 =	simm.s32 $0x80;
	s14 =	simm.s32 $0x600  }
0x8: {  	s15 =	simm.s32 $0x10600;
	s16 =	simm.s32 $0x8600;
	s23 =	simm.s32 $0x4600  }
0x9: {  	s24 =	simm.s32 $0x500;
	s25 =	simm.s32 $0x14600;
	s26 =	simm.s32 $0x300  }
0xa: {  	s28 =	simm.s32 $0xC600;
	s29 =	simm.s32 $0x180;
	s30 =	simm.s32 $0x6600  }
0xb: {  	s31 =	simm.s32 $0x580;
	s17 =	simm.s32 $0xE600;
	s18 =	simm.s32 $0x1  }
0xc: {  	s19 =	simm.s32 $0x18600;
	s20 =	simm.s32 $0x0;
	[smem:$0x7FF] =	sst s1  }
0xd: {  	s3 =	sadd.s32 $0xF42A00, s4;
	s5 =	sand.u32 $0x1, s5;
	s9 =	sshll.u32 s9, $0x7  }
0xe: {  	s4 =	sadd.s32 $0x600, s4;
	s6 =	ssub.s32 $0x2, s5;
	s5 =	sshll.u32 s5, $0x6  }
0xf: {  	v0 =	vlaneseq.u32;
	_ =	strace $0x80000047;
	s10 =	sshrl.u32 s6, $0x1;
	s9 =	sor.u32 s5, s9  }
0x10: {  	v1 =	vmul.u32 $0x40, v0;
	s10 =	ssub.s32 s6, s10;
	s5 =	sadd.s32 s0, s9;
	s6 =	sadd.s32 s2, s9  }
0x11: {  	s7 =	sadd.s32 s7, s9;
	s8 =	sadd.s32 s8, s9;
	s0 =	simm.s32 $0x16600  }
0x12: {  	[tilespmem:$0x1FFF0] =	vst v1;
	s2 =	simm.s32 $0x380;
	s9 =	smax.u32 s10, $0x1;
	s10 =	simm.s32 $0x2  }
.LBB2_1:
0x13: {  	[tilespmem:s1], [sflag:$0x2] =	stream.linear.gather [hbm4b:s5+s1], $0x200, $0x38;
	[tilespmem:$0x18800] =	vst v63  }
0x14: {  	_ =	swait.ge [sflag:s10], $0x200  }
0x15: {  	[sflag:s10] =	ssyncset.done $0x0  }
0x16: {  	[sflag:s10] =	ssyncadd.s32 $0xFFFFFE00  }
0x17: {  	[tilespmem:s11], [sflag:$0x2] =	stream.linear.gather [hbm4b:s6+s1], $0x200, $0x38;
	[tilespmem:$0x18800] =	vst v63  }
0x18: {  	_ =	swait.ge [sflag:s10], $0x200  }
0x19: {  	[sflag:s10] =	ssyncset.done $0x0  }
0x1a: {  	[sflag:s10] =	ssyncadd.s32 $0xFFFFFE00  }
0x1b: {  	[tilespmem:s12], [sflag:$0x2] =	stream.linear.gather [hbm4b:s7+s1], $0x200, $0x38;
	[tilespmem:$0x18800] =	vst v63  }
0x1c: {  	_ =	swait.ge [sflag:s10], $0x200  }
0x1d: {  	[sflag:s10] =	ssyncset.done $0x0  }
0x1e: {  	[sflag:s10] =	ssyncadd.s32 $0xFFFFFE00  }
0x1f: {  	[tilespmem:s14], [sflag:$0x1] =	stream.indirect.gather [hbm4b:s3+s13], $0x40, s1, s13, $0xb8;
	[tilespmem:$0x18800] =	vst v63  }
0x20: {  	_ = 	snop  }
0x21: {  	[tilespmem:s15], [sflag:$0x1] =	stream.indirect.gather [hbm4b:s3+s13], $0x40, s12, s13, $0xb8;
	[tilespmem:$0x18800] =	vst v63  }
0x22: {  	_ = 	snop  }
0x23: {  	[tilespmem:s16], [sflag:$0x1] =	stream.indirect.gather [hbm4b:s4+s13], $0x40, s11, s13, $0xb8;
	[tilespmem:$0x18800] =	vst v63  }
0x24: {  	s21 =	simm.s32 $0x2600  }
0x25: {  	[tilespmem:s21], [sflag:$0x1] =	stream.indirect.gather [hbm4b:s3+s13], $0x40, s13, s13, $0xb8;
	[tilespmem:$0x18800] =	vst v63  }
0x26: {  	s22 =	simm.s32 $0x12600;
	s21 =	simm.s32 $0x480  }
0x27: {  	[tilespmem:s22], [sflag:$0x1] =	stream.indirect.gather [hbm4b:s3+s13], $0x40, s21, s13, $0xb8;
	[tilespmem:$0x18800] =	vst v63  }
0x28: {  	s21 =	simm.s32 $0x280;
	s22 =	simm.s32 $0xA600  }
0x29: {  	[tilespmem:s22], [sflag:$0x1] =	stream.indirect.gather [hbm4b:s4+s13], $0x40, s21, s13, $0xb8;
	[tilespmem:$0x18800] =	vst v63  }
0x2a: {  	s22 =	simm.s32 $0x100  }
0x2b: {  	[tilespmem:s23], [sflag:$0x1] =	stream.indirect.gather [hbm4b:s3+s13], $0x40, s22, s13, $0xb8;
	[tilespmem:$0x18800] =	vst v63  }
0x2c: {  	_ = 	snop  }
0x2d: {  	[tilespmem:s25], [sflag:$0x1] =	stream.indirect.gather [hbm4b:s3+s13], $0x40, s24, s13, $0xb8;
	[tilespmem:$0x18800] =	vst v63  }
0x2e: {  	_ = 	snop  }
0x2f: {  	[tilespmem:s28], [sflag:$0x1] =	stream.indirect.gather [hbm4b:s4+s13], $0x40, s26, s13, $0xb8;
	[tilespmem:$0x18800] =	vst v63  }
0x30: {  	_ = 	snop  }
0x31: {  	[tilespmem:s30], [sflag:$0x1] =	stream.indirect.gather [hbm4b:s3+s13], $0x40, s29, s13, $0xb8;
	[tilespmem:$0x18800] =	vst v63  }
0x32: {  	_ = 	snop  }
0x33: {  	[tilespmem:s0], [sflag:$0x1] =	stream.indirect.gather [hbm4b:s3+s13], $0x40, s31, s13, $0xb8;
	[tilespmem:$0x18800] =	vst v63  }
0x34: {  	_ = 	snop  }
0x35: {  	[tilespmem:s17], [sflag:$0x1] =	stream.indirect.gather [hbm4b:s4+s13], $0x40, s2, s13, $0xb8;
	[tilespmem:$0x18800] =	vst v63  }
0x36: {  	_ =	swait.ge [sflag:s18], $0x2000  }
0x37: {  	[sflag:s18] =	ssyncset.done $0x0  }
0x38: {  	[sflag:s18] =	ssyncadd.s32 $0xFFFFE000  }
0x39: {  	_ =	swait.ge [sflag:s18], $0x2000  }
0x3a: {  	[sflag:s18] =	ssyncset.done $0x0  }
0x3b: {  	[sflag:s18] =	ssyncadd.s32 $0xFFFFE000  }
0x3c: {  	_ =	swait.ge [sflag:s18], $0x2000  }
0x3d: {  	[sflag:s18] =	ssyncset.done $0x0  }
0x3e: {  	[sflag:s18] =	ssyncadd.s32 $0xFFFFE000  }
0x3f: {  	_ =	swait.ge [sflag:s18], $0x2000  }
0x40: {  	[sflag:s18] =	ssyncset.done $0x0  }
0x41: {  	[sflag:s18] =	ssyncadd.s32 $0xFFFFE000  }
0x42: {  	_ =	swait.ge [sflag:s18], $0x2000  }
0x43: {  	[sflag:s18] =	ssyncset.done $0x0  }
0x44: {  	[sflag:s18] =	ssyncadd.s32 $0xFFFFE000  }
0x45: {  	_ =	swait.ge [sflag:s18], $0x2000  }
0x46: {  	[sflag:s18] =	ssyncset.done $0x0  }
0x47: {  	[sflag:s18] =	ssyncadd.s32 $0xFFFFE000  }
0x48: {  	_ =	swait.ge [sflag:s18], $0x2000  }
0x49: {  	[sflag:s18] =	ssyncset.done $0x0  }
0x4a: {  	[sflag:s18] =	ssyncadd.s32 $0xFFFFE000  }
0x4b: {  	_ =	swait.ge [sflag:s18], $0x2000  }
0x4c: {  	[sflag:s18] =	ssyncset.done $0x0  }
0x4d: {  	[sflag:s18] =	ssyncadd.s32 $0xFFFFE000  }
0x4e: {  	_ =	swait.ge [sflag:s18], $0x2000  }
0x4f: {  	[sflag:s18] =	ssyncset.done $0x0  }
0x50: {  	[sflag:s18] =	ssyncadd.s32 $0xFFFFE000  }
0x51: {  	_ =	swait.ge [sflag:s18], $0x2000  }
0x52: {  	v0 =	vmov s1;
	[sflag:s18] =	ssyncset.done $0x0  }
0x53: {  	v0 =	vshll.u32 v0, $0x6;
	[sflag:s18] =	ssyncadd.s32 $0xFFFFE000  }
0x54: {  	v0 =	vor.u32 v1, v0;
	_ =	swait.ge [sflag:s18], $0x2000  }
0x55: {  	v21 =	vor.u32 $0x1, v0;
	[sflag:s18] =	ssyncset.done $0x0  }
0x56: {  	[sflag:s18] =	ssyncadd.s32 $0xFFFFE000  }
0x57: {  	_ =	swait.ge [sflag:s18], $0x2000  }
0x58: {  	v19 =	vor.u32 $0x2, v0;
	[sflag:s18] =	ssyncset.done $0x0  }
0x59: {  	[sflag:s18] =	ssyncadd.s32 $0xFFFFE000  }
0x5a: {  	v20 =	vor.u32 $0x3, v0;
	v2 =	vld.idx.msk [tilespmem:v21+s14+$0x0], $0xffff  }
0x5b: {  	v3 =	vld.idx.msk [tilespmem:v0+s14+$0x0], $0xffff  }
0x5c: {  	v22 =	vor.u32 $0x4, v0;
	v26 =	vor.u32 $0xE, v0;
	v1 =	vld.idx.msk [tilespmem:v21+s15+$0x0], $0xffff  }
0x5d: {  	v58 =	vor.u32 $0x5, v0;
	v37 =	vor.u32 $0x11, v0;
	[tilespmem:$0x1F060] =	vst v26;
	v7 =	vld.idx.msk [tilespmem:v19+s14+$0x0], $0xffff  }
0x5e: {  	[tilespmem:$0x1F0E0] =	vst v37;
	v9 =	vld.idx.msk [tilespmem:v0+s15+$0x0], $0xffff  }
0x5f: {  	v59 =	vor.u32 $0x6, v0;
	v10 =	vld.idx.msk [tilespmem:v20+s14+$0x0], $0xffff;
	[tilespmem:$0x1EEA0] =	vst v2  }
0x60: {  	v4 =	vld.idx.msk [tilespmem:v19+s15+$0x0], $0xffff;
	[tilespmem:$0x1EE90] =	vst v3  }
0x61: {  	v60 =	vor.u32 $0x7, v0;
	v13 =	vld.idx.msk [tilespmem:v22+s14+$0x0], $0xffff;
	[tilespmem:$0x1EED0] =	vst v1  }
0x62: {  	v12 =	vld.idx.msk [tilespmem:v58+s14+$0x0], $0xffff;
	[tilespmem:$0x1EEB0] =	vst v7  }
0x63: {  	v61 =	vor.u32 $0xA, v0;
	v11 =	vld.idx.msk [tilespmem:v22+s15+$0x0], $0xffff;
	[tilespmem:$0x1EEC0] =	vst v9  }
0x64: {  	v63 =	vor.u32 $0xB, v0;
	v45 =	vld.idx.msk [tilespmem:v59+s14+$0x0], $0xffff;
	[tilespmem:$0x1EEE0] =	vst v10  }
0x65: {  	v46 =	vld.idx.msk [tilespmem:v58+s15+$0x0], $0xffff;
	[tilespmem:$0x1EEF0] =	vst v4  }
0x66: {  	v49 =	vld.idx.msk [tilespmem:v60+s14+$0x0], $0xffff;
	[tilespmem:$0x1EF00] =	vst v13  }
0x67: {  	v62 =	vor.u32 $0xD, v0;
	v53 =	vld.idx.msk [tilespmem:v60+s15+$0x0], $0xffff;
	[tilespmem:$0x1EF20] =	vst v12  }
0x68: {  	v18 =	vld.idx.msk [tilespmem:v61+s14+$0x0], $0xffff;
	[tilespmem:$0x1EF30] =	vst v11  }
0x69: {  	v24 =	vld.idx.msk [tilespmem:v63+s14+$0x0], $0xffff;
	[tilespmem:$0x1EF40] =	vst v45  }
0x6a: {  	v25 =	vld.idx.msk [tilespmem:v61+s15+$0x0], $0xffff;
	[tilespmem:$0x1EF50] =	vst v46  }
0x6b: {  	v30 =	vld.idx.msk [tilespmem:v63+s15+$0x0], $0xffff;
	[tilespmem:$0x1EF60] =	vst v49  }
0x6c: {  	v14 =	vld.idx.msk [tilespmem:v62+s14+$0x0], $0xffff;
	[tilespmem:$0x1EFB0] =	vst v53  }
0x6d: {  	v35 =	vld.idx.msk [tilespmem:v26+s14+$0x0], $0xffff;
	[tilespmem:$0x1EFE0] =	vst v18  }
0x6e: {  	v36 =	vld.idx.msk [tilespmem:v62+s15+$0x0], $0xffff;
	[tilespmem:$0x1F000] =	vst v24  }
0x6f: {  	v41 =	vld.idx.msk [tilespmem:v26+s15+$0x0], $0xffff;
	[tilespmem:$0x1F020] =	vst v25  }
0x70: {  	v5 =	vmul.f32 v3, v3;
	v3 =	vld.idx.msk [tilespmem:v20+s15+$0x0], $0xffff;
	[tilespmem:$0x1F040] =	vst v30  }
0x71: {  	v6 =	vmul.f32 v2, v2;
	v7 =	vmul.f32 v7, v7;
	v2 =	vor.u32 $0x8, v0;
	[tilespmem:$0x1F050] =	vst v14  }
0x72: {  	v8 =	vmul.f32 v9, v9;
	v42 =	vmul.f32 v1, v1;
	v1 =	vor.u32 $0x9, v0;
	[tilespmem:$0x1F080] =	vst v35  }
0x73: {  	v43 =	vmul.f32 v10, v10;
	v44 =	vmul.f32 v4, v4;
	[tilespmem:$0x1F0A0] =	vst v36  }
0x74: {  	v33 =	vmul.f32 v24, v24;
	[tilespmem:$0x1F0C0] =	vst v41;
	v24 =	vor.u32 $0x13, v0;
	v6 =	vadd.f32 v6, v5  }
0x75: {  	v47 =	vmul.f32 v13, v13;
	[tilespmem:$0x1EF10] =	vst v3;
	v48 =	vmul.f32 v3, v3;
	v3 =	vld.idx.msk [tilespmem:v59+s15+$0x0], $0xffff  }
0x76: {  	[tilespmem:$0x1EF70] =	vst v2;
	v8 =	vadd.f32 v42, v8;
	v6 =	vadd.f32 v7, v6;
	v52 =	vld.idx.msk [tilespmem:v2+s14+$0x0], $0xffff  }
0x77: {  	v50 =	vmul.f32 v12, v12;
	v39 =	vmul.f32 v30, v30;
	v30 =	vor.u32 $0x18, v0;
	[tilespmem:$0x1EFA0] =	vst v1;
	v56 =	vld.idx.msk [tilespmem:v1+s14+$0x0], $0xffff  }
0x78: {  	[tilespmem:$0x1F200] =	vst v30;
	v8 =	vadd.f32 v44, v8;
	v57 =	vld.idx.msk [tilespmem:v2+s15+$0x0], $0xffff;
	v2 =	vor.u32 $0xC, v0;
	v6 =	vadd.f32 v43, v6  }
0x79: {  	v51 =	vmul.f32 v11, v11;
	v31 =	vmul.f32 v18, v18;
	v18 =	vld.idx.msk [tilespmem:v24+s15+$0x0], $0xffff;
	[tilespmem:$0x1F010] =	vst v2  }
0x7a: {  	v54 =	vmul.f32 v45, v45;
	v8 =	vadd.f32 v48, v8;
	v7 =	vadd.f32 v47, v6;
	[tilespmem:$0x1EF80] =	vst v3  }
0x7b: {  	v26 =	vor.u32 $0x1A, v0;
	v55 =	vmul.f32 v46, v46;
	v16 =	vmul.f32 v49, v49;
	[tilespmem:$0x1EF90] =	vst v52  }
0x7c: {  	v48 =	vld.idx.msk [tilespmem:v37+s14+$0x0], $0xffff;
	v47 =	vmov v37;
	v8 =	vadd.f32 v51, v8;
	v7 =	vadd.f32 v50, v7;
	[tilespmem:$0x1EFC0] =	vst v56  }
0x7d: {  	v23 =	vmul.f32 v53, v53;
	[tilespmem:$0x1EFD0] =	vst v57;
	v17 =	vmul.f32 v3, v3;
	v3 =	vld.idx.msk [tilespmem:v1+s15+$0x0], $0xffff;
	v1 =	vmov v2  }
0x7e: {  	v29 =	vld.idx.msk [tilespmem:v2+s14+$0x0], $0xffff;
	v2 =	vor.u32 $0xF, v0;
	[tilespmem:$0x1F1A0] =	vst v18;
	v8 =	vadd.f32 v55, v8;
	v7 =	vadd.f32 v54, v7  }
0x7f: {  	v45 =	vmul.f32 v35, v35;
	v28 =	vmul.f32 v57, v57;
	v50 =	vor.u32 $0x14, v0;
	v57 =	vld.idx.msk [tilespmem:v24+s14+$0x0], $0xffff;
	[tilespmem:$0x1F090] =	vst v2  }
0x80: {  	v11 =	vmul.f32 v52, v52;
	[tilespmem:$0x1F160] =	vst v50;
	v8 =	vadd.f32 v17, v8;
	v10 =	vadd.f32 v16, v7  }
0x81: {  	v27 =	vmul.f32 v56, v56;
	[tilespmem:$0x1F100] =	vst v48;
	v54 =	vld.idx.msk [tilespmem:v47+s15+$0x0], $0xffff;
	v7 =	vmul.f32 v48, v48  }
0x82: {  	v35 =	vor.u32 $0x1C, v0;
	v48 =	vld.idx.msk [tilespmem:v26+s14+$0x0], $0xffff;
	[tilespmem:$0x1EFF0] =	vst v3;
	v8 =	vadd.f32 v23, v8;
	v10 =	vadd.f32 v11, v10  }
0x83: {  	[tilespmem:$0x1F030] =	vst v29;
	v32 =	vmul.f32 v3, v3;
	v3 =	vld.idx.msk [tilespmem:v1+s15+$0x0], $0xffff;
	v23 =	vor.u32 $0x10, v0;
	v1 =	vmov v2  }
0x84: {  	v40 =	vld.idx.msk [tilespmem:v2+s14+$0x0], $0xffff;
	v2 =	vor.u32 $0x12, v0;
	[tilespmem:$0x1F150] =	vst v57;
	v8 =	vadd.f32 v28, v8;
	v10 =	vadd.f32 v27, v10  }
0x85: {  	v34 =	vmul.f32 v25, v25;
	v38 =	vmul.f32 v29, v29;
	v17 =	vld.idx.msk [tilespmem:v50+s14+$0x0], $0xffff;
	[tilespmem:$0x1F110] =	vst v2  }
0x86: {  	v29 =	vld.idx.msk [tilespmem:v50+s15+$0x0], $0xffff;
	[tilespmem:$0x1F140] =	vst v54;
	v9 =	vadd.f32 v32, v8;
	v10 =	vadd.f32 v31, v10  }
0x87: {  	v42 =	vmul.f32 v14, v14;
	v14 =	vmul.f32 v57, v57;
	v57 =	vld.idx.msk [tilespmem:v35+s15+$0x0], $0xffff;
	[tilespmem:$0x1F260] =	vst v48  }
0x88: {  	[tilespmem:$0x1F070] =	vst v3;
	v9 =	vadd.f32 v34, v9;
	v10 =	vadd.f32 v33, v10  }
0x89: {  	v25 =	vor.u32 $0x17, v0;
	[tilespmem:$0x1F0B0] =	vst v40;
	v43 =	vmul.f32 v3, v3;
	v44 =	vld.idx.msk [tilespmem:v23+s14+$0x0], $0xffff  }
0x8a: {  	v3 =	vld.idx.msk [tilespmem:v1+s15+$0x0], $0xffff;
	v1 =	vmov v2;
	[tilespmem:$0x1F180] =	vst v17;
	v9 =	vadd.f32 v39, v9;
	v10 =	vadd.f32 v38, v10  }
0x8b: {  	v46 =	vmul.f32 v36, v36;
	v53 =	vld.idx.msk [tilespmem:v2+s14+$0x0], $0xffff;
	v2 =	vor.u32 $0x15, v0;
	[tilespmem:$0x1F1C0] =	vst v29  }
0x8c: {  	v49 =	vld.idx.msk [tilespmem:v23+s15+$0x0], $0xffff;
	[tilespmem:$0x1F2D0] =	vst v57;
	v12 =	vadd.f32 v43, v9;
	v10 =	vadd.f32 v42, v10  }
0x8d: {  	v52 =	vmul.f32 v41, v41;
	v51 =	vmul.f32 v40, v40;
	[tilespmem:$0x1F190] =	vst v2  }
0x8e: {  	v39 =	vld.idx.msk [tilespmem:v25+s14+$0x0], $0xffff;
	[tilespmem:$0x1F0D0] =	vst v44;
	v12 =	vadd.f32 v46, v12;
	v10 =	vadd.f32 v45, v10  }
0x8f: {  	v34 =	vor.u32 $0x19, v0;
	v33 =	vor.u32 $0x16, v0;
	[tilespmem:$0x1F0F0] =	vst v3;
	v56 =	vmul.f32 v3, v3;
	v3 =	vld.idx.msk [tilespmem:v1+s15+$0x0], $0xffff  }
0x90: {  	v55 =	vmul.f32 v44, v44;
	v1 =	vld.idx.msk [tilespmem:v2+s14+$0x0], $0xffff;
	v12 =	vadd.f32 v52, v12;
	v10 =	vadd.f32 v51, v10  }
0x91: {  	[tilespmem:$0x1F120] =	vst v49;
	v2 =	vld.idx.msk [tilespmem:v2+s15+$0x0], $0xffff  }
0x92: {  	v16 =	vmul.f32 v49, v49;
	v43 =	vld.idx.msk [tilespmem:v25+s15+$0x0], $0xffff;
	v12 =	vadd.f32 v56, v12;
	v10 =	vadd.f32 v55, v10  }
0x93: {  	v28 =	vmul.f32 v54, v54;
	[tilespmem:$0x1F130] =	vst v53;
	v27 =	vmul.f32 v53, v53;
	v53 =	vld.idx.msk [tilespmem:v35+s14+$0x0], $0xffff  }
0x94: {  	v36 =	vld.idx.msk [tilespmem:v33+s14+$0x0], $0xffff;
	[tilespmem:$0x1F1F0] =	vst v39;
	v12 =	vadd.f32 v16, v12;
	v10 =	vadd.f32 v7, v10  }
0x95: {  	v37 =	vmul.f32 v17, v17;
	v49 =	vld.idx.msk [tilespmem:v34+s15+$0x0], $0xffff;
	[tilespmem:$0x1F170] =	vst v3  }
0x96: {  	[tilespmem:$0x1F1B0] =	vst v1;
	v31 =	vmul.f32 v3, v3;
	v12 =	vadd.f32 v28, v12;
	v11 =	vadd.f32 v27, v10  }
0x97: {  	v38 =	vmul.f32 v18, v18;
	v42 =	vmul.f32 v29, v29;
	v40 =	vld.idx.msk [tilespmem:v33+s15+$0x0], $0xffff;
	[tilespmem:$0x1F1E0] =	vst v2  }
0x98: {  	v29 =	vor.u32 $0x23, v0;
	v3 =	vld.idx.msk [tilespmem:v30+s14+$0x0], $0xffff;
	[tilespmem:$0x1F230] =	vst v43;
	v12 =	vadd.f32 v31, v12;
	v11 =	vadd.f32 v14, v11  }
0x99: {  	v41 =	vmul.f32 v1, v1;
	[tilespmem:$0x1F2A0] =	vst v53;
	v15 =	vmul.f32 v36, v36  }
0x9a: {  	v45 =	vld.idx.msk [tilespmem:v34+s14+$0x0], $0xffff;
	[tilespmem:$0x1F1D0] =	vst v36;
	v36 =	vor.u32 $0x1F, v0;
	v12 =	vadd.f32 v38, v12;
	v11 =	vadd.f32 v37, v11  }
0x9b: {  	v46 =	vmul.f32 v39, v39;
	v44 =	vmul.f32 v2, v2;
	v1 =	vld.idx.msk [tilespmem:v30+s15+$0x0], $0xffff;
	[tilespmem:$0x1F270] =	vst v49;
	v27 =	vor.u32 $0x1D, v0  }
0x9c: {  	[tilespmem:$0x1F210] =	vst v40;
	v12 =	vadd.f32 v42, v12;
	v14 =	vadd.f32 v41, v11;
	v11 =	vor.u32 $0x1B, v0  }
0x9d: {  	v47 =	vmul.f32 v40, v40;
	v55 =	vmul.f32 v49, v49;
	v49 =	vld.idx.msk [tilespmem:v29+s14+$0x0], $0xffff;
	[tilespmem:$0x1F220] =	vst v3  }
0x9e: {  	v50 =	vmul.f32 v3, v3;
	v3 =	vld.idx.msk [tilespmem:v26+s15+$0x0], $0xffff;
	v12 =	vadd.f32 v44, v12;
	v14 =	vadd.f32 v15, v14  }
0x9f: {  	[tilespmem:$0x1F240] =	vst v45;
	v16 =	vmul.f32 v43, v43;
	v28 =	vor.u32 $0x20, v0;
	v32 =	vld.idx.msk [tilespmem:v36+s14+$0x0], $0xffff  }
0xa0: {  	[tilespmem:$0x1F250] =	vst v1;
	v10 =	vor.u32 $0x21, v0;
	v56 =	vld.idx.msk [tilespmem:v27+s14+$0x0], $0xffff;
	v13 =	vadd.f32 v47, v12;
	v14 =	vadd.f32 v46, v14  }
0xa1: {  	v51 =	vmul.f32 v45, v45;
	v52 =	vmul.f32 v1, v1;
	[tilespmem:$0x1F330] =	vst v10;
	v2 =	vld.idx.msk [tilespmem:v11+s14+$0x0], $0xffff  }
0xa2: {  	[tilespmem:$0x1F390] =	vst v49;
	v12 =	vor.u32 $0x1E, v0;
	v13 =	vadd.f32 v16, v13;
	v1 =	vld.idx.msk [tilespmem:v11+s15+$0x0], $0xffff;
	v14 =	vadd.f32 v50, v14  }
0xa3: {  	v54 =	vmul.f32 v48, v48;
	[tilespmem:$0x1F290] =	vst v3;
	v17 =	vmul.f32 v3, v3;
	v3 =	vld.idx.msk [tilespmem:v27+s15+$0x0], $0xffff  }
0xa4: {  	v42 =	vld.idx.msk [tilespmem:v36+s15+$0x0], $0xffff;
	[tilespmem:$0x1F300] =	vst v32;
	v13 =	vadd.f32 v52, v13;
	v14 =	vadd.f32 v51, v14  }
0xa5: {  	v37 =	vor.u32 $0x22, v0;
	v41 =	vld.idx.msk [tilespmem:v28+s14+$0x0], $0xffff;
	[tilespmem:$0x1F2C0] =	vst v56  }
0xa6: {  	v16 =	vadd.f32 v55, v13;
	[tilespmem:$0x1F280] =	vst v2;
	v14 =	vadd.f32 v54, v14;
	v9 =	vmul.f32 v2, v2  }
0xa7: {  	v30 =	vmul.f32 v53, v53;
	v40 =	vmul.f32 v57, v57;
	[tilespmem:$0x1F2B0] =	vst v1;
	v2 =	vld.idx.msk [tilespmem:v12+s14+$0x0], $0xffff  }
0xa8: {  	v31 =	vmul.f32 v1, v1;
	v1 =	vld.idx.msk [tilespmem:v12+s15+$0x0], $0xffff;
	v16 =	vadd.f32 v17, v16;
	v14 =	vadd.f32 v9, v14  }
0xa9: {  	[tilespmem:$0x1F2F0] =	vst v3;
	v39 =	vmul.f32 v56, v56;
	v44 =	vmul.f32 v3, v3;
	v3 =	vld.idx.msk [tilespmem:v28+s15+$0x0], $0xffff  }
0xaa: {  	[tilespmem:$0x1F340] =	vst v42;
	v46 =	vld.idx.msk [tilespmem:v37+s14+$0x0], $0xffff;
	v16 =	vadd.f32 v31, v16;
	v14 =	vadd.f32 v30, v14  }
0xab: {  	v38 =	vor.u32 $0x25, v0;
	[tilespmem:$0x1F320] =	vst v41;
	v50 =	vld.idx.msk [tilespmem:v37+s15+$0x0], $0xffff  }
0xac: {  	[tilespmem:$0x1F2E0] =	vst v2;
	v43 =	vmul.f32 v2, v2;
	v16 =	vadd.f32 v40, v16;
	v14 =	vadd.f32 v39, v14  }
0xad: {  	v18 =	vmul.f32 v32, v32;
	v30 =	vor.u32 $0x26, v0;
	[tilespmem:$0x1F310] =	vst v1;
	v2 =	vld.idx.msk [tilespmem:v10+s14+$0x0], $0xffff  }
0xae: {  	v45 =	vmul.f32 v1, v1;
	v1 =	vld.idx.msk [tilespmem:v10+s15+$0x0], $0xffff;
	v16 =	vadd.f32 v44, v16;
	v15 =	vadd.f32 v43, v14  }
0xaf: {  	v48 =	vmul.f32 v42, v42;
	v47 =	vmul.f32 v41, v41;
	[tilespmem:$0x1F360] =	vst v3;
	v14 =	vor.u32 $0x24, v0  }
0xb0: {  	v52 =	vmul.f32 v3, v3;
	v3 =	vld.idx.msk [tilespmem:v29+s15+$0x0], $0xffff;
	v16 =	vadd.f32 v45, v16;
	v15 =	vadd.f32 v18, v15  }
0xb1: {  	[tilespmem:$0x1F370] =	vst v46;
	v54 =	vld.idx.msk [tilespmem:v38+s14+$0x0], $0xffff  }
0xb2: {  	v9 =	vld.idx.msk [tilespmem:v38+s15+$0x0], $0xffff;
	v51 =	vmul.f32 v2, v2;
	v16 =	vadd.f32 v48, v16;
	v15 =	vadd.f32 v47, v15  }
0xb3: {  	[tilespmem:$0x1F3A0] =	vst v50;
	v39 =	vor.u32 $0x28, v0;
	v57 =	vld.idx.msk [tilespmem:v30+s14+$0x0], $0xffff;
	v53 =	vmul.f32 v1, v1  }
0xb4: {  	[tilespmem:$0x1F350] =	vst v2;
	v2 =	vld.idx.msk [tilespmem:v14+s14+$0x0], $0xffff;
	v16 =	vadd.f32 v52, v16;
	v18 =	vadd.f32 v51, v15;
	v15 =	vor.u32 $0x27, v0  }
0xb5: {  	v31 =	vmul.f32 v46, v46;
	[tilespmem:$0x1F380] =	vst v1;
	v1 =	vld.idx.msk [tilespmem:v14+s15+$0x0], $0xffff  }
0xb6: {  	v55 =	vmul.f32 v49, v49;
	v56 =	vmul.f32 v50, v50;
	[tilespmem:$0x1F3C0] =	vst v3;
	v16 =	vadd.f32 v53, v16  }
0xb7: {  	[tilespmem:$0x1F3D0] =	vst v54;
	v40 =	vmul.f32 v3, v3;
	v3 =	vld.idx.msk [tilespmem:v30+s15+$0x0], $0xffff;
	v18 =	vadd.f32 v31, v18;
	v31 =	vor.u32 $0x29, v0  }
0xb8: {  	v10 =	vmul.f32 v54, v54;
	[tilespmem:$0x1F400] =	vst v9;
	v13 =	vld.idx.msk [tilespmem:v39+s14+$0x0], $0xffff;
	v17 =	vadd.f32 v56, v16  }
0xb9: {  	v16 =	vor.u32 $0x2A, v0;
	[tilespmem:$0x1F3B0] =	vst v2;
	v18 =	vadd.f32 v55, v18;
	v32 =	vmul.f32 v2, v2;
	v2 =	vld.idx.msk [tilespmem:v15+s14+$0x0], $0xffff  }
0xba: {  	v48 =	vld.idx.msk [tilespmem:v39+s15+$0x0], $0xffff;
	[tilespmem:$0x1F3F0] =	vst v57;
	v41 =	vmul.f32 v1, v1;
	v17 =	vadd.f32 v40, v17;
	v40 =	vor.u32 $0x2B, v0  }
0xbb: {  	v46 =	vmul.f32 v9, v9;
	[tilespmem:$0x1F3E0] =	vst v1;
	v1 =	vld.idx.msk [tilespmem:v15+s15+$0x0], $0xffff;
	v18 =	vadd.f32 v32, v18  }
0xbc: {  	[tilespmem:$0x1F420] =	vst v3;
	v45 =	vmul.f32 v57, v57;
	v17 =	vadd.f32 v41, v17;
	v47 =	vld.idx.msk [tilespmem:v31+s14+$0x0], $0xffff  }
0xbd: {  	v43 =	vmul.f32 v3, v3;
	[tilespmem:$0x1F430] =	vst v13;
	v3 =	vld.idx.msk [tilespmem:v31+s15+$0x0], $0xffff;
	v18 =	vadd.f32 v10, v18  }
0xbe: {  	v32 =	vor.u32 $0x2C, v0;
	v41 =	vadd.f32 v46, v17;
	[tilespmem:$0x1F410] =	vst v2;
	v42 =	vmul.f32 v2, v2;
	v2 =	vld.idx.msk [tilespmem:v16+s14+$0x0], $0xffff  }
0xbf: {  	[tilespmem:$0x1F460] =	vst v48;
	v18 =	vadd.f32 v45, v18;
	v51 =	vld.idx.msk [tilespmem:v40+s14+$0x0], $0xffff  }
0xc0: {  	v17 =	vor.u32 $0x2D, v0;
	[tilespmem:$0x1F440] =	vst v1;
	v50 =	vmul.f32 v1, v1;
	v41 =	vadd.f32 v43, v41  }
0xc1: {  	v49 =	vmul.f32 v13, v13;
	v1 =	vld.idx.msk [tilespmem:v16+s15+$0x0], $0xffff;
	[tilespmem:$0x1F450] =	vst v47;
	v18 =	vadd.f32 v42, v18  }
0xc2: {  	v45 =	vmul.f32 v48, v48;
	v53 =	vld.idx.msk [tilespmem:v40+s15+$0x0], $0xffff;
	[tilespmem:$0x1F480] =	vst v3;
	v43 =	vadd.f32 v50, v41;
	v41 =	vor.u32 $0x2F, v0  }
0xc3: {  	v52 =	vld.idx.msk [tilespmem:v32+s14+$0x0], $0xffff;
	v44 =	vmul.f32 v47, v47;
	v42 =	vadd.f32 v49, v18;
	v18 =	vor.u32 $0x2E, v0;
	[tilespmem:$0x1F470] =	vst v2  }
0xc4: {  	v55 =	vmul.f32 v3, v3;
	v3 =	vld.idx.msk [tilespmem:v32+s15+$0x0], $0xffff;
	[tilespmem:$0x1F490] =	vst v51;
	v43 =	vadd.f32 v45, v43  }
0xc5: {  	v54 =	vmul.f32 v2, v2;
	v2 =	vld.idx.msk [tilespmem:v17+s14+$0x0], $0xffff;
	v46 =	vmul.f32 v51, v51;
	v42 =	vadd.f32 v44, v42  }
0xc6: {  	[tilespmem:$0x1F4A0] =	vst v1;
	v47 =	vmul.f32 v1, v1;
	v1 =	vld.idx.msk [tilespmem:v17+s15+$0x0], $0xffff;
	v45 =	vadd.f32 v55, v43;
	v43 =	vor.u32 $0x31, v0  }
0xc7: {  	[tilespmem:$0x1F4C0] =	vst v53;
	v8 =	vmul.f32 v53, v53;
	v44 =	vadd.f32 v54, v42;
	v42 =	vor.u32 $0x30, v0;
	v9 =	vld.idx.msk [tilespmem:v41+s14+$0x0], $0xffff  }
0xc8: {  	[tilespmem:$0x1F4B0] =	vst v52;
	v57 =	vmul.f32 v52, v52;
	v56 =	vld.idx.msk [tilespmem:v18+s14+$0x0], $0xffff;
	v45 =	vadd.f32 v47, v45  }
0xc9: {  	[tilespmem:$0x1F4E0] =	vst v3;
	v49 =	vmul.f32 v3, v3;
	v10 =	vld.idx.msk [tilespmem:v18+s15+$0x0], $0xffff;
	v44 =	vadd.f32 v46, v44  }
0xca: {  	[tilespmem:$0x1F4D0] =	vst v2;
	v48 =	vmul.f32 v2, v2;
	v2 =	vld.idx.msk [tilespmem:v41+s15+$0x0], $0xffff;
	v47 =	vadd.f32 v8, v45;
	v45 =	vor.u32 $0x33, v0  }
0xcb: {  	[tilespmem:$0x1F500] =	vst v1;
	v46 =	vadd.f32 v57, v44;
	v44 =	vor.u32 $0x32, v0;
	v55 =	vld.idx.msk [tilespmem:v43+s14+$0x0], $0xffff  }
0xcc: {  	v54 =	vmul.f32 v1, v1;
	[tilespmem:$0x1F510] =	vst v9;
	v13 =	vld.idx.msk [tilespmem:v42+s14+$0x0], $0xffff;
	v47 =	vadd.f32 v49, v47  }
0xcd: {  	v1 =	vld.idx.msk [tilespmem:v42+s15+$0x0], $0xffff;
	[tilespmem:$0x1F4F0] =	vst v56;
	v46 =	vadd.f32 v48, v46;
	v53 =	vmul.f32 v56, v56  }
0xce: {  	v3 =	vld.idx.msk [tilespmem:v43+s15+$0x0], $0xffff;
	v50 =	vmul.f32 v9, v9;
	[tilespmem:$0x1F520] =	vst v10;
	v49 =	vadd.f32 v54, v47;
	v47 =	vor.u32 $0x35, v0  }
0xcf: {  	v51 =	vmul.f32 v10, v10;
	[tilespmem:$0x1F540] =	vst v2;
	v48 =	vadd.f32 v53, v46;
	v46 =	vor.u32 $0x34, v0;
	v9 =	vld.idx.msk [tilespmem:v45+s14+$0x0], $0xffff  }
0xd0: {  	v8 =	vmul.f32 v2, v2;
	[tilespmem:$0x1F550] =	vst v55;
	v56 =	vld.idx.msk [tilespmem:v44+s14+$0x0], $0xffff  }
0xd1: {  	v49 =	vadd.f32 v51, v49;
	v2 =	vld.idx.msk [tilespmem:v44+s15+$0x0], $0xffff;
	v48 =	vadd.f32 v50, v48;
	v57 =	vmul.f32 v13, v13  }
0xd2: {  	[tilespmem:$0x1F560] =	vst v1;
	v53 =	vmul.f32 v1, v1;
	v1 =	vld.idx.msk [tilespmem:v45+s15+$0x0], $0xffff  }
0xd3: {  	[tilespmem:$0x1F580] =	vst v3;
	v51 =	vadd.f32 v8, v49;
	v49 =	vor.u32 $0x37, v0;
	v50 =	vadd.f32 v57, v48;
	v57 =	vld.idx.msk [tilespmem:v47+s14+$0x0], $0xffff  }
0xd4: {  	v52 =	vmul.f32 v55, v55;
	[tilespmem:$0x1F530] =	vst v13;
	v48 =	vor.u32 $0x36, v0;
	v6 =	vld.idx.msk [tilespmem:v46+s14+$0x0], $0xffff  }
0xd5: {  	v13 =	vmul.f32 v3, v3;
	[tilespmem:$0x1F590] =	vst v9;
	v51 =	vadd.f32 v53, v51;
	v3 =	vld.idx.msk [tilespmem:v46+s15+$0x0], $0xffff  }
0xd6: {  	v54 =	vmul.f32 v9, v9;
	[tilespmem:$0x1F570] =	vst v56;
	v50 =	vadd.f32 v52, v50;
	v10 =	vmul.f32 v56, v56  }
0xd7: {  	[tilespmem:$0x1F5A0] =	vst v2;
	v55 =	vmul.f32 v2, v2;
	v2 =	vld.idx.msk [tilespmem:v47+s15+$0x0], $0xffff;
	v53 =	vadd.f32 v13, v51;
	v51 =	vor.u32 $0x39, v0  }
0xd8: {  	[tilespmem:$0x1F5C0] =	vst v1;
	v13 =	vmul.f32 v1, v1;
	v52 =	vadd.f32 v10, v50;
	v50 =	vor.u32 $0x38, v0;
	v1 =	vld.idx.msk [tilespmem:v49+s14+$0x0], $0xffff  }
0xd9: {  	[tilespmem:$0x1F5D0] =	vst v57;
	v9 =	vld.idx.msk [tilespmem:v48+s14+$0x0], $0xffff  }
0xda: {  	v53 =	vadd.f32 v55, v53;
	v4 =	vld.idx.msk [tilespmem:v48+s15+$0x0], $0xffff;
	v52 =	vadd.f32 v54, v52;
	v10 =	vmul.f32 v6, v6  }
0xdb: {  	v56 =	vmul.f32 v57, v57;
	[tilespmem:$0x1F5E0] =	vst v3;
	v57 =	vmul.f32 v3, v3;
	v3 =	vld.idx.msk [tilespmem:v49+s15+$0x0], $0xffff  }
0xdc: {  	v55 =	vadd.f32 v13, v53;
	v54 =	vadd.f32 v10, v52;
	v52 =	vor.u32 $0x3A, v0;
	v8 =	vld.idx.msk [tilespmem:v51+s14+$0x0], $0xffff  }
0xdd: {  	[tilespmem:$0x1F600] =	vst v2;
	v53 =	vor.u32 $0x3B, v0;
	v13 =	vmul.f32 v2, v2;
	v7 =	vld.idx.msk [tilespmem:v50+s14+$0x0], $0xffff  }
0xde: {  	[tilespmem:$0x1F610] =	vst v1;
	v55 =	vadd.f32 v57, v55;
	v54 =	vadd.f32 v56, v54;
	v5 =	vmul.f32 v9, v9  }
0xdf: {  	v1 =	vmul.f32 v1, v1;
	[tilespmem:$0x1F620] =	vst v4;
	v2 =	vmul.f32 v4, v4;
	v4 =	vld.idx.msk [tilespmem:v51+s15+$0x0], $0xffff  }
0xe0: {  	[tilespmem:$0x1F5B0] =	vst v6;
	v57 =	vadd.f32 v13, v55;
	v56 =	vadd.f32 v5, v54;
	v5 =	vld.idx.msk [tilespmem:v50+s15+$0x0], $0xffff;
	v54 =	vor.u32 $0x3C, v0  }
0xe1: {  	[tilespmem:$0x1F5F0] =	vst v9;
	v55 =	vor.u32 $0x3D, v0;
	v6 =	vld.idx.msk [tilespmem:v52+s14+$0x0], $0xffff  }
0xe2: {  	v13 =	vadd.f32 v2, v57;
	v2 =	vld.idx.msk [tilespmem:v52+s15+$0x0], $0xffff;
	v1 =	vadd.f32 v1, v56;
	v10 =	vmul.f32 v7, v7  }
0xe3: {  	v57 =	vmul.f32 v3, v3;
	[tilespmem:$0x1F630] =	vst v7;
	v7 =	vld.idx.msk [tilespmem:v53+s14+$0x0], $0xffff  }
0xe4: {  	[tilespmem:$0x1F640] =	vst v3;
	v3 =	vmul.f32 v8, v8;
	v56 =	vor.u32 $0x3E, v0;
	v9 =	vadd.f32 v10, v1  }
0xe5: {  	[tilespmem:$0x1F650] =	vst v8;
	v8 =	vadd.f32 v57, v13;
	v57 =	vmul.f32 v5, v5;
	v1 =	vld.idx.msk [tilespmem:v54+s14+$0x0], $0xffff  }
0xe6: {  	v13 =	vor.u32 $0x3F, v0;
	[tilespmem:$0x1F660] =	vst v5;
	v5 =	vld.idx.msk [tilespmem:v53+s15+$0x0], $0xffff;
	v3 =	vadd.f32 v3, v9;
	v9 =	vmul.f32 v6, v6  }
0xe7: {  	[tilespmem:$0x1F670] =	vst v6;
	v6 =	vld.idx.msk [tilespmem:v55+s14+$0x0], $0xffff;
	v10 =	vadd.f32 v57, v8;
	v57 =	vmul.f32 v4, v4  }
0xe8: {  	[tilespmem:$0x1F6A0] =	vst v2;
	v8 =	vadd.f32 v9, v3;
	v3 =	vld.idx.msk [tilespmem:v54+s15+$0x0], $0xffff;
	v9 =	vmul.f32 v7, v7  }
0xe9: {  	[tilespmem:$0x1F690] =	vst v7;
	v7 =	vadd.f32 v57, v10;
	v57 =	vmul.f32 v2, v2;
	v2 =	vld.idx.msk [tilespmem:v56+s14+$0x0], $0xffff  }
0xea: {  	[tilespmem:$0x1F680] =	vst v4;
	v4 =	vld.idx.msk [tilespmem:v55+s15+$0x0], $0xffff;
	v8 =	vadd.f32 v9, v8;
	v9 =	vmul.f32 v1, v1  }
0xeb: {  	[tilespmem:$0x1F6B0] =	vst v1;
	v1 =	vld.idx.msk [tilespmem:v13+s14+$0x0], $0xffff;
	v7 =	vadd.f32 v57, v7;
	v57 =	vmul.f32 v5, v5  }
0xec: {  	[tilespmem:$0x1F6C0] =	vst v5;
	v5 =	vld.idx.msk [tilespmem:v56+s15+$0x0], $0xffff;
	v9 =	vadd.f32 v9, v8;
	v8 =	vmul.f32 v6, v6  }
0xed: {  	[tilespmem:$0x1F6D0] =	vst v6;
	v7 =	vadd.f32 v57, v7;
	v57 =	vmul.f32 v3, v3  }
0xee: {  	[tilespmem:$0x1F6E0] =	vst v3;
	v6 =	vadd.f32 v8, v9;
	v8 =	vld.idx.msk [tilespmem:v13+s15+$0x0], $0xffff;
	v3 =	vmul.f32 v2, v2  }
0xef: {  	[tilespmem:$0x1F6F0] =	vst v2;
	v9 =	vmul.f32 v4, v4;
	v2 =	vadd.f32 v57, v7  }
0xf0: {  	v10 =	vadd.f32 v3, v6;
	v3 =	vmul.f32 v1, v1  }
0xf1: {  	v7 =	vmul.f32 v5, v5;
	v2 =	vadd.f32 v9, v2  }
0xf2: {  	[tilespmem:$0x1F710] =	vst v1;
	v1 =	vadd.f32 v3, v10  }
0xf3: {  	v2 =	vadd.f32 v7, v2;
	v3 =	vmul.f32 v8, v8  }
0xf4: {  	v1 =	vmax.f32 v1, $1.000000020e-24  }
0xf5: {  	v2 =	vadd.f32 v3, v2;
	v3 =	vshra.s32 v1, $0x1;
	v1 =	vmul.f32 $5.000000000e-01, v1  }
0xf6: {  	v3 =	vsub.s32 $0x5F3759DF, v3  }
0xf7: {  	v9 =	vmul.f32 v3, v1;
	_ =	sdelay $0x1  }
0xf8: {  	v57 =	vmul.f32 v3, v9  }
0xf9: {  	v2 =	vmax.f32 v2, $1.000000020e-24  }
0xfa: {  	v10 =	vshra.s32 v2, $0x1;
	v2 =	vmul.f32 $5.000000000e-01, v2;
	v57 =	vsub.f32 $1.500000000e+00, v57  }
0xfb: {  	[tilespmem:$0x1F700] =	vst v4;
	v4 =	vsub.s32 $0x5F3759DF, v10  }
0xfc: {  	[tilespmem:$0x1F730] =	vst v8;
	v8 =	vmul.f32 v4, v2;
	v3 =	vmul.f32 v3, v57;
	_ =	sdelay $0x1  }
0xfd: {  	[tilespmem:$0x1F720] =	vst v5;
	v5 =	vmul.f32 v4, v8;
	v57 =	vmul.f32 v3, v1;
	_ =	sdelay $0x1  }
0xfe: {  	v5 =	vsub.f32 $1.500000000e+00, v5;
	v9 =	vmul.f32 v57, v3;
	_ =	sdelay $0x1  }
0xff: {  	v4 =	vmul.f32 v4, v5;
	v5 =	vsub.f32 $1.500000000e+00, v9;
	_ =	sdelay $0x1  }
0x100: {  	v3 =	vmul.f32 v5, v3;
	_ =	sdelay $0x1  }
0x101: {  	v1 =	vmul.f32 v3, v1  }
0x102: {  	v10 =	vmul.f32 v4, v2  }
0x103: {  	v1 =	vmul.f32 v1, v3  }
0x104: {  	v57 =	vmul.f32 v10, v4  }
0x105: {  	v9 =	vld [tilespmem:$0x1EE90];
	v1 =	vsub.f32 $1.500000000e+00, v1  }
0x106: {  	v5 =	vld.idx.msk [tilespmem:v0+s16+$0x0], $0xffff;
	v8 =	vsub.f32 $1.500000000e+00, v57  }
0x107: {  	v0 =	vmul.f32 v1, v3;
	v3 =	vld.idx.msk [tilespmem:v21+s16+$0x0], $0xffff  }
0x108: {  	v4 =	vmul.f32 v8, v4;
	v21 =	vld [tilespmem:$0x1EEA0];
	_ =	sdelay $0x1  }
0x109: {  	v2 =	vmul.f32 v4, v2;
	v10 =	vmul.f32 v0, v9;
	v9 =	vld [tilespmem:$0x1EEB0];
	_ =	sdelay $0x1  }
0x10a: {  	v2 =	vmul.f32 v2, v4  }
0x10b: {  	v57 =	vmul.f32 v0, v21;
	v21 =	vld [tilespmem:$0x1EED0]  }
0x10c: {  	v1 =	vsub.f32 $1.500000000e+00, v2;
	v2 =	vld.idx.msk [tilespmem:v19+s16+$0x0], $0xffff  }
0x10d: {  	v5 =	vadd.f32 v10, v5;
	v10 =	vmul.f32 v0, v9;
	v9 =	vld [tilespmem:$0x1EEE0]  }
0x10e: {  	v1 =	vmul.f32 v1, v4;
	v4 =	vld.idx.msk [tilespmem:v20+s16+$0x0], $0xffff  }
0x10f: {  	v20 =	vld [tilespmem:$0x1EEC0]  }
0x110: {  	v3 =	vadd.f32 v57, v3;
	v57 =	vmul.f32 v1, v21;
	v21 =	vld [tilespmem:$0x1EEF0];
	_ =	sdelay $0x1  }
0x111: {  	v2 =	vadd.f32 v10, v2;
	v10 =	vmul.f32 v0, v9;
	v9 =	vld [tilespmem:$0x1EF00];
	_ =	sdelay $0x1  }
0x112: {  	v22 =	vld.idx.msk [tilespmem:v22+s16+$0x0], $0xffff;
	v20 =	vmul.f32 v1, v20  }
0x113: {  	v3 =	vsub.f32 v3, v57;
	v57 =	vmul.f32 v1, v21;
	v21 =	vld.idx.msk [tilespmem:v58+s16+$0x0], $0xffff  }
0x114: {  	v5 =	vsub.f32 v5, v20;
	v58 =	vld [tilespmem:$0x1EF20]  }
0x115: {  	v4 =	vadd.f32 v10, v4;
	v10 =	vmul.f32 v0, v9;
	v9 =	vld [tilespmem:$0x1EF30]  }
0x116: {  	v5 =	vand.u32 $0x7FFFFFFF, v5;
	v3 =	vand.u32 $0x7FFFFFFF, v3;
	v2 =	vsub.f32 v2, v57;
	v57 =	vld [tilespmem:$0x1EF10]  }
0x117: {  	v3 =	vadd.f32 v3, v5;
	v5 =	vadd.f32 v10, v22;
	v22 =	vld.idx.msk [tilespmem:v59+s16+$0x0], $0xffff  }
0x118: {  	v59 =	vld [tilespmem:$0x1EF50]  }
0x119: {  	v20 =	vmul.f32 v0, v58;
	v58 =	vld [tilespmem:$0x1EF40]  }
0x11a: {  	v10 =	vmul.f32 v1, v9;
	v9 =	vld [tilespmem:$0x1EF70]  }
0x11b: {  	v63 =	vld.idx.msk [tilespmem:v63+s16+$0x0], $0xffff;
	v2 =	vand.u32 $0x7FFFFFFF, v2  }
0x11c: {  	v2 =	vadd.f32 v3, v2;
	v3 =	vld.idx.msk [tilespmem:v60+s16+$0x0], $0xffff  }
0x11d: {  	v19 =	vmul.f32 v1, v57;
	v60 =	vmul.f32 v1, v59;
	v59 =	vld [tilespmem:$0x1EFA0]  }
0x11e: {  	v8 =	vld [tilespmem:$0x1EF60]  }
0x11f: {  	v57 =	vld [tilespmem:$0x1F090];
	v4 =	vsub.f32 v4, v19;
	v19 =	vadd.f32 v20, v21;
	v20 =	vmul.f32 v0, v58  }
0x120: {  	v58 =	vld [tilespmem:$0x1EF90]  }
0x121: {  	v5 =	vsub.f32 v5, v10;
	v4 =	vand.u32 $0x7FFFFFFF, v4;
	v20 =	vadd.f32 v20, v22;
	v22 =	vld [tilespmem:$0x1EF80]  }
0x122: {  	v2 =	vadd.f32 v2, v4;
	v10 =	vld.idx.msk [tilespmem:v9+s16+$0x0], $0xffff  }
0x123: {  	v19 =	vsub.f32 v19, v60;
	v5 =	vand.u32 $0x7FFFFFFF, v5;
	v9 =	vld [tilespmem:$0x1EFC0]  }
0x124: {  	v60 =	vld [tilespmem:$0x1EFB0];
	v2 =	vadd.f32 v2, v5  }
0x125: {  	v4 =	vmul.f32 v0, v8;
	v19 =	vand.u32 $0x7FFFFFFF, v19;
	v21 =	vld.idx.msk [tilespmem:v59+s16+$0x0], $0xffff  }
0x126: {  	v5 =	vmul.f32 v0, v58;
	v2 =	vadd.f32 v2, v19;
	v19 =	vld.idx.msk [tilespmem:v61+s16+$0x0], $0xffff  }
0x127: {  	v3 =	vadd.f32 v4, v3;
	v61 =	vld [tilespmem:$0x1EFE0]  }
0x128: {  	v4 =	vmul.f32 v1, v22;
	v59 =	vld [tilespmem:$0x1EFD0];
	v5 =	vadd.f32 v5, v10;
	v10 =	vmul.f32 v0, v9  }
0x129: {  	v9 =	vld [tilespmem:$0x1F000]  }
0x12a: {  	v8 =	vmul.f32 v1, v60;
	v4 =	vsub.f32 v20, v4;
	v20 =	vadd.f32 v10, v21;
	v21 =	vld [tilespmem:$0x1F010]  }
0x12b: {  	v22 =	vld [tilespmem:$0x1F020]  }
0x12c: {  	v3 =	vsub.f32 v3, v8;
	v8 =	vld [tilespmem:$0x1EFF0]  }
0x12d: {  	v60 =	vmul.f32 v1, v59;
	v59 =	vld.idx.msk [tilespmem:v62+s16+$0x0], $0xffff  }
0x12e: {  	v10 =	vmul.f32 v0, v9;
	v9 =	vld [tilespmem:$0x1F060]  }
0x12f: {  	v4 =	vand.u32 $0x7FFFFFFF, v4;
	v62 =	vld [tilespmem:$0x1F040]  }
0x130: {  	v2 =	vadd.f32 v2, v4;
	v4 =	vmul.f32 v0, v61;
	v5 =	vsub.f32 v5, v60;
	v60 =	vld [tilespmem:$0x1F030]  }
0x131: {  	v3 =	vand.u32 $0x7FFFFFFF, v3;
	v58 =	vmul.f32 v1, v22;
	v22 =	vld [tilespmem:$0x1F080]  }
0x132: {  	v2 =	vadd.f32 v2, v3;
	v3 =	vadd.f32 v4, v19;
	v21 =	vld.idx.msk [tilespmem:v21+s16+$0x0], $0xffff  }
0x133: {  	v4 =	vmul.f32 v1, v8;
	v8 =	vld [tilespmem:$0x1F050]  }
0x134: {  	v3 =	vsub.f32 v3, v58;
	v58 =	vld [tilespmem:$0x1F0A0]  }
0x135: {  	v19 =	vadd.f32 v10, v63;
	v63 =	vmul.f32 v1, v62;
	v62 =	vld [tilespmem:$0x1F0C0];
	v61 =	vmul.f32 v0, v60  }
0x136: {  	v5 =	vand.u32 $0x7FFFFFFF, v5;
	v4 =	vsub.f32 v20, v4;
	v10 =	vld.idx.msk [tilespmem:v9+s16+$0x0], $0xffff  }
0x137: {  	v2 =	vadd.f32 v2, v5;
	v20 =	vadd.f32 v61, v21;
	v21 =	vld [tilespmem:$0x1F070]  }
0x138: {  	v5 =	vmul.f32 v0, v22;
	v22 =	vld.idx.msk [tilespmem:v34+s16+$0x0], $0xffff;
	v4 =	vand.u32 $0x7FFFFFFF, v4  }
0x139: {  	v34 =	vld [tilespmem:$0x1F240];
	v2 =	vadd.f32 v2, v4;
	v4 =	vmul.f32 v0, v8  }
0x13a: {  	v3 =	vand.u32 $0x7FFFFFFF, v3;
	v19 =	vsub.f32 v19, v63;
	v60 =	vld [tilespmem:$0x1F0B0]  }
0x13b: {  	v2 =	vadd.f32 v2, v3;
	v3 =	vadd.f32 v4, v59;
	v59 =	vmul.f32 v1, v58;
	v58 =	vld [tilespmem:$0x1F0E0]  }
0x13c: {  	v63 =	vmul.f32 v1, v62;
	v5 =	vadd.f32 v5, v10;
	v4 =	vmul.f32 v1, v21;
	v21 =	vld.idx.msk [tilespmem:v57+s16+$0x0], $0xffff  }
0x13d: {  	v57 =	vld [tilespmem:$0x1F0D0]  }
0x13e: {  	v19 =	vand.u32 $0x7FFFFFFF, v19;
	v5 =	vsub.f32 v5, v63;
	v63 =	vld [tilespmem:$0x1F110]  }
0x13f: {  	v2 =	vadd.f32 v2, v19;
	v19 =	vld.idx.msk [tilespmem:v23+s16+$0x0], $0xffff  }
0x140: {  	v9 =	vld [tilespmem:$0x1F120];
	v61 =	vmul.f32 v0, v60;
	v4 =	vsub.f32 v20, v4  }
0x141: {  	v60 =	vld [tilespmem:$0x1F0F0]  }
0x142: {  	v4 =	vand.u32 $0x7FFFFFFF, v4;
	v7 =	vadd.f32 v61, v21;
	v61 =	vld [tilespmem:$0x1F100]  }
0x143: {  	v2 =	vadd.f32 v2, v4;
	v4 =	vmul.f32 v0, v57;
	v57 =	vld [tilespmem:$0x1F130]  }
0x144: {  	v3 =	vsub.f32 v3, v59;
	v59 =	vld.idx.msk [tilespmem:v58+s16+$0x0], $0xffff  }
0x145: {  	v23 =	vld.idx.msk [tilespmem:v24+s16+$0x0], $0xffff  }
0x146: {  	v3 =	vand.u32 $0x7FFFFFFF, v3;
	v20 =	vld.idx.msk [tilespmem:v63+s16+$0x0], $0xffff  }
0x147: {  	v2 =	vadd.f32 v2, v3;
	v62 =	vmul.f32 v0, v61;
	v61 =	vld [tilespmem:$0x1F150]  }
0x148: {  	v3 =	vadd.f32 v4, v19;
	v4 =	vmul.f32 v1, v60;
	v58 =	vmul.f32 v0, v57;
	v57 =	vld [tilespmem:$0x1F180]  }
0x149: {  	v10 =	vmul.f32 v1, v9;
	v24 =	vadd.f32 v62, v59;
	v59 =	vld [tilespmem:$0x1F140]  }
0x14a: {  	v5 =	vand.u32 $0x7FFFFFFF, v5;
	v4 =	vsub.f32 v7, v4;
	v62 =	vld [tilespmem:$0x1F160]  }
0x14b: {  	v2 =	vadd.f32 v2, v5;
	v3 =	vsub.f32 v3, v10;
	v10 =	vld [tilespmem:$0x1F310]  }
0x14c: {  	v4 =	vand.u32 $0x7FFFFFFF, v4;
	v8 =	vadd.f32 v20, v58;
	v58 =	vld [tilespmem:$0x1F190]  }
0x14d: {  	v2 =	vadd.f32 v2, v4;
	v4 =	vmul.f32 v0, v61;
	v61 =	vld.idx.msk [tilespmem:v33+s16+$0x0], $0xffff  }
0x14e: {  	v5 =	vmul.f32 v0, v57;
	v57 =	vld [tilespmem:$0x1F1D0]  }
0x14f: {  	v3 =	vand.u32 $0x7FFFFFFF, v3;
	v60 =	vmul.f32 v1, v59;
	v59 =	vld [tilespmem:$0x1F1A0]  }
0x150: {  	v2 =	vadd.f32 v2, v3;
	v3 =	vadd.f32 v23, v4;
	v23 =	vld [tilespmem:$0x1F220]  }
0x151: {  	v7 =	vsub.f32 v24, v60;
	v24 =	vld [tilespmem:$0x1F170]  }
0x152: {  	v63 =	vld.idx.msk [tilespmem:v62+s16+$0x0], $0xffff  }
0x153: {  	v62 =	vld [tilespmem:$0x1F1B0]  }
0x154: {  	v19 =	vld.idx.msk [tilespmem:v58+s16+$0x0], $0xffff  }
0x155: {  	v58 =	vld.idx.msk [tilespmem:v25+s16+$0x0], $0xffff  }
0x156: {  	v25 =	vld [tilespmem:$0x1F230];
	v60 =	vmul.f32 v1, v59  }
0x157: {  	v59 =	vld [tilespmem:$0x1F1E0];
	v4 =	vmul.f32 v1, v24  }
0x158: {  	v7 =	vand.u32 $0x7FFFFFFF, v7;
	v3 =	vsub.f32 v3, v60;
	v24 =	vld [tilespmem:$0x1F1C0]  }
0x159: {  	v60 =	vld [tilespmem:$0x1F1F0];
	v5 =	vadd.f32 v63, v5;
	v63 =	vmul.f32 v0, v62;
	v4 =	vsub.f32 v8, v4  }
0x15a: {  	v2 =	vadd.f32 v2, v7;
	v62 =	vld [tilespmem:$0x1F200]  }
0x15b: {  	v8 =	vadd.f32 v19, v63;
	v19 =	vld [tilespmem:$0x1F210];
	v4 =	vand.u32 $0x7FFFFFFF, v4  }
0x15c: {  	v2 =	vadd.f32 v2, v4;
	v4 =	vmul.f32 v0, v57;
	v57 =	vld.idx.msk [tilespmem:v26+s16+$0x0], $0xffff  }
0x15d: {  	v33 =	vmul.f32 v1, v24;
	v24 =	vmul.f32 v0, v23;
	v23 =	vld [tilespmem:$0x1F2A0]  }
0x15e: {  	v3 =	vand.u32 $0x7FFFFFFF, v3;
	v26 =	vld [tilespmem:$0x1F2C0]  }
0x15f: {  	v2 =	vadd.f32 v2, v3;
	v3 =	vadd.f32 v61, v4;
	v4 =	vmul.f32 v1, v59;
	v59 =	vld [tilespmem:$0x1F260]  }
0x160: {  	v61 =	vmul.f32 v0, v60;
	v60 =	vld.idx.msk [tilespmem:v11+s16+$0x0], $0xffff  }
0x161: {  	v5 =	vsub.f32 v5, v33;
	v33 =	vmul.f32 v1, v25;
	v25 =	vld [tilespmem:$0x1F2B0]  }
0x162: {  	v21 =	vmul.f32 v1, v19;
	v19 =	vld [tilespmem:$0x1F280]  }
0x163: {  	v63 =	vld.idx.msk [tilespmem:v62+s16+$0x0], $0xffff  }
0x164: {  	v7 =	vadd.f32 v58, v61;
	v58 =	vld [tilespmem:$0x1F250]  }
0x165: {  	v61 =	vld [tilespmem:$0x1F270]  }
0x166: {  	v5 =	vand.u32 $0x7FFFFFFF, v5;
	v4 =	vsub.f32 v8, v4;
	v3 =	vsub.f32 v3, v21;
	v21 =	vld [tilespmem:$0x1F290]  }
0x167: {  	v2 =	vadd.f32 v2, v5;
	v7 =	vsub.f32 v7, v33;
	v33 =	vld.idx.msk [tilespmem:v12+s16+$0x0], $0xffff  }
0x168: {  	v4 =	vand.u32 $0x7FFFFFFF, v4;
	v12 =	vld [tilespmem:$0x1F320]  }
0x169: {  	v2 =	vadd.f32 v2, v4;
	v4 =	vmul.f32 v0, v34;
	v34 =	vld [tilespmem:$0x1F2D0]  }
0x16a: {  	v20 =	vmul.f32 v0, v19;
	v19 =	vld [tilespmem:$0x1F330]  }
0x16b: {  	v5 =	vmul.f32 v0, v59;
	v8 =	vadd.f32 v63, v24;
	v63 =	vld.idx.msk [tilespmem:v35+s16+$0x0], $0xffff  }
0x16c: {  	v24 =	vld.idx.msk [tilespmem:v27+s16+$0x0], $0xffff  }
0x16d: {  	v3 =	vand.u32 $0x7FFFFFFF, v3;
	v5 =	vadd.f32 v57, v5;
	v57 =	vld.idx.msk [tilespmem:v36+s16+$0x0], $0xffff  }
0x16e: {  	v2 =	vadd.f32 v2, v3;
	v3 =	vadd.f32 v22, v4;
	v4 =	vmul.f32 v1, v58;
	v58 =	vld [tilespmem:$0x1F2E0]  }
0x16f: {  	v7 =	vand.u32 $0x7FFFFFFF, v7;
	v27 =	vmul.f32 v0, v26;
	v26 =	vld [tilespmem:$0x1F360]  }
0x170: {  	v62 =	vmul.f32 v1, v61;
	v22 =	vmul.f32 v1, v21;
	v21 =	vld [tilespmem:$0x1F340];
	v4 =	vsub.f32 v8, v4  }
0x171: {  	v2 =	vadd.f32 v2, v7;
	v8 =	vadd.f32 v60, v20;
	v60 =	vld [tilespmem:$0x1F2F0]  }
0x172: {  	v3 =	vsub.f32 v3, v62;
	v62 =	vld [tilespmem:$0x1F300];
	v4 =	vand.u32 $0x7FFFFFFF, v4  }
0x173: {  	v35 =	vmul.f32 v1, v34;
	v34 =	vld [tilespmem:$0x1F380];
	v2 =	vadd.f32 v2, v4;
	v4 =	vmul.f32 v0, v23  }
0x174: {  	v5 =	vsub.f32 v5, v22;
	v3 =	vand.u32 $0x7FFFFFFF, v3;
	v7 =	vadd.f32 v24, v27;
	v23 =	vld.idx.msk [tilespmem:v37+s16+$0x0], $0xffff  }
0x175: {  	v24 =	vld [tilespmem:$0x1F350];
	v2 =	vadd.f32 v2, v3;
	v3 =	vadd.f32 v63, v4;
	v4 =	vmul.f32 v1, v25  }
0x176: {  	v37 =	vld.idx.msk [tilespmem:v14+s16+$0x0], $0xffff  }
0x177: {  	v5 =	vand.u32 $0x7FFFFFFF, v5;
	v14 =	vld.idx.msk [tilespmem:v30+s16+$0x0], $0xffff;
	v4 =	vsub.f32 v8, v4  }
0x178: {  	v59 =	vmul.f32 v0, v58;
	v30 =	vld.idx.msk [tilespmem:v31+s16+$0x0], $0xffff;
	v2 =	vadd.f32 v2, v5  }
0x179: {  	v31 =	vld [tilespmem:$0x1F440];
	v61 =	vmul.f32 v1, v60;
	v3 =	vsub.f32 v3, v35;
	v4 =	vand.u32 $0x7FFFFFFF, v4  }
0x17a: {  	v63 =	vld.idx.msk [tilespmem:v28+s16+$0x0], $0xffff;
	v2 =	vadd.f32 v2, v4;
	v4 =	vmul.f32 v0, v62  }
0x17b: {  	v20 =	vld.idx.msk [tilespmem:v19+s16+$0x0], $0xffff;
	v7 =	vsub.f32 v7, v61;
	v8 =	vadd.f32 v33, v59;
	v3 =	vand.u32 $0x7FFFFFFF, v3  }
0x17c: {  	v28 =	vld [tilespmem:$0x1F370];
	v2 =	vadd.f32 v2, v3;
	v3 =	vadd.f32 v57, v4;
	v4 =	vmul.f32 v1, v10  }
0x17d: {  	v22 =	vmul.f32 v1, v21;
	v60 =	vld [tilespmem:$0x1F3B0]  }
0x17e: {  	v19 =	vld [tilespmem:$0x1F3E0];
	v5 =	vmul.f32 v0, v12;
	v7 =	vand.u32 $0x7FFFFFFF, v7;
	v4 =	vsub.f32 v8, v4  }
0x17f: {  	v27 =	vmul.f32 v1, v26;
	v35 =	vld [tilespmem:$0x1F390];
	v25 =	vmul.f32 v0, v24;
	v2 =	vadd.f32 v2, v7  }
0x180: {  	v5 =	vadd.f32 v63, v5;
	v57 =	vld [tilespmem:$0x1F3A0];
	v3 =	vsub.f32 v3, v22;
	v4 =	vand.u32 $0x7FFFFFFF, v4  }
0x181: {  	v33 =	vld.idx.msk [tilespmem:v29+s16+$0x0], $0xffff;
	v2 =	vadd.f32 v2, v4;
	v4 =	vmul.f32 v0, v28  }
0x182: {  	v62 =	vld [tilespmem:$0x1F3C0];
	v5 =	vsub.f32 v5, v27;
	v8 =	vadd.f32 v20, v25;
	v3 =	vand.u32 $0x7FFFFFFF, v3  }
0x183: {  	v12 =	vld [tilespmem:$0x1F3D0];
	v2 =	vadd.f32 v2, v3;
	v3 =	vadd.f32 v23, v4;
	v4 =	vmul.f32 v1, v34  }
0x184: {  	v59 =	vld.idx.msk [tilespmem:v38+s16+$0x0], $0xffff;
	v36 =	vmul.f32 v0, v35  }
0x185: {  	v27 =	vld [tilespmem:$0x1F420];
	v5 =	vand.u32 $0x7FFFFFFF, v5;
	v58 =	vmul.f32 v1, v57;
	v4 =	vsub.f32 v8, v4  }
0x186: {  	v61 =	vmul.f32 v0, v60;
	v7 =	vadd.f32 v33, v36;
	v22 =	vld [tilespmem:$0x1F400];
	v2 =	vadd.f32 v2, v5  }
0x187: {  	v20 =	vld [tilespmem:$0x1F3F0];
	v63 =	vmul.f32 v1, v62;
	v3 =	vsub.f32 v3, v58;
	v4 =	vand.u32 $0x7FFFFFFF, v4  }
0x188: {  	v25 =	vld [tilespmem:$0x1F410];
	v2 =	vadd.f32 v2, v4;
	v4 =	vmul.f32 v0, v12  }
0x189: {  	v21 =	vld.idx.msk [tilespmem:v15+s16+$0x0], $0xffff;
	v7 =	vsub.f32 v7, v63;
	v8 =	vadd.f32 v37, v61;
	v3 =	vand.u32 $0x7FFFFFFF, v3  }
0x18a: {  	v29 =	vld [tilespmem:$0x1F430];
	v2 =	vadd.f32 v2, v3;
	v3 =	vadd.f32 v59, v4;
	v4 =	vmul.f32 v1, v19  }
0x18b: {  	v24 =	vld.idx.msk [tilespmem:v39+s16+$0x0], $0xffff;
	v23 =	vmul.f32 v1, v22  }
0x18c: {  	v39 =	vld [tilespmem:$0x1F470];
	v7 =	vand.u32 $0x7FFFFFFF, v7;
	v5 =	vmul.f32 v0, v20;
	v4 =	vsub.f32 v8, v4  }
0x18d: {  	v33 =	vld [tilespmem:$0x1F450];
	v28 =	vmul.f32 v1, v27;
	v26 =	vmul.f32 v0, v25;
	v2 =	vadd.f32 v2, v7  }
0x18e: {  	v36 =	vld [tilespmem:$0x1F460];
	v5 =	vadd.f32 v14, v5;
	v3 =	vsub.f32 v3, v23;
	v4 =	vand.u32 $0x7FFFFFFF, v4  }
0x18f: {  	v57 =	vld [tilespmem:$0x1F480];
	v2 =	vadd.f32 v2, v4;
	v4 =	vmul.f32 v0, v29  }
0x190: {  	v38 =	vld.idx.msk [tilespmem:v40+s16+$0x0], $0xffff;
	v5 =	vsub.f32 v5, v28;
	v8 =	vadd.f32 v21, v26;
	v3 =	vand.u32 $0x7FFFFFFF, v3  }
0x191: {  	v59 =	vld [tilespmem:$0x1F490];
	v2 =	vadd.f32 v2, v3;
	v3 =	vadd.f32 v24, v4;
	v4 =	vmul.f32 v1, v31  }
0x192: {  	v35 =	vld.idx.msk [tilespmem:v16+s16+$0x0], $0xffff;
	v34 =	vmul.f32 v0, v33  }
0x193: {  	v37 =	vmul.f32 v1, v36;
	v61 =	vld [tilespmem:$0x1F4A0];
	v5 =	vand.u32 $0x7FFFFFFF, v5;
	v4 =	vsub.f32 v8, v4  }
0x194: {  	v40 =	vmul.f32 v0, v39;
	v58 =	vmul.f32 v1, v57;
	v2 =	vadd.f32 v2, v5  }
0x195: {  	v16 =	vld [tilespmem:$0x1F4C0];
	v7 =	vadd.f32 v30, v34;
	v3 =	vsub.f32 v3, v37;
	v4 =	vand.u32 $0x7FFFFFFF, v4  }
0x196: {  	v2 =	vadd.f32 v2, v4;
	v4 =	vmul.f32 v0, v59  }
0x197: {  	v60 =	vld.idx.msk [tilespmem:v32+s16+$0x0], $0xffff;
	v7 =	vsub.f32 v7, v58;
	v8 =	vadd.f32 v35, v40;
	v3 =	vand.u32 $0x7FFFFFFF, v3  }
0x198: {  	v62 =	vld [tilespmem:$0x1F4B0];
	v2 =	vadd.f32 v2, v3;
	v3 =	vadd.f32 v38, v4;
	v4 =	vmul.f32 v1, v61  }
0x199: {  	v63 =	vld.idx.msk [tilespmem:v17+s16+$0x0], $0xffff  }
0x19a: {  	v17 =	vmul.f32 v1, v16;
	v22 =	vld [tilespmem:$0x1F4E0];
	v7 =	vand.u32 $0x7FFFFFFF, v7;
	v4 =	vsub.f32 v8, v4  }
0x19b: {  	v20 =	vld [tilespmem:$0x1F4D0];
	v2 =	vadd.f32 v2, v7  }
0x19c: {  	v27 =	vld [tilespmem:$0x1F500];
	v3 =	vsub.f32 v3, v17;
	v4 =	vand.u32 $0x7FFFFFFF, v4  }
0x19d: {  	v24 =	vld [tilespmem:$0x1F4F0];
	v5 =	vmul.f32 v0, v62;
	v2 =	vadd.f32 v2, v4  }
0x19e: {  	v19 =	vld.idx.msk [tilespmem:v18+s16+$0x0], $0xffff;
	v3 =	vand.u32 $0x7FFFFFFF, v3  }
0x19f: {  	v23 =	vmul.f32 v1, v22;
	v5 =	vadd.f32 v60, v5;
	v2 =	vadd.f32 v2, v3;
	v3 =	vld [tilespmem:$0x1F520]  }
0x1a0: {  	v21 =	vmul.f32 v0, v20  }
0x1a1: {  	v39 =	vld [tilespmem:$0x1F560];
	v5 =	vsub.f32 v5, v23  }
0x1a2: {  	v28 =	vld [tilespmem:$0x1F510];
	v25 =	vmul.f32 v0, v24;
	v8 =	vadd.f32 v63, v21;
	v4 =	vmul.f32 v1, v27  }
0x1a3: {  	v26 =	vld.idx.msk [tilespmem:v41+s16+$0x0], $0xffff;
	v5 =	vand.u32 $0x7FFFFFFF, v5  }
0x1a4: {  	v34 =	vld [tilespmem:$0x1F540];
	v7 =	vadd.f32 v19, v25;
	v4 =	vsub.f32 v8, v4;
	v3 =	vmul.f32 v1, v3  }
0x1a5: {  	v31 =	vld [tilespmem:$0x1F530];
	v2 =	vadd.f32 v2, v5  }
0x1a6: {  	v36 =	vld [tilespmem:$0x1F550];
	v4 =	vand.u32 $0x7FFFFFFF, v4;
	v3 =	vsub.f32 v7, v3  }
0x1a7: {  	v30 =	vld.idx.msk [tilespmem:v42+s16+$0x0], $0xffff;
	v2 =	vadd.f32 v2, v4  }
0x1a8: {  	v33 =	vld.idx.msk [tilespmem:v43+s16+$0x0], $0xffff;
	v29 =	vmul.f32 v0, v28;
	v3 =	vand.u32 $0x7FFFFFFF, v3  }
0x1a9: {  	v2 =	vadd.f32 v2, v3;
	v3 =	vld [tilespmem:$0x1F580]  }
0x1aa: {  	v35 =	vadd.f32 v26, v29;
	v32 =	vmul.f32 v0, v31;
	v5 =	vmul.f32 v1, v34  }
0x1ab: {  	v43 =	vld.idx.msk [tilespmem:v45+s16+$0x0], $0xffff;
	v37 =	vmul.f32 v0, v36  }
0x1ac: {  	v41 =	vld [tilespmem:$0x1F570];
	v40 =	vadd.f32 v30, v32;
	v4 =	vmul.f32 v1, v39;
	v5 =	vsub.f32 v35, v5  }
0x1ad: {  	v38 =	vld.idx.msk [tilespmem:v44+s16+$0x0], $0xffff;
	v44 =	vadd.f32 v33, v37  }
0x1ae: {  	v45 =	vld [tilespmem:$0x1F590];
	v5 =	vand.u32 $0x7FFFFFFF, v5;
	v4 =	vsub.f32 v40, v4;
	v3 =	vmul.f32 v1, v3  }
0x1af: {  	v59 =	vld [tilespmem:$0x1F5A0];
	v2 =	vadd.f32 v2, v5  }
0x1b0: {  	v61 =	vld [tilespmem:$0x1F5B0];
	v4 =	vand.u32 $0x7FFFFFFF, v4;
	v3 =	vsub.f32 v44, v3  }
0x1b1: {  	v15 =	vld [tilespmem:$0x1F5C0];
	v2 =	vadd.f32 v2, v4  }
0x1b2: {  	v58 =	vld.idx.msk [tilespmem:v46+s16+$0x0], $0xffff;
	v42 =	vmul.f32 v0, v41;
	v3 =	vand.u32 $0x7FFFFFFF, v3  }
0x1b3: {  	v2 =	vadd.f32 v2, v3;
	v3 =	vld [tilespmem:$0x1F5E0]  }
0x1b4: {  	v57 =	vmul.f32 v0, v45;
	v24 =	vld [tilespmem:$0x1F600];
	v60 =	vadd.f32 v38, v42;
	v5 =	vmul.f32 v1, v59  }
0x1b5: {  	v23 =	vld.idx.msk [tilespmem:v49+s16+$0x0], $0xffff;
	v62 =	vmul.f32 v0, v61  }
0x1b6: {  	v16 =	vadd.f32 v43, v57;
	v17 =	vld [tilespmem:$0x1F5D0];
	v4 =	vmul.f32 v1, v15;
	v5 =	vsub.f32 v60, v5  }
0x1b7: {  	v63 =	vld.idx.msk [tilespmem:v47+s16+$0x0], $0xffff;
	v20 =	vadd.f32 v58, v62  }
0x1b8: {  	v19 =	vld.idx.msk [tilespmem:v48+s16+$0x0], $0xffff;
	v5 =	vand.u32 $0x7FFFFFFF, v5;
	v4 =	vsub.f32 v16, v4;
	v3 =	vmul.f32 v1, v3  }
0x1b9: {  	v21 =	vld [tilespmem:$0x1F5F0];
	v2 =	vadd.f32 v2, v5  }
0x1ba: {  	v4 =	vand.u32 $0x7FFFFFFF, v4;
	v26 =	vld [tilespmem:$0x1F610];
	v3 =	vsub.f32 v20, v3  }
0x1bb: {  	v18 =	vmul.f32 v0, v17;
	v29 =	vld [tilespmem:$0x1F620];
	v2 =	vadd.f32 v2, v4  }
0x1bc: {  	v3 =	vand.u32 $0x7FFFFFFF, v3  }
0x1bd: {  	v25 =	vadd.f32 v63, v18;
	v5 =	vmul.f32 v1, v24;
	v2 =	vadd.f32 v2, v3;
	v3 =	vld [tilespmem:$0x1F640]  }
0x1be: {  	v22 =	vmul.f32 v0, v21;
	v28 =	vld.idx.msk [tilespmem:v50+s16+$0x0], $0xffff  }
0x1bf: {  	v31 =	vld [tilespmem:$0x1F630];
	v5 =	vsub.f32 v25, v5  }
0x1c0: {  	v30 =	vadd.f32 v19, v22;
	v33 =	vld.idx.msk [tilespmem:v51+s16+$0x0], $0xffff;
	v27 =	vmul.f32 v0, v26;
	v4 =	vmul.f32 v1, v29  }
0x1c1: {  	v35 =	vld [tilespmem:$0x1F650];
	v5 =	vand.u32 $0x7FFFFFFF, v5  }
0x1c2: {  	v37 =	vld.idx.msk [tilespmem:v52+s16+$0x0], $0xffff;
	v4 =	vsub.f32 v30, v4;
	v34 =	vadd.f32 v23, v27;
	v3 =	vmul.f32 v1, v3  }
0x1c3: {  	v38 =	vld [tilespmem:$0x1F660];
	v2 =	vadd.f32 v2, v5  }
0x1c4: {  	v40 =	vld [tilespmem:$0x1F670];
	v4 =	vand.u32 $0x7FFFFFFF, v4;
	v3 =	vsub.f32 v34, v3  }
0x1c5: {  	v43 =	vld [tilespmem:$0x1F680];
	v2 =	vadd.f32 v2, v4  }
0x1c6: {  	v42 =	vld.idx.msk [tilespmem:v53+s16+$0x0], $0xffff;
	v32 =	vmul.f32 v0, v31;
	v3 =	vand.u32 $0x7FFFFFFF, v3  }
0x1c7: {  	v2 =	vadd.f32 v2, v3;
	v3 =	vld [tilespmem:$0x1F6A0]  }
0x1c8: {  	v45 =	vld [tilespmem:$0x1F690];
	v36 =	vmul.f32 v0, v35;
	v39 =	vadd.f32 v28, v32;
	v5 =	vmul.f32 v1, v38  }
0x1c9: {  	v47 =	vld.idx.msk [tilespmem:v54+s16+$0x0], $0xffff;
	v41 =	vmul.f32 v0, v40  }
0x1ca: {  	v49 =	vld [tilespmem:$0x1F6B0];
	v44 =	vadd.f32 v33, v36;
	v4 =	vmul.f32 v1, v43;
	v5 =	vsub.f32 v39, v5  }
0x1cb: {  	v51 =	vld.idx.msk [tilespmem:v55+s16+$0x0], $0xffff;
	v48 =	vadd.f32 v37, v41  }
0x1cc: {  	v52 =	vld [tilespmem:$0x1F6C0];
	v5 =	vand.u32 $0x7FFFFFFF, v5;
	v4 =	vsub.f32 v44, v4;
	v3 =	vmul.f32 v1, v3  }
0x1cd: {  	v54 =	vld [tilespmem:$0x1F6D0];
	v2 =	vadd.f32 v2, v5  }
0x1ce: {  	v56 =	vld.idx.msk [tilespmem:v56+s16+$0x0], $0xffff;
	v4 =	vand.u32 $0x7FFFFFFF, v4;
	v3 =	vsub.f32 v48, v3  }
0x1cf: {  	v57 =	vld [tilespmem:$0x1F6E0];
	v2 =	vadd.f32 v2, v4  }
0x1d0: {  	v59 =	vld [tilespmem:$0x1F6F0];
	v46 =	vmul.f32 v0, v45;
	v3 =	vand.u32 $0x7FFFFFFF, v3  }
0x1d1: {  	v2 =	vadd.f32 v2, v3;
	v3 =	vld [tilespmem:$0x1F700]  }
0x1d2: {  	v63 =	vld [tilespmem:$0x1F710];
	v50 =	vmul.f32 v0, v49;
	v53 =	vadd.f32 v42, v46;
	v5 =	vmul.f32 v1, v52  }
0x1d3: {  	v61 =	vld.idx.msk [tilespmem:v13+s16+$0x0], $0xffff;
	v55 =	vmul.f32 v0, v54  }
0x1d4: {  	v11 =	vld [tilespmem:$0x1F720];
	v58 =	vadd.f32 v47, v50;
	v4 =	vmul.f32 v1, v57;
	v5 =	vsub.f32 v53, v5  }
0x1d5: {  	v14 =	vld [tilespmem:$0x1F730];
	v60 =	vmul.f32 v0, v59;
	v62 =	vadd.f32 v51, v55  }
0x1d6: {  	v5 =	vand.u32 $0x7FFFFFFF, v5;
	v4 =	vsub.f32 v58, v4;
	v3 =	vmul.f32 v1, v3  }
0x1d7: {  	v0 =	vmul.f32 v0, v63;
	v2 =	vadd.f32 v2, v5  }
0x1d8: {  	v13 =	vadd.f32 v56, v60;
	v4 =	vand.u32 $0x7FFFFFFF, v4;
	v3 =	vsub.f32 v62, v3  }
0x1d9: {  	v0 =	vadd.f32 v61, v0;
	v2 =	vadd.f32 v2, v4  }
0x1da: {  	s22 =	simm.s32 $0x10;
	v5 =	vmul.f32 v1, v11;
	v1 =	vmul.f32 v1, v14;
	v3 =	vand.u32 $0x7FFFFFFF, v3  }
0x1db: {  	v2 =	vadd.f32 v2, v3;
	v3 =	vmov s22  }
0x1dc: {  	v15 =	vsub.f32 v13, v5;
	v1 =	vsub.f32 v0, v1;
	v0 =	vshll.u32 v3, $0x6;
	v3 =	vld [tilespmem:$0x1FFF0];
	_ =	sdelay $0x1  }
0x1dd: {  	v4 =	vand.u32 $0x7FFFFFFF, v15  }
0x1de: {  	v2 =	vadd.f32 v2, v4  }
0x1df: {  	v1 =	vand.u32 $0x7FFFFFFF, v1  }
0x1e0: {  	v1 =	vadd.f32 v2, v1;
	v0 =	vor.u32 v3, v0;
	_ =	sdelay $0x1  }
0x1e1: {  	v2 =	vsub.f32 $0.0e+00, v1;
	v30 =	vor.u32 $0x1, v0;
	_ =	sdelay $0x1  }
0x1e2: {  	v28 =	vor.u32 $0x2, v0;
	[tilespmem:s19+$0x0] =	vst v2  }
0x1e3: {  	v29 =	vor.u32 $0x3, v0;
	v16 =	vld.idx.msk [tilespmem:v0+s14+$0x0], $0xffff  }
0x1e4: {  	v18 =	vld.idx.msk [tilespmem:v0+s15+$0x0], $0xffff  }
0x1e5: {  	v2 =	vld.idx.msk [tilespmem:v30+s14+$0x0], $0xffff  }
0x1e6: {  	v58 =	vor.u32 $0x5, v0;
	v1 =	vld.idx.msk [tilespmem:v30+s15+$0x0], $0xffff  }
0x1e7: {  	v31 =	vor.u32 $0x4, v0;
	v17 =	vld.idx.msk [tilespmem:v28+s14+$0x0], $0xffff  }
0x1e8: {  	v3 =	vld.idx.msk [tilespmem:v29+s14+$0x0], $0xffff;
	[tilespmem:$0x1F740] =	vst v16  }
0x1e9: {  	v59 =	vor.u32 $0x7, v0;
	v19 =	vld.idx.msk [tilespmem:v28+s15+$0x0], $0xffff;
	[tilespmem:$0x1F770] =	vst v18  }
0x1ea: {  	v62 =	vor.u32 $0x6, v0;
	v21 =	vld.idx.msk [tilespmem:v29+s15+$0x0], $0xffff;
	[tilespmem:$0x1F750] =	vst v2  }
0x1eb: {  	v25 =	vld.idx.msk [tilespmem:v58+s14+$0x0], $0xffff;
	[tilespmem:$0x1F780] =	vst v1  }
0x1ec: {  	v60 =	vor.u32 $0x9, v0;
	v26 =	vld.idx.msk [tilespmem:v31+s15+$0x0], $0xffff;
	[tilespmem:$0x1F760] =	vst v17  }
0x1ed: {  	v33 =	vld.idx.msk [tilespmem:v58+s15+$0x0], $0xffff;
	[tilespmem:$0x1F7A0] =	vst v3  }
0x1ee: {  	v61 =	vor.u32 $0xB, v0;
	v36 =	vld.idx.msk [tilespmem:v59+s14+$0x0], $0xffff;
	[tilespmem:$0x1F790] =	vst v19  }
0x1ef: {  	v37 =	vld.idx.msk [tilespmem:v62+s15+$0x0], $0xffff;
	[tilespmem:$0x1F7B0] =	vst v21  }
0x1f0: {  	v41 =	vld.idx.msk [tilespmem:v59+s15+$0x0], $0xffff;
	[tilespmem:$0x1F7D0] =	vst v25  }
0x1f1: {  	v44 =	vld.idx.msk [tilespmem:v60+s14+$0x0], $0xffff;
	[tilespmem:$0x1F7E0] =	vst v26  }
0x1f2: {  	v48 =	vld.idx.msk [tilespmem:v60+s15+$0x0], $0xffff;
	[tilespmem:$0x1F7F0] =	vst v33  }
0x1f3: {  	v51 =	vld.idx.msk [tilespmem:v61+s14+$0x0], $0xffff;
	[tilespmem:$0x1F810] =	vst v36  }
0x1f4: {  	v55 =	vld.idx.msk [tilespmem:v61+s15+$0x0], $0xffff;
	[tilespmem:$0x1F830] =	vst v37  }
0x1f5: {  	v5 =	vmul.f32 v16, v16;
	v23 =	vmul.f32 v18, v18;
	[tilespmem:$0x1F840] =	vst v41  }
0x1f6: {  	v20 =	vmul.f32 v2, v2;
	v22 =	vmul.f32 v17, v17;
	[tilespmem:$0x1F860] =	vst v44  }
0x1f7: {  	v24 =	vmul.f32 v1, v1;
	v1 =	vor.u32 $0x8, v0;
	v27 =	vmul.f32 v3, v3;
	[tilespmem:$0x1F890] =	vst v48  }
0x1f8: {  	v2 =	vld.idx.msk [tilespmem:v31+s14+$0x0], $0xffff;
	v32 =	vmul.f32 v19, v19;
	v35 =	vmul.f32 v21, v21;
	[tilespmem:$0x1F8B0] =	vst v51  }
0x1f9: {  	v3 =	vld.idx.msk [tilespmem:v62+s14+$0x0], $0xffff;
	v43 =	vmul.f32 v33, v33;
	[tilespmem:$0x1F8E0] =	vst v55;
	v33 =	vor.u32 $0xF, v0;
	v7 =	vadd.f32 v24, v23  }
0x1fa: {  	v17 =	vor.u32 $0x10, v0;
	v18 =	vmul.f32 v51, v51;
	[tilespmem:$0x1F820] =	vst v1;
	v5 =	vadd.f32 v20, v5  }
0x1fb: {  	v51 =	vor.u32 $0x16, v0;
	[tilespmem:$0x1F960] =	vst v17;
	v7 =	vadd.f32 v32, v7;
	v32 =	vor.u32 $0xD, v0  }
0x1fc: {  	v38 =	vmul.f32 v25, v25;
	[tilespmem:$0x1FA50] =	vst v51;
	v5 =	vadd.f32 v22, v5;
	v40 =	vld.idx.msk [tilespmem:v1+s14+$0x0], $0xffff  }
0x1fd: {  	v39 =	vmul.f32 v26, v26;
	[tilespmem:$0x1F7C0] =	vst v2;
	v34 =	vmul.f32 v2, v2;
	v2 =	vor.u32 $0xA, v0;
	v1 =	vld.idx.msk [tilespmem:v1+s15+$0x0], $0xffff  }
0x1fe: {  	v45 =	vmul.f32 v36, v36;
	[tilespmem:$0x1F800] =	vst v3;
	v23 =	vld.idx.msk [tilespmem:v33+s14+$0x0], $0xffff;
	v5 =	vadd.f32 v27, v5  }
0x1ff: {  	v42 =	vmul.f32 v3, v3;
	v3 =	vor.u32 $0xC, v0;
	v7 =	vadd.f32 v35, v7;
	[tilespmem:$0x1F870] =	vst v2;
	v27 =	vld.idx.msk [tilespmem:v33+s15+$0x0], $0xffff  }
0x200: {  	v46 =	vmul.f32 v37, v37;
	[tilespmem:$0x1F8C0] =	vst v3;
	v5 =	vadd.f32 v34, v5;
	v63 =	vld.idx.msk [tilespmem:v32+s14+$0x0], $0xffff  }
0x201: {  	v50 =	vmul.f32 v41, v41;
	v7 =	vadd.f32 v39, v7;
	v20 =	vld.idx.msk [tilespmem:v32+s15+$0x0], $0xffff;
	[tilespmem:$0x1F850] =	vst v40  }
0x202: {  	v53 =	vmul.f32 v44, v44;
	v34 =	vor.u32 $0x11, v0;
	v5 =	vadd.f32 v38, v5;
	[tilespmem:$0x1F880] =	vst v1;
	v47 =	vld.idx.msk [tilespmem:v2+s14+$0x0], $0xffff  }
0x203: {  	v35 =	vor.u32 $0x13, v0;
	v7 =	vadd.f32 v43, v7;
	v52 =	vld.idx.msk [tilespmem:v2+s15+$0x0], $0xffff;
	v2 =	vor.u32 $0xE, v0;
	[tilespmem:$0x1F950] =	vst v23  }
0x204: {  	v54 =	vmul.f32 v1, v1;
	v1 =	vmov v3;
	[tilespmem:$0x1F910] =	vst v2;
	v5 =	vadd.f32 v42, v5  }
0x205: {  	v3 =	vld.idx.msk [tilespmem:v3+s14+$0x0], $0xffff;
	v44 =	vmul.f32 v23, v23;
	v23 =	vor.u32 $0x1A, v0;
	[tilespmem:$0x1F980] =	vst v27;
	v7 =	vadd.f32 v46, v7  }
0x206: {  	v49 =	vmul.f32 v40, v40;
	v43 =	vld.idx.msk [tilespmem:v17+s15+$0x0], $0xffff;
	[tilespmem:$0x1FAF0] =	vst v23;
	v5 =	vadd.f32 v45, v5  }
0x207: {  	v42 =	vld.idx.msk [tilespmem:v34+s14+$0x0], $0xffff;
	v7 =	vadd.f32 v50, v7;
	[tilespmem:$0x1F900] =	vst v63  }
0x208: {  	[tilespmem:$0x1F930] =	vst v20;
	v50 =	vld.idx.msk [tilespmem:v35+s14+$0x0], $0xffff;
	v5 =	vadd.f32 v49, v5  }
0x209: {  	v57 =	vmul.f32 v48, v48;
	[tilespmem:$0x1F8A0] =	vst v47;
	v16 =	vld.idx.msk [tilespmem:v1+s15+$0x0], $0xffff;
	v1 =	vmov v2;
	v7 =	vadd.f32 v54, v7  }
0x20a: {  	[tilespmem:$0x1F8D0] =	vst v52;
	v56 =	vmul.f32 v47, v47;
	v5 =	vadd.f32 v53, v5  }
0x20b: {  	[tilespmem:$0x1F8F0] =	vst v3;
	v19 =	vmul.f32 v52, v52;
	v2 =	vld.idx.msk [tilespmem:v2+s14+$0x0], $0xffff;
	v7 =	vadd.f32 v57, v7  }
0x20c: {  	v37 =	vor.u32 $0x17, v0;
	v21 =	vmul.f32 v3, v3;
	v3 =	vld.idx.msk [tilespmem:v17+s14+$0x0], $0xffff;
	[tilespmem:$0x1F9C0] =	vst v43;
	v5 =	vadd.f32 v56, v5  }
0x20d: {  	v36 =	vor.u32 $0x15, v0;
	v22 =	vmul.f32 v55, v55;
	v47 =	vld.idx.msk [tilespmem:v34+s15+$0x0], $0xffff;
	[tilespmem:$0x1F9A0] =	vst v42;
	v7 =	vadd.f32 v19, v7  }
0x20e: {  	v25 =	vmul.f32 v63, v63;
	[tilespmem:$0x1F9F0] =	vst v50;
	v24 =	vld.idx.msk [tilespmem:v1+s15+$0x0], $0xffff;
	v6 =	vadd.f32 v18, v5  }
0x20f: {  	[tilespmem:$0x1F920] =	vst v16;
	v1 =	vor.u32 $0x12, v0;
	v26 =	vmul.f32 v16, v16;
	v7 =	vadd.f32 v22, v7  }
0x210: {  	v41 =	vmul.f32 v20, v20;
	v54 =	vld.idx.msk [tilespmem:v35+s15+$0x0], $0xffff;
	[tilespmem:$0x1F940] =	vst v2;
	v6 =	vadd.f32 v21, v6  }
0x211: {  	v49 =	vmul.f32 v27, v27;
	v27 =	vld.idx.msk [tilespmem:v37+s15+$0x0], $0xffff;
	[tilespmem:$0x1F990] =	vst v3;
	v7 =	vadd.f32 v26, v7  }
0x212: {  	v57 =	vld.idx.msk [tilespmem:v36+s14+$0x0], $0xffff;
	v40 =	vmul.f32 v2, v2;
	[tilespmem:$0x1F9D0] =	vst v47;
	v9 =	vadd.f32 v25, v6  }
0x213: {  	v2 =	vor.u32 $0x14, v0;
	v19 =	vld.idx.msk [tilespmem:v36+s15+$0x0], $0xffff;
	[tilespmem:$0x1F9B0] =	vst v1;
	v45 =	vmul.f32 v24, v24;
	v7 =	vadd.f32 v41, v7  }
0x214: {  	v48 =	vmul.f32 v3, v3;
	[tilespmem:$0x1FA00] =	vst v2;
	v46 =	vld.idx.msk [tilespmem:v1+s14+$0x0], $0xffff;
	v9 =	vadd.f32 v40, v9  }
0x215: {  	v16 =	vor.u32 $0x18, v0;
	[tilespmem:$0x1FA20] =	vst v54;
	v3 =	vld.idx.msk [tilespmem:v1+s15+$0x0], $0xffff;
	v1 =	vmov v2;
	v8 =	vadd.f32 v45, v7  }
0x216: {  	[tilespmem:$0x1FAA0] =	vst v16;
	v22 =	vld.idx.msk [tilespmem:v37+s14+$0x0], $0xffff;
	v26 =	vmov v16;
	v9 =	vadd.f32 v44, v9  }
0x217: {  	v53 =	vmul.f32 v43, v43;
	[tilespmem:$0x1FAC0] =	vst v27;
	v8 =	vadd.f32 v49, v8  }
0x218: {  	v52 =	vmul.f32 v42, v42;
	[tilespmem:$0x1FA40] =	vst v57;
	v2 =	vld.idx.msk [tilespmem:v2+s14+$0x0], $0xffff;
	v9 =	vadd.f32 v48, v9  }
0x219: {  	v17 =	vmul.f32 v50, v50;
	v56 =	vmul.f32 v47, v47;
	[tilespmem:$0x1F970] =	vst v24;
	v11 =	vadd.f32 v53, v8  }
0x21a: {  	v38 =	vor.u32 $0x19, v0;
	[tilespmem:$0x1FA70] =	vst v19;
	v55 =	vmul.f32 v46, v46;
	v63 =	vld.idx.msk [tilespmem:v1+s15+$0x0], $0xffff;
	v9 =	vadd.f32 v52, v9  }
0x21b: {  	v39 =	vor.u32 $0x1B, v0;
	[tilespmem:$0x1FA90] =	vst v22;
	v4 =	vld.idx.msk [tilespmem:v26+s15+$0x0], $0xffff;
	v18 =	vmul.f32 v3, v3;
	v11 =	vadd.f32 v56, v11  }
0x21c: {  	v21 =	vmul.f32 v54, v54;
	v41 =	vor.u32 $0x1F, v0;
	[tilespmem:$0x1F9E0] =	vst v46;
	v1 =	vld.idx.msk [tilespmem:v51+s14+$0x0], $0xffff;
	v9 =	vadd.f32 v55, v9  }
0x21d: {  	v40 =	vor.u32 $0x1D, v0;
	[tilespmem:$0x1FA10] =	vst v3;
	v20 =	vmul.f32 v2, v2;
	v3 =	vld.idx.msk [tilespmem:v51+s15+$0x0], $0xffff;
	v11 =	vadd.f32 v18, v11  }
0x21e: {  	[tilespmem:$0x1FA30] =	vst v2;
	v2 =	vld.idx.msk [tilespmem:v16+s14+$0x0], $0xffff;
	v51 =	vmul.f32 v27, v27;
	v27 =	vor.u32 $0x22, v0;
	v9 =	vadd.f32 v17, v9  }
0x21f: {  	v46 =	vld.idx.msk [tilespmem:v38+s14+$0x0], $0xffff;
	[tilespmem:$0x1FC00] =	vst v27;
	v25 =	vmul.f32 v63, v63;
	v11 =	vadd.f32 v21, v11  }
0x220: {  	v24 =	vmul.f32 v57, v57;
	v49 =	vld.idx.msk [tilespmem:v38+s15+$0x0], $0xffff;
	[tilespmem:$0x1FB00] =	vst v4;
	v10 =	vadd.f32 v20, v9  }
0x221: {  	v45 =	vmul.f32 v19, v19;
	v26 =	vld.idx.msk [tilespmem:v41+s14+$0x0], $0xffff;
	[tilespmem:$0x1FA60] =	vst v63;
	v11 =	vadd.f32 v25, v11  }
0x222: {  	v52 =	vld.idx.msk [tilespmem:v39+s14+$0x0], $0xffff;
	[tilespmem:$0x1FA80] =	vst v1;
	v44 =	vmul.f32 v1, v1;
	v10 =	vadd.f32 v24, v10  }
0x223: {  	v43 =	vor.u32 $0x23, v0;
	[tilespmem:$0x1FAB0] =	vst v3;
	v48 =	vmul.f32 v3, v3;
	v63 =	vld.idx.msk [tilespmem:v40+s14+$0x0], $0xffff;
	v11 =	vadd.f32 v45, v11  }
0x224: {  	v47 =	vmul.f32 v22, v22;
	[tilespmem:$0x1FAD0] =	vst v2;
	v1 =	vld.idx.msk [tilespmem:v23+s14+$0x0], $0xffff;
	v13 =	vadd.f32 v44, v10;
	v10 =	vor.u32 $0x1C, v0  }
0x225: {  	v54 =	vmul.f32 v4, v4;
	[tilespmem:$0x1FAE0] =	vst v46;
	v3 =	vld.idx.msk [tilespmem:v23+s15+$0x0], $0xffff;
	v12 =	vadd.f32 v48, v11  }
0x226: {  	v42 =	vor.u32 $0x21, v0;
	[tilespmem:$0x1FB10] =	vst v49;
	v50 =	vmul.f32 v2, v2;
	v55 =	vld.idx.msk [tilespmem:v39+s15+$0x0], $0xffff;
	v13 =	vadd.f32 v47, v13  }
0x227: {  	v53 =	vmul.f32 v46, v46;
	v23 =	vld.idx.msk [tilespmem:v40+s15+$0x0], $0xffff;
	[tilespmem:$0x1FBB0] =	vst v26;
	v12 =	vadd.f32 v51, v12  }
0x228: {  	[tilespmem:$0x1FB70] =	vst v63;
	v46 =	vmul.f32 v63, v63;
	v63 =	vld.idx.msk [tilespmem:v43+s14+$0x0], $0xffff;
	v11 =	vor.u32 $0x1E, v0;
	v13 =	vadd.f32 v50, v13  }
0x229: {  	v57 =	vmul.f32 v49, v49;
	[tilespmem:$0x1FB30] =	vst v52;
	v15 =	vadd.f32 v54, v12;
	v2 =	vld.idx.msk [tilespmem:v10+s14+$0x0], $0xffff  }
0x22a: {  	v56 =	vmul.f32 v1, v1;
	v22 =	vmul.f32 v3, v3;
	v20 =	vld.idx.msk [tilespmem:v10+s15+$0x0], $0xffff;
	v13 =	vadd.f32 v53, v13  }
0x22b: {  	[tilespmem:$0x1FB50] =	vst v55;
	v25 =	vmul.f32 v55, v55;
	v55 =	vld.idx.msk [tilespmem:v42+s15+$0x0], $0xffff;
	v15 =	vadd.f32 v57, v15  }
0x22c: {  	v21 =	vmul.f32 v52, v52;
	[tilespmem:$0x1FB20] =	vst v1;
	v51 =	vld.idx.msk [tilespmem:v42+s14+$0x0], $0xffff;
	v12 =	vor.u32 $0x20, v0;
	v13 =	vadd.f32 v56, v13  }
0x22d: {  	[tilespmem:$0x1FB40] =	vst v3;
	v1 =	vld.idx.msk [tilespmem:v11+s14+$0x0], $0xffff;
	v15 =	vadd.f32 v22, v15  }
0x22e: {  	[tilespmem:$0x1FB90] =	vst v23;
	v44 =	vor.u32 $0x25, v0;
	v3 =	vld.idx.msk [tilespmem:v11+s15+$0x0], $0xffff;
	v13 =	vadd.f32 v21, v13;
	v24 =	vmul.f32 v2, v2  }
0x22f: {  	v48 =	vld.idx.msk [tilespmem:v41+s15+$0x0], $0xffff;
	[tilespmem:$0x1FC40] =	vst v63;
	v15 =	vadd.f32 v25, v15;
	v47 =	vmul.f32 v20, v20  }
0x230: {  	[tilespmem:$0x1FC20] =	vst v55;
	v14 =	vadd.f32 v24, v13  }
0x231: {  	v50 =	vmul.f32 v23, v23;
	[tilespmem:$0x1FB60] =	vst v2;
	v2 =	vld.idx.msk [tilespmem:v12+s14+$0x0], $0xffff;
	v15 =	vadd.f32 v47, v15  }
0x232: {  	[tilespmem:$0x1FBF0] =	vst v51;
	v52 =	vld.idx.msk [tilespmem:v12+s15+$0x0], $0xffff;
	v49 =	vmul.f32 v1, v1;
	v14 =	vadd.f32 v46, v14  }
0x233: {  	v22 =	vmul.f32 v51, v51;
	v51 =	vld.idx.msk [tilespmem:v44+s15+$0x0], $0xffff;
	v54 =	vmul.f32 v3, v3;
	v15 =	vadd.f32 v50, v15  }
0x234: {  	[tilespmem:$0x1FBD0] =	vst v48;
	v53 =	vmul.f32 v26, v26;
	v17 =	vadd.f32 v49, v14;
	v14 =	vor.u32 $0x24, v0  }
0x235: {  	v57 =	vmul.f32 v48, v48;
	[tilespmem:$0x1FBA0] =	vst v1;
	v1 =	vld.idx.msk [tilespmem:v27+s14+$0x0], $0xffff;
	v16 =	vadd.f32 v54, v15  }
0x236: {  	v45 =	vor.u32 $0x27, v0;
	[tilespmem:$0x1FBC0] =	vst v3;
	v3 =	vld.idx.msk [tilespmem:v27+s15+$0x0], $0xffff;
	v56 =	vmul.f32 v2, v2;
	v17 =	vadd.f32 v53, v17  }
0x237: {  	[tilespmem:$0x1FB80] =	vst v20;
	v27 =	vld.idx.msk [tilespmem:v44+s14+$0x0], $0xffff;
	v23 =	vmul.f32 v52, v52;
	v16 =	vadd.f32 v57, v16  }
0x238: {  	v24 =	vld.idx.msk [tilespmem:v43+s15+$0x0], $0xffff;
	[tilespmem:$0x1FCA0] =	vst v51;
	v15 =	vor.u32 $0x26, v0;
	v17 =	vadd.f32 v56, v17  }
0x239: {  	v26 =	vmul.f32 v55, v55;
	[tilespmem:$0x1FBE0] =	vst v2;
	v19 =	vadd.f32 v23, v16;
	v2 =	vld.idx.msk [tilespmem:v14+s14+$0x0], $0xffff  }
0x23a: {  	[tilespmem:$0x1FC10] =	vst v52;
	v46 =	vor.u32 $0x29, v0;
	v25 =	vmul.f32 v1, v1;
	v48 =	vld.idx.msk [tilespmem:v14+s15+$0x0], $0xffff;
	v17 =	vadd.f32 v22, v17  }
0x23b: {  	[tilespmem:$0x1FC30] =	vst v1;
	v50 =	vmul.f32 v3, v3;
	v54 =	vld.idx.msk [tilespmem:v45+s14+$0x0], $0xffff;
	v19 =	vadd.f32 v26, v19  }
0x23c: {  	[tilespmem:$0x1FC50] =	vst v3;
	v49 =	vmul.f32 v63, v63;
	v57 =	vld.idx.msk [tilespmem:v45+s15+$0x0], $0xffff;
	v16 =	vor.u32 $0x28, v0;
	v17 =	vadd.f32 v25, v17  }
0x23d: {  	[tilespmem:$0x1FC80] =	vst v27;
	v53 =	vmul.f32 v24, v24;
	v1 =	vld.idx.msk [tilespmem:v15+s14+$0x0], $0xffff;
	v19 =	vadd.f32 v50, v19  }
0x23e: {  	v47 =	vor.u32 $0x2B, v0;
	[tilespmem:$0x1FC60] =	vst v24;
	v3 =	vld.idx.msk [tilespmem:v15+s15+$0x0], $0xffff;
	v17 =	vadd.f32 v49, v17;
	v52 =	vmul.f32 v2, v2  }
0x23f: {  	v13 =	vld.idx.msk [tilespmem:v46+s14+$0x0], $0xffff;
	[tilespmem:$0x1FC90] =	vst v48;
	v19 =	vadd.f32 v53, v19;
	v56 =	vmul.f32 v48, v48;
	v48 =	vor.u32 $0x2D, v0  }
0x240: {  	v55 =	vmul.f32 v27, v27;
	v27 =	vld.idx.msk [tilespmem:v46+s15+$0x0], $0xffff;
	[tilespmem:$0x1FCC0] =	vst v54;
	v18 =	vadd.f32 v52, v17;
	v17 =	vor.u32 $0x2A, v0  }
0x241: {  	v9 =	vmul.f32 v51, v51;
	[tilespmem:$0x1FC70] =	vst v2;
	v2 =	vld.idx.msk [tilespmem:v16+s14+$0x0], $0xffff;
	v19 =	vadd.f32 v56, v19  }
0x242: {  	v25 =	vmul.f32 v54, v54;
	v24 =	vld.idx.msk [tilespmem:v16+s15+$0x0], $0xffff;
	v63 =	vmul.f32 v1, v1;
	v18 =	vadd.f32 v55, v18  }
0x243: {  	[tilespmem:$0x1FCE0] =	vst v57;
	v54 =	vld.idx.msk [tilespmem:v47+s14+$0x0], $0xffff;
	v50 =	vor.u32 $0x31, v0;
	v26 =	vmul.f32 v3, v3;
	v19 =	vadd.f32 v9, v19  }
0x244: {  	[tilespmem:$0x1FD00] =	vst v13;
	v55 =	vmul.f32 v13, v13;
	v13 =	vld.idx.msk [tilespmem:v48+s14+$0x0], $0xffff;
	v21 =	vadd.f32 v63, v18;
	v18 =	vor.u32 $0x2C, v0  }
0x245: {  	[tilespmem:$0x1FCB0] =	vst v1;
	v53 =	vmul.f32 v57, v57;
	v20 =	vadd.f32 v26, v19;
	v1 =	vld.idx.msk [tilespmem:v17+s14+$0x0], $0xffff  }
0x246: {  	[tilespmem:$0x1FCD0] =	vst v3;
	v49 =	vor.u32 $0x2F, v0;
	v52 =	vmul.f32 v2, v2;
	v3 =	vld.idx.msk [tilespmem:v17+s15+$0x0], $0xffff;
	v21 =	vadd.f32 v25, v21  }
0x247: {  	[tilespmem:$0x1FD20] =	vst v27;
	v57 =	vld.idx.msk [tilespmem:v47+s15+$0x0], $0xffff;
	v56 =	vmul.f32 v24, v24;
	v20 =	vadd.f32 v53, v20  }
0x248: {  	[tilespmem:$0x1FD40] =	vst v54;
	v5 =	vld.idx.msk [tilespmem:v50+s14+$0x0], $0xffff;
	v9 =	vmul.f32 v27, v27;
	v19 =	vor.u32 $0x2E, v0;
	v21 =	vadd.f32 v52, v21  }
0x249: {  	[tilespmem:$0x1FCF0] =	vst v2;
	v53 =	vmul.f32 v54, v54;
	v23 =	vadd.f32 v56, v20;
	v2 =	vld.idx.msk [tilespmem:v18+s14+$0x0], $0xffff  }
0x24a: {  	[tilespmem:$0x1FD80] =	vst v13;
	v52 =	vld.idx.msk [tilespmem:v18+s15+$0x0], $0xffff;
	v21 =	vadd.f32 v55, v21;
	v63 =	vmul.f32 v1, v1  }
0x24b: {  	v7 =	vmul.f32 v13, v13;
	v13 =	vld.idx.msk [tilespmem:v49+s15+$0x0], $0xffff;
	v23 =	vadd.f32 v9, v23;
	v54 =	vmul.f32 v3, v3  }
0x24c: {  	[tilespmem:$0x1FD60] =	vst v57;
	v20 =	vor.u32 $0x30, v0;
	v55 =	vld.idx.msk [tilespmem:v48+s15+$0x0], $0xffff;
	v21 =	vadd.f32 v63, v21  }
0x24d: {  	v57 =	vmul.f32 v57, v57;
	[tilespmem:$0x1FD30] =	vst v1;
	v1 =	vld.idx.msk [tilespmem:v19+s14+$0x0], $0xffff;
	v23 =	vadd.f32 v54, v23  }
0x24e: {  	[tilespmem:$0x1FD50] =	vst v3;
	v3 =	vld.idx.msk [tilespmem:v19+s15+$0x0], $0xffff;
	v21 =	vadd.f32 v53, v21;
	v56 =	vmul.f32 v2, v2  }
0x24f: {  	v51 =	vor.u32 $0x33, v0;
	[tilespmem:$0x1FD10] =	vst v24;
	v63 =	vld.idx.msk [tilespmem:v49+s14+$0x0], $0xffff;
	v23 =	vadd.f32 v57, v23;
	v9 =	vmul.f32 v52, v52  }
0x250: {  	v8 =	vld.idx.msk [tilespmem:v50+s15+$0x0], $0xffff;
	[tilespmem:$0x1FD70] =	vst v2;
	v22 =	vadd.f32 v56, v21;
	v21 =	vor.u32 $0x32, v0  }
0x251: {  	v2 =	vld.idx.msk [tilespmem:v20+s14+$0x0], $0xffff;
	[tilespmem:$0x1FDA0] =	vst v55;
	v55 =	vmul.f32 v55, v55;
	v23 =	vadd.f32 v9, v23  }
0x252: {  	v4 =	vld.idx.msk [tilespmem:v20+s15+$0x0], $0xffff;
	[tilespmem:$0x1FD90] =	vst v52;
	v52 =	vor.u32 $0x35, v0;
	v54 =	vmul.f32 v1, v1;
	v22 =	vadd.f32 v7, v22  }
0x253: {  	[tilespmem:$0x1FDE0] =	vst v13;
	v57 =	vmul.f32 v3, v3;
	v9 =	vmul.f32 v13, v13;
	v23 =	vadd.f32 v55, v23  }
0x254: {  	[tilespmem:$0x1FDB0] =	vst v1;
	v13 =	vld.idx.msk [tilespmem:v51+s14+$0x0], $0xffff;
	v56 =	vmul.f32 v63, v63;
	v25 =	vadd.f32 v54, v22;
	v22 =	vor.u32 $0x34, v0  }
0x255: {  	[tilespmem:$0x1FDD0] =	vst v3;
	v24 =	vadd.f32 v57, v23;
	v1 =	vld.idx.msk [tilespmem:v21+s14+$0x0], $0xffff  }
0x256: {  	[tilespmem:$0x1FDC0] =	vst v63;
	v63 =	vmul.f32 v2, v2;
	v3 =	vld.idx.msk [tilespmem:v21+s15+$0x0], $0xffff;
	v25 =	vadd.f32 v56, v25  }
0x257: {  	[tilespmem:$0x1FE00] =	vst v5;
	v7 =	vld.idx.msk [tilespmem:v51+s15+$0x0], $0xffff;
	v57 =	vmul.f32 v4, v4;
	v24 =	vadd.f32 v9, v24  }
0x258: {  	[tilespmem:$0x1FE20] =	vst v8;
	v23 =	vor.u32 $0x36, v0;
	v56 =	vmul.f32 v5, v5;
	v5 =	vld.idx.msk [tilespmem:v52+s14+$0x0], $0xffff;
	v25 =	vadd.f32 v63, v25  }
0x259: {  	v8 =	vmul.f32 v8, v8;
	[tilespmem:$0x1FDF0] =	vst v2;
	v27 =	vadd.f32 v57, v24;
	v24 =	vor.u32 $0x38, v0;
	v2 =	vld.idx.msk [tilespmem:v22+s14+$0x0], $0xffff  }
0x25a: {  	v53 =	vor.u32 $0x37, v0;
	[tilespmem:$0x1FE10] =	vst v4;
	v4 =	vld.idx.msk [tilespmem:v22+s15+$0x0], $0xffff;
	v25 =	vadd.f32 v56, v25;
	v63 =	vmul.f32 v1, v1  }
0x25b: {  	[tilespmem:$0x1FE40] =	vst v13;
	v9 =	vmul.f32 v13, v13;
	v27 =	vadd.f32 v8, v27;
	v13 =	vmul.f32 v3, v3  }
0x25c: {  	[tilespmem:$0x1FE60] =	vst v7;
	v8 =	vld.idx.msk [tilespmem:v52+s15+$0x0], $0xffff;
	v25 =	vadd.f32 v63, v25  }
0x25d: {  	[tilespmem:$0x1FE30] =	vst v1;
	v1 =	vld.idx.msk [tilespmem:v23+s14+$0x0], $0xffff;
	v27 =	vadd.f32 v13, v27;
	v63 =	vmul.f32 v7, v7  }
0x25e: {  	v54 =	vor.u32 $0x39, v0;
	[tilespmem:$0x1FE50] =	vst v3;
	v3 =	vld.idx.msk [tilespmem:v24+s14+$0x0], $0xffff;
	v25 =	vadd.f32 v9, v25;
	v57 =	vmul.f32 v2, v2  }
0x25f: {  	[tilespmem:$0x1FE80] =	vst v5;
	v9 =	vld.idx.msk [tilespmem:v53+s14+$0x0], $0xffff;
	v27 =	vadd.f32 v63, v27;
	v63 =	vmul.f32 v4, v4  }
0x260: {  	v13 =	vmul.f32 v5, v5;
	[tilespmem:$0x1FE70] =	vst v2;
	v2 =	vld.idx.msk [tilespmem:v23+s15+$0x0], $0xffff;
	v26 =	vadd.f32 v57, v25;
	v25 =	vor.u32 $0x3A, v0  }
0x261: {  	v5 =	vld.idx.msk [tilespmem:v24+s15+$0x0], $0xffff;
	[tilespmem:$0x1FEA0] =	vst v8;
	v8 =	vmul.f32 v8, v8;
	v27 =	vadd.f32 v63, v27  }
0x262: {  	v55 =	vor.u32 $0x3B, v0;
	[tilespmem:$0x1FE90] =	vst v4;
	v4 =	vld.idx.msk [tilespmem:v53+s15+$0x0], $0xffff;
	v7 =	vmul.f32 v1, v1;
	v26 =	vadd.f32 v13, v26  }
0x263: {  	[tilespmem:$0x1FEB0] =	vst v1;
	v1 =	vld.idx.msk [tilespmem:v54+s14+$0x0], $0xffff;
	v27 =	vadd.f32 v8, v27  }
0x264: {  	v8 =	vld.idx.msk [tilespmem:v54+s15+$0x0], $0xffff;
	[tilespmem:$0x1FEC0] =	vst v9;
	v9 =	vmul.f32 v9, v9;
	v56 =	vadd.f32 v7, v26;
	v26 =	vor.u32 $0x3C, v0  }
0x265: {  	[tilespmem:$0x1FED0] =	vst v2;
	v57 =	vmul.f32 v2, v2;
	v2 =	vld.idx.msk [tilespmem:v25+s14+$0x0], $0xffff  }
0x266: {  	[tilespmem:$0x1FEF0] =	vst v3;
	v13 =	vmul.f32 v3, v3;
	v3 =	vld.idx.msk [tilespmem:v25+s15+$0x0], $0xffff;
	v63 =	vadd.f32 v9, v56;
	v56 =	vor.u32 $0x3D, v0  }
0x267: {  	[tilespmem:$0x1FEE0] =	vst v4;
	v57 =	vadd.f32 v57, v27;
	v9 =	vmul.f32 v4, v4;
	v4 =	vld.idx.msk [tilespmem:v55+s14+$0x0], $0xffff  }
0x268: {  	[tilespmem:$0x1FF00] =	vst v1;
	v7 =	vadd.f32 v13, v63;
	v63 =	vor.u32 $0x3E, v0;
	v13 =	vmul.f32 v1, v1;
	v1 =	vld.idx.msk [tilespmem:v55+s15+$0x0], $0xffff  }
0x269: {  	v9 =	vadd.f32 v9, v57;
	v57 =	vmul.f32 v5, v5;
	v27 =	vld.idx.msk [tilespmem:v26+s14+$0x0], $0xffff  }
0x26a: {  	[tilespmem:$0x1FF10] =	vst v5;
	v7 =	vadd.f32 v13, v7;
	v13 =	vor.u32 $0x3F, v0;
	v6 =	vmul.f32 v2, v2  }
0x26b: {  	[tilespmem:$0x1FF30] =	vst v2;
	v9 =	vadd.f32 v57, v9;
	v57 =	vmul.f32 v8, v8;
	v2 =	vld.idx.msk [tilespmem:v56+s14+$0x0], $0xffff  }
0x26c: {  	[tilespmem:$0x1FF20] =	vst v8;
	v5 =	vld.idx.msk [tilespmem:v26+s15+$0x0], $0xffff;
	v6 =	vadd.f32 v6, v7;
	v7 =	vmul.f32 v4, v4  }
0x26d: {  	[tilespmem:$0x1FF50] =	vst v3;
	v8 =	vadd.f32 v57, v9;
	v57 =	vmul.f32 v3, v3;
	v3 =	vld.idx.msk [tilespmem:v63+s14+$0x0], $0xffff  }
0x26e: {  	[tilespmem:$0x1FF60] =	vst v1;
	v6 =	vadd.f32 v7, v6;
	v9 =	vmul.f32 v27, v27  }
0x26f: {  	[tilespmem:$0x1FF70] =	vst v27;
	v27 =	vadd.f32 v57, v8;
	v57 =	vmul.f32 v1, v1;
	v1 =	vld.idx.msk [tilespmem:v13+s14+$0x0], $0xffff  }
0x270: {  	v8 =	vadd.f32 v9, v6;
	v6 =	vmul.f32 v2, v2  }
0x271: {  	[tilespmem:$0x1FF90] =	vst v5;
	v7 =	vld.idx.msk [tilespmem:v56+s15+$0x0], $0xffff  }
0x272: {  	[tilespmem:$0x1FF80] =	vst v2;
	v9 =	vmul.f32 v5, v5;
	v5 =	vadd.f32 v6, v8;
	v2 =	vmul.f32 v3, v3  }
0x273: {  	[tilespmem:$0x1FF40] =	vst v4;
	v4 =	vld.idx.msk [tilespmem:v63+s15+$0x0], $0xffff  }
0x274: {  	v27 =	vadd.f32 v57, v27;
	[tilespmem:$0x1FFB0] =	vst v3;
	v3 =	vadd.f32 v2, v5;
	v2 =	vmul.f32 v1, v1  }
0x275: {  	v6 =	vld.idx.msk [tilespmem:v13+s15+$0x0], $0xffff  }
0x276: {  	v27 =	vadd.f32 v9, v27;
	v9 =	vmul.f32 v7, v7;
	[tilespmem:$0x1FFC0] =	vst v1;
	v1 =	vadd.f32 v2, v3;
	_ =	sdelay $0x1  }
0x277: {  	v5 =	vmul.f32 v4, v4;
	v27 =	vadd.f32 v9, v27;
	v1 =	vmax.f32 v1, $1.000000020e-24  }
0x278: {  	[tilespmem:$0x1FFA0] =	vst v7;
	v7 =	vshra.s32 v1, $0x1;
	v1 =	vmul.f32 $5.000000000e-01, v1  }
0x279: {  	[tilespmem:$0x1FFE0] =	vst v6;
	v2 =	vadd.f32 v5, v27;
	v6 =	vmul.f32 v6, v6;
	v27 =	vsub.s32 $0x5F3759DF, v7  }
0x27a: {  	v8 =	vmul.f32 v27, v1  }
0x27b: {  	v2 =	vadd.f32 v6, v2  }
0x27c: {  	v57 =	vmul.f32 v27, v8  }
0x27d: {  	v2 =	vmax.f32 v2, $1.000000020e-24  }
0x27e: {  	v3 =	vshra.s32 v2, $0x1;
	v2 =	vmul.f32 $5.000000000e-01, v2;
	v57 =	vsub.f32 $1.500000000e+00, v57  }
0x27f: {  	v3 =	vsub.s32 $0x5F3759DF, v3  }
0x280: {  	v9 =	vmul.f32 v3, v2;
	v27 =	vmul.f32 v27, v57;
	_ =	sdelay $0x1  }
0x281: {  	[tilespmem:$0x1FFD0] =	vst v4;
	v4 =	vmul.f32 v3, v9;
	v57 =	vmul.f32 v27, v1;
	_ =	sdelay $0x1  }
0x282: {  	v4 =	vsub.f32 $1.500000000e+00, v4;
	v8 =	vmul.f32 v57, v27;
	_ =	sdelay $0x1  }
0x283: {  	v3 =	vmul.f32 v3, v4;
	v4 =	vsub.f32 $1.500000000e+00, v8;
	_ =	sdelay $0x1  }
0x284: {  	v4 =	vmul.f32 v4, v27;
	_ =	sdelay $0x1  }
0x285: {  	v1 =	vmul.f32 v4, v1  }
0x286: {  	v9 =	vmul.f32 v3, v2  }
0x287: {  	v1 =	vmul.f32 v1, v4  }
0x288: {  	v57 =	vmul.f32 v9, v3  }
0x289: {  	v8 =	vld [tilespmem:$0x1F740];
	v1 =	vsub.f32 $1.500000000e+00, v1  }
0x28a: {  	v27 =	vld.idx.msk [tilespmem:v0+s16+$0x0], $0xffff;
	v7 =	vsub.f32 $1.500000000e+00, v57  }
0x28b: {  	v0 =	vmul.f32 v1, v4;
	v4 =	vld.idx.msk [tilespmem:v30+s16+$0x0], $0xffff  }
0x28c: {  	v3 =	vmul.f32 v7, v3;
	v30 =	vld [tilespmem:$0x1F750];
	_ =	sdelay $0x1  }
0x28d: {  	v2 =	vmul.f32 v3, v2  }
0x28e: {  	v9 =	vmul.f32 v0, v8;
	v8 =	vld [tilespmem:$0x1F760]  }
0x28f: {  	v2 =	vmul.f32 v2, v3  }
0x290: {  	v57 =	vmul.f32 v0, v30  }
0x291: {  	v1 =	vsub.f32 $1.500000000e+00, v2;
	v2 =	vld.idx.msk [tilespmem:v28+s16+$0x0], $0xffff  }
0x292: {  	v4 =	vadd.f32 v57, v4;
	v57 =	vld [tilespmem:$0x1F790]  }
0x293: {  	v27 =	vadd.f32 v9, v27;
	v9 =	vmul.f32 v0, v8;
	v8 =	vld [tilespmem:$0x1F7A0]  }
0x294: {  	v1 =	vmul.f32 v1, v3;
	v3 =	vld.idx.msk [tilespmem:v29+s16+$0x0], $0xffff  }
0x295: {  	v29 =	vld [tilespmem:$0x1F770]  }
0x296: {  	v28 =	vld.idx.msk [tilespmem:v31+s16+$0x0], $0xffff  }
0x297: {  	v30 =	vld [tilespmem:$0x1F780];
	v2 =	vadd.f32 v9, v2;
	v31 =	vmul.f32 v1, v57  }
0x298: {  	v9 =	vmul.f32 v0, v8;
	v8 =	vld [tilespmem:$0x1F7B0]  }
0x299: {  	v2 =	vsub.f32 v2, v31;
	v31 =	vld [tilespmem:$0x1F7C0]  }
0x29a: {  	v29 =	vmul.f32 v1, v29;
	_ =	sdelay $0x1  }
0x29b: {  	v27 =	vsub.f32 v27, v29;
	v29 =	vld.idx.msk [tilespmem:v58+s16+$0x0], $0xffff  }
0x29c: {  	v3 =	vadd.f32 v9, v3;
	v9 =	vmul.f32 v1, v8;
	v8 =	vld [tilespmem:$0x1F7E0]  }
0x29d: {  	v30 =	vmul.f32 v1, v30;
	v58 =	vld [tilespmem:$0x1F7D0];
	v57 =	vmul.f32 v0, v31  }
0x29e: {  	v31 =	vld [tilespmem:$0x1F810]  }
0x29f: {  	v4 =	vsub.f32 v4, v30;
	v28 =	vadd.f32 v57, v28;
	v57 =	vld.idx.msk [tilespmem:v59+s16+$0x0], $0xffff  }
0x2a0: {  	v27 =	vand.u32 $0x7FFFFFFF, v27;
	v59 =	vld [tilespmem:$0x1F7F0]  }
0x2a1: {  	v4 =	vand.u32 $0x7FFFFFFF, v4;
	v3 =	vsub.f32 v3, v9;
	v9 =	vmul.f32 v1, v8;
	v8 =	vld [tilespmem:$0x1F800]  }
0x2a2: {  	v4 =	vadd.f32 v4, v27  }
0x2a3: {  	v30 =	vld.idx.msk [tilespmem:v62+s16+$0x0], $0xffff;
	v27 =	vmul.f32 v0, v58;
	v2 =	vand.u32 $0x7FFFFFFF, v2  }
0x2a4: {  	v2 =	vadd.f32 v4, v2;
	v4 =	vmul.f32 v0, v31;
	v31 =	vld.idx.msk [tilespmem:v60+s16+$0x0], $0xffff  }
0x2a5: {  	v58 =	vadd.f32 v27, v29;
	v62 =	vmul.f32 v1, v59;
	v59 =	vld [tilespmem:$0x1F830]  }
0x2a6: {  	v3 =	vand.u32 $0x7FFFFFFF, v3;
	v28 =	vsub.f32 v28, v9;
	v9 =	vmul.f32 v0, v8;
	v8 =	vld [tilespmem:$0x1F840]  }
0x2a7: {  	v2 =	vadd.f32 v2, v3;
	v3 =	vsub.f32 v58, v62;
	v58 =	vld [tilespmem:$0x1F820]  }
0x2a8: {  	v60 =	vld [tilespmem:$0x1F880]  }
0x2a9: {  	v29 =	vadd.f32 v9, v30;
	v30 =	vld [tilespmem:$0x1F850]  }
0x2aa: {  	v62 =	vmul.f32 v1, v59;
	v59 =	vld [tilespmem:$0x1F870];
	_ =	sdelay $0x1  }
0x2ab: {  	v9 =	vmul.f32 v1, v8;
	v8 =	vld [tilespmem:$0x1F890]  }
0x2ac: {  	v29 =	vsub.f32 v29, v62;
	v62 =	vmul.f32 v1, v60;
	v60 =	vld [tilespmem:$0x1F8C0]  }
0x2ad: {  	v28 =	vand.u32 $0x7FFFFFFF, v28;
	v4 =	vadd.f32 v4, v57;
	v57 =	vmul.f32 v0, v30;
	v30 =	vld [tilespmem:$0x1FB70]  }
0x2ae: {  	v2 =	vadd.f32 v2, v28;
	v27 =	vld.idx.msk [tilespmem:v58+s16+$0x0], $0xffff  }
0x2af: {  	v3 =	vand.u32 $0x7FFFFFFF, v3;
	v58 =	vld [tilespmem:$0x1F860]  }
0x2b0: {  	v2 =	vadd.f32 v2, v3;
	v3 =	vsub.f32 v4, v9;
	v9 =	vmul.f32 v1, v8;
	v8 =	vld [tilespmem:$0x1F8E0]  }
0x2b1: {  	v28 =	vld.idx.msk [tilespmem:v59+s16+$0x0], $0xffff  }
0x2b2: {  	v59 =	vld [tilespmem:$0x1F8B0]  }
0x2b3: {  	v29 =	vand.u32 $0x7FFFFFFF, v29;
	v27 =	vadd.f32 v57, v27;
	v57 =	vld.idx.msk [tilespmem:v61+s16+$0x0], $0xffff  }
0x2b4: {  	v2 =	vadd.f32 v2, v29;
	v4 =	vmul.f32 v0, v58;
	v29 =	vld.idx.msk [tilespmem:v60+s16+$0x0], $0xffff  }
0x2b5: {  	v61 =	vld [tilespmem:$0x1F8D0]  }
0x2b6: {  	v60 =	vld [tilespmem:$0x1F910];
	v4 =	vadd.f32 v4, v31  }
0x2b7: {  	v3 =	vand.u32 $0x7FFFFFFF, v3;
	v31 =	vld [tilespmem:$0x1F8A0]  }
0x2b8: {  	v2 =	vadd.f32 v2, v3;
	v3 =	vsub.f32 v4, v9;
	v4 =	vmul.f32 v0, v59;
	v59 =	vld [tilespmem:$0x1F900]  }
0x2b9: {  	v27 =	vsub.f32 v27, v62;
	v9 =	vmul.f32 v1, v8;
	v8 =	vld [tilespmem:$0x1F930]  }
0x2ba: {  	v62 =	vmul.f32 v1, v61;
	v61 =	vld [tilespmem:$0x1F920]  }
0x2bb: {  	v27 =	vand.u32 $0x7FFFFFFF, v27;
	v4 =	vadd.f32 v4, v57;
	v57 =	vld [tilespmem:$0x1F8F0]  }
0x2bc: {  	v2 =	vadd.f32 v2, v27;
	v58 =	vmul.f32 v0, v31;
	v31 =	vld.idx.msk [tilespmem:v32+s16+$0x0], $0xffff  }
0x2bd: {  	v3 =	vand.u32 $0x7FFFFFFF, v3;
	v32 =	vld.idx.msk [tilespmem:v33+s16+$0x0], $0xffff  }
0x2be: {  	v2 =	vadd.f32 v2, v3;
	v33 =	vld [tilespmem:$0x1F940]  }
0x2bf: {  	v3 =	vsub.f32 v4, v9;
	v28 =	vadd.f32 v58, v28;
	v4 =	vmul.f32 v0, v59;
	v59 =	vld [tilespmem:$0x1F960]  }
0x2c0: {  	v27 =	vld.idx.msk [tilespmem:v60+s16+$0x0], $0xffff  }
0x2c1: {  	v9 =	vmul.f32 v1, v8;
	v8 =	vld [tilespmem:$0x1F980];
	v28 =	vsub.f32 v28, v62;
	v58 =	vmul.f32 v0, v57  }
0x2c2: {  	v62 =	vmul.f32 v1, v61;
	v61 =	vld [tilespmem:$0x1F970]  }
0x2c3: {  	v57 =	vmul.f32 v0, v33;
	v29 =	vadd.f32 v58, v29;
	v28 =	vand.u32 $0x7FFFFFFF, v28;
	v58 =	vld [tilespmem:$0x1F950]  }
0x2c4: {  	v4 =	vadd.f32 v4, v31;
	v33 =	vld [tilespmem:$0x1F990];
	v2 =	vadd.f32 v2, v28  }
0x2c5: {  	v3 =	vand.u32 $0x7FFFFFFF, v3;
	v27 =	vadd.f32 v57, v27;
	v57 =	vld [tilespmem:$0x1F9A0]  }
0x2c6: {  	v2 =	vadd.f32 v2, v3;
	v3 =	vsub.f32 v4, v9;
	v9 =	vmul.f32 v1, v8;
	v8 =	vld [tilespmem:$0x1F9D0]  }
0x2c7: {  	v29 =	vsub.f32 v29, v62;
	v62 =	vmul.f32 v1, v61;
	v60 =	vld.idx.msk [tilespmem:v59+s16+$0x0], $0xffff  }
0x2c8: {  	v4 =	vmul.f32 v0, v58;
	v58 =	vld [tilespmem:$0x1F9B0]  }
0x2c9: {  	v27 =	vsub.f32 v27, v62;
	v62 =	vld.idx.msk [tilespmem:v35+s16+$0x0], $0xffff  }
0x2ca: {  	v35 =	vld [tilespmem:$0x1FA00]  }
0x2cb: {  	v31 =	vld.idx.msk [tilespmem:v34+s16+$0x0], $0xffff;
	v29 =	vand.u32 $0x7FFFFFFF, v29;
	v34 =	vmul.f32 v0, v33  }
0x2cc: {  	v2 =	vadd.f32 v2, v29;
	v4 =	vadd.f32 v4, v32;
	v32 =	vld [tilespmem:$0x1FA90]  }
0x2cd: {  	v3 =	vand.u32 $0x7FFFFFFF, v3;
	v28 =	vadd.f32 v34, v60;
	v60 =	vld [tilespmem:$0x1F9C0]  }
0x2ce: {  	v2 =	vadd.f32 v2, v3;
	v3 =	vsub.f32 v4, v9;
	v4 =	vmul.f32 v0, v57;
	v34 =	vld [tilespmem:$0x1F9F0]  }
0x2cf: {  	v9 =	vmul.f32 v1, v8;
	v8 =	vld [tilespmem:$0x1FA30]  }
0x2d0: {  	v4 =	vadd.f32 v4, v31;
	v31 =	vld [tilespmem:$0x1F9E0]  }
0x2d1: {  	v59 =	vld.idx.msk [tilespmem:v58+s16+$0x0], $0xffff  }
0x2d2: {  	v27 =	vand.u32 $0x7FFFFFFF, v27;
	v57 =	vld.idx.msk [tilespmem:v35+s16+$0x0], $0xffff  }
0x2d3: {  	v2 =	vadd.f32 v2, v27;
	v58 =	vld [tilespmem:$0x1FA10]  }
0x2d4: {  	v3 =	vand.u32 $0x7FFFFFFF, v3;
	v61 =	vmul.f32 v1, v60;
	v60 =	vld.idx.msk [tilespmem:v36+s16+$0x0], $0xffff  }
0x2d5: {  	v2 =	vadd.f32 v2, v3;
	v3 =	vsub.f32 v4, v9;
	v4 =	vmul.f32 v0, v34;
	v34 =	vld [tilespmem:$0x1FA50]  }
0x2d6: {  	v36 =	vld [tilespmem:$0x1FA60]  }
0x2d7: {  	v28 =	vsub.f32 v28, v61;
	v61 =	vld [tilespmem:$0x1FA20]  }
0x2d8: {  	v33 =	vmul.f32 v0, v31;
	v31 =	vld.idx.msk [tilespmem:v11+s16+$0x0], $0xffff  }
0x2d9: {  	v11 =	vld [tilespmem:$0x1FD70]  }
0x2da: {  	v29 =	vadd.f32 v59, v33;
	v33 =	vld [tilespmem:$0x1FA40]  }
0x2db: {  	v59 =	vmul.f32 v1, v58;
	v58 =	vld.idx.msk [tilespmem:v37+s16+$0x0], $0xffff  }
0x2dc: {  	v28 =	vand.u32 $0x7FFFFFFF, v28;
	v37 =	vld.idx.msk [tilespmem:v38+s16+$0x0], $0xffff  }
0x2dd: {  	v2 =	vadd.f32 v2, v28;
	v28 =	vld [tilespmem:$0x1FB60]  }
0x2de: {  	v29 =	vsub.f32 v29, v59;
	v59 =	vld [tilespmem:$0x1FA70]  }
0x2df: {  	v3 =	vand.u32 $0x7FFFFFFF, v3;
	v4 =	vadd.f32 v62, v4;
	v62 =	vmul.f32 v1, v61;
	v61 =	vld [tilespmem:$0x1FA80]  }
0x2e0: {  	v9 =	vmul.f32 v0, v8;
	v38 =	vld [tilespmem:$0x1FAC0];
	v2 =	vadd.f32 v2, v3  }
0x2e1: {  	v35 =	vld.idx.msk [tilespmem:v34+s16+$0x0], $0xffff;
	v29 =	vand.u32 $0x7FFFFFFF, v29;
	v3 =	vsub.f32 v4, v62;
	v4 =	vmul.f32 v0, v33  }
0x2e2: {  	v27 =	vadd.f32 v57, v9;
	v57 =	vmul.f32 v1, v36;
	v2 =	vadd.f32 v2, v29;
	v33 =	vld [tilespmem:$0x1FAA0]  }
0x2e3: {  	v29 =	vmul.f32 v0, v28;
	v28 =	vld [tilespmem:$0x1FC00];
	v4 =	vadd.f32 v60, v4;
	v60 =	vmul.f32 v1, v59  }
0x2e4: {  	v27 =	vsub.f32 v27, v57;
	v3 =	vand.u32 $0x7FFFFFFF, v3;
	v62 =	vmul.f32 v0, v61;
	v61 =	vld [tilespmem:$0x1FAF0]  }
0x2e5: {  	v2 =	vadd.f32 v2, v3;
	v3 =	vsub.f32 v4, v60;
	v60 =	vld [tilespmem:$0x1FAE0]  }
0x2e6: {  	v4 =	vmul.f32 v0, v32;
	v32 =	vld [tilespmem:$0x1FB00]  }
0x2e7: {  	v27 =	vand.u32 $0x7FFFFFFF, v27;
	v7 =	vadd.f32 v35, v62;
	v35 =	vld [tilespmem:$0x1FAB0]  }
0x2e8: {  	v2 =	vadd.f32 v2, v27;
	v27 =	vld [tilespmem:$0x1FBF0]  }
0x2e9: {  	v57 =	vmul.f32 v1, v38;
	v4 =	vadd.f32 v58, v4;
	v58 =	vld [tilespmem:$0x1FAD0]  }
0x2ea: {  	v3 =	vand.u32 $0x7FFFFFFF, v3;
	v34 =	vld.idx.msk [tilespmem:v33+s16+$0x0], $0xffff  }
0x2eb: {  	v2 =	vadd.f32 v2, v3;
	v3 =	vsub.f32 v4, v57;
	v57 =	vld.idx.msk [tilespmem:v10+s16+$0x0], $0xffff  }
0x2ec: {  	v4 =	vmul.f32 v0, v60;
	v60 =	vld.idx.msk [tilespmem:v40+s16+$0x0], $0xffff  }
0x2ed: {  	v33 =	vmul.f32 v1, v32;
	v32 =	vld [tilespmem:$0x1FB80]  }
0x2ee: {  	v40 =	vld.idx.msk [tilespmem:v12+s16+$0x0], $0xffff  }
0x2ef: {  	v36 =	vmul.f32 v1, v35;
	v35 =	vld [tilespmem:$0x1FB10]  }
0x2f0: {  	v62 =	vld.idx.msk [tilespmem:v61+s16+$0x0], $0xffff  }
0x2f1: {  	v4 =	vadd.f32 v37, v4;
	v37 =	vld [tilespmem:$0x1FB20]  }
0x2f2: {  	v59 =	vmul.f32 v0, v58;
	v58 =	vld [tilespmem:$0x1FB40]  }
0x2f3: {  	v61 =	vld [tilespmem:$0x1FB50]  }
0x2f4: {  	v7 =	vsub.f32 v7, v36;
	v8 =	vadd.f32 v34, v59;
	v34 =	vld.idx.msk [tilespmem:v39+s16+$0x0], $0xffff  }
0x2f5: {  	v39 =	vld [tilespmem:$0x1FB30]  }
0x2f6: {  	v7 =	vand.u32 $0x7FFFFFFF, v7;
	v36 =	vmul.f32 v1, v35;
	v35 =	vld [tilespmem:$0x1FB90]  }
0x2f7: {  	v2 =	vadd.f32 v2, v7;
	v7 =	vadd.f32 v57, v29;
	v29 =	vld.idx.msk [tilespmem:v28+s16+$0x0], $0xffff  }
0x2f8: {  	v8 =	vsub.f32 v8, v33;
	v33 =	vmul.f32 v1, v32;
	v32 =	vld.idx.msk [tilespmem:v43+s16+$0x0], $0xffff  }
0x2f9: {  	v38 =	vmul.f32 v0, v37;
	v37 =	vld [tilespmem:$0x1FBA0]  }
0x2fa: {  	v59 =	vmul.f32 v1, v58;
	v58 =	vld.idx.msk [tilespmem:v42+s16+$0x0], $0xffff  }
0x2fb: {  	v42 =	vld [tilespmem:$0x1FC60]  }
0x2fc: {  	v3 =	vand.u32 $0x7FFFFFFF, v3;
	v7 =	vsub.f32 v7, v33;
	v33 =	vld [tilespmem:$0x1FC20]  }
0x2fd: {  	v2 =	vadd.f32 v2, v3;
	v3 =	vsub.f32 v4, v36;
	v4 =	vmul.f32 v0, v39;
	v39 =	vld [tilespmem:$0x1FBB0]  }
0x2fe: {  	v9 =	vadd.f32 v62, v38;
	v62 =	vmul.f32 v1, v61;
	v61 =	vld [tilespmem:$0x1FBE0]  }
0x2ff: {  	v4 =	vadd.f32 v34, v4;
	v34 =	vld.idx.msk [tilespmem:v41+s16+$0x0], $0xffff  }
0x300: {  	v41 =	vld [tilespmem:$0x1FBC0]  }
0x301: {  	v9 =	vsub.f32 v9, v59;
	v59 =	vld [tilespmem:$0x1FBD0]  }
0x302: {  	v36 =	vmul.f32 v1, v35;
	v35 =	vld [tilespmem:$0x1FC30]  }
0x303: {  	v8 =	vand.u32 $0x7FFFFFFF, v8;
	v38 =	vmul.f32 v0, v37;
	v37 =	vld [tilespmem:$0x1FC40]  }
0x304: {  	v2 =	vadd.f32 v2, v8;
	v43 =	vmul.f32 v1, v42;
	v42 =	vld.idx.msk [tilespmem:v47+s16+$0x0], $0xffff  }
0x305: {  	v3 =	vand.u32 $0x7FFFFFFF, v3;
	v47 =	vld [tilespmem:$0x1FD40]  }
0x306: {  	v2 =	vadd.f32 v2, v3;
	v3 =	vsub.f32 v4, v62;
	v4 =	vmul.f32 v0, v30;
	v30 =	vld [tilespmem:$0x1FC10]  }
0x307: {  	v8 =	vadd.f32 v31, v38;
	v38 =	vld.idx.msk [tilespmem:v14+s16+$0x0], $0xffff  }
0x308: {  	v14 =	vld [tilespmem:$0x1FCA0]  }
0x309: {  	v57 =	vmul.f32 v1, v41;
	v41 =	vld.idx.msk [tilespmem:v44+s16+$0x0], $0xffff  }
0x30a: {  	v62 =	vmul.f32 v0, v61;
	v44 =	vld [tilespmem:$0x1FC70]  }
0x30b: {  	v9 =	vand.u32 $0x7FFFFFFF, v9;
	v4 =	vadd.f32 v60, v4;
	v60 =	vmul.f32 v1, v59;
	v59 =	vld.idx.msk [tilespmem:v15+s16+$0x0], $0xffff  }
0x30c: {  	v2 =	vadd.f32 v2, v9;
	v9 =	vadd.f32 v40, v62;
	v62 =	vld.idx.msk [tilespmem:v45+s16+$0x0], $0xffff  }
0x30d: {  	v3 =	vand.u32 $0x7FFFFFFF, v3;
	v45 =	vld [tilespmem:$0x1FD30]  }
0x30e: {  	v2 =	vadd.f32 v2, v3;
	v3 =	vsub.f32 v4, v36;
	v4 =	vmul.f32 v0, v39;
	v39 =	vld [tilespmem:$0x1FC50]  }
0x30f: {  	v31 =	vmul.f32 v1, v30;
	v30 =	vld.idx.msk [tilespmem:v16+s16+$0x0], $0xffff  }
0x310: {  	v16 =	vld.idx.msk [tilespmem:v19+s16+$0x0], $0xffff  }
0x311: {  	v36 =	vmul.f32 v0, v35;
	v19 =	vld.idx.msk [tilespmem:v49+s16+$0x0], $0xffff  }
0x312: {  	v7 =	vand.u32 $0x7FFFFFFF, v7;
	v49 =	vld [tilespmem:$0x1FE40]  }
0x313: {  	v2 =	vadd.f32 v2, v7;
	v7 =	vadd.f32 v29, v36;
	v29 =	vld [tilespmem:$0x1FCC0]  }
0x314: {  	v4 =	vadd.f32 v34, v4;
	v34 =	vmul.f32 v1, v33;
	v33 =	vld.idx.msk [tilespmem:v46+s16+$0x0], $0xffff  }
0x315: {  	v36 =	vld [tilespmem:$0x1FCF0]  }
0x316: {  	v15 =	vmul.f32 v1, v14;
	v14 =	vmul.f32 v0, v11;
	v11 =	vld [tilespmem:$0x1FE80]  }
0x317: {  	v3 =	vand.u32 $0x7FFFFFFF, v3;
	v9 =	vsub.f32 v9, v31;
	v31 =	vld [tilespmem:$0x1FCD0]  }
0x318: {  	v2 =	vadd.f32 v2, v3;
	v3 =	vsub.f32 v4, v60;
	v60 =	vld [tilespmem:$0x1FC90]  }
0x319: {  	v4 =	vmul.f32 v0, v27;
	v27 =	vld [tilespmem:$0x1FCB0]  }
0x31a: {  	v46 =	vmul.f32 v0, v45;
	v45 =	vld [tilespmem:$0x1FE20]  }
0x31b: {  	v8 =	vsub.f32 v8, v57;
	v40 =	vmul.f32 v1, v39;
	v39 =	vld.idx.msk [tilespmem:v17+s16+$0x0], $0xffff  }
0x31c: {  	v57 =	vmul.f32 v0, v44;
	v17 =	vld [tilespmem:$0x1FD90]  }
0x31d: {  	v8 =	vand.u32 $0x7FFFFFFF, v8;
	v4 =	vadd.f32 v58, v4;
	v58 =	vld [tilespmem:$0x1FC80]  }
0x31e: {  	v2 =	vadd.f32 v2, v8;
	v8 =	vadd.f32 v38, v57;
	v38 =	vld [tilespmem:$0x1FD00]  }
0x31f: {  	v57 =	vld.idx.msk [tilespmem:v18+s16+$0x0], $0xffff  }
0x320: {  	v3 =	vand.u32 $0x7FFFFFFF, v3;
	v7 =	vsub.f32 v7, v40;
	v40 =	vld [tilespmem:$0x1FD10]  }
0x321: {  	v2 =	vadd.f32 v2, v3;
	v3 =	vsub.f32 v4, v34;
	v34 =	vld [tilespmem:$0x1FCE0]  }
0x322: {  	v4 =	vmul.f32 v0, v37;
	v37 =	vmul.f32 v0, v36;
	v36 =	vld [tilespmem:$0x1FDE0]  }
0x323: {  	v9 =	vand.u32 $0x7FFFFFFF, v9;
	v61 =	vmul.f32 v1, v60;
	v60 =	vld.idx.msk [tilespmem:v48+s16+$0x0], $0xffff  }
0x324: {  	v2 =	vadd.f32 v2, v9;
	v28 =	vmul.f32 v0, v27;
	v27 =	vld [tilespmem:$0x1FDA0]  }
0x325: {  	v4 =	vadd.f32 v32, v4;
	v3 =	vand.u32 $0x7FFFFFFF, v3;
	v32 =	vmul.f32 v1, v31;
	v31 =	vld [tilespmem:$0x1FDC0]  }
0x326: {  	v18 =	vmul.f32 v1, v17;
	v17 =	vld.idx.msk [tilespmem:v53+s16+$0x0], $0xffff;
	v2 =	vadd.f32 v2, v3  }
0x327: {  	v7 =	vand.u32 $0x7FFFFFFF, v7;
	v53 =	vld [tilespmem:$0x1FF90];
	v3 =	vsub.f32 v4, v43;
	v4 =	vmul.f32 v0, v58  }
0x328: {  	v8 =	vsub.f32 v8, v61;
	v61 =	vld [tilespmem:$0x1FD60];
	v2 =	vadd.f32 v2, v7  }
0x329: {  	v9 =	vadd.f32 v59, v28;
	v43 =	vld [tilespmem:$0x1FD20];
	v4 =	vadd.f32 v41, v4;
	v3 =	vand.u32 $0x7FFFFFFF, v3  }
0x32a: {  	v58 =	vld [tilespmem:$0x1FD50];
	v8 =	vand.u32 $0x7FFFFFFF, v8;
	v2 =	vadd.f32 v2, v3  }
0x32b: {  	v9 =	vsub.f32 v9, v32;
	v32 =	vld.idx.msk [tilespmem:v20+s16+$0x0], $0xffff;
	v3 =	vsub.f32 v4, v15;
	v4 =	vmul.f32 v0, v29  }
0x32c: {  	v35 =	vmul.f32 v1, v34;
	v20 =	vld [tilespmem:$0x1FEB0];
	v2 =	vadd.f32 v2, v8  }
0x32d: {  	v41 =	vmul.f32 v1, v40;
	v40 =	vld [tilespmem:$0x1FE00];
	v4 =	vadd.f32 v62, v4;
	v3 =	vand.u32 $0x7FFFFFFF, v3  }
0x32e: {  	v7 =	vadd.f32 v30, v37;
	v15 =	vld [tilespmem:$0x1FD80];
	v2 =	vadd.f32 v2, v3  }
0x32f: {  	v9 =	vand.u32 $0x7FFFFFFF, v9;
	v29 =	vld [tilespmem:$0x1FDB0];
	v3 =	vsub.f32 v4, v35;
	v4 =	vmul.f32 v0, v38  }
0x330: {  	v7 =	vsub.f32 v7, v41;
	v41 =	vld.idx.msk [tilespmem:v21+s16+$0x0], $0xffff;
	v44 =	vmul.f32 v1, v43;
	v2 =	vadd.f32 v2, v9  }
0x331: {  	v59 =	vmul.f32 v1, v58;
	v58 =	vld.idx.msk [tilespmem:v52+s16+$0x0], $0xffff;
	v4 =	vadd.f32 v33, v4;
	v3 =	vand.u32 $0x7FFFFFFF, v3  }
0x332: {  	v8 =	vadd.f32 v39, v46;
	v52 =	vld.idx.msk [tilespmem:v63+s16+$0x0], $0xffff;
	v7 =	vand.u32 $0x7FFFFFFF, v7;
	v2 =	vadd.f32 v2, v3  }
0x333: {  	v62 =	vmul.f32 v1, v61;
	v61 =	vld [tilespmem:$0x1FE70];
	v3 =	vsub.f32 v4, v44;
	v4 =	vmul.f32 v0, v47  }
0x334: {  	v8 =	vsub.f32 v8, v59;
	v59 =	vld [tilespmem:$0x1FE60];
	v2 =	vadd.f32 v2, v7  }
0x335: {  	v35 =	vld.idx.msk [tilespmem:v50+s16+$0x0], $0xffff;
	v4 =	vadd.f32 v42, v4;
	v3 =	vand.u32 $0x7FFFFFFF, v3  }
0x336: {  	v9 =	vadd.f32 v57, v14;
	v33 =	vld [tilespmem:$0x1FDD0];
	v2 =	vadd.f32 v2, v3  }
0x337: {  	v38 =	vld [tilespmem:$0x1FDF0];
	v8 =	vand.u32 $0x7FFFFFFF, v8;
	v3 =	vsub.f32 v4, v62;
	v4 =	vmul.f32 v0, v15  }
0x338: {  	v50 =	vld.idx.msk [tilespmem:v22+s16+$0x0], $0xffff;
	v30 =	vmul.f32 v0, v29;
	v9 =	vsub.f32 v9, v18;
	v2 =	vadd.f32 v2, v8  }
0x339: {  	v28 =	vmul.f32 v1, v27;
	v42 =	vld [tilespmem:$0x1FE10];
	v4 =	vadd.f32 v60, v4;
	v3 =	vand.u32 $0x7FFFFFFF, v3  }
0x33a: {  	v22 =	vld [tilespmem:$0x1FEC0];
	v7 =	vadd.f32 v16, v30;
	v9 =	vand.u32 $0x7FFFFFFF, v9;
	v2 =	vadd.f32 v2, v3  }
0x33b: {  	v47 =	vld [tilespmem:$0x1FE30];
	v34 =	vmul.f32 v1, v33;
	v3 =	vsub.f32 v4, v28;
	v4 =	vmul.f32 v0, v31  }
0x33c: {  	v37 =	vmul.f32 v1, v36;
	v44 =	vld.idx.msk [tilespmem:v51+s16+$0x0], $0xffff;
	v39 =	vmul.f32 v0, v38;
	v2 =	vadd.f32 v2, v9  }
0x33d: {  	v51 =	vld [tilespmem:$0x1FE50];
	v7 =	vsub.f32 v7, v34;
	v4 =	vadd.f32 v19, v4;
	v3 =	vand.u32 $0x7FFFFFFF, v3  }
0x33e: {  	v14 =	vld.idx.msk [tilespmem:v23+s16+$0x0], $0xffff;
	v8 =	vadd.f32 v32, v39;
	v43 =	vmul.f32 v1, v42;
	v2 =	vadd.f32 v2, v3  }
0x33f: {  	v23 =	vld.idx.msk [tilespmem:v24+s16+$0x0], $0xffff;
	v7 =	vand.u32 $0x7FFFFFFF, v7;
	v3 =	vsub.f32 v4, v37;
	v4 =	vmul.f32 v0, v40  }
0x340: {  	v46 =	vmul.f32 v1, v45;
	v24 =	vld [tilespmem:$0x1FED0];
	v48 =	vmul.f32 v0, v47;
	v2 =	vadd.f32 v2, v7  }
0x341: {  	v15 =	vld [tilespmem:$0x1FE90];
	v8 =	vsub.f32 v8, v43;
	v4 =	vadd.f32 v35, v4;
	v3 =	vand.u32 $0x7FFFFFFF, v3  }
0x342: {  	v29 =	vld [tilespmem:$0x1FEE0];
	v57 =	vmul.f32 v1, v51;
	v9 =	vadd.f32 v41, v48;
	v2 =	vadd.f32 v2, v3  }
0x343: {  	v18 =	vld [tilespmem:$0x1FEA0];
	v8 =	vand.u32 $0x7FFFFFFF, v8;
	v3 =	vsub.f32 v4, v46;
	v4 =	vmul.f32 v0, v49  }
0x344: {  	v38 =	vld [tilespmem:$0x1FF20];
	v62 =	vmul.f32 v0, v61;
	v60 =	vmul.f32 v1, v59;
	v2 =	vadd.f32 v2, v8  }
0x345: {  	v33 =	vld [tilespmem:$0x1FF00];
	v9 =	vsub.f32 v9, v57;
	v4 =	vadd.f32 v44, v4;
	v3 =	vand.u32 $0x7FFFFFFF, v3  }
0x346: {  	v34 =	vld.idx.msk [tilespmem:v25+s16+$0x0], $0xffff;
	v16 =	vmul.f32 v1, v15;
	v7 =	vadd.f32 v50, v62;
	v2 =	vadd.f32 v2, v3  }
0x347: {  	v31 =	vld [tilespmem:$0x1FEF0];
	v9 =	vand.u32 $0x7FFFFFFF, v9;
	v3 =	vsub.f32 v4, v60;
	v4 =	vmul.f32 v0, v11  }
0x348: {  	v21 =	vmul.f32 v0, v20;
	v47 =	vld [tilespmem:$0x1FF60];
	v19 =	vmul.f32 v1, v18;
	v2 =	vadd.f32 v2, v9  }
0x349: {  	v35 =	vld [tilespmem:$0x1FF10];
	v7 =	vsub.f32 v7, v16;
	v4 =	vadd.f32 v58, v4;
	v3 =	vand.u32 $0x7FFFFFFF, v3  }
0x34a: {  	v27 =	vmul.f32 v1, v24;
	v51 =	vld [tilespmem:$0x1FF80];
	v8 =	vadd.f32 v14, v21;
	v2 =	vadd.f32 v2, v3  }
0x34b: {  	v40 =	vld [tilespmem:$0x1FF30];
	v7 =	vand.u32 $0x7FFFFFFF, v7;
	v3 =	vsub.f32 v4, v19;
	v4 =	vmul.f32 v0, v22  }
0x34c: {  	v30 =	vmul.f32 v1, v29;
	v28 =	vld.idx.msk [tilespmem:v54+s16+$0x0], $0xffff;
	v32 =	vmul.f32 v0, v31;
	v2 =	vadd.f32 v2, v7  }
0x34d: {  	v44 =	vld [tilespmem:$0x1FF50];
	v8 =	vsub.f32 v8, v27;
	v4 =	vadd.f32 v17, v4;
	v3 =	vand.u32 $0x7FFFFFFF, v3  }
0x34e: {  	v42 =	vld [tilespmem:$0x1FF40];
	v36 =	vmul.f32 v1, v35;
	v9 =	vadd.f32 v23, v32;
	v2 =	vadd.f32 v2, v3  }
0x34f: {  	v49 =	vld [tilespmem:$0x1FF70];
	v8 =	vand.u32 $0x7FFFFFFF, v8;
	v3 =	vsub.f32 v4, v30;
	v4 =	vmul.f32 v0, v33  }
0x350: {  	v39 =	vmul.f32 v1, v38;
	v37 =	vld.idx.msk [tilespmem:v55+s16+$0x0], $0xffff;
	v41 =	vmul.f32 v0, v40;
	v2 =	vadd.f32 v2, v8  }
0x351: {  	v43 =	vld.idx.msk [tilespmem:v26+s16+$0x0], $0xffff;
	v9 =	vsub.f32 v9, v36;
	v4 =	vadd.f32 v28, v4;
	v3 =	vand.u32 $0x7FFFFFFF, v3  }
0x352: {  	v57 =	vld [tilespmem:$0x1FFB0];
	v45 =	vmul.f32 v1, v44;
	v7 =	vadd.f32 v34, v41;
	v2 =	vadd.f32 v2, v3  }
0x353: {  	v46 =	vld.idx.msk [tilespmem:v56+s16+$0x0], $0xffff;
	v9 =	vand.u32 $0x7FFFFFFF, v9;
	v3 =	vsub.f32 v4, v39;
	v4 =	vmul.f32 v0, v42  }
0x354: {  	v48 =	vmul.f32 v1, v47;
	v56 =	vld [tilespmem:$0x1FFA0];
	v50 =	vmul.f32 v0, v49;
	v2 =	vadd.f32 v2, v9  }
0x355: {  	v60 =	vld [tilespmem:$0x1FFD0];
	v7 =	vsub.f32 v7, v45;
	v4 =	vadd.f32 v37, v4;
	v3 =	vand.u32 $0x7FFFFFFF, v3  }
0x356: {  	v54 =	vmul.f32 v1, v53;
	v58 =	vld [tilespmem:$0x1FFC0];
	v8 =	vadd.f32 v43, v50;
	v2 =	vadd.f32 v2, v3  }
0x357: {  	v62 =	vld [tilespmem:$0x1FFE0];
	v7 =	vand.u32 $0x7FFFFFFF, v7;
	v3 =	vsub.f32 v4, v48;
	v4 =	vmul.f32 v0, v51  }
0x358: {  	v55 =	vld.idx.msk [tilespmem:v13+s16+$0x0], $0xffff;
	v8 =	vsub.f32 v8, v54;
	v9 =	vmul.f32 v0, v57;
	v2 =	vadd.f32 v2, v7  }
0x359: {  	v7 =	vmul.f32 v1, v56;
	v4 =	vadd.f32 v46, v4;
	v3 =	vand.u32 $0x7FFFFFFF, v3  }
0x35a: {  	v6 =	vmul.f32 v1, v60;
	v61 =	vand.u32 $0x7FFFFFFF, v8;
	v2 =	vadd.f32 v2, v3  }
0x35b: {  	v59 =	vadd.f32 v52, v9;
	v0 =	vmul.f32 v0, v58;
	v3 =	vsub.f32 v4, v7  }
0x35c: {  	v1 =	vmul.f32 v1, v62;
	v2 =	vadd.f32 v2, v61  }
0x35d: {  	v0 =	vadd.f32 v55, v0;
	v4 =	vsub.f32 v59, v6;
	v3 =	vand.u32 $0x7FFFFFFF, v3  }
0x35e: {  	s22 =	simm.s32 $0x20;
	v2 =	vadd.f32 v2, v3  }
0x35f: {  	v3 =	vsub.f32 v0, v1;
	v0 =	vmov s22;
	v1 =	vand.u32 $0x7FFFFFFF, v4  }
0x360: {  	v63 =	vshll.u32 v0, $0x6;
	v0 =	vadd.f32 v2, v1;
	v1 =	vld [tilespmem:$0x1FFF0];
	_ =	sdelay $0x4  }
0x361: {  	s21 =	simm.s32 $0x18600;
	s22 =	simm.s32 $0x30;
	v2 =	vand.u32 $0x7FFFFFFF, v3;
	v61 =	vor.u32 v1, v63  }
.LBB2_2:
0x362: {  	_ = 	snop  }
0x363: {  	v1 =	vor.u32 $0x1, v61;
	v0 =	vadd.f32 v0, v2;
	_ =	sdelay $0x1  }
0x364: {  	v3 =	vsub.f32 $0.0e+00, v0  }
0x365: {  	s21 =	sadd.s32 $0x10, s21;
	v2 =	vor.u32 $0x2, v61  }
0x366: {  	[tilespmem:s21+$0x0] =	vst v3  }
0x367: {  	[tilespmem:$0x1E5C0] =	vst v1;
	v0 =	vmov v1;
	v1 =	vld.idx.msk [tilespmem:v1+s15+$0x0], $0xffff  }
0x368: {  	v42 =	vor.u32 $0x9, v61;
	v5 =	vld.idx.msk [tilespmem:v61+s14+$0x0], $0xffff  }
0x369: {  	[tilespmem:$0x1E740] =	vst v42;
	v8 =	vld.idx.msk [tilespmem:v61+s15+$0x0], $0xffff  }
0x36a: {  	[tilespmem:$0x1E5D0] =	vst v2;
	v3 =	vor.u32 $0x4, v61;
	v9 =	vld.idx.msk [tilespmem:v2+s14+$0x0], $0xffff  }
0x36b: {  	[tilespmem:$0x1E640] =	vst v3;
	v4 =	vld.idx.msk [tilespmem:v2+s15+$0x0], $0xffff;
	v2 =	vor.u32 $0x5, v61  }
0x36c: {  	[tilespmem:$0x1E680] =	vst v2  }
0x36d: {  	v7 =	vld.idx.msk [tilespmem:v0+s14+$0x0], $0xffff;
	v0 =	vor.u32 $0x3, v61;
	[tilespmem:$0x1E630] =	vst v1  }
0x36e: {  	v50 =	vld.idx.msk [tilespmem:v42+s14+$0x0], $0xffff;
	[tilespmem:$0x1E5E0] =	vst v0  }
0x36f: {  	v14 =	vld.idx.msk [tilespmem:v3+s14+$0x0], $0xffff;
	[tilespmem:$0x1E5F0] =	vst v5  }
0x370: {  	v11 =	vld.idx.msk [tilespmem:v3+s15+$0x0], $0xffff;
	[tilespmem:$0x1E610] =	vst v8  }
0x371: {  	[tilespmem:$0x1E620] =	vst v9;
	v3 =	vld.idx.msk [tilespmem:v2+s14+$0x0], $0xffff  }
0x372: {  	[tilespmem:$0x1E650] =	vst v4;
	v12 =	vld.idx.msk [tilespmem:v2+s15+$0x0], $0xffff  }
0x373: {  	v5 =	vmul.f32 v5, v5;
	v35 =	vmul.f32 v1, v1;
	v1 =	vor.u32 $0x7, v61;
	[tilespmem:$0x1E760] =	vst v50;
	v13 =	vld.idx.msk [tilespmem:v0+s14+$0x0], $0xffff  }
0x374: {  	v2 =	vor.u32 $0x8, v61;
	[tilespmem:$0x1E6E0] =	vst v1;
	v10 =	vld.idx.msk [tilespmem:v0+s15+$0x0], $0xffff;
	v0 =	vor.u32 $0x6, v61;
	v6 =	vmul.f32 v7, v7  }
0x375: {  	v34 =	vmul.f32 v8, v8;
	[tilespmem:$0x1E710] =	vst v2  }
0x376: {  	v36 =	vmul.f32 v9, v9;
	[tilespmem:$0x1E600] =	vst v7;
	v5 =	vadd.f32 v6, v5  }
0x377: {  	v37 =	vmul.f32 v4, v4;
	[tilespmem:$0x1E670] =	vst v14;
	v7 =	vadd.f32 v35, v34  }
0x378: {  	[tilespmem:$0x1E6C0] =	vst v11;
	v44 =	vld.idx.msk [tilespmem:v1+s14+$0x0], $0xffff;
	v6 =	vadd.f32 v36, v5;
	v38 =	vmul.f32 v13, v13  }
0x379: {  	[tilespmem:$0x1E6B0] =	vst v0;
	v7 =	vadd.f32 v37, v7;
	v39 =	vld.idx.msk [tilespmem:v0+s14+$0x0], $0xffff;
	v40 =	vmul.f32 v10, v10  }
0x37a: {  	v43 =	vmul.f32 v14, v14;
	[tilespmem:$0x1E6A0] =	vst v3;
	v41 =	vld.idx.msk [tilespmem:v0+s15+$0x0], $0xffff;
	v9 =	vadd.f32 v38, v6  }
0x37b: {  	v45 =	vmul.f32 v11, v11;
	[tilespmem:$0x1E6F0] =	vst v12;
	v46 =	vld.idx.msk [tilespmem:v1+s15+$0x0], $0xffff;
	v1 =	vor.u32 $0xA, v61;
	v7 =	vadd.f32 v40, v7  }
0x37c: {  	v47 =	vmul.f32 v3, v3;
	v3 =	vld.idx.msk [tilespmem:v2+s14+$0x0], $0xffff;
	[tilespmem:$0x1E770] =	vst v1;
	v9 =	vadd.f32 v43, v9  }
0x37d: {  	v48 =	vmul.f32 v12, v12;
	v2 =	vld.idx.msk [tilespmem:v2+s15+$0x0], $0xffff;
	[tilespmem:$0x1E660] =	vst v13;
	v8 =	vadd.f32 v45, v7  }
0x37e: {  	[tilespmem:$0x1E690] =	vst v10;
	v0 =	vor.u32 $0xB, v61;
	v49 =	vmul.f32 v39, v39;
	v9 =	vadd.f32 v47, v9  }
0x37f: {  	v5 =	vld.idx.msk [tilespmem:v42+s15+$0x0], $0xffff;
	[tilespmem:$0x1E700] =	vst v44;
	v51 =	vmul.f32 v41, v41;
	v11 =	vadd.f32 v48, v8  }
0x380: {  	[tilespmem:$0x1E750] =	vst v46;
	v52 =	vmul.f32 v44, v44;
	v8 =	vor.u32 $0xC, v61;
	v10 =	vadd.f32 v49, v9  }
0x381: {  	[tilespmem:$0x1E730] =	vst v3;
	v53 =	vld.idx.msk [tilespmem:v1+s14+$0x0], $0xffff;
	v54 =	vmul.f32 v46, v46;
	v11 =	vadd.f32 v51, v11  }
0x382: {  	[tilespmem:$0x1E780] =	vst v2;
	v1 =	vld.idx.msk [tilespmem:v1+s15+$0x0], $0xffff;
	v55 =	vmul.f32 v3, v3;
	v9 =	vor.u32 $0xD, v61;
	v13 =	vadd.f32 v52, v10  }
0x383: {  	[tilespmem:$0x1E7A0] =	vst v0;
	v56 =	vmul.f32 v2, v2;
	v3 =	vld.idx.msk [tilespmem:v0+s14+$0x0], $0xffff;
	v11 =	vadd.f32 v54, v11  }
0x384: {  	v57 =	vmul.f32 v50, v50;
	[tilespmem:$0x1E7B0] =	vst v5;
	v0 =	vld.idx.msk [tilespmem:v0+s15+$0x0], $0xffff;
	v10 =	vor.u32 $0xE, v61;
	v13 =	vadd.f32 v55, v13  }
0x385: {  	v15 =	vmul.f32 v5, v5;
	[tilespmem:$0x1E6D0] =	vst v39;
	v58 =	vld.idx.msk [tilespmem:v8+s14+$0x0], $0xffff;
	v12 =	vadd.f32 v56, v11  }
0x386: {  	[tilespmem:$0x1E720] =	vst v41;
	v59 =	vmul.f32 v53, v53;
	v2 =	vld.idx.msk [tilespmem:v8+s15+$0x0], $0xffff;
	v11 =	vor.u32 $0xF, v61;
	v13 =	vadd.f32 v57, v13  }
0x387: {  	[tilespmem:$0x1E790] =	vst v53;
	v16 =	vmul.f32 v1, v1;
	v60 =	vld.idx.msk [tilespmem:v9+s14+$0x0], $0xffff;
	v15 =	vadd.f32 v15, v12  }
0x388: {  	[tilespmem:$0x1E7D0] =	vst v1;
	v17 =	vmul.f32 v3, v3;
	v1 =	vld.idx.msk [tilespmem:v9+s15+$0x0], $0xffff;
	v12 =	vor.u32 $0x10, v61;
	v14 =	vadd.f32 v59, v13  }
0x389: {  	[tilespmem:$0x1E7C0] =	vst v3;
	v62 =	vmul.f32 v0, v0;
	v3 =	vld.idx.msk [tilespmem:v10+s14+$0x0], $0xffff;
	v15 =	vadd.f32 v16, v15  }
0x38a: {  	[tilespmem:$0x1E7F0] =	vst v0;
	v0 =	vld.idx.msk [tilespmem:v10+s15+$0x0], $0xffff;
	v13 =	vor.u32 $0x11, v61;
	v18 =	vmul.f32 v58, v58;
	v17 =	vadd.f32 v17, v14  }
0x38b: {  	[tilespmem:$0x1E7E0] =	vst v58;
	v23 =	vmul.f32 v2, v2;
	v63 =	vld.idx.msk [tilespmem:v11+s14+$0x0], $0xffff;
	v15 =	vadd.f32 v62, v15  }
0x38c: {  	[tilespmem:$0x1E810] =	vst v2;
	v2 =	vld.idx.msk [tilespmem:v11+s15+$0x0], $0xffff;
	v14 =	vor.u32 $0x12, v61;
	v24 =	vmul.f32 v60, v60;
	v17 =	vadd.f32 v18, v17  }
0x38d: {  	[tilespmem:$0x1E800] =	vst v60;
	v19 =	vmul.f32 v1, v1;
	v25 =	vld.idx.msk [tilespmem:v12+s14+$0x0], $0xffff;
	v16 =	vadd.f32 v23, v15  }
0x38e: {  	[tilespmem:$0x1E830] =	vst v1;
	v1 =	vld.idx.msk [tilespmem:v12+s15+$0x0], $0xffff;
	v15 =	vor.u32 $0x13, v61;
	v26 =	vmul.f32 v3, v3;
	v17 =	vadd.f32 v24, v17  }
0x38f: {  	[tilespmem:$0x1E820] =	vst v3;
	v20 =	vmul.f32 v0, v0;
	v3 =	vld.idx.msk [tilespmem:v13+s14+$0x0], $0xffff;
	v19 =	vadd.f32 v19, v16  }
0x390: {  	[tilespmem:$0x1E850] =	vst v0;
	v0 =	vld.idx.msk [tilespmem:v13+s15+$0x0], $0xffff;
	v16 =	vor.u32 $0x14, v61;
	v21 =	vmul.f32 v63, v63;
	v18 =	vadd.f32 v26, v17  }
0x391: {  	[tilespmem:$0x1E840] =	vst v63;
	v28 =	vmul.f32 v2, v2;
	v27 =	vld.idx.msk [tilespmem:v14+s14+$0x0], $0xffff;
	v19 =	vadd.f32 v20, v19  }
0x392: {  	[tilespmem:$0x1E870] =	vst v2;
	v2 =	vld.idx.msk [tilespmem:v14+s15+$0x0], $0xffff;
	v17 =	vor.u32 $0x15, v61;
	v22 =	vmul.f32 v25, v25;
	v21 =	vadd.f32 v21, v18  }
0x393: {  	[tilespmem:$0x1E860] =	vst v25;
	v30 =	vmul.f32 v1, v1;
	v29 =	vld.idx.msk [tilespmem:v15+s14+$0x0], $0xffff;
	v19 =	vadd.f32 v28, v19  }
0x394: {  	[tilespmem:$0x1E890] =	vst v1;
	v1 =	vld.idx.msk [tilespmem:v15+s15+$0x0], $0xffff;
	v18 =	vor.u32 $0x16, v61;
	v31 =	vmul.f32 v3, v3;
	v21 =	vadd.f32 v22, v21  }
0x395: {  	[tilespmem:$0x1E880] =	vst v3;
	v23 =	vmul.f32 v0, v0;
	v3 =	vld.idx.msk [tilespmem:v16+s14+$0x0], $0xffff;
	v20 =	vadd.f32 v30, v19  }
0x396: {  	[tilespmem:$0x1E8B0] =	vst v0;
	v0 =	vld.idx.msk [tilespmem:v16+s15+$0x0], $0xffff;
	v19 =	vor.u32 $0x17, v61;
	v32 =	vmul.f32 v27, v27;
	v21 =	vadd.f32 v31, v21  }
0x397: {  	[tilespmem:$0x1E8A0] =	vst v27;
	v24 =	vmul.f32 v2, v2;
	v33 =	vld.idx.msk [tilespmem:v17+s14+$0x0], $0xffff;
	v23 =	vadd.f32 v23, v20  }
0x398: {  	[tilespmem:$0x1E8D0] =	vst v2;
	v2 =	vld.idx.msk [tilespmem:v17+s15+$0x0], $0xffff;
	v20 =	vor.u32 $0x18, v61;
	v25 =	vmul.f32 v29, v29;
	v22 =	vadd.f32 v32, v21  }
0x399: {  	[tilespmem:$0x1E8C0] =	vst v29;
	v35 =	vmul.f32 v1, v1;
	v34 =	vld.idx.msk [tilespmem:v18+s14+$0x0], $0xffff;
	v23 =	vadd.f32 v24, v23  }
0x39a: {  	[tilespmem:$0x1E8F0] =	vst v1;
	v1 =	vld.idx.msk [tilespmem:v18+s15+$0x0], $0xffff;
	v21 =	vor.u32 $0x19, v61;
	v26 =	vmul.f32 v3, v3;
	v25 =	vadd.f32 v25, v22  }
0x39b: {  	[tilespmem:$0x1E8E0] =	vst v3;
	v36 =	vmul.f32 v0, v0;
	v3 =	vld.idx.msk [tilespmem:v19+s14+$0x0], $0xffff;
	v23 =	vadd.f32 v35, v23  }
0x39c: {  	[tilespmem:$0x1E910] =	vst v0;
	v0 =	vld.idx.msk [tilespmem:v19+s15+$0x0], $0xffff;
	v22 =	vor.u32 $0x1A, v61;
	v37 =	vmul.f32 v33, v33;
	v25 =	vadd.f32 v26, v25  }
0x39d: {  	[tilespmem:$0x1E900] =	vst v33;
	v27 =	vmul.f32 v2, v2;
	v38 =	vld.idx.msk [tilespmem:v20+s14+$0x0], $0xffff;
	v24 =	vadd.f32 v36, v23  }
0x39e: {  	[tilespmem:$0x1E930] =	vst v2;
	v2 =	vld.idx.msk [tilespmem:v20+s15+$0x0], $0xffff;
	v23 =	vor.u32 $0x1B, v61;
	v39 =	vmul.f32 v34, v34;
	v25 =	vadd.f32 v37, v25  }
0x39f: {  	[tilespmem:$0x1E920] =	vst v34;
	v28 =	vmul.f32 v1, v1;
	v40 =	vld.idx.msk [tilespmem:v21+s14+$0x0], $0xffff;
	v27 =	vadd.f32 v27, v24  }
0x3a0: {  	[tilespmem:$0x1E950] =	vst v1;
	v1 =	vld.idx.msk [tilespmem:v21+s15+$0x0], $0xffff;
	v24 =	vor.u32 $0x1C, v61;
	v29 =	vmul.f32 v3, v3;
	v26 =	vadd.f32 v39, v25  }
0x3a1: {  	[tilespmem:$0x1E940] =	vst v3;
	v41 =	vmul.f32 v0, v0;
	v3 =	vld.idx.msk [tilespmem:v22+s14+$0x0], $0xffff;
	v27 =	vadd.f32 v28, v27  }
0x3a2: {  	[tilespmem:$0x1E970] =	vst v0;
	v0 =	vld.idx.msk [tilespmem:v22+s15+$0x0], $0xffff;
	v25 =	vor.u32 $0x1D, v61;
	v30 =	vmul.f32 v38, v38;
	v29 =	vadd.f32 v29, v26  }
0x3a3: {  	[tilespmem:$0x1E960] =	vst v38;
	v43 =	vmul.f32 v2, v2;
	v42 =	vld.idx.msk [tilespmem:v23+s14+$0x0], $0xffff;
	v27 =	vadd.f32 v41, v27  }
0x3a4: {  	[tilespmem:$0x1E990] =	vst v2;
	v2 =	vld.idx.msk [tilespmem:v23+s15+$0x0], $0xffff;
	v26 =	vor.u32 $0x1E, v61;
	v44 =	vmul.f32 v40, v40;
	v29 =	vadd.f32 v30, v29  }
0x3a5: {  	[tilespmem:$0x1E980] =	vst v40;
	v31 =	vmul.f32 v1, v1;
	v45 =	vld.idx.msk [tilespmem:v24+s14+$0x0], $0xffff;
	v28 =	vadd.f32 v43, v27  }
0x3a6: {  	[tilespmem:$0x1E9B0] =	vst v1;
	v1 =	vld.idx.msk [tilespmem:v24+s15+$0x0], $0xffff;
	v27 =	vor.u32 $0x1F, v61;
	v46 =	vmul.f32 v3, v3;
	v29 =	vadd.f32 v44, v29  }
0x3a7: {  	[tilespmem:$0x1E9A0] =	vst v3;
	v32 =	vmul.f32 v0, v0;
	v3 =	vld.idx.msk [tilespmem:v25+s14+$0x0], $0xffff;
	v31 =	vadd.f32 v31, v28  }
0x3a8: {  	[tilespmem:$0x1E9D0] =	vst v0;
	v0 =	vld.idx.msk [tilespmem:v25+s15+$0x0], $0xffff;
	v28 =	vor.u32 $0x20, v61;
	v33 =	vmul.f32 v42, v42;
	v30 =	vadd.f32 v46, v29  }
0x3a9: {  	[tilespmem:$0x1E9C0] =	vst v42;
	v48 =	vmul.f32 v2, v2;
	v47 =	vld.idx.msk [tilespmem:v26+s14+$0x0], $0xffff;
	v31 =	vadd.f32 v32, v31  }
0x3aa: {  	[tilespmem:$0x1E9F0] =	vst v2;
	v2 =	vld.idx.msk [tilespmem:v26+s15+$0x0], $0xffff;
	v29 =	vor.u32 $0x21, v61;
	v34 =	vmul.f32 v45, v45;
	v33 =	vadd.f32 v33, v30  }
0x3ab: {  	[tilespmem:$0x1E9E0] =	vst v45;
	v50 =	vmul.f32 v1, v1;
	v49 =	vld.idx.msk [tilespmem:v27+s14+$0x0], $0xffff;
	v31 =	vadd.f32 v48, v31  }
0x3ac: {  	[tilespmem:$0x1EA10] =	vst v1;
	v1 =	vld.idx.msk [tilespmem:v27+s15+$0x0], $0xffff;
	v30 =	vor.u32 $0x22, v61;
	v51 =	vmul.f32 v3, v3;
	v33 =	vadd.f32 v34, v33  }
0x3ad: {  	[tilespmem:$0x1EA00] =	vst v3;
	v35 =	vmul.f32 v0, v0;
	v3 =	vld.idx.msk [tilespmem:v28+s14+$0x0], $0xffff;
	v32 =	vadd.f32 v50, v31  }
0x3ae: {  	[tilespmem:$0x1EA30] =	vst v0;
	v0 =	vld.idx.msk [tilespmem:v28+s15+$0x0], $0xffff;
	v31 =	vor.u32 $0x23, v61;
	v52 =	vmul.f32 v47, v47;
	v33 =	vadd.f32 v51, v33  }
0x3af: {  	[tilespmem:$0x1EA20] =	vst v47;
	v36 =	vmul.f32 v2, v2;
	v53 =	vld.idx.msk [tilespmem:v29+s14+$0x0], $0xffff;
	v35 =	vadd.f32 v35, v32  }
0x3b0: {  	[tilespmem:$0x1EA50] =	vst v2;
	v2 =	vld.idx.msk [tilespmem:v29+s15+$0x0], $0xffff;
	v32 =	vor.u32 $0x24, v61;
	v37 =	vmul.f32 v49, v49;
	v34 =	vadd.f32 v52, v33  }
0x3b1: {  	[tilespmem:$0x1EA40] =	vst v49;
	v55 =	vmul.f32 v1, v1;
	v54 =	vld.idx.msk [tilespmem:v30+s14+$0x0], $0xffff;
	v35 =	vadd.f32 v36, v35  }
0x3b2: {  	[tilespmem:$0x1EA70] =	vst v1;
	v1 =	vld.idx.msk [tilespmem:v30+s15+$0x0], $0xffff;
	v33 =	vor.u32 $0x25, v61;
	v38 =	vmul.f32 v3, v3;
	v37 =	vadd.f32 v37, v34  }
0x3b3: {  	[tilespmem:$0x1EA60] =	vst v3;
	v56 =	vmul.f32 v0, v0;
	v3 =	vld.idx.msk [tilespmem:v31+s14+$0x0], $0xffff;
	v35 =	vadd.f32 v55, v35  }
0x3b4: {  	[tilespmem:$0x1EA90] =	vst v0;
	v0 =	vld.idx.msk [tilespmem:v31+s15+$0x0], $0xffff;
	v34 =	vor.u32 $0x26, v61;
	v57 =	vmul.f32 v53, v53;
	v37 =	vadd.f32 v38, v37  }
0x3b5: {  	[tilespmem:$0x1EA80] =	vst v53;
	v39 =	vmul.f32 v2, v2;
	v58 =	vld.idx.msk [tilespmem:v32+s14+$0x0], $0xffff;
	v36 =	vadd.f32 v56, v35  }
0x3b6: {  	[tilespmem:$0x1EAB0] =	vst v2;
	v2 =	vld.idx.msk [tilespmem:v32+s15+$0x0], $0xffff;
	v35 =	vor.u32 $0x27, v61;
	v59 =	vmul.f32 v54, v54;
	v37 =	vadd.f32 v57, v37  }
0x3b7: {  	[tilespmem:$0x1EAA0] =	vst v54;
	v40 =	vmul.f32 v1, v1;
	v60 =	vld.idx.msk [tilespmem:v33+s14+$0x0], $0xffff;
	v39 =	vadd.f32 v39, v36  }
0x3b8: {  	[tilespmem:$0x1EAD0] =	vst v1;
	v1 =	vld.idx.msk [tilespmem:v33+s15+$0x0], $0xffff;
	v36 =	vor.u32 $0x28, v61;
	v41 =	vmul.f32 v3, v3;
	v38 =	vadd.f32 v59, v37  }
0x3b9: {  	[tilespmem:$0x1EAC0] =	vst v3;
	v62 =	vmul.f32 v0, v0;
	v3 =	vld.idx.msk [tilespmem:v34+s14+$0x0], $0xffff;
	v39 =	vadd.f32 v40, v39  }
0x3ba: {  	[tilespmem:$0x1EAF0] =	vst v0;
	v0 =	vld.idx.msk [tilespmem:v34+s15+$0x0], $0xffff;
	v37 =	vor.u32 $0x29, v61;
	v42 =	vmul.f32 v58, v58;
	v41 =	vadd.f32 v41, v38  }
0x3bb: {  	[tilespmem:$0x1EAE0] =	vst v58;
	v47 =	vmul.f32 v2, v2;
	v63 =	vld.idx.msk [tilespmem:v35+s14+$0x0], $0xffff;
	v39 =	vadd.f32 v62, v39  }
0x3bc: {  	[tilespmem:$0x1EB10] =	vst v2;
	v2 =	vld.idx.msk [tilespmem:v35+s15+$0x0], $0xffff;
	v38 =	vor.u32 $0x2A, v61;
	v48 =	vmul.f32 v60, v60;
	v41 =	vadd.f32 v42, v41  }
0x3bd: {  	[tilespmem:$0x1EB00] =	vst v60;
	v43 =	vmul.f32 v1, v1;
	v49 =	vld.idx.msk [tilespmem:v36+s14+$0x0], $0xffff;
	v40 =	vadd.f32 v47, v39  }
0x3be: {  	[tilespmem:$0x1EB30] =	vst v1;
	v1 =	vld.idx.msk [tilespmem:v36+s15+$0x0], $0xffff;
	v39 =	vor.u32 $0x2B, v61;
	v50 =	vmul.f32 v3, v3;
	v41 =	vadd.f32 v48, v41  }
0x3bf: {  	[tilespmem:$0x1EB20] =	vst v3;
	v44 =	vmul.f32 v0, v0;
	v3 =	vld.idx.msk [tilespmem:v37+s14+$0x0], $0xffff;
	v43 =	vadd.f32 v43, v40  }
0x3c0: {  	[tilespmem:$0x1EB50] =	vst v0;
	v0 =	vld.idx.msk [tilespmem:v37+s15+$0x0], $0xffff;
	v40 =	vor.u32 $0x2C, v61;
	v45 =	vmul.f32 v63, v63;
	v42 =	vadd.f32 v50, v41  }
0x3c1: {  	[tilespmem:$0x1EB40] =	vst v63;
	v52 =	vmul.f32 v2, v2;
	v51 =	vld.idx.msk [tilespmem:v38+s14+$0x0], $0xffff;
	v43 =	vadd.f32 v44, v43  }
0x3c2: {  	[tilespmem:$0x1EB70] =	vst v2;
	v2 =	vld.idx.msk [tilespmem:v38+s15+$0x0], $0xffff;
	v41 =	vor.u32 $0x2D, v61;
	v46 =	vmul.f32 v49, v49;
	v45 =	vadd.f32 v45, v42  }
0x3c3: {  	[tilespmem:$0x1EB60] =	vst v49;
	v54 =	vmul.f32 v1, v1;
	v53 =	vld.idx.msk [tilespmem:v39+s14+$0x0], $0xffff;
	v43 =	vadd.f32 v52, v43  }
0x3c4: {  	[tilespmem:$0x1EB90] =	vst v1;
	v1 =	vld.idx.msk [tilespmem:v39+s15+$0x0], $0xffff;
	v42 =	vor.u32 $0x2E, v61;
	v55 =	vmul.f32 v3, v3;
	v45 =	vadd.f32 v46, v45  }
0x3c5: {  	[tilespmem:$0x1EB80] =	vst v3;
	v47 =	vmul.f32 v0, v0;
	v3 =	vld.idx.msk [tilespmem:v40+s14+$0x0], $0xffff;
	v44 =	vadd.f32 v54, v43  }
0x3c6: {  	[tilespmem:$0x1EBB0] =	vst v0;
	v0 =	vld.idx.msk [tilespmem:v40+s15+$0x0], $0xffff;
	v43 =	vor.u32 $0x2F, v61;
	v56 =	vmul.f32 v51, v51;
	v45 =	vadd.f32 v55, v45  }
0x3c7: {  	[tilespmem:$0x1EBA0] =	vst v51;
	v48 =	vmul.f32 v2, v2;
	v57 =	vld.idx.msk [tilespmem:v41+s14+$0x0], $0xffff;
	v47 =	vadd.f32 v47, v44  }
0x3c8: {  	[tilespmem:$0x1EBD0] =	vst v2;
	v2 =	vld.idx.msk [tilespmem:v41+s15+$0x0], $0xffff;
	v44 =	vor.u32 $0x30, v61;
	v49 =	vmul.f32 v53, v53;
	v46 =	vadd.f32 v56, v45  }
0x3c9: {  	[tilespmem:$0x1EBC0] =	vst v53;
	v59 =	vmul.f32 v1, v1;
	v58 =	vld.idx.msk [tilespmem:v42+s14+$0x0], $0xffff;
	v47 =	vadd.f32 v48, v47  }
0x3ca: {  	[tilespmem:$0x1EBF0] =	vst v1;
	v1 =	vld.idx.msk [tilespmem:v42+s15+$0x0], $0xffff;
	v45 =	vor.u32 $0x31, v61;
	v50 =	vmul.f32 v3, v3;
	v49 =	vadd.f32 v49, v46  }
0x3cb: {  	[tilespmem:$0x1EBE0] =	vst v3;
	v60 =	vmul.f32 v0, v0;
	v3 =	vld.idx.msk [tilespmem:v43+s14+$0x0], $0xffff;
	v47 =	vadd.f32 v59, v47  }
0x3cc: {  	[tilespmem:$0x1EC10] =	vst v0;
	v0 =	vld.idx.msk [tilespmem:v43+s15+$0x0], $0xffff;
	v46 =	vor.u32 $0x32, v61;
	v62 =	vmul.f32 v57, v57;
	v49 =	vadd.f32 v50, v49  }
0x3cd: {  	[tilespmem:$0x1EC00] =	vst v57;
	v51 =	vmul.f32 v2, v2;
	v63 =	vld.idx.msk [tilespmem:v44+s14+$0x0], $0xffff;
	v48 =	vadd.f32 v60, v47  }
0x3ce: {  	[tilespmem:$0x1EC30] =	vst v2;
	v2 =	vld.idx.msk [tilespmem:v44+s15+$0x0], $0xffff;
	v47 =	vor.u32 $0x33, v61;
	v56 =	vmul.f32 v58, v58;
	v49 =	vadd.f32 v62, v49  }
0x3cf: {  	[tilespmem:$0x1EC20] =	vst v58;
	v52 =	vmul.f32 v1, v1;
	v57 =	vld.idx.msk [tilespmem:v45+s14+$0x0], $0xffff;
	v51 =	vadd.f32 v51, v48  }
0x3d0: {  	[tilespmem:$0x1EC50] =	vst v1;
	v1 =	vld.idx.msk [tilespmem:v45+s15+$0x0], $0xffff;
	v48 =	vor.u32 $0x34, v61;
	v53 =	vmul.f32 v3, v3;
	v50 =	vadd.f32 v56, v49  }
0x3d1: {  	[tilespmem:$0x1EC40] =	vst v3;
	v58 =	vmul.f32 v0, v0;
	v3 =	vld.idx.msk [tilespmem:v46+s14+$0x0], $0xffff;
	v51 =	vadd.f32 v52, v51  }
0x3d2: {  	[tilespmem:$0x1EC70] =	vst v0;
	v0 =	vld.idx.msk [tilespmem:v46+s15+$0x0], $0xffff;
	v49 =	vor.u32 $0x35, v61;
	v54 =	vmul.f32 v63, v63;
	v53 =	vadd.f32 v53, v50  }
0x3d3: {  	[tilespmem:$0x1EC60] =	vst v63;
	v59 =	vmul.f32 v2, v2;
	v4 =	vld.idx.msk [tilespmem:v47+s14+$0x0], $0xffff;
	v51 =	vadd.f32 v58, v51  }
0x3d4: {  	[tilespmem:$0x1EC90] =	vst v2;
	v2 =	vld.idx.msk [tilespmem:v47+s15+$0x0], $0xffff;
	v50 =	vor.u32 $0x36, v61;
	v60 =	vmul.f32 v57, v57;
	v53 =	vadd.f32 v54, v53  }
0x3d5: {  	[tilespmem:$0x1EC80] =	vst v57;
	v55 =	vmul.f32 v1, v1;
	v62 =	vld.idx.msk [tilespmem:v48+s14+$0x0], $0xffff;
	v52 =	vadd.f32 v59, v51  }
0x3d6: {  	[tilespmem:$0x1ECB0] =	vst v1;
	v1 =	vld.idx.msk [tilespmem:v48+s15+$0x0], $0xffff;
	v51 =	vor.u32 $0x37, v61;
	v63 =	vmul.f32 v3, v3;
	v53 =	vadd.f32 v60, v53  }
0x3d7: {  	[tilespmem:$0x1ECA0] =	vst v3;
	v56 =	vmul.f32 v0, v0;
	v3 =	vld.idx.msk [tilespmem:v49+s14+$0x0], $0xffff;
	v55 =	vadd.f32 v55, v52  }
0x3d8: {  	[tilespmem:$0x1ECD0] =	vst v0;
	v0 =	vld.idx.msk [tilespmem:v49+s15+$0x0], $0xffff;
	v52 =	vor.u32 $0x38, v61;
	v57 =	vmul.f32 v4, v4;
	v54 =	vadd.f32 v63, v53  }
0x3d9: {  	[tilespmem:$0x1ECC0] =	vst v4;
	v6 =	vmul.f32 v2, v2;
	v4 =	vld.idx.msk [tilespmem:v50+s14+$0x0], $0xffff;
	v55 =	vadd.f32 v56, v55  }
0x3da: {  	[tilespmem:$0x1ECF0] =	vst v2;
	v2 =	vld.idx.msk [tilespmem:v50+s15+$0x0], $0xffff;
	v53 =	vor.u32 $0x39, v61;
	v58 =	vmul.f32 v62, v62;
	v57 =	vadd.f32 v57, v54  }
0x3db: {  	[tilespmem:$0x1ECE0] =	vst v62;
	v7 =	vmul.f32 v1, v1;
	v60 =	vld.idx.msk [tilespmem:v51+s14+$0x0], $0xffff;
	v55 =	vadd.f32 v6, v55  }
0x3dc: {  	[tilespmem:$0x1ED10] =	vst v1;
	v1 =	vld.idx.msk [tilespmem:v51+s15+$0x0], $0xffff;
	v54 =	vor.u32 $0x3A, v61;
	v62 =	vmul.f32 v3, v3;
	v57 =	vadd.f32 v58, v57  }
0x3dd: {  	[tilespmem:$0x1ED00] =	vst v3;
	v59 =	vmul.f32 v0, v0;
	v3 =	vld.idx.msk [tilespmem:v52+s14+$0x0], $0xffff;
	v56 =	vadd.f32 v7, v55  }
0x3de: {  	[tilespmem:$0x1ED30] =	vst v0;
	v5 =	vld.idx.msk [tilespmem:v52+s15+$0x0], $0xffff;
	v55 =	vor.u32 $0x3B, v61;
	v63 =	vmul.f32 v4, v4;
	v57 =	vadd.f32 v62, v57  }
0x3df: {  	[tilespmem:$0x1ED20] =	vst v4;
	v0 =	vmul.f32 v2, v2;
	v6 =	vld.idx.msk [tilespmem:v53+s14+$0x0], $0xffff;
	v59 =	vadd.f32 v59, v56  }
0x3e0: {  	[tilespmem:$0x1ED50] =	vst v2;
	v7 =	vld.idx.msk [tilespmem:v53+s15+$0x0], $0xffff;
	v56 =	vor.u32 $0x3C, v61;
	v58 =	vadd.f32 v63, v57;
	v57 =	vmul.f32 v60, v60  }
0x3e1: {  	[tilespmem:$0x1ED40] =	vst v60;
	v62 =	vld.idx.msk [tilespmem:v54+s14+$0x0], $0xffff;
	v59 =	vadd.f32 v0, v59;
	v0 =	vmul.f32 v1, v1  }
0x3e2: {  	[tilespmem:$0x1ED70] =	vst v1;
	v4 =	vld.idx.msk [tilespmem:v54+s15+$0x0], $0xffff;
	v1 =	vor.u32 $0x3D, v61;
	v57 =	vadd.f32 v57, v58;
	v58 =	vmul.f32 v3, v3  }
0x3e3: {  	[tilespmem:$0x1ED60] =	vst v3;
	v60 =	vld.idx.msk [tilespmem:v55+s14+$0x0], $0xffff;
	v59 =	vadd.f32 v0, v59;
	v0 =	vmul.f32 v5, v5  }
0x3e4: {  	[tilespmem:$0x1ED90] =	vst v5;
	v3 =	vld.idx.msk [tilespmem:v55+s15+$0x0], $0xffff;
	v5 =	vor.u32 $0x3E, v61;
	v57 =	vadd.f32 v58, v57;
	v58 =	vmul.f32 v6, v6  }
0x3e5: {  	[tilespmem:$0x1ED80] =	vst v6;
	v6 =	vld.idx.msk [tilespmem:v56+s14+$0x0], $0xffff;
	v2 =	vadd.f32 v0, v59;
	v0 =	vmul.f32 v7, v7  }
0x3e6: {  	[tilespmem:$0x1EDF0] =	vst v1;
	v63 =	vld.idx.msk [tilespmem:v56+s15+$0x0], $0xffff;
	v59 =	vor.u32 $0x3F, v61;
	v57 =	vadd.f32 v58, v57;
	v58 =	vmul.f32 v62, v62  }
0x3e7: {  	[tilespmem:$0x1EDB0] =	vst v7;
	v7 =	vmov v61;
	v61 =	vld.idx.msk [tilespmem:v1+s14+$0x0], $0xffff;
	v0 =	vadd.f32 v0, v2;
	v2 =	vmul.f32 v4, v4  }
0x3e8: {  	[tilespmem:$0x1EDD0] =	vst v4;
	v4 =	vld.idx.msk [tilespmem:v1+s15+$0x0], $0xffff;
	v57 =	vadd.f32 v58, v57;
	v58 =	vmul.f32 v60, v60  }
0x3e9: {  	[tilespmem:$0x1EDC0] =	vst v60;
	v60 =	vld.idx.msk [tilespmem:v5+s14+$0x0], $0xffff;
	v0 =	vadd.f32 v2, v0;
	v2 =	vmul.f32 v3, v3  }
0x3ea: {  	[tilespmem:$0x1EE00] =	vst v3;
	v3 =	vld.idx.msk [tilespmem:v5+s15+$0x0], $0xffff;
	v57 =	vadd.f32 v58, v57;
	v58 =	vmul.f32 v6, v6  }
0x3eb: {  	[tilespmem:$0x1EDA0] =	vst v62;
	v62 =	vld.idx.msk [tilespmem:v59+s14+$0x0], $0xffff;
	v0 =	vadd.f32 v2, v0;
	v2 =	vmul.f32 v63, v63  }
0x3ec: {  	[tilespmem:$0x1EDE0] =	vst v6;
	v1 =	vld.idx.msk [tilespmem:v59+s15+$0x0], $0xffff;
	v6 =	vmul.f32 v61, v61;
	v57 =	vadd.f32 v58, v57  }
0x3ed: {  	v0 =	vadd.f32 v2, v0;
	v2 =	vmul.f32 v4, v4  }
0x3ee: {  	[tilespmem:$0x1EE10] =	vst v61;
	v61 =	vmul.f32 v60, v60;
	v57 =	vadd.f32 v6, v57  }
0x3ef: {  	v0 =	vadd.f32 v2, v0;
	v2 =	vmul.f32 v3, v3  }
0x3f0: {  	[tilespmem:$0x1EE60] =	vst v62;
	v62 =	vmul.f32 v62, v62;
	v57 =	vadd.f32 v61, v57  }
0x3f1: {  	v0 =	vadd.f32 v2, v0;
	v2 =	vmul.f32 v1, v1  }
0x3f2: {  	v57 =	vadd.f32 v62, v57  }
0x3f3: {  	v0 =	vadd.f32 v2, v0  }
0x3f4: {  	v2 =	vmax.f32 v57, $1.000000020e-24  }
0x3f5: {  	v0 =	vmax.f32 v0, $1.000000020e-24;
	v57 =	vshra.s32 v2, $0x1  }
0x3f6: {  	[tilespmem:$0x1EE30] =	vst v63;
	v2 =	vmul.f32 $5.000000000e-01, v2;
	v63 =	vshra.s32 v0, $0x1;
	v0 =	vmul.f32 $5.000000000e-01, v0  }
0x3f7: {  	[tilespmem:$0x1EE50] =	vst v4;
	v57 =	vsub.s32 $0x5F3759DF, v57;
	v58 =	vsub.s32 $0x5F3759DF, v63  }
0x3f8: {  	[tilespmem:$0x1EE80] =	vst v1;
	v1 =	vmul.f32 v57, v2;
	v4 =	vmul.f32 v58, v0  }
0x3f9: {  	[tilespmem:$0x1EE70] =	vst v3;
	v3 =	vld [tilespmem:$0x1E5C0]  }
0x3fa: {  	v1 =	vmul.f32 v57, v1;
	v63 =	vmul.f32 v58, v4;
	_ =	sdelay $0x1  }
0x3fb: {  	v1 =	vsub.f32 $1.500000000e+00, v1;
	v63 =	vsub.f32 $1.500000000e+00, v63;
	_ =	sdelay $0x1  }
0x3fc: {  	[tilespmem:$0x1EE20] =	vst v5;
	v1 =	vmul.f32 v57, v1;
	v5 =	vmul.f32 v58, v63;
	_ =	sdelay $0x1  }
0x3fd: {  	v6 =	vmul.f32 v1, v2;
	v63 =	vmul.f32 v5, v0  }
0x3fe: {  	[tilespmem:$0x1EE40] =	vst v60;
	v60 =	vld.idx.msk [tilespmem:v3+s16+$0x0], $0xffff  }
0x3ff: {  	v3 =	vld [tilespmem:$0x1E5D0];
	v58 =	vmul.f32 v6, v1;
	v63 =	vmul.f32 v63, v5;
	_ =	sdelay $0x1  }
0x400: {  	v58 =	vsub.f32 $1.500000000e+00, v58;
	v63 =	vsub.f32 $1.500000000e+00, v63;
	_ =	sdelay $0x1  }
0x401: {  	v1 =	vmul.f32 v58, v1;
	v57 =	vmul.f32 v63, v5;
	_ =	sdelay $0x1  }
0x402: {  	v2 =	vmul.f32 v1, v2;
	v0 =	vmul.f32 v57, v0  }
0x403: {  	v61 =	vld [tilespmem:$0x1E600]  }
0x404: {  	v4 =	vld.idx.msk [tilespmem:v3+s16+$0x0], $0xffff;
	v2 =	vmul.f32 v2, v1;
	v0 =	vmul.f32 v0, v57  }
0x405: {  	v3 =	vld [tilespmem:$0x1E5F0]  }
0x406: {  	v58 =	vld.idx.msk [tilespmem:v7+s16+$0x0], $0xffff;
	v2 =	vsub.f32 $1.500000000e+00, v2;
	v0 =	vsub.f32 $1.500000000e+00, v0  }
0x407: {  	v63 =	vld [tilespmem:$0x1E620]  }
0x408: {  	v2 =	vmul.f32 v2, v1;
	v1 =	vmul.f32 v0, v57;
	v0 =	vld [tilespmem:$0x1E5E0];
	_ =	sdelay $0x1  }
0x409: {  	v62 =	vld [tilespmem:$0x1E610];
	v3 =	vmul.f32 v2, v3  }
0x40a: {  	v57 =	vmul.f32 v2, v61;
	v61 =	vld [tilespmem:$0x1E650]  }
0x40b: {  	v63 =	vmul.f32 v2, v63;
	v3 =	vadd.f32 v3, v58;
	v58 =	vld [tilespmem:$0x1E630]  }
0x40c: {  	v57 =	vadd.f32 v57, v60;
	v60 =	vld [tilespmem:$0x1E640]  }
0x40d: {  	v4 =	vadd.f32 v63, v4;
	v63 =	vld [tilespmem:$0x1E660];
	_ =	sdelay $0x1  }
0x40e: {  	v62 =	vmul.f32 v1, v62;
	v0 =	vld.idx.msk [tilespmem:v0+s16+$0x0], $0xffff  }
0x40f: {  	v61 =	vmul.f32 v1, v61  }
0x410: {  	v3 =	vsub.f32 v3, v62;
	v62 =	vld [tilespmem:$0x1E680];
	v58 =	vmul.f32 v1, v58  }
0x411: {  	v63 =	vmul.f32 v2, v63;
	v4 =	vsub.f32 v4, v61;
	v61 =	vld [tilespmem:$0x1E6B0]  }
0x412: {  	v57 =	vsub.f32 v57, v58;
	v58 =	vld [tilespmem:$0x1E670]  }
0x413: {  	v0 =	vadd.f32 v63, v0;
	v63 =	vld [tilespmem:$0x1E690]  }
0x414: {  	v3 =	vand.u32 $0x7FFFFFFF, v3;
	v60 =	vld.idx.msk [tilespmem:v60+s16+$0x0], $0xffff;
	v57 =	vand.u32 $0x7FFFFFFF, v57  }
0x415: {  	v3 =	vadd.f32 v57, v3;
	v57 =	vld [tilespmem:$0x1E6C0]  }
0x416: {  	v5 =	vld [tilespmem:$0x1E6A0]  }
0x417: {  	v6 =	vld [tilespmem:$0x1E6D0];
	v58 =	vmul.f32 v2, v58  }
0x418: {  	v62 =	vld.idx.msk [tilespmem:v62+s16+$0x0], $0xffff;
	v63 =	vmul.f32 v1, v63  }
0x419: {  	v58 =	vadd.f32 v58, v60;
	v60 =	vld [tilespmem:$0x1E6E0]  }
0x41a: {  	v57 =	vmul.f32 v1, v57;
	v0 =	vsub.f32 v0, v63;
	v63 =	vld [tilespmem:$0x1E6F0]  }
0x41b: {  	v5 =	vmul.f32 v2, v5;
	v4 =	vand.u32 $0x7FFFFFFF, v4;
	v61 =	vld.idx.msk [tilespmem:v61+s16+$0x0], $0xffff  }
0x41c: {  	v3 =	vadd.f32 v3, v4;
	v57 =	vsub.f32 v58, v57;
	v58 =	vld [tilespmem:$0x1E710]  }
0x41d: {  	v5 =	vadd.f32 v5, v62;
	v62 =	vld [tilespmem:$0x1E730];
	v0 =	vand.u32 $0x7FFFFFFF, v0  }
0x41e: {  	v0 =	vadd.f32 v3, v0;
	v3 =	vld [tilespmem:$0x1E720]  }
0x41f: {  	v57 =	vand.u32 $0x7FFFFFFF, v57;
	v4 =	vmul.f32 v1, v63;
	v63 =	vld [tilespmem:$0x1E700]  }
0x420: {  	v6 =	vmul.f32 v2, v6;
	v0 =	vadd.f32 v0, v57;
	v57 =	vld [tilespmem:$0x1E750]  }
0x421: {  	v60 =	vld.idx.msk [tilespmem:v60+s16+$0x0], $0xffff  }
0x422: {  	v4 =	vsub.f32 v5, v4;
	v5 =	vadd.f32 v6, v61;
	v61 =	vld [tilespmem:$0x1E740];
	_ =	sdelay $0x1  }
0x423: {  	v58 =	vld.idx.msk [tilespmem:v58+s16+$0x0], $0xffff  }
0x424: {  	v3 =	vmul.f32 v1, v3;
	v63 =	vmul.f32 v2, v63  }
0x425: {  	v62 =	vmul.f32 v2, v62  }
0x426: {  	v57 =	vmul.f32 v1, v57;
	v3 =	vsub.f32 v5, v3;
	v5 =	vadd.f32 v63, v60;
	v60 =	vld [tilespmem:$0x1E770]  }
0x427: {  	v63 =	vld [tilespmem:$0x1E780]  }
0x428: {  	v4 =	vand.u32 $0x7FFFFFFF, v4;
	v5 =	vsub.f32 v5, v57;
	v57 =	vadd.f32 v62, v58;
	v58 =	vld [tilespmem:$0x1E7A0]  }
0x429: {  	v0 =	vadd.f32 v0, v4;
	v6 =	vld.idx.msk [tilespmem:v61+s16+$0x0], $0xffff  }
0x42a: {  	v3 =	vand.u32 $0x7FFFFFFF, v3;
	v61 =	vld [tilespmem:$0x1E760]  }
0x42b: {  	v0 =	vadd.f32 v0, v3;
	v3 =	vld [tilespmem:$0x1E7B0]  }
0x42c: {  	v4 =	vmul.f32 v1, v63;
	v63 =	vld [tilespmem:$0x1E790];
	_ =	sdelay $0x1  }
0x42d: {  	v60 =	vld.idx.msk [tilespmem:v60+s16+$0x0], $0xffff  }
0x42e: {  	v62 =	vld [tilespmem:$0x1E7C0];
	v61 =	vmul.f32 v2, v61  }
0x42f: {  	v5 =	vand.u32 $0x7FFFFFFF, v5  }
0x430: {  	v3 =	vmul.f32 v1, v3;
	v63 =	vmul.f32 v2, v63;
	v7 =	vld.idx.msk [tilespmem:v58+s16+$0x0], $0xffff;
	v6 =	vadd.f32 v61, v6  }
0x431: {  	v0 =	vadd.f32 v0, v5;
	v4 =	vsub.f32 v57, v4;
	v61 =	vld [tilespmem:$0x1E7D0]  }
0x432: {  	v3 =	vsub.f32 v6, v3;
	v6 =	vadd.f32 v63, v60;
	v60 =	vld [tilespmem:$0x1E7F0]  }
0x433: {  	v4 =	vand.u32 $0x7FFFFFFF, v4;
	v58 =	vmul.f32 v2, v62;
	v62 =	vld [tilespmem:$0x1E7E0]  }
0x434: {  	v0 =	vadd.f32 v0, v4  }
0x435: {  	v8 =	vld.idx.msk [tilespmem:v8+s16+$0x0], $0xffff;
	v3 =	vand.u32 $0x7FFFFFFF, v3  }
0x436: {  	v0 =	vadd.f32 v0, v3;
	v3 =	vld [tilespmem:$0x1E810]  }
0x437: {  	v5 =	vmul.f32 v1, v61;
	v4 =	vmul.f32 v1, v60;
	v60 =	vld [tilespmem:$0x1E800]  }
0x438: {  	v9 =	vld.idx.msk [tilespmem:v9+s16+$0x0], $0xffff;
	v57 =	vmul.f32 v2, v62  }
0x439: {  	v61 =	vadd.f32 v58, v7;
	v7 =	vld.idx.msk [tilespmem:v10+s16+$0x0], $0xffff;
	v5 =	vsub.f32 v6, v5  }
0x43a: {  	v62 =	vld [tilespmem:$0x1E820];
	v63 =	vadd.f32 v57, v8  }
0x43b: {  	v8 =	vld.idx.msk [tilespmem:v11+s16+$0x0], $0xffff;
	v5 =	vand.u32 $0x7FFFFFFF, v5;
	v3 =	vmul.f32 v1, v3;
	v4 =	vsub.f32 v61, v4  }
0x43c: {  	v11 =	vld [tilespmem:$0x1E830];
	v0 =	vadd.f32 v0, v5;
	v60 =	vmul.f32 v2, v60  }
0x43d: {  	v57 =	vld [tilespmem:$0x1E840];
	v4 =	vand.u32 $0x7FFFFFFF, v4;
	v3 =	vsub.f32 v63, v3  }
0x43e: {  	v0 =	vadd.f32 v0, v4;
	v58 =	vadd.f32 v60, v9;
	v60 =	vld [tilespmem:$0x1E850]  }
0x43f: {  	v3 =	vand.u32 $0x7FFFFFFF, v3  }
0x440: {  	v10 =	vmul.f32 v2, v62;
	v0 =	vadd.f32 v0, v3;
	v3 =	vld [tilespmem:$0x1E870]  }
0x441: {  	v61 =	vld [tilespmem:$0x1E860];
	v5 =	vmul.f32 v1, v11  }
0x442: {  	v11 =	vmul.f32 v2, v57;
	v62 =	vadd.f32 v10, v7;
	v7 =	vld.idx.msk [tilespmem:v13+s16+$0x0], $0xffff  }
0x443: {  	v63 =	vld [tilespmem:$0x1E880];
	v5 =	vsub.f32 v58, v5;
	v4 =	vmul.f32 v1, v60  }
0x444: {  	v13 =	vadd.f32 v11, v8;
	v9 =	vld.idx.msk [tilespmem:v12+s16+$0x0], $0xffff  }
0x445: {  	v58 =	vld [tilespmem:$0x1E890];
	v5 =	vand.u32 $0x7FFFFFFF, v5;
	v3 =	vmul.f32 v1, v3;
	v4 =	vsub.f32 v62, v4  }
0x446: {  	v0 =	vadd.f32 v0, v5  }
0x447: {  	v60 =	vld [tilespmem:$0x1E8A0];
	v3 =	vsub.f32 v13, v3;
	v4 =	vand.u32 $0x7FFFFFFF, v4  }
0x448: {  	v12 =	vmul.f32 v2, v61;
	v62 =	vld [tilespmem:$0x1E8B0];
	v0 =	vadd.f32 v0, v4  }
0x449: {  	v57 =	vld.idx.msk [tilespmem:v14+s16+$0x0], $0xffff;
	v10 =	vmul.f32 v2, v63;
	v3 =	vand.u32 $0x7FFFFFFF, v3  }
0x44a: {  	v61 =	vadd.f32 v12, v9;
	v5 =	vmul.f32 v1, v58;
	v0 =	vadd.f32 v0, v3;
	v3 =	vld [tilespmem:$0x1E8D0]  }
0x44b: {  	v9 =	vld.idx.msk [tilespmem:v15+s16+$0x0], $0xffff  }
0x44c: {  	v15 =	vadd.f32 v10, v7;
	v7 =	vld.idx.msk [tilespmem:v16+s16+$0x0], $0xffff;
	v5 =	vsub.f32 v61, v5  }
0x44d: {  	v16 =	vld [tilespmem:$0x1E8E0];
	v11 =	vmul.f32 v2, v60;
	v4 =	vmul.f32 v1, v62  }
0x44e: {  	v63 =	vld [tilespmem:$0x1E8C0];
	v5 =	vand.u32 $0x7FFFFFFF, v5  }
0x44f: {  	v57 =	vadd.f32 v57, v11;
	v4 =	vsub.f32 v15, v4;
	v3 =	vmul.f32 v1, v3  }
0x450: {  	v60 =	vld [tilespmem:$0x1E8F0];
	v0 =	vadd.f32 v0, v5  }
0x451: {  	v61 =	vld [tilespmem:$0x1E900];
	v4 =	vand.u32 $0x7FFFFFFF, v4;
	v3 =	vsub.f32 v57, v3  }
0x452: {  	v10 =	vmul.f32 v2, v16;
	v16 =	vld [tilespmem:$0x1E910];
	v0 =	vadd.f32 v0, v4  }
0x453: {  	v12 =	vmul.f32 v2, v63;
	v58 =	vld.idx.msk [tilespmem:v17+s16+$0x0], $0xffff;
	v3 =	vand.u32 $0x7FFFFFFF, v3  }
0x454: {  	v0 =	vadd.f32 v0, v3;
	v3 =	vld [tilespmem:$0x1E930]  }
0x455: {  	v62 =	vadd.f32 v9, v12;
	v5 =	vmul.f32 v1, v60  }
0x456: {  	v63 =	vld.idx.msk [tilespmem:v18+s16+$0x0], $0xffff;
	v11 =	vmul.f32 v2, v61  }
0x457: {  	v17 =	vld [tilespmem:$0x1E920];
	v18 =	vadd.f32 v7, v10;
	v4 =	vmul.f32 v1, v16;
	v5 =	vsub.f32 v62, v5  }
0x458: {  	v19 =	vld.idx.msk [tilespmem:v19+s16+$0x0], $0xffff;
	v58 =	vadd.f32 v58, v11  }
0x459: {  	v61 =	vld [tilespmem:$0x1E950];
	v5 =	vand.u32 $0x7FFFFFFF, v5;
	v4 =	vsub.f32 v18, v4;
	v3 =	vmul.f32 v1, v3  }
0x45a: {  	v57 =	vld [tilespmem:$0x1E940];
	v0 =	vadd.f32 v0, v5  }
0x45b: {  	v62 =	vld [tilespmem:$0x1E960];
	v4 =	vand.u32 $0x7FFFFFFF, v4;
	v3 =	vsub.f32 v58, v3  }
0x45c: {  	v12 =	vmul.f32 v2, v17;
	v17 =	vld [tilespmem:$0x1E970];
	v0 =	vadd.f32 v0, v4  }
0x45d: {  	v60 =	vld.idx.msk [tilespmem:v20+s16+$0x0], $0xffff;
	v3 =	vand.u32 $0x7FFFFFFF, v3  }
0x45e: {  	v0 =	vadd.f32 v0, v3;
	v3 =	vld [tilespmem:$0x1E990]  }
0x45f: {  	v63 =	vadd.f32 v63, v12;
	v10 =	vmul.f32 v2, v57;
	v5 =	vmul.f32 v1, v61  }
0x460: {  	v20 =	vld.idx.msk [tilespmem:v22+s16+$0x0], $0xffff;
	v11 =	vmul.f32 v2, v62  }
0x461: {  	v16 =	vld.idx.msk [tilespmem:v21+s16+$0x0], $0xffff;
	v4 =	vmul.f32 v1, v17;
	v5 =	vsub.f32 v63, v5;
	v19 =	vadd.f32 v19, v10  }
0x462: {  	v18 =	vld [tilespmem:$0x1E980];
	v22 =	vadd.f32 v60, v11  }
0x463: {  	v21 =	vld [tilespmem:$0x1E9A0];
	v5 =	vand.u32 $0x7FFFFFFF, v5;
	v4 =	vsub.f32 v19, v4;
	v3 =	vmul.f32 v1, v3  }
0x464: {  	v57 =	vld [tilespmem:$0x1E9B0];
	v0 =	vadd.f32 v0, v5  }
0x465: {  	v58 =	vld [tilespmem:$0x1E9C0];
	v4 =	vand.u32 $0x7FFFFFFF, v4;
	v3 =	vsub.f32 v22, v3  }
0x466: {  	v62 =	vld [tilespmem:$0x1E9D0];
	v0 =	vadd.f32 v0, v4  }
0x467: {  	v23 =	vld.idx.msk [tilespmem:v23+s16+$0x0], $0xffff;
	v12 =	vmul.f32 v2, v18;
	v3 =	vand.u32 $0x7FFFFFFF, v3  }
0x468: {  	v0 =	vadd.f32 v0, v3;
	v3 =	vld [tilespmem:$0x1E9F0]  }
0x469: {  	v10 =	vmul.f32 v2, v21;
	v60 =	vadd.f32 v16, v12;
	v5 =	vmul.f32 v1, v57  }
0x46a: {  	v61 =	vld.idx.msk [tilespmem:v24+s16+$0x0], $0xffff;
	v11 =	vmul.f32 v2, v58  }
0x46b: {  	v24 =	vld [tilespmem:$0x1EA30];
	v15 =	vadd.f32 v20, v10;
	v4 =	vmul.f32 v1, v62;
	v5 =	vsub.f32 v60, v5  }
0x46c: {  	v63 =	vld [tilespmem:$0x1E9E0];
	v18 =	vadd.f32 v23, v11  }
0x46d: {  	v17 =	vld [tilespmem:$0x1EA00];
	v5 =	vand.u32 $0x7FFFFFFF, v5;
	v4 =	vsub.f32 v15, v4;
	v3 =	vmul.f32 v1, v3  }
0x46e: {  	v20 =	vld [tilespmem:$0x1EA10];
	v0 =	vadd.f32 v0, v5  }
0x46f: {  	v21 =	vld [tilespmem:$0x1EA20];
	v4 =	vand.u32 $0x7FFFFFFF, v4;
	v3 =	vsub.f32 v18, v3  }
0x470: {  	v16 =	vld.idx.msk [tilespmem:v25+s16+$0x0], $0xffff;
	v0 =	vadd.f32 v0, v4  }
0x471: {  	v19 =	vld.idx.msk [tilespmem:v26+s16+$0x0], $0xffff;
	v12 =	vmul.f32 v2, v63;
	v3 =	vand.u32 $0x7FFFFFFF, v3  }
0x472: {  	v0 =	vadd.f32 v0, v3;
	v3 =	vld [tilespmem:$0x1EA50]  }
0x473: {  	v10 =	vmul.f32 v2, v17;
	v22 =	vadd.f32 v61, v12;
	v5 =	vmul.f32 v1, v20  }
0x474: {  	v25 =	vld [tilespmem:$0x1EA40];
	v11 =	vmul.f32 v2, v21  }
0x475: {  	v26 =	vadd.f32 v16, v10;
	v23 =	vld.idx.msk [tilespmem:v27+s16+$0x0], $0xffff;
	v4 =	vmul.f32 v1, v24;
	v5 =	vsub.f32 v22, v5  }
0x476: {  	v27 =	vld.idx.msk [tilespmem:v28+s16+$0x0], $0xffff;
	v57 =	vadd.f32 v19, v11  }
0x477: {  	v28 =	vld [tilespmem:$0x1EA60];
	v5 =	vand.u32 $0x7FFFFFFF, v5;
	v4 =	vsub.f32 v26, v4;
	v3 =	vmul.f32 v1, v3  }
0x478: {  	v60 =	vld [tilespmem:$0x1EA70];
	v0 =	vadd.f32 v0, v5  }
0x479: {  	v61 =	vld [tilespmem:$0x1EA80];
	v4 =	vand.u32 $0x7FFFFFFF, v4;
	v3 =	vsub.f32 v57, v3  }
0x47a: {  	v16 =	vld [tilespmem:$0x1EA90];
	v0 =	vadd.f32 v0, v4  }
0x47b: {  	v58 =	vld.idx.msk [tilespmem:v29+s16+$0x0], $0xffff;
	v12 =	vmul.f32 v2, v25;
	v3 =	vand.u32 $0x7FFFFFFF, v3  }
0x47c: {  	v0 =	vadd.f32 v0, v3;
	v3 =	vld [tilespmem:$0x1EAB0]  }
0x47d: {  	v10 =	vmul.f32 v2, v28;
	v62 =	vadd.f32 v23, v12;
	v5 =	vmul.f32 v1, v60  }
0x47e: {  	v63 =	vld.idx.msk [tilespmem:v30+s16+$0x0], $0xffff;
	v11 =	vmul.f32 v2, v61  }
0x47f: {  	v17 =	vld [tilespmem:$0x1EAA0];
	v18 =	vadd.f32 v27, v10;
	v4 =	vmul.f32 v1, v16;
	v5 =	vsub.f32 v62, v5  }
0x480: {  	v19 =	vld.idx.msk [tilespmem:v31+s16+$0x0], $0xffff;
	v21 =	vadd.f32 v58, v11  }
0x481: {  	v23 =	vld [tilespmem:$0x1EAD0];
	v5 =	vand.u32 $0x7FFFFFFF, v5;
	v4 =	vsub.f32 v18, v4;
	v3 =	vmul.f32 v1, v3  }
0x482: {  	v20 =	vld [tilespmem:$0x1EAC0];
	v0 =	vadd.f32 v0, v5  }
0x483: {  	v24 =	vld [tilespmem:$0x1EAE0];
	v4 =	vand.u32 $0x7FFFFFFF, v4;
	v3 =	vsub.f32 v21, v3  }
0x484: {  	v27 =	vld [tilespmem:$0x1EAF0];
	v0 =	vadd.f32 v0, v4  }
0x485: {  	v12 =	vmul.f32 v2, v17;
	v22 =	vld.idx.msk [tilespmem:v32+s16+$0x0], $0xffff;
	v3 =	vand.u32 $0x7FFFFFFF, v3  }
0x486: {  	v0 =	vadd.f32 v0, v3;
	v3 =	vld [tilespmem:$0x1EB10]  }
0x487: {  	v30 =	vld.idx.msk [tilespmem:v34+s16+$0x0], $0xffff;
	v25 =	vadd.f32 v63, v12;
	v10 =	vmul.f32 v2, v20;
	v5 =	vmul.f32 v1, v23  }
0x488: {  	v34 =	vld [tilespmem:$0x1EB30];
	v11 =	vmul.f32 v2, v24  }
0x489: {  	v31 =	vld [tilespmem:$0x1EB20];
	v29 =	vadd.f32 v19, v10;
	v4 =	vmul.f32 v1, v27;
	v5 =	vsub.f32 v25, v5  }
0x48a: {  	v28 =	vld [tilespmem:$0x1EB00];
	v32 =	vadd.f32 v22, v11  }
0x48b: {  	v26 =	vld.idx.msk [tilespmem:v33+s16+$0x0], $0xffff;
	v5 =	vand.u32 $0x7FFFFFFF, v5;
	v4 =	vsub.f32 v29, v4;
	v3 =	vmul.f32 v1, v3  }
0x48c: {  	v33 =	vld.idx.msk [tilespmem:v35+s16+$0x0], $0xffff;
	v0 =	vadd.f32 v0, v5  }
0x48d: {  	v35 =	vld [tilespmem:$0x1EB40];
	v4 =	vand.u32 $0x7FFFFFFF, v4;
	v3 =	vsub.f32 v32, v3  }
0x48e: {  	v60 =	vld [tilespmem:$0x1EB50];
	v0 =	vadd.f32 v0, v4  }
0x48f: {  	v12 =	vmul.f32 v2, v28;
	v3 =	vand.u32 $0x7FFFFFFF, v3  }
0x490: {  	v0 =	vadd.f32 v0, v3;
	v3 =	vld [tilespmem:$0x1EB70]  }
0x491: {  	v10 =	vmul.f32 v2, v31;
	v57 =	vadd.f32 v26, v12;
	v5 =	vmul.f32 v1, v34  }
0x492: {  	v63 =	vld.idx.msk [tilespmem:v37+s16+$0x0], $0xffff;
	v11 =	vmul.f32 v2, v35  }
0x493: {  	v61 =	vld [tilespmem:$0x1EB60];
	v62 =	vadd.f32 v30, v10;
	v4 =	vmul.f32 v1, v60;
	v5 =	vsub.f32 v57, v5  }
0x494: {  	v58 =	vld.idx.msk [tilespmem:v36+s16+$0x0], $0xffff;
	v17 =	vadd.f32 v33, v11  }
0x495: {  	v19 =	vld [tilespmem:$0x1EB90];
	v5 =	vand.u32 $0x7FFFFFFF, v5;
	v4 =	vsub.f32 v62, v4;
	v3 =	vmul.f32 v1, v3  }
0x496: {  	v16 =	vld [tilespmem:$0x1EB80];
	v0 =	vadd.f32 v0, v5  }
0x497: {  	v20 =	vld [tilespmem:$0x1EBA0];
	v4 =	vand.u32 $0x7FFFFFFF, v4;
	v3 =	vsub.f32 v17, v3  }
0x498: {  	v23 =	vld [tilespmem:$0x1EBB0];
	v0 =	vadd.f32 v0, v4  }
0x499: {  	v18 =	vld.idx.msk [tilespmem:v38+s16+$0x0], $0xffff;
	v12 =	vmul.f32 v2, v61;
	v3 =	vand.u32 $0x7FFFFFFF, v3  }
0x49a: {  	v0 =	vadd.f32 v0, v3;
	v3 =	vld [tilespmem:$0x1EBD0]  }
0x49b: {  	v37 =	vld.idx.msk [tilespmem:v43+s16+$0x0], $0xffff;
	v10 =	vmul.f32 v2, v16;
	v21 =	vadd.f32 v58, v12;
	v5 =	vmul.f32 v1, v19  }
0x49c: {  	v24 =	vld [tilespmem:$0x1EBC0];
	v11 =	vmul.f32 v2, v20  }
0x49d: {  	v31 =	vld [tilespmem:$0x1EC00];
	v25 =	vadd.f32 v63, v10;
	v4 =	vmul.f32 v1, v23;
	v5 =	vsub.f32 v21, v5  }
0x49e: {  	v22 =	vld.idx.msk [tilespmem:v39+s16+$0x0], $0xffff;
	v28 =	vadd.f32 v18, v11  }
0x49f: {  	v30 =	vld [tilespmem:$0x1EBF0];
	v5 =	vand.u32 $0x7FFFFFFF, v5;
	v4 =	vsub.f32 v25, v4;
	v3 =	vmul.f32 v1, v3  }
0x4a0: {  	v27 =	vld [tilespmem:$0x1EBE0];
	v0 =	vadd.f32 v0, v5  }
0x4a1: {  	v26 =	vld.idx.msk [tilespmem:v40+s16+$0x0], $0xffff;
	v4 =	vand.u32 $0x7FFFFFFF, v4;
	v3 =	vsub.f32 v28, v3  }
0x4a2: {  	v34 =	vld [tilespmem:$0x1EC10];
	v0 =	vadd.f32 v0, v4  }
0x4a3: {  	v29 =	vld.idx.msk [tilespmem:v41+s16+$0x0], $0xffff;
	v12 =	vmul.f32 v2, v24;
	v3 =	vand.u32 $0x7FFFFFFF, v3  }
0x4a4: {  	v0 =	vadd.f32 v0, v3;
	v3 =	vld [tilespmem:$0x1EC30]  }
0x4a5: {  	v35 =	vld [tilespmem:$0x1EC20];
	v10 =	vmul.f32 v2, v27;
	v32 =	vadd.f32 v22, v12;
	v5 =	vmul.f32 v1, v30  }
0x4a6: {  	v33 =	vld.idx.msk [tilespmem:v42+s16+$0x0], $0xffff;
	v11 =	vmul.f32 v2, v31  }
0x4a7: {  	v42 =	vld [tilespmem:$0x1EC60];
	v36 =	vadd.f32 v26, v10;
	v4 =	vmul.f32 v1, v34;
	v5 =	vsub.f32 v32, v5  }
0x4a8: {  	v38 =	vld [tilespmem:$0x1EC40];
	v39 =	vadd.f32 v29, v11  }
0x4a9: {  	v40 =	vld.idx.msk [tilespmem:v44+s16+$0x0], $0xffff;
	v5 =	vand.u32 $0x7FFFFFFF, v5;
	v4 =	vsub.f32 v36, v4;
	v3 =	vmul.f32 v1, v3  }
0x4aa: {  	v41 =	vld [tilespmem:$0x1EC50];
	v0 =	vadd.f32 v0, v5  }
0x4ab: {  	v44 =	vld.idx.msk [tilespmem:v45+s16+$0x0], $0xffff;
	v4 =	vand.u32 $0x7FFFFFFF, v4;
	v3 =	vsub.f32 v39, v3  }
0x4ac: {  	v45 =	vld [tilespmem:$0x1EC70];
	v0 =	vadd.f32 v0, v4  }
0x4ad: {  	v12 =	vmul.f32 v2, v35;
	v3 =	vand.u32 $0x7FFFFFFF, v3  }
0x4ae: {  	v0 =	vadd.f32 v0, v3;
	v3 =	vld [tilespmem:$0x1EC90]  }
0x4af: {  	v14 =	vld [tilespmem:$0x1ECB0];
	v10 =	vmul.f32 v2, v38;
	v43 =	vadd.f32 v33, v12;
	v5 =	vmul.f32 v1, v41  }
0x4b0: {  	v15 =	vld [tilespmem:$0x1ECC0];
	v11 =	vmul.f32 v2, v42  }
0x4b1: {  	v61 =	vld [tilespmem:$0x1ECA0];
	v58 =	vadd.f32 v37, v10;
	v4 =	vmul.f32 v1, v45;
	v5 =	vsub.f32 v43, v5  }
0x4b2: {  	v57 =	vld [tilespmem:$0x1EC80];
	v62 =	vadd.f32 v40, v11  }
0x4b3: {  	v18 =	vld [tilespmem:$0x1ECD0];
	v5 =	vand.u32 $0x7FFFFFFF, v5;
	v4 =	vsub.f32 v58, v4;
	v3 =	vmul.f32 v1, v3  }
0x4b4: {  	v63 =	vld.idx.msk [tilespmem:v47+s16+$0x0], $0xffff;
	v0 =	vadd.f32 v0, v5  }
0x4b5: {  	v47 =	vld [tilespmem:$0x1EDD0];
	v4 =	vand.u32 $0x7FFFFFFF, v4;
	v3 =	vsub.f32 v62, v3  }
0x4b6: {  	v60 =	vld.idx.msk [tilespmem:v46+s16+$0x0], $0xffff;
	v0 =	vadd.f32 v0, v4  }
0x4b7: {  	v24 =	vld.idx.msk [tilespmem:v50+s16+$0x0], $0xffff;
	v12 =	vmul.f32 v2, v57;
	v3 =	vand.u32 $0x7FFFFFFF, v3  }
0x4b8: {  	v0 =	vadd.f32 v0, v3;
	v3 =	vld [tilespmem:$0x1ECF0]  }
0x4b9: {  	v50 =	vld [tilespmem:$0x1EDF0];
	v10 =	vmul.f32 v2, v61;
	v16 =	vadd.f32 v44, v12;
	v5 =	vmul.f32 v1, v14  }
0x4ba: {  	v26 =	vld [tilespmem:$0x1ED20];
	v11 =	vmul.f32 v2, v15  }
0x4bb: {  	v22 =	vld [tilespmem:$0x1ED00];
	v20 =	vadd.f32 v60, v10;
	v4 =	vmul.f32 v1, v18;
	v5 =	vsub.f32 v16, v5  }
0x4bc: {  	v19 =	vld [tilespmem:$0x1ECE0];
	v23 =	vadd.f32 v63, v11  }
0x4bd: {  	v25 =	vld [tilespmem:$0x1ED10];
	v5 =	vand.u32 $0x7FFFFFFF, v5;
	v4 =	vsub.f32 v20, v4;
	v3 =	vmul.f32 v1, v3  }
0x4be: {  	v17 =	vld.idx.msk [tilespmem:v48+s16+$0x0], $0xffff;
	v0 =	vadd.f32 v0, v5  }
0x4bf: {  	v29 =	vld [tilespmem:$0x1ED30];
	v4 =	vand.u32 $0x7FFFFFFF, v4;
	v3 =	vsub.f32 v23, v3  }
0x4c0: {  	v21 =	vld.idx.msk [tilespmem:v49+s16+$0x0], $0xffff;
	v0 =	vadd.f32 v0, v4  }
0x4c1: {  	v37 =	vld [tilespmem:$0x1ED80];
	v12 =	vmul.f32 v2, v19;
	v3 =	vand.u32 $0x7FFFFFFF, v3  }
0x4c2: {  	v0 =	vadd.f32 v0, v3;
	v3 =	vld [tilespmem:$0x1ED50]  }
0x4c3: {  	v46 =	vld.idx.msk [tilespmem:v56+s16+$0x0], $0xffff;
	v10 =	vmul.f32 v2, v22;
	v27 =	vadd.f32 v17, v12;
	v5 =	vmul.f32 v1, v25  }
0x4c4: {  	v9 =	vld.idx.msk [tilespmem:v50+s16+$0x0], $0xffff;
	v11 =	vmul.f32 v2, v26  }
0x4c5: {  	v33 =	vld [tilespmem:$0x1ED60];
	v31 =	vadd.f32 v21, v10;
	v4 =	vmul.f32 v1, v29;
	v5 =	vsub.f32 v27, v5  }
0x4c6: {  	v30 =	vld [tilespmem:$0x1ED40];
	v34 =	vadd.f32 v24, v11  }
0x4c7: {  	v36 =	vld [tilespmem:$0x1ED70];
	v5 =	vand.u32 $0x7FFFFFFF, v5;
	v4 =	vsub.f32 v31, v4;
	v3 =	vmul.f32 v1, v3  }
0x4c8: {  	v28 =	vld.idx.msk [tilespmem:v51+s16+$0x0], $0xffff;
	v0 =	vadd.f32 v0, v5  }
0x4c9: {  	v40 =	vld [tilespmem:$0x1ED90];
	v4 =	vand.u32 $0x7FFFFFFF, v4;
	v3 =	vsub.f32 v34, v3  }
0x4ca: {  	v32 =	vld.idx.msk [tilespmem:v52+s16+$0x0], $0xffff;
	v0 =	vadd.f32 v0, v4  }
0x4cb: {  	v35 =	vld.idx.msk [tilespmem:v53+s16+$0x0], $0xffff;
	v12 =	vmul.f32 v2, v30;
	v3 =	vand.u32 $0x7FFFFFFF, v3  }
0x4cc: {  	v0 =	vadd.f32 v0, v3;
	v3 =	vld [tilespmem:$0x1EDB0]  }
0x4cd: {  	v57 =	vld.idx.msk [tilespmem:v59+s16+$0x0], $0xffff;
	v10 =	vmul.f32 v2, v33;
	v38 =	vadd.f32 v28, v12;
	v5 =	vmul.f32 v1, v36  }
0x4ce: {  	v44 =	vld [tilespmem:$0x1EDC0];
	v11 =	vmul.f32 v2, v37  }
0x4cf: {  	v48 =	vld [tilespmem:$0x1EDE0];
	v42 =	vadd.f32 v32, v10;
	v4 =	vmul.f32 v1, v40;
	v5 =	vsub.f32 v38, v5  }
0x4d0: {  	v41 =	vld [tilespmem:$0x1EDA0];
	v45 =	vadd.f32 v35, v11  }
0x4d1: {  	v52 =	vld [tilespmem:$0x1EE10];
	v5 =	vand.u32 $0x7FFFFFFF, v5;
	v4 =	vsub.f32 v42, v4;
	v3 =	vmul.f32 v1, v3  }
0x4d2: {  	v39 =	vld.idx.msk [tilespmem:v54+s16+$0x0], $0xffff;
	v0 =	vadd.f32 v0, v5  }
0x4d3: {  	v51 =	vld [tilespmem:$0x1EE00];
	v4 =	vand.u32 $0x7FFFFFFF, v4;
	v3 =	vsub.f32 v45, v3  }
0x4d4: {  	v43 =	vld.idx.msk [tilespmem:v55+s16+$0x0], $0xffff;
	v0 =	vadd.f32 v0, v4  }
0x4d5: {  	v12 =	vmul.f32 v2, v41;
	v54 =	vld [tilespmem:$0x1EE20];
	v3 =	vand.u32 $0x7FFFFFFF, v3  }
0x4d6: {  	v0 =	vadd.f32 v0, v3;
	v3 =	vld [tilespmem:$0x1EE30]  }
0x4d7: {  	v59 =	vld [tilespmem:$0x1EE60];
	v10 =	vmul.f32 v2, v44;
	v49 =	vadd.f32 v39, v12;
	v5 =	vmul.f32 v1, v47  }
0x4d8: {  	v11 =	vmul.f32 v2, v48;
	v58 =	vld [tilespmem:$0x1EE50]  }
0x4d9: {  	v55 =	vld [tilespmem:$0x1EE40];
	v53 =	vadd.f32 v43, v10;
	v4 =	vmul.f32 v1, v51;
	v5 =	vsub.f32 v49, v5  }
0x4da: {  	v56 =	vadd.f32 v46, v11;
	v12 =	vmul.f32 v2, v52  }
0x4db: {  	v61 =	vld [tilespmem:$0x1EE70];
	v5 =	vand.u32 $0x7FFFFFFF, v5;
	v4 =	vsub.f32 v53, v4;
	v3 =	vmul.f32 v1, v3  }
0x4dc: {  	v60 =	vadd.f32 v9, v12;
	v62 =	vld [tilespmem:$0x1EE80];
	v0 =	vadd.f32 v0, v5  }
0x4dd: {  	v4 =	vand.u32 $0x7FFFFFFF, v4;
	v5 =	vmul.f32 v1, v58;
	v3 =	vsub.f32 v56, v3  }
0x4de: {  	v10 =	vmul.f32 v2, v55;
	v2 =	vmul.f32 v2, v59;
	v7 =	vld.idx.msk [tilespmem:v54+s16+$0x0], $0xffff;
	v0 =	vadd.f32 v0, v4  }
0x4df: {  	v5 =	vsub.f32 v60, v5;
	v3 =	vand.u32 $0x7FFFFFFF, v3  }
0x4e0: {  	v2 =	vadd.f32 v57, v2;
	v0 =	vadd.f32 v0, v3  }
0x4e1: {  	v4 =	vmul.f32 v1, v61;
	v1 =	vmul.f32 v1, v62;
	v3 =	vand.u32 $0x7FFFFFFF, v5  }
0x4e2: {  	v0 =	vadd.f32 v0, v3;
	v3 =	vmov s22  }
0x4e3: {  	p0 =	sne.s32 s22, $0x1F0;
	v63 =	vadd.f32 v7, v10;
	v1 =	vsub.f32 v2, v1;
	v2 =	vshll.u32 v3, $0x6;
	v3 =	vld [tilespmem:$0x1FFF0]  }
.Ltmp0:
0x4e4: {  	_ = 	snop;
	(pc) =	sbr.rel @p0 .LBB2_2-.Ltmp0, $3  }
0x4e5: {  	v4 =	vsub.f32 v63, v4;
	_ =	sdelay $0x1  }
0x4e6: {  	v4 =	vand.u32 $0x7FFFFFFF, v4  }
0x4e7: {  	s22 =	sadd.s32 $0x10, s22;
	v0 =	vadd.f32 v0, v4;
	v61 =	vor.u32 v3, v2;
	v2 =	vand.u32 $0x7FFFFFFF, v1  }
0x4e8: {  	_ = 	snop  }
0x4e9: {  	v32 =	vor.u32 $0x1, v61;
	v0 =	vadd.f32 v0, v2;
	_ =	sdelay $0x1  }
0x4ea: {  	v29 =	vor.u32 $0x2, v61;
	v1 =	vsub.f32 $0.0e+00, v0  }
0x4eb: {  	s21 =	sadd.s32 $0x10, s21  }
0x4ec: {  	v2 =	vor.u32 $0x6, v61;
	[tilespmem:s21+$0x0] =	vst v1  }
0x4ed: {  	v3 =	vor.u32 $0x7, v61;
	v0 =	vld.idx.msk [tilespmem:v32+s14+$0x0], $0xffff  }
0x4ee: {  	v1 =	vld.idx.msk [tilespmem:v61+s14+$0x0], $0xffff  }
0x4ef: {  	v6 =	vld.idx.msk [tilespmem:v29+s14+$0x0], $0xffff  }
0x4f0: {  	v31 =	vor.u32 $0x3, v61;
	v7 =	vld.idx.msk [tilespmem:v61+s15+$0x0], $0xffff  }
0x4f1: {  	v39 =	vld.idx.msk [tilespmem:v2+s14+$0x0], $0xffff  }
0x4f2: {  	[tilespmem:$0x1DDC0] =	vst v3;
	v13 =	vld.idx.msk [tilespmem:v3+s14+$0x0], $0xffff  }
0x4f3: {  	v59 =	vor.u32 $0x5, v61;
	[tilespmem:$0x1DDA0] =	vst v2;
	v43 =	vld.idx.msk [tilespmem:v2+s15+$0x0], $0xffff;
	v2 =	vor.u32 $0xA, v61  }
0x4f4: {  	v33 =	vor.u32 $0x4, v61;
	v47 =	vld.idx.msk [tilespmem:v3+s15+$0x0], $0xffff;
	v3 =	vor.u32 $0xC, v61;
	[tilespmem:$0x1DE50] =	vst v2  }
0x4f5: {  	v4 =	vld.idx.msk [tilespmem:v31+s14+$0x0], $0xffff;
	[tilespmem:$0x1DEA0] =	vst v3  }
0x4f6: {  	v12 =	vld.idx.msk [tilespmem:v29+s15+$0x0], $0xffff;
	[tilespmem:$0x1DD20] =	vst v0  }
0x4f7: {  	v10 =	vld.idx.msk [tilespmem:v31+s15+$0x0], $0xffff;
	[tilespmem:$0x1DD10] =	vst v1  }
0x4f8: {  	v11 =	vld.idx.msk [tilespmem:v59+s14+$0x0], $0xffff;
	[tilespmem:$0x1DD30] =	vst v6  }
0x4f9: {  	v9 =	vld.idx.msk [tilespmem:v33+s15+$0x0], $0xffff;
	[tilespmem:$0x1DD40] =	vst v7  }
0x4fa: {  	v60 =	vor.u32 $0x9, v61;
	[tilespmem:$0x1DD60] =	vst v4  }
0x4fb: {  	v40 =	vld.idx.msk [tilespmem:v59+s15+$0x0], $0xffff;
	[tilespmem:$0x1DD50] =	vst v12  }
0x4fc: {  	v63 =	vor.u32 $0xB, v61;
	[tilespmem:$0x1DD70] =	vst v10  }
0x4fd: {  	v62 =	vld.idx.msk [tilespmem:v32+s15+$0x0], $0xffff;
	[tilespmem:$0x1DD90] =	vst v11  }
0x4fe: {  	v8 =	vld.idx.msk [tilespmem:v33+s14+$0x0], $0xffff;
	[tilespmem:$0x1DDB0] =	vst v9  }
0x4ff: {  	v50 =	vld.idx.msk [tilespmem:v60+s14+$0x0], $0xffff;
	[tilespmem:$0x1DDE0] =	vst v39  }
0x500: {  	v54 =	vld.idx.msk [tilespmem:v60+s15+$0x0], $0xffff;
	[tilespmem:$0x1DDD0] =	vst v40  }
0x501: {  	v57 =	vld.idx.msk [tilespmem:v63+s14+$0x0], $0xffff;
	[tilespmem:$0x1DDF0] =	vst v13  }
0x502: {  	v19 =	vld.idx.msk [tilespmem:v63+s15+$0x0], $0xffff;
	[tilespmem:$0x1DE10] =	vst v43  }
0x503: {  	[tilespmem:$0x1DE20] =	vst v47  }
0x504: {  	v1 =	vmul.f32 v1, v1;
	v5 =	vmul.f32 v0, v0;
	[tilespmem:$0x1DE40] =	vst v50  }
0x505: {  	v34 =	vmul.f32 v6, v6;
	v35 =	vmul.f32 v7, v7;
	[tilespmem:$0x1DE70] =	vst v54  }
0x506: {  	v36 =	vmul.f32 v62, v62;
	v37 =	vmul.f32 v4, v4;
	[tilespmem:$0x1DE90] =	vst v57;
	v58 =	vld.idx.msk [tilespmem:v2+s15+$0x0], $0xffff  }
0x507: {  	v0 =	vor.u32 $0x8, v61;
	v38 =	vmul.f32 v12, v12;
	v41 =	vmul.f32 v8, v8;
	v18 =	vld.idx.msk [tilespmem:v3+s14+$0x0], $0xffff;
	[tilespmem:$0x1DEC0] =	vst v19  }
0x508: {  	v42 =	vmul.f32 v10, v10;
	v23 =	vld.idx.msk [tilespmem:v3+s15+$0x0], $0xffff;
	v3 =	vor.u32 $0x10, v61;
	[tilespmem:$0x1DE00] =	vst v0;
	v1 =	vadd.f32 v5, v1  }
0x509: {  	v56 =	vmul.f32 v47, v47;
	v47 =	vor.u32 $0x14, v61;
	[tilespmem:$0x1DF40] =	vst v3;
	v6 =	vadd.f32 v36, v35  }
0x50a: {  	v28 =	vmul.f32 v19, v19;
	v19 =	vor.u32 $0x18, v61;
	[tilespmem:$0x1DFE0] =	vst v47;
	v1 =	vadd.f32 v34, v1  }
0x50b: {  	v44 =	vmul.f32 v11, v11;
	[tilespmem:$0x1E080] =	vst v19;
	v35 =	vor.u32 $0xF, v61;
	v6 =	vadd.f32 v38, v6  }
0x50c: {  	v45 =	vmul.f32 v9, v9;
	v34 =	vor.u32 $0xD, v61;
	v46 =	vld.idx.msk [tilespmem:v0+s14+$0x0], $0xffff;
	[tilespmem:$0x1DEB0] =	vst v58;
	v1 =	vadd.f32 v37, v1  }
0x50d: {  	v48 =	vmul.f32 v39, v39;
	v51 =	vld.idx.msk [tilespmem:v0+s15+$0x0], $0xffff;
	[tilespmem:$0x1DED0] =	vst v18;
	v6 =	vadd.f32 v42, v6  }
0x50e: {  	v49 =	vmul.f32 v40, v40;
	v0 =	vld.idx.msk [tilespmem:v2+s14+$0x0], $0xffff;
	v2 =	vor.u32 $0xE, v61;
	[tilespmem:$0x1DF00] =	vst v23;
	v1 =	vadd.f32 v41, v1  }
0x50f: {  	v27 =	vmul.f32 v18, v18;
	v18 =	vld.idx.msk [tilespmem:v47+s15+$0x0], $0xffff;
	[tilespmem:$0x1DEF0] =	vst v2;
	v6 =	vadd.f32 v45, v6;
	v41 =	vor.u32 $0x12, v61  }
0x510: {  	v52 =	vmul.f32 v13, v13;
	v36 =	vor.u32 $0x11, v61;
	v30 =	vld.idx.msk [tilespmem:v35+s14+$0x0], $0xffff;
	[tilespmem:$0x1DF90] =	vst v41;
	v1 =	vadd.f32 v44, v1  }
0x511: {  	v53 =	vmul.f32 v43, v43;
	v22 =	vld.idx.msk [tilespmem:v34+s14+$0x0], $0xffff;
	[tilespmem:$0x1DE30] =	vst v46;
	v6 =	vadd.f32 v49, v6  }
0x512: {  	v16 =	vmul.f32 v50, v50;
	v37 =	vor.u32 $0x13, v61;
	v26 =	vld.idx.msk [tilespmem:v34+s15+$0x0], $0xffff;
	[tilespmem:$0x1DE60] =	vst v51;
	v1 =	vadd.f32 v48, v1  }
0x513: {  	[tilespmem:$0x1DE80] =	vst v0;
	v20 =	vmul.f32 v0, v0;
	v0 =	vmov v2;
	v2 =	vld.idx.msk [tilespmem:v2+s14+$0x0], $0xffff;
	v6 =	vadd.f32 v53, v6  }
0x514: {  	v39 =	vor.u32 $0x17, v61;
	v55 =	vmul.f32 v46, v46;
	v44 =	vld.idx.msk [tilespmem:v35+s15+$0x0], $0xffff;
	[tilespmem:$0x1E040] =	vst v18;
	v1 =	vadd.f32 v52, v1  }
0x515: {  	v17 =	vmul.f32 v51, v51;
	v46 =	vld.idx.msk [tilespmem:v36+s14+$0x0], $0xffff;
	[tilespmem:$0x1DF30] =	vst v30;
	v6 =	vadd.f32 v56, v6  }
0x516: {  	v21 =	vmul.f32 v54, v54;
	v51 =	vld.idx.msk [tilespmem:v36+s15+$0x0], $0xffff;
	[tilespmem:$0x1DEE0] =	vst v22;
	v1 =	vadd.f32 v55, v1  }
0x517: {  	v24 =	vmul.f32 v57, v57;
	v54 =	vld.idx.msk [tilespmem:v37+s14+$0x0], $0xffff;
	[tilespmem:$0x1DF10] =	vst v26;
	v6 =	vadd.f32 v17, v6  }
0x518: {  	v38 =	vor.u32 $0x15, v61;
	v25 =	vmul.f32 v58, v58;
	v57 =	vld.idx.msk [tilespmem:v37+s15+$0x0], $0xffff;
	[tilespmem:$0x1DF20] =	vst v2;
	v1 =	vadd.f32 v16, v1  }
0x519: {  	v48 =	vmul.f32 v30, v30;
	v30 =	vld.idx.msk [tilespmem:v39+s15+$0x0], $0xffff;
	[tilespmem:$0x1DF60] =	vst v44;
	v6 =	vadd.f32 v21, v6  }
0x51a: {  	v40 =	vld.idx.msk [tilespmem:v0+s15+$0x0], $0xffff;
	v0 =	vmov v3;
	[tilespmem:$0x1DF80] =	vst v46;
	v1 =	vadd.f32 v20, v1  }
0x51b: {  	v3 =	vld.idx.msk [tilespmem:v3+s14+$0x0], $0xffff;
	[tilespmem:$0x1DFB0] =	vst v51;
	v7 =	vadd.f32 v25, v6  }
0x51c: {  	v43 =	vmul.f32 v23, v23;
	v50 =	vmov v41;
	[tilespmem:$0x1DFD0] =	vst v54;
	v1 =	vadd.f32 v24, v1  }
0x51d: {  	v42 =	vmul.f32 v22, v22;
	v22 =	vld.idx.msk [tilespmem:v38+s15+$0x0], $0xffff;
	v55 =	vor.u32 $0x16, v61;
	[tilespmem:$0x1E000] =	vst v57;
	v7 =	vadd.f32 v28, v7  }
0x51e: {  	v10 =	vmul.f32 v26, v26;
	[tilespmem:$0x1E030] =	vst v55;
	v1 =	vadd.f32 v27, v1  }
0x51f: {  	v45 =	vmul.f32 v2, v2;
	[tilespmem:$0x1E0A0] =	vst v30;
	v2 =	vld.idx.msk [tilespmem:v0+s15+$0x0], $0xffff;
	v9 =	vadd.f32 v43, v7  }
0x520: {  	[tilespmem:$0x1DF70] =	vst v3;
	v0 =	vld.idx.msk [tilespmem:v41+s14+$0x0], $0xffff;
	v1 =	vadd.f32 v42, v1  }
0x521: {  	v49 =	vmul.f32 v40, v40;
	v52 =	vmul.f32 v3, v3;
	v3 =	vld.idx.msk [tilespmem:v50+s15+$0x0], $0xffff;
	v9 =	vadd.f32 v10, v9  }
0x522: {  	v53 =	vmul.f32 v44, v44;
	v17 =	vld.idx.msk [tilespmem:v38+s14+$0x0], $0xffff;
	[tilespmem:$0x1E050] =	vst v22;
	v1 =	vadd.f32 v45, v1  }
0x523: {  	v11 =	vmul.f32 v46, v46;
	[tilespmem:$0x1DF50] =	vst v40;
	v40 =	vor.u32 $0x19, v61;
	v9 =	vadd.f32 v49, v9  }
0x524: {  	[tilespmem:$0x1DFA0] =	vst v2;
	v56 =	vmul.f32 v2, v2;
	v2 =	vld.idx.msk [tilespmem:v47+s14+$0x0], $0xffff;
	v1 =	vadd.f32 v48, v1  }
0x525: {  	v28 =	vmov v19;
	[tilespmem:$0x1DFC0] =	vst v0;
	v58 =	vmul.f32 v0, v0;
	v0 =	vld.idx.msk [tilespmem:v55+s14+$0x0], $0xffff;
	v9 =	vadd.f32 v53, v9  }
0x526: {  	v41 =	vor.u32 $0x1B, v61;
	[tilespmem:$0x1DFF0] =	vst v3;
	v21 =	vmul.f32 v3, v3;
	v3 =	vld.idx.msk [tilespmem:v55+s15+$0x0], $0xffff;
	v1 =	vadd.f32 v52, v1  }
0x527: {  	v16 =	vmul.f32 v51, v51;
	v25 =	vor.u32 $0x1A, v61;
	[tilespmem:$0x1E020] =	vst v17;
	v24 =	vld.idx.msk [tilespmem:v39+s14+$0x0], $0xffff;
	v10 =	vadd.f32 v56, v9  }
0x528: {  	v13 =	vmul.f32 v57, v57;
	[tilespmem:$0x1E0D0] =	vst v25;
	v45 =	vld.idx.msk [tilespmem:v40+s14+$0x0], $0xffff;
	v1 =	vadd.f32 v11, v1  }
0x529: {  	v20 =	vmul.f32 v54, v54;
	v47 =	vld.idx.msk [tilespmem:v40+s15+$0x0], $0xffff;
	[tilespmem:$0x1E010] =	vst v2;
	v10 =	vadd.f32 v16, v10  }
0x52a: {  	v27 =	vmul.f32 v18, v18;
	v42 =	vor.u32 $0x1D, v61;
	v4 =	vld.idx.msk [tilespmem:v28+s15+$0x0], $0xffff;
	[tilespmem:$0x1E060] =	vst v0;
	v1 =	vadd.f32 v58, v1  }
0x52b: {  	v49 =	vld.idx.msk [tilespmem:v41+s14+$0x0], $0xffff;
	[tilespmem:$0x1E090] =	vst v3;
	v46 =	vmul.f32 v3, v3;
	v3 =	vmov v25;
	v12 =	vadd.f32 v21, v10  }
0x52c: {  	v23 =	vmul.f32 v2, v2;
	v2 =	vld.idx.msk [tilespmem:v19+s14+$0x0], $0xffff;
	v43 =	vmul.f32 v0, v0;
	v1 =	vadd.f32 v20, v1  }
0x52d: {  	v0 =	vld.idx.msk [tilespmem:v25+s14+$0x0], $0xffff;
	[tilespmem:$0x1E0C0] =	vst v45;
	v50 =	vmul.f32 v45, v45;
	v45 =	vor.u32 $0x23, v61;
	v12 =	vadd.f32 v13, v12  }
0x52e: {  	v26 =	vmul.f32 v17, v17;
	[tilespmem:$0x1E070] =	vst v24;
	v52 =	vld.idx.msk [tilespmem:v41+s15+$0x0], $0xffff;
	v1 =	vadd.f32 v23, v1  }
0x52f: {  	v44 =	vmul.f32 v22, v22;
	[tilespmem:$0x1E0F0] =	vst v47;
	v54 =	vld.idx.msk [tilespmem:v42+s14+$0x0], $0xffff;
	v11 =	vor.u32 $0x1C, v61;
	v12 =	vadd.f32 v27, v12  }
0x530: {  	v15 =	vmul.f32 v30, v30;
	[tilespmem:$0x1E0E0] =	vst v4;
	v3 =	vld.idx.msk [tilespmem:v3+s15+$0x0], $0xffff;
	v1 =	vadd.f32 v26, v1  }
0x531: {  	v14 =	vmul.f32 v24, v24;
	[tilespmem:$0x1E110] =	vst v49;
	v58 =	vld.idx.msk [tilespmem:v42+s15+$0x0], $0xffff;
	v12 =	vadd.f32 v44, v12;
	v44 =	vor.u32 $0x21, v61  }
0x532: {  	v56 =	vmul.f32 v49, v49;
	[tilespmem:$0x1E0B0] =	vst v2;
	v49 =	vld.idx.msk [tilespmem:v45+s14+$0x0], $0xffff;
	v1 =	vadd.f32 v43, v1  }
0x533: {  	[tilespmem:$0x1E130] =	vst v52;
	v20 =	vmul.f32 v52, v52;
	v52 =	vld.idx.msk [tilespmem:v45+s15+$0x0], $0xffff;
	v13 =	vadd.f32 v46, v12;
	v12 =	vor.u32 $0x1E, v61  }
0x534: {  	[tilespmem:$0x1E100] =	vst v0;
	v48 =	vmul.f32 v2, v2;
	v2 =	vld.idx.msk [tilespmem:v11+s14+$0x0], $0xffff;
	v43 =	vor.u32 $0x1F, v61;
	v1 =	vadd.f32 v14, v1  }
0x535: {  	v51 =	vmul.f32 v4, v4;
	[tilespmem:$0x1E150] =	vst v54;
	v55 =	vld.idx.msk [tilespmem:v11+s15+$0x0], $0xffff;
	v13 =	vadd.f32 v15, v13  }
0x536: {  	[tilespmem:$0x1E120] =	vst v3;
	v25 =	vld.idx.msk [tilespmem:v44+s14+$0x0], $0xffff;
	v1 =	vadd.f32 v48, v1  }
0x537: {  	v16 =	vmul.f32 v47, v47;
	[tilespmem:$0x1E170] =	vst v58;
	v46 =	vor.u32 $0x25, v61;
	v30 =	vld.idx.msk [tilespmem:v44+s15+$0x0], $0xffff;
	v15 =	vadd.f32 v51, v13  }
0x538: {  	v53 =	vmul.f32 v0, v0;
	[tilespmem:$0x1E210] =	vst v49;
	v0 =	vld.idx.msk [tilespmem:v12+s14+$0x0], $0xffff;
	v1 =	vadd.f32 v50, v1  }
0x539: {  	v57 =	vmul.f32 v3, v3;
	[tilespmem:$0x1E230] =	vst v52;
	v13 =	vor.u32 $0x20, v61;
	v21 =	vld.idx.msk [tilespmem:v43+s14+$0x0], $0xffff;
	v15 =	vadd.f32 v16, v15  }
0x53a: {  	v17 =	vmul.f32 v54, v54;
	[tilespmem:$0x1E140] =	vst v2;
	v3 =	vld.idx.msk [tilespmem:v12+s15+$0x0], $0xffff;
	v1 =	vadd.f32 v53, v1  }
0x53b: {  	[tilespmem:$0x1E160] =	vst v55;
	v10 =	vmul.f32 v2, v2;
	v23 =	vld.idx.msk [tilespmem:v43+s15+$0x0], $0xffff;
	v15 =	vadd.f32 v57, v15  }
0x53c: {  	v22 =	vmul.f32 v55, v55;
	v14 =	vor.u32 $0x22, v61;
	v55 =	vld.idx.msk [tilespmem:v46+s14+$0x0], $0xffff;
	[tilespmem:$0x1E1D0] =	vst v25;
	v1 =	vadd.f32 v56, v1  }
0x53d: {  	v18 =	vmul.f32 v58, v58;
	v58 =	vld.idx.msk [tilespmem:v46+s15+$0x0], $0xffff;
	[tilespmem:$0x1E1F0] =	vst v30;
	v15 =	vadd.f32 v20, v15  }
0x53e: {  	v2 =	vld.idx.msk [tilespmem:v13+s14+$0x0], $0xffff;
	[tilespmem:$0x1E180] =	vst v0;
	v20 =	vmul.f32 v49, v49;
	v49 =	vor.u32 $0x2B, v61;
	v1 =	vadd.f32 v10, v1  }
0x53f: {  	v47 =	vor.u32 $0x27, v61;
	v26 =	vld.idx.msk [tilespmem:v13+s15+$0x0], $0xffff;
	[tilespmem:$0x1E190] =	vst v21;
	v24 =	vmul.f32 v0, v0  }
0x540: {  	[tilespmem:$0x1E1A0] =	vst v3;
	v27 =	vmul.f32 v21, v21;
	v16 =	vadd.f32 v22, v15;
	v1 =	vadd.f32 v17, v1  }
0x541: {  	[tilespmem:$0x1E1B0] =	vst v23;
	v28 =	vmul.f32 v3, v3;
	v0 =	vld.idx.msk [tilespmem:v14+s14+$0x0], $0xffff;
	v19 =	vmul.f32 v23, v23;
	v15 =	vor.u32 $0x24, v61  }
0x542: {  	v3 =	vld.idx.msk [tilespmem:v14+s15+$0x0], $0xffff;
	[tilespmem:$0x1E250] =	vst v55;
	v16 =	vadd.f32 v18, v16;
	v1 =	vadd.f32 v24, v1  }
0x543: {  	[tilespmem:$0x1E270] =	vst v58;
	v22 =	vmul.f32 v58, v58;
	v48 =	vmul.f32 v2, v2;
	v58 =	vld.idx.msk [tilespmem:v49+s14+$0x0], $0xffff  }
0x544: {  	[tilespmem:$0x1E1C0] =	vst v2;
	v17 =	vor.u32 $0x28, v61;
	v7 =	vld.idx.msk [tilespmem:v49+s15+$0x0], $0xffff;
	v18 =	vadd.f32 v28, v16;
	v1 =	vadd.f32 v27, v1  }
0x545: {  	v50 =	vmul.f32 v25, v25;
	[tilespmem:$0x1E1E0] =	vst v26;
	v51 =	vmul.f32 v26, v26;
	v16 =	vor.u32 $0x26, v61;
	v24 =	vld.idx.msk [tilespmem:v47+s14+$0x0], $0xffff  }
0x546: {  	[tilespmem:$0x1E200] =	vst v0;
	v2 =	vld.idx.msk [tilespmem:v15+s14+$0x0], $0xffff;
	v18 =	vadd.f32 v19, v18;
	v1 =	vadd.f32 v48, v1  }
0x547: {  	v54 =	vmul.f32 v30, v30;
	[tilespmem:$0x1E220] =	vst v3;
	v56 =	vld.idx.msk [tilespmem:v15+s15+$0x0], $0xffff  }
0x548: {  	v53 =	vmul.f32 v0, v0;
	v27 =	vld.idx.msk [tilespmem:v47+s15+$0x0], $0xffff;
	v18 =	vadd.f32 v51, v18;
	v1 =	vadd.f32 v50, v1  }
0x549: {  	v21 =	vmul.f32 v52, v52;
	v57 =	vmul.f32 v3, v3;
	v52 =	vld.idx.msk [tilespmem:v17+s15+$0x0], $0xffff;
	[tilespmem:$0x1E310] =	vst v58  }
0x54a: {  	v48 =	vor.u32 $0x29, v61;
	[tilespmem:$0x1E330] =	vst v7;
	v0 =	vld.idx.msk [tilespmem:v16+s14+$0x0], $0xffff;
	v18 =	vadd.f32 v54, v18;
	v1 =	vadd.f32 v53, v1  }
0x54b: {  	[tilespmem:$0x1E290] =	vst v24;
	v10 =	vmul.f32 v2, v2  }
0x54c: {  	v3 =	vld.idx.msk [tilespmem:v16+s15+$0x0], $0xffff;
	[tilespmem:$0x1E240] =	vst v2;
	v19 =	vadd.f32 v57, v18;
	v18 =	vor.u32 $0x2A, v61;
	v1 =	vadd.f32 v20, v1  }
0x54d: {  	v25 =	vmul.f32 v55, v55;
	[tilespmem:$0x1E260] =	vst v56;
	v26 =	vmul.f32 v56, v56  }
0x54e: {  	v51 =	vor.u32 $0x2F, v61;
	v2 =	vld.idx.msk [tilespmem:v17+s14+$0x0], $0xffff;
	[tilespmem:$0x1E2B0] =	vst v27;
	v19 =	vadd.f32 v21, v19;
	v1 =	vadd.f32 v10, v1  }
0x54f: {  	v50 =	vor.u32 $0x2D, v61;
	[tilespmem:$0x1E2E0] =	vst v52;
	v30 =	vld.idx.msk [tilespmem:v48+s14+$0x0], $0xffff;
	v28 =	vmul.f32 v0, v0  }
0x550: {  	v55 =	vld.idx.msk [tilespmem:v48+s15+$0x0], $0xffff;
	[tilespmem:$0x1E280] =	vst v0;
	v21 =	vadd.f32 v26, v19;
	v19 =	vor.u32 $0x2C, v61;
	v1 =	vadd.f32 v25, v1  }
0x551: {  	v53 =	vmul.f32 v24, v24;
	v57 =	vmul.f32 v27, v27;
	[tilespmem:$0x1E2A0] =	vst v3;
	v0 =	vld.idx.msk [tilespmem:v18+s14+$0x0], $0xffff  }
0x552: {  	v54 =	vmul.f32 v3, v3;
	v3 =	vld.idx.msk [tilespmem:v18+s15+$0x0], $0xffff;
	v21 =	vadd.f32 v22, v21;
	v1 =	vadd.f32 v28, v1  }
0x553: {  	v20 =	vor.u32 $0x2E, v61;
	[tilespmem:$0x1E2C0] =	vst v2;
	v56 =	vmul.f32 v2, v2;
	v25 =	vmul.f32 v7, v7;
	v7 =	vld.idx.msk [tilespmem:v51+s15+$0x0], $0xffff  }
0x554: {  	[tilespmem:$0x1E2D0] =	vst v30;
	v21 =	vadd.f32 v54, v21;
	v28 =	vld.idx.msk [tilespmem:v50+s14+$0x0], $0xffff;
	v1 =	vadd.f32 v53, v1  }
0x555: {  	v9 =	vmul.f32 v52, v52;
	[tilespmem:$0x1E2F0] =	vst v55;
	v23 =	vmul.f32 v30, v30;
	v2 =	vld.idx.msk [tilespmem:v19+s14+$0x0], $0xffff  }
0x556: {  	v54 =	vor.u32 $0x35, v61;
	v30 =	vld.idx.msk [tilespmem:v19+s15+$0x0], $0xffff;
	[tilespmem:$0x1E300] =	vst v0;
	v21 =	vadd.f32 v57, v21;
	v1 =	vadd.f32 v56, v1  }
0x557: {  	v24 =	vmul.f32 v55, v55;
	[tilespmem:$0x1E320] =	vst v3;
	v10 =	vmul.f32 v0, v0  }
0x558: {  	v0 =	vld.idx.msk [tilespmem:v20+s14+$0x0], $0xffff;
	[tilespmem:$0x1E3B0] =	vst v7;
	v22 =	vadd.f32 v9, v21;
	v1 =	vadd.f32 v23, v1  }
0x559: {  	v52 =	vor.u32 $0x31, v61;
	v57 =	vmul.f32 v3, v3;
	v3 =	vld.idx.msk [tilespmem:v20+s15+$0x0], $0xffff;
	v56 =	vmul.f32 v58, v58;
	[tilespmem:$0x1E350] =	vst v28  }
0x55a: {  	v21 =	vor.u32 $0x30, v61;
	v58 =	vld.idx.msk [tilespmem:v50+s15+$0x0], $0xffff;
	[tilespmem:$0x1E340] =	vst v2;
	v22 =	vadd.f32 v24, v22;
	v1 =	vadd.f32 v10, v1  }
0x55b: {  	v6 =	vld.idx.msk [tilespmem:v54+s14+$0x0], $0xffff;
	[tilespmem:$0x1E360] =	vst v30  }
0x55c: {  	v9 =	vmul.f32 v2, v2;
	v24 =	vadd.f32 v57, v22;
	v10 =	vld.idx.msk [tilespmem:v51+s14+$0x0], $0xffff;
	v1 =	vadd.f32 v56, v1  }
0x55d: {  	v28 =	vmul.f32 v28, v28;
	v30 =	vmul.f32 v30, v30;
	[tilespmem:$0x1E380] =	vst v0;
	v22 =	vor.u32 $0x32, v61  }
0x55e: {  	v23 =	vor.u32 $0x34, v61;
	[tilespmem:$0x1E3A0] =	vst v3;
	v57 =	vld.idx.msk [tilespmem:v52+s14+$0x0], $0xffff;
	v24 =	vadd.f32 v25, v24;
	v1 =	vadd.f32 v9, v1  }
0x55f: {  	v53 =	vor.u32 $0x33, v61;
	v55 =	vmul.f32 v0, v0;
	[tilespmem:$0x1E370] =	vst v58;
	v2 =	vld.idx.msk [tilespmem:v21+s14+$0x0], $0xffff  }
0x560: {  	v56 =	vmul.f32 v58, v58;
	v58 =	vld.idx.msk [tilespmem:v21+s15+$0x0], $0xffff;
	v24 =	vadd.f32 v30, v24;
	v1 =	vadd.f32 v28, v1  }
0x561: {  	[tilespmem:$0x1E450] =	vst v6;
	v30 =	vld.idx.msk [tilespmem:v52+s15+$0x0], $0xffff;
	v26 =	vmul.f32 v10, v10  }
0x562: {  	v0 =	vld.idx.msk [tilespmem:v22+s14+$0x0], $0xffff;
	v24 =	vadd.f32 v56, v24;
	v28 =	vmul.f32 v3, v3;
	v1 =	vadd.f32 v55, v1  }
0x563: {  	v27 =	vmul.f32 v7, v7;
	v4 =	vld.idx.msk [tilespmem:v23+s15+$0x0], $0xffff;
	[tilespmem:$0x1E390] =	vst v10  }
0x564: {  	v10 =	vld.idx.msk [tilespmem:v53+s14+$0x0], $0xffff;
	v9 =	vmul.f32 v2, v2;
	v25 =	vadd.f32 v28, v24;
	v1 =	vadd.f32 v26, v1  }
0x565: {  	[tilespmem:$0x1E3D0] =	vst v57;
	v3 =	vld.idx.msk [tilespmem:v22+s15+$0x0], $0xffff;
	v56 =	vmul.f32 v57, v57;
	v57 =	vmul.f32 v58, v58  }
0x566: {  	[tilespmem:$0x1E3C0] =	vst v2;
	v2 =	vld.idx.msk [tilespmem:v23+s14+$0x0], $0xffff;
	v24 =	vor.u32 $0x36, v61;
	v25 =	vadd.f32 v27, v25;
	v1 =	vadd.f32 v9, v1  }
0x567: {  	v7 =	vld.idx.msk [tilespmem:v53+s15+$0x0], $0xffff;
	[tilespmem:$0x1E3E0] =	vst v58;
	v28 =	vmul.f32 v30, v30;
	v58 =	vmul.f32 v0, v0  }
0x568: {  	[tilespmem:$0x1E460] =	vst v4;
	v26 =	vor.u32 $0x3A, v61;
	v27 =	vadd.f32 v57, v25;
	v1 =	vadd.f32 v56, v1  }
0x569: {  	v5 =	vld.idx.msk [tilespmem:v54+s15+$0x0], $0xffff;
	v55 =	vor.u32 $0x37, v61;
	[tilespmem:$0x1E400] =	vst v0;
	v9 =	vmul.f32 v10, v10  }
0x56a: {  	[tilespmem:$0x1E410] =	vst v10;
	v10 =	vmul.f32 v3, v3;
	v27 =	vadd.f32 v28, v27;
	v1 =	vadd.f32 v58, v1  }
0x56b: {  	[tilespmem:$0x1E420] =	vst v3;
	v25 =	vor.u32 $0x38, v61;
	v57 =	vmul.f32 v2, v2;
	v0 =	vld.idx.msk [tilespmem:v24+s14+$0x0], $0xffff  }
0x56c: {  	v3 =	vld.idx.msk [tilespmem:v24+s15+$0x0], $0xffff;
	v27 =	vadd.f32 v10, v27;
	v58 =	vmul.f32 v7, v7;
	v1 =	vadd.f32 v9, v1  }
0x56d: {  	[tilespmem:$0x1E3F0] =	vst v30;
	v30 =	vmul.f32 v6, v6;
	v6 =	vmul.f32 v4, v4;
	v56 =	vor.u32 $0x39, v61;
	v4 =	vld.idx.msk [tilespmem:v26+s14+$0x0], $0xffff  }
0x56e: {  	[tilespmem:$0x1E430] =	vst v7;
	v7 =	vld.idx.msk [tilespmem:v55+s14+$0x0], $0xffff;
	v27 =	vadd.f32 v58, v27;
	v1 =	vadd.f32 v57, v1;
	v57 =	vor.u32 $0x3B, v61  }
0x56f: {  	[tilespmem:$0x1DD80] =	vst v8;
	v9 =	vld.idx.msk [tilespmem:v55+s15+$0x0], $0xffff  }
0x570: {  	[tilespmem:$0x1E440] =	vst v2;
	v2 =	vld.idx.msk [tilespmem:v25+s14+$0x0], $0xffff;
	v58 =	vmul.f32 v5, v5;
	v28 =	vadd.f32 v6, v27  }
0x571: {  	[tilespmem:$0x1E470] =	vst v5;
	v10 =	vmul.f32 v0, v0;
	v5 =	vld.idx.msk [tilespmem:v25+s15+$0x0], $0xffff;
	v27 =	vor.u32 $0x3C, v61;
	v1 =	vadd.f32 v30, v1  }
0x572: {  	[tilespmem:$0x1E480] =	vst v0;
	v0 =	vmul.f32 v3, v3;
	v6 =	vld.idx.msk [tilespmem:v56+s14+$0x0], $0xffff;
	v28 =	vadd.f32 v58, v28  }
0x573: {  	[tilespmem:$0x1E490] =	vst v7;
	v1 =	vadd.f32 v10, v1;
	v10 =	vmul.f32 v7, v7;
	v7 =	vld.idx.msk [tilespmem:v57+s14+$0x0], $0xffff  }
0x574: {  	[tilespmem:$0x1E4A0] =	vst v3;
	v3 =	vmul.f32 v9, v9;
	v8 =	vadd.f32 v0, v28;
	v0 =	vld.idx.msk [tilespmem:v57+s15+$0x0], $0xffff  }
0x575: {  	[tilespmem:$0x1E500] =	vst v4;
	v58 =	vor.u32 $0x3D, v61;
	v30 =	vmul.f32 v2, v2;
	v1 =	vadd.f32 v10, v1;
	v10 =	vld.idx.msk [tilespmem:v56+s15+$0x0], $0xffff  }
0x576: {  	[tilespmem:$0x1E4E0] =	vst v5;
	v3 =	vadd.f32 v3, v8;
	v8 =	vmul.f32 v5, v5;
	v5 =	vld.idx.msk [tilespmem:v27+s14+$0x0], $0xffff  }
0x577: {  	[tilespmem:$0x1E4C0] =	vst v2;
	v28 =	vor.u32 $0x3E, v61;
	v2 =	vadd.f32 v30, v1;
	v1 =	vld.idx.msk [tilespmem:v26+s15+$0x0], $0xffff;
	v30 =	vmul.f32 v6, v6  }
0x578: {  	[tilespmem:$0x1E4B0] =	vst v9  }
0x579: {  	[tilespmem:$0x1E4D0] =	vst v6;
	v6 =	vadd.f32 v30, v2;
	v30 =	vor.u32 $0x3F, v61;
	v2 =	vmul.f32 v4, v4  }
0x57a: {  	[tilespmem:$0x1E510] =	vst v7;
	v4 =	vadd.f32 v8, v3;
	v3 =	vld.idx.msk [tilespmem:v58+s14+$0x0], $0xffff;
	v9 =	vmul.f32 v10, v10  }
0x57b: {  	[tilespmem:$0x1E530] =	vst v0;
	v8 =	vmul.f32 v7, v7;
	v6 =	vadd.f32 v2, v6;
	v2 =	vld.idx.msk [tilespmem:v27+s15+$0x0], $0xffff  }
0x57c: {  	[tilespmem:$0x1E540] =	vst v5;
	v7 =	vadd.f32 v9, v4;
	v9 =	vmul.f32 v1, v1;
	v4 =	vld.idx.msk [tilespmem:v28+s14+$0x0], $0xffff  }
0x57d: {  	v5 =	vmul.f32 v5, v5;
	[tilespmem:$0x1E520] =	vst v1;
	v1 =	vld.idx.msk [tilespmem:v58+s15+$0x0], $0xffff;
	v6 =	vadd.f32 v8, v6  }
0x57e: {  	[tilespmem:$0x1E4F0] =	vst v10;
	v10 =	vadd.f32 v9, v7;
	v9 =	vmul.f32 v0, v0;
	v0 =	vld.idx.msk [tilespmem:v30+s14+$0x0], $0xffff  }
0x57f: {  	v7 =	vmul.f32 v3, v3;
	v6 =	vadd.f32 v5, v6;
	v5 =	vld.idx.msk [tilespmem:v28+s15+$0x0], $0xffff  }
0x580: {  	[tilespmem:$0x1E550] =	vst v3;
	v8 =	vadd.f32 v9, v10;
	v3 =	vmul.f32 v2, v2  }
0x581: {  	[tilespmem:$0x1E560] =	vst v2;
	v9 =	vld.idx.msk [tilespmem:v30+s15+$0x0], $0xffff;
	v6 =	vadd.f32 v7, v6;
	v10 =	vmul.f32 v4, v4  }
0x582: {  	[tilespmem:$0x1E580] =	vst v4;
	v2 =	vadd.f32 v3, v8;
	v3 =	vmul.f32 v1, v1  }
0x583: {  	[tilespmem:$0x1E570] =	vst v1;
	v4 =	vadd.f32 v10, v6;
	v1 =	vmul.f32 v0, v0  }
0x584: {  	v2 =	vadd.f32 v3, v2;
	v3 =	vmul.f32 v5, v5  }
0x585: {  	[tilespmem:$0x1E590] =	vst v0;
	v0 =	vadd.f32 v1, v4  }
0x586: {  	v1 =	vadd.f32 v3, v2;
	v2 =	vmul.f32 v9, v9  }
0x587: {  	v0 =	vmax.f32 v0, $1.000000020e-24  }
0x588: {  	v1 =	vadd.f32 v2, v1;
	v2 =	vshra.s32 v0, $0x1;
	v0 =	vmul.f32 $5.000000000e-01, v0  }
0x589: {  	v2 =	vsub.s32 $0x5F3759DF, v2  }
0x58a: {  	v8 =	vmul.f32 v2, v0  }
0x58b: {  	v1 =	vmax.f32 v1, $1.000000020e-24  }
0x58c: {  	v3 =	vshra.s32 v1, $0x1;
	v1 =	vmul.f32 $5.000000000e-01, v1;
	v4 =	vmul.f32 v2, v8  }
0x58d: {  	v3 =	vsub.s32 $0x5F3759DF, v3  }
0x58e: {  	[tilespmem:$0x1E5B0] =	vst v9;
	v9 =	vmul.f32 v3, v1;
	v4 =	vsub.f32 $1.500000000e+00, v4;
	_ =	sdelay $0x1  }
0x58f: {  	[tilespmem:$0x1E5A0] =	vst v5;
	v5 =	vmul.f32 v3, v9;
	v2 =	vmul.f32 v2, v4;
	_ =	sdelay $0x1  }
0x590: {  	v10 =	vsub.f32 $1.500000000e+00, v5;
	v8 =	vmul.f32 v2, v0;
	_ =	sdelay $0x1  }
0x591: {  	v3 =	vmul.f32 v3, v10;
	v9 =	vmul.f32 v8, v2;
	_ =	sdelay $0x1  }
0x592: {  	v10 =	vmul.f32 v3, v1;
	v4 =	vsub.f32 $1.500000000e+00, v9;
	_ =	sdelay $0x1  }
0x593: {  	v5 =	vmul.f32 v10, v3;
	v2 =	vmul.f32 v4, v2;
	_ =	sdelay $0x1  }
0x594: {  	v8 =	vsub.f32 $1.500000000e+00, v5;
	v0 =	vmul.f32 v2, v0;
	_ =	sdelay $0x1  }
0x595: {  	v3 =	vmul.f32 v8, v3;
	v0 =	vmul.f32 v0, v2  }
0x596: {  	v9 =	vld [tilespmem:$0x1DD10]  }
0x597: {  	v1 =	vmul.f32 v3, v1;
	v0 =	vsub.f32 $1.500000000e+00, v0  }
0x598: {  	v5 =	vld.idx.msk [tilespmem:v61+s16+$0x0], $0xffff  }
0x599: {  	v4 =	vmul.f32 v1, v3;
	v1 =	vmul.f32 v0, v2;
	v2 =	vld.idx.msk [tilespmem:v32+s16+$0x0], $0xffff  }
0x59a: {  	v32 =	vld [tilespmem:$0x1DD20]  }
0x59b: {  	v10 =	vmul.f32 v1, v9;
	v9 =	vld [tilespmem:$0x1DD30];
	_ =	sdelay $0x3  }
0x59c: {  	v0 =	vsub.f32 $1.500000000e+00, v4;
	v4 =	vld.idx.msk [tilespmem:v29+s16+$0x0], $0xffff;
	v61 =	vmul.f32 v1, v32  }
0x59d: {  	v5 =	vadd.f32 v10, v5;
	v10 =	vmul.f32 v1, v9;
	v9 =	vld [tilespmem:$0x1DD60]  }
0x59e: {  	v2 =	vadd.f32 v61, v2;
	v61 =	vld [tilespmem:$0x1DD40]  }
0x59f: {  	v0 =	vmul.f32 v0, v3  }
0x5a0: {  	v3 =	vld.idx.msk [tilespmem:v31+s16+$0x0], $0xffff  }
0x5a1: {  	v32 =	vmul.f32 v0, v62;
	v62 =	vld [tilespmem:$0x1DD50]  }
0x5a2: {  	v4 =	vadd.f32 v10, v4;
	v10 =	vmul.f32 v1, v9;
	v9 =	vld [tilespmem:$0x1DD80]  }
0x5a3: {  	v2 =	vsub.f32 v2, v32;
	v32 =	vld [tilespmem:$0x1DD90];
	v31 =	vmul.f32 v0, v61  }
0x5a4: {  	v61 =	vld [tilespmem:$0x1DD70]  }
0x5a5: {  	v5 =	vsub.f32 v5, v31;
	v31 =	vld.idx.msk [tilespmem:v59+s16+$0x0], $0xffff  }
0x5a6: {  	v59 =	vld [tilespmem:$0x1DDA0]  }
0x5a7: {  	v3 =	vadd.f32 v10, v3;
	v10 =	vmul.f32 v1, v9;
	v9 =	vld [tilespmem:$0x1DDC0]  }
0x5a8: {  	v29 =	vld.idx.msk [tilespmem:v33+s16+$0x0], $0xffff  }
0x5a9: {  	v33 =	vmul.f32 v0, v62  }
0x5aa: {  	v2 =	vand.u32 $0x7FFFFFFF, v2;
	v5 =	vand.u32 $0x7FFFFFFF, v5;
	v62 =	vmul.f32 v0, v61;
	v61 =	vld [tilespmem:$0x1DDB0]  }
0x5ab: {  	v8 =	vld [tilespmem:$0x1DE00];
	v2 =	vadd.f32 v2, v5;
	v5 =	vmul.f32 v1, v32  }
0x5ac: {  	v4 =	vsub.f32 v4, v33;
	v33 =	vld [tilespmem:$0x1DDE0]  }
0x5ad: {  	v29 =	vadd.f32 v10, v29;
	v10 =	vadd.f32 v5, v31;
	v31 =	vld [tilespmem:$0x1DDD0]  }
0x5ae: {  	v32 =	vld.idx.msk [tilespmem:v59+s16+$0x0], $0xffff  }
0x5af: {  	v3 =	vsub.f32 v3, v62;
	v62 =	vmul.f32 v0, v61;
	v59 =	vld.idx.msk [tilespmem:v9+s16+$0x0], $0xffff  }
0x5b0: {  	v9 =	vld [tilespmem:$0x1DE10]  }
0x5b1: {  	v29 =	vsub.f32 v29, v62;
	v62 =	vld [tilespmem:$0x1DDF0]  }
0x5b2: {  	v4 =	vand.u32 $0x7FFFFFFF, v4;
	v61 =	vmul.f32 v1, v33  }
0x5b3: {  	v2 =	vadd.f32 v2, v4;
	v33 =	vld.idx.msk [tilespmem:v60+s16+$0x0], $0xffff;
	v5 =	vmul.f32 v0, v31  }
0x5b4: {  	v3 =	vand.u32 $0x7FFFFFFF, v3;
	v31 =	vadd.f32 v61, v32;
	v61 =	vld [tilespmem:$0x1DE20]  }
0x5b5: {  	v2 =	vadd.f32 v2, v3;
	v3 =	vsub.f32 v10, v5;
	v10 =	vmul.f32 v0, v9;
	v9 =	vld [tilespmem:$0x1DE30]  }
0x5b6: {  	v60 =	vld [tilespmem:$0x1DE60];
	v4 =	vmul.f32 v1, v62  }
0x5b7: {  	v5 =	vld.idx.msk [tilespmem:v8+s16+$0x0], $0xffff  }
0x5b8: {  	v29 =	vand.u32 $0x7FFFFFFF, v29;
	v4 =	vadd.f32 v4, v59;
	v59 =	vld [tilespmem:$0x1DE50]  }
0x5b9: {  	v2 =	vadd.f32 v2, v29;
	v3 =	vand.u32 $0x7FFFFFFF, v3  }
0x5ba: {  	v46 =	vld.idx.msk [tilespmem:v46+s16+$0x0], $0xffff;
	v62 =	vmul.f32 v0, v61;
	v31 =	vsub.f32 v31, v10;
	v10 =	vmul.f32 v1, v9  }
0x5bb: {  	v29 =	vld [tilespmem:$0x1DE40];
	v2 =	vadd.f32 v2, v3  }
0x5bc: {  	v61 =	vmul.f32 v0, v60;
	v3 =	vsub.f32 v4, v62;
	v62 =	vld [tilespmem:$0x1DE70];
	v5 =	vadd.f32 v10, v5  }
0x5bd: {  	v9 =	vld [tilespmem:$0x1DE80]  }
0x5be: {  	v5 =	vsub.f32 v5, v61;
	v61 =	vld [tilespmem:$0x1DEA0]  }
0x5bf: {  	v60 =	vld [tilespmem:$0x1DE90]  }
0x5c0: {  	v4 =	vmul.f32 v1, v29;
	v31 =	vand.u32 $0x7FFFFFFF, v31;
	v29 =	vld.idx.msk [tilespmem:v59+s16+$0x0], $0xffff  }
0x5c1: {  	v2 =	vadd.f32 v2, v31;
	v59 =	vld.idx.msk [tilespmem:v63+s16+$0x0], $0xffff  }
0x5c2: {  	v4 =	vadd.f32 v4, v33;
	v63 =	vmul.f32 v0, v62;
	v10 =	vmul.f32 v1, v9;
	v9 =	vld.idx.msk [tilespmem:v34+s16+$0x0], $0xffff  }
0x5c3: {  	v3 =	vand.u32 $0x7FFFFFFF, v3;
	v34 =	vld [tilespmem:$0x1DED0]  }
0x5c4: {  	v2 =	vadd.f32 v2, v3;
	v3 =	vsub.f32 v4, v63;
	v4 =	vmul.f32 v1, v60;
	v60 =	vld [tilespmem:$0x1DEE0]  }
0x5c5: {  	v29 =	vadd.f32 v10, v29;
	v10 =	vld [tilespmem:$0x1DEC0]  }
0x5c6: {  	v62 =	vld.idx.msk [tilespmem:v61+s16+$0x0], $0xffff  }
0x5c7: {  	v61 =	vld [tilespmem:$0x1DEF0]  }
0x5c8: {  	v32 =	vld [tilespmem:$0x1E000];
	v5 =	vand.u32 $0x7FFFFFFF, v5  }
0x5c9: {  	v63 =	vld [tilespmem:$0x1DEB0];
	v2 =	vadd.f32 v2, v5;
	v3 =	vand.u32 $0x7FFFFFFF, v3  }
0x5ca: {  	v4 =	vadd.f32 v4, v59;
	v59 =	vmul.f32 v1, v34;
	v34 =	vld.idx.msk [tilespmem:v35+s16+$0x0], $0xffff;
	v5 =	vmul.f32 v0, v10  }
0x5cb: {  	v2 =	vadd.f32 v2, v3;
	v35 =	vld [tilespmem:$0x1DF60]  }
0x5cc: {  	v3 =	vsub.f32 v4, v5;
	v4 =	vmul.f32 v1, v60;
	v31 =	vadd.f32 v59, v62;
	v62 =	vld [tilespmem:$0x1DF00]  }
0x5cd: {  	v59 =	vld [tilespmem:$0x1DF20]  }
0x5ce: {  	v8 =	vmul.f32 v0, v63;
	v4 =	vadd.f32 v4, v9;
	v9 =	vld [tilespmem:$0x1DF10]  }
0x5cf: {  	v5 =	vld.idx.msk [tilespmem:v61+s16+$0x0], $0xffff  }
0x5d0: {  	v29 =	vsub.f32 v29, v8;
	v61 =	vld [tilespmem:$0x1DF30]  }
0x5d1: {  	v33 =	vld.idx.msk [tilespmem:v36+s16+$0x0], $0xffff  }
0x5d2: {  	v29 =	vand.u32 $0x7FFFFFFF, v29;
	v63 =	vmul.f32 v0, v62;
	v62 =	vld [tilespmem:$0x1DF40]  }
0x5d3: {  	v36 =	vmul.f32 v0, v35;
	v35 =	vld [tilespmem:$0x1E020];
	v2 =	vadd.f32 v2, v29;
	v10 =	vmul.f32 v0, v9  }
0x5d4: {  	v3 =	vand.u32 $0x7FFFFFFF, v3;
	v60 =	vmul.f32 v1, v59;
	v59 =	vld [tilespmem:$0x1DF70];
	v31 =	vsub.f32 v31, v63  }
0x5d5: {  	v2 =	vadd.f32 v2, v3;
	v9 =	vld [tilespmem:$0x1DF50];
	v3 =	vsub.f32 v4, v10;
	v4 =	vmul.f32 v1, v61  }
0x5d6: {  	v61 =	vld [tilespmem:$0x1DF80];
	v31 =	vand.u32 $0x7FFFFFFF, v31  }
0x5d7: {  	v2 =	vadd.f32 v2, v31;
	v4 =	vadd.f32 v4, v34;
	v34 =	vld [tilespmem:$0x1E010]  }
0x5d8: {  	v3 =	vand.u32 $0x7FFFFFFF, v3;
	v31 =	vld [tilespmem:$0x1E0B0]  }
0x5d9: {  	v2 =	vadd.f32 v2, v3;
	v3 =	vsub.f32 v4, v36;
	v36 =	vld [tilespmem:$0x1DFB0]  }
0x5da: {  	v5 =	vadd.f32 v60, v5;
	v10 =	vmul.f32 v0, v9;
	v63 =	vld.idx.msk [tilespmem:v62+s16+$0x0], $0xffff  }
0x5db: {  	v62 =	vld [tilespmem:$0x1DF90]  }
0x5dc: {  	v5 =	vsub.f32 v5, v10;
	v10 =	vld.idx.msk [tilespmem:v37+s16+$0x0], $0xffff  }
0x5dd: {  	v4 =	vmul.f32 v1, v61;
	v61 =	vld [tilespmem:$0x1DFE0]  }
0x5de: {  	v60 =	vmul.f32 v1, v59;
	v37 =	vld [tilespmem:$0x1DFC0]  }
0x5df: {  	v5 =	vand.u32 $0x7FFFFFFF, v5;
	v4 =	vadd.f32 v4, v33;
	v33 =	vmul.f32 v0, v32;
	v32 =	vld [tilespmem:$0x1E0C0]  }
0x5e0: {  	v2 =	vadd.f32 v2, v5;
	v5 =	vmul.f32 v0, v36;
	v36 =	vld [tilespmem:$0x1E030]  }
0x5e1: {  	v29 =	vadd.f32 v60, v63;
	v63 =	vld [tilespmem:$0x1DFA0]  }
0x5e2: {  	v60 =	vld [tilespmem:$0x1DFD0]  }
0x5e3: {  	v59 =	vmul.f32 v1, v37;
	v37 =	vld [tilespmem:$0x1E040]  }
0x5e4: {  	v3 =	vand.u32 $0x7FFFFFFF, v3;
	v6 =	vld.idx.msk [tilespmem:v62+s16+$0x0], $0xffff  }
0x5e5: {  	v2 =	vadd.f32 v2, v3;
	v3 =	vsub.f32 v4, v5;
	v5 =	vld.idx.msk [tilespmem:v61+s16+$0x0], $0xffff  }
0x5e6: {  	v62 =	vld [tilespmem:$0x1DFF0]  }
0x5e7: {  	v61 =	vld [tilespmem:$0x1E080]  }
0x5e8: {  	v9 =	vmul.f32 v0, v63;
	v63 =	vld.idx.msk [tilespmem:v38+s16+$0x0], $0xffff  }
0x5e9: {  	v38 =	vld.idx.msk [tilespmem:v39+s16+$0x0], $0xffff  }
0x5ea: {  	v39 =	vld [tilespmem:$0x1E050]  }
0x5eb: {  	v4 =	vmul.f32 v1, v60;
	v60 =	vld [tilespmem:$0x1E070]  }
0x5ec: {  	v8 =	vld.idx.msk [tilespmem:v36+s16+$0x0], $0xffff  }
0x5ed: {  	v29 =	vsub.f32 v29, v9;
	v36 =	vld [tilespmem:$0x1E0F0]  }
0x5ee: {  	v6 =	vadd.f32 v6, v59;
	v59 =	vld [tilespmem:$0x1E060]  }
0x5ef: {  	v7 =	vmul.f32 v0, v62;
	v62 =	vld [tilespmem:$0x1E090];
	v29 =	vand.u32 $0x7FFFFFFF, v29  }
0x5f0: {  	v4 =	vadd.f32 v10, v4;
	v2 =	vadd.f32 v2, v29;
	v29 =	vld [tilespmem:$0x1E0A0]  }
0x5f1: {  	v3 =	vand.u32 $0x7FFFFFFF, v3;
	v6 =	vsub.f32 v6, v7;
	v7 =	vmul.f32 v1, v34;
	v34 =	vld [tilespmem:$0x1E0E0]  }
0x5f2: {  	v2 =	vadd.f32 v2, v3;
	v3 =	vsub.f32 v4, v33;
	v33 =	vld [tilespmem:$0x1E0D0]  }
0x5f3: {  	v4 =	vmul.f32 v1, v35;
	v35 =	vld.idx.msk [tilespmem:v41+s16+$0x0], $0xffff  }
0x5f4: {  	v5 =	vadd.f32 v5, v7;
	v7 =	vmul.f32 v0, v37;
	v37 =	vld [tilespmem:$0x1E100]  }
0x5f5: {  	v41 =	vld.idx.msk [tilespmem:v42+s16+$0x0], $0xffff  }
0x5f6: {  	v42 =	vld [tilespmem:$0x1E130]  }
0x5f7: {  	v6 =	vand.u32 $0x7FFFFFFF, v6;
	v4 =	vadd.f32 v63, v4;
	v63 =	vld.idx.msk [tilespmem:v40+s16+$0x0], $0xffff  }
0x5f8: {  	v2 =	vadd.f32 v2, v6;
	v6 =	vmul.f32 v0, v39;
	v39 =	vld.idx.msk [tilespmem:v11+s16+$0x0], $0xffff  }
0x5f9: {  	v40 =	vld [tilespmem:$0x1E120]  }
0x5fa: {  	v5 =	vsub.f32 v5, v7;
	v7 =	vmul.f32 v1, v59;
	v3 =	vand.u32 $0x7FFFFFFF, v3;
	v59 =	vld [tilespmem:$0x1E140]  }
0x5fb: {  	v2 =	vadd.f32 v2, v3;
	v3 =	vsub.f32 v4, v6;
	v6 =	vld.idx.msk [tilespmem:v61+s16+$0x0], $0xffff  }
0x5fc: {  	v4 =	vmul.f32 v1, v60;
	v60 =	vld [tilespmem:$0x1E150]  }
0x5fd: {  	v61 =	vld.idx.msk [tilespmem:v12+s16+$0x0], $0xffff  }
0x5fe: {  	v7 =	vadd.f32 v8, v7;
	v8 =	vmul.f32 v0, v62;
	v62 =	vld [tilespmem:$0x1E160]  }
0x5ff: {  	v12 =	vld [tilespmem:$0x1E170]  }
0x600: {  	v5 =	vand.u32 $0x7FFFFFFF, v5;
	v4 =	vadd.f32 v38, v4;
	v38 =	vld [tilespmem:$0x1E110]  }
0x601: {  	v2 =	vadd.f32 v2, v5;
	v5 =	vmul.f32 v0, v29;
	v29 =	vld [tilespmem:$0x1E180]  }
0x602: {  	v7 =	vsub.f32 v7, v8;
	v8 =	vmul.f32 v1, v31;
	v3 =	vand.u32 $0x7FFFFFFF, v3;
	v31 =	vld [tilespmem:$0x1E190]  }
0x603: {  	v2 =	vadd.f32 v2, v3;
	v3 =	vsub.f32 v4, v5;
	v5 =	vld.idx.msk [tilespmem:v33+s16+$0x0], $0xffff  }
0x604: {  	v4 =	vmul.f32 v1, v32;
	v32 =	vld.idx.msk [tilespmem:v13+s16+$0x0], $0xffff  }
0x605: {  	v33 =	vld [tilespmem:$0x1E1A0]  }
0x606: {  	v13 =	vld [tilespmem:$0x1E270]  }
0x607: {  	v6 =	vadd.f32 v6, v8;
	v8 =	vmul.f32 v0, v34;
	v34 =	vld.idx.msk [tilespmem:v44+s16+$0x0], $0xffff  }
0x608: {  	v44 =	vld.idx.msk [tilespmem:v15+s16+$0x0], $0xffff  }
0x609: {  	v15 =	vld [tilespmem:$0x1E290]  }
0x60a: {  	v7 =	vand.u32 $0x7FFFFFFF, v7;
	v4 =	vadd.f32 v63, v4;
	v63 =	vld.idx.msk [tilespmem:v43+s16+$0x0], $0xffff  }
0x60b: {  	v2 =	vadd.f32 v2, v7;
	v7 =	vmul.f32 v0, v36;
	v36 =	vld [tilespmem:$0x1E1C0]  }
0x60c: {  	v43 =	vld [tilespmem:$0x1E210]  }
0x60d: {  	v3 =	vand.u32 $0x7FFFFFFF, v3;
	v6 =	vsub.f32 v6, v8;
	v8 =	vmul.f32 v1, v37;
	v37 =	vld [tilespmem:$0x1E1D0]  }
0x60e: {  	v2 =	vadd.f32 v2, v3;
	v3 =	vsub.f32 v4, v7;
	v4 =	vmul.f32 v1, v38;
	v38 =	vld.idx.msk [tilespmem:v14+s16+$0x0], $0xffff  }
0x60f: {  	v14 =	vld [tilespmem:$0x1E280]  }
0x610: {  	v5 =	vadd.f32 v5, v8;
	v8 =	vmul.f32 v0, v40;
	v40 =	vld.idx.msk [tilespmem:v45+s16+$0x0], $0xffff  }
0x611: {  	v45 =	vld [tilespmem:$0x1E220]  }
0x612: {  	v6 =	vand.u32 $0x7FFFFFFF, v6;
	v4 =	vadd.f32 v35, v4;
	v35 =	vld [tilespmem:$0x1E1B0]  }
0x613: {  	v2 =	vadd.f32 v2, v6;
	v6 =	vmul.f32 v0, v42;
	v42 =	vld [tilespmem:$0x1E200]  }
0x614: {  	v3 =	vand.u32 $0x7FFFFFFF, v3;
	v5 =	vsub.f32 v5, v8;
	v8 =	vmul.f32 v1, v59;
	v59 =	vld [tilespmem:$0x1E230]  }
0x615: {  	v2 =	vadd.f32 v2, v3;
	v3 =	vsub.f32 v4, v6;
	v4 =	vmul.f32 v1, v60;
	v60 =	vld [tilespmem:$0x1E240]  }
0x616: {  	v7 =	vadd.f32 v39, v8;
	v39 =	vld [tilespmem:$0x1E1E0]  }
0x617: {  	v8 =	vmul.f32 v0, v62;
	v62 =	vld.idx.msk [tilespmem:v16+s16+$0x0], $0xffff  }
0x618: {  	v16 =	vld.idx.msk [tilespmem:v17+s16+$0x0], $0xffff  }
0x619: {  	v17 =	vld [tilespmem:$0x1E2A0]  }
0x61a: {  	v5 =	vand.u32 $0x7FFFFFFF, v5;
	v4 =	vadd.f32 v41, v4;
	v41 =	vld [tilespmem:$0x1E1F0]  }
0x61b: {  	v2 =	vadd.f32 v2, v5;
	v5 =	vmul.f32 v0, v12;
	v12 =	vld.idx.msk [tilespmem:v47+s16+$0x0], $0xffff  }
0x61c: {  	v47 =	vld [tilespmem:$0x1E360]  }
0x61d: {  	v7 =	vsub.f32 v7, v8;
	v8 =	vmul.f32 v1, v29;
	v29 =	vld.idx.msk [tilespmem:v48+s16+$0x0], $0xffff  }
0x61e: {  	v48 =	vld.idx.msk [tilespmem:v51+s16+$0x0], $0xffff  }
0x61f: {  	v3 =	vand.u32 $0x7FFFFFFF, v3;
	v51 =	vld [tilespmem:$0x1E390]  }
0x620: {  	v2 =	vadd.f32 v2, v3;
	v3 =	vsub.f32 v4, v5;
	v4 =	vmul.f32 v1, v31;
	v31 =	vld [tilespmem:$0x1E2B0]  }
0x621: {  	v6 =	vadd.f32 v61, v8;
	v61 =	vld [tilespmem:$0x1E250]  }
0x622: {  	v8 =	vmul.f32 v0, v33;
	v33 =	vld [tilespmem:$0x1E2D0]  }
0x623: {  	v7 =	vand.u32 $0x7FFFFFFF, v7;
	v4 =	vadd.f32 v63, v4;
	v63 =	vld [tilespmem:$0x1E260]  }
0x624: {  	v2 =	vadd.f32 v2, v7;
	v7 =	vmul.f32 v0, v35;
	v35 =	vld [tilespmem:$0x1E2E0]  }
0x625: {  	v6 =	vsub.f32 v6, v8;
	v8 =	vmul.f32 v1, v36;
	v36 =	vld.idx.msk [tilespmem:v49+s16+$0x0], $0xffff  }
0x626: {  	v3 =	vand.u32 $0x7FFFFFFF, v3;
	v49 =	vld [tilespmem:$0x1E370]  }
0x627: {  	v2 =	vadd.f32 v2, v3;
	v3 =	vsub.f32 v4, v7;
	v4 =	vmul.f32 v1, v37;
	v37 =	vld [tilespmem:$0x1E2F0]  }
0x628: {  	v5 =	vadd.f32 v32, v8;
	v32 =	vld [tilespmem:$0x1E2C0]  }
0x629: {  	v8 =	vmul.f32 v0, v39;
	v39 =	vld [tilespmem:$0x1E310]  }
0x62a: {  	v6 =	vand.u32 $0x7FFFFFFF, v6;
	v4 =	vadd.f32 v34, v4;
	v34 =	vld.idx.msk [tilespmem:v18+s16+$0x0], $0xffff  }
0x62b: {  	v2 =	vadd.f32 v2, v6;
	v6 =	vmul.f32 v0, v41;
	v41 =	vld [tilespmem:$0x1E320]  }
0x62c: {  	v18 =	vld [tilespmem:$0x1E410]  }
0x62d: {  	v5 =	vsub.f32 v5, v8;
	v8 =	vmul.f32 v1, v42;
	v42 =	vld.idx.msk [tilespmem:v50+s16+$0x0], $0xffff  }
0x62e: {  	v3 =	vand.u32 $0x7FFFFFFF, v3;
	v50 =	vld [tilespmem:$0x1E380]  }
0x62f: {  	v2 =	vadd.f32 v2, v3;
	v3 =	vsub.f32 v4, v6;
	v4 =	vmul.f32 v1, v43;
	v43 =	vld [tilespmem:$0x1E330]  }
0x630: {  	v7 =	vadd.f32 v38, v8;
	v8 =	vmul.f32 v0, v45;
	v5 =	vand.u32 $0x7FFFFFFF, v5;
	v38 =	vld [tilespmem:$0x1E300]  }
0x631: {  	v45 =	vld [tilespmem:$0x1E350];
	v2 =	vadd.f32 v2, v5;
	v4 =	vadd.f32 v40, v4;
	v5 =	vmul.f32 v0, v59  }
0x632: {  	v3 =	vand.u32 $0x7FFFFFFF, v3;
	v40 =	vld.idx.msk [tilespmem:v19+s16+$0x0], $0xffff;
	v7 =	vsub.f32 v7, v8;
	v8 =	vmul.f32 v1, v60  }
0x633: {  	v59 =	vld.idx.msk [tilespmem:v21+s16+$0x0], $0xffff;
	v2 =	vadd.f32 v2, v3;
	v3 =	vsub.f32 v4, v5;
	v4 =	vmul.f32 v1, v61  }
0x634: {  	v19 =	vld.idx.msk [tilespmem:v23+s16+$0x0], $0xffff;
	v6 =	vadd.f32 v44, v8;
	v8 =	vmul.f32 v0, v63;
	v7 =	vand.u32 $0x7FFFFFFF, v7  }
0x635: {  	v21 =	vld.idx.msk [tilespmem:v54+s16+$0x0], $0xffff;
	v2 =	vadd.f32 v2, v7;
	v4 =	vadd.f32 v46, v4;
	v7 =	vmul.f32 v0, v13  }
0x636: {  	v23 =	vld [tilespmem:$0x1E440];
	v3 =	vand.u32 $0x7FFFFFFF, v3;
	v6 =	vsub.f32 v6, v8;
	v8 =	vmul.f32 v1, v14  }
0x637: {  	v54 =	vld [tilespmem:$0x1E550];
	v2 =	vadd.f32 v2, v3;
	v3 =	vsub.f32 v4, v7;
	v4 =	vmul.f32 v1, v15  }
0x638: {  	v60 =	vld [tilespmem:$0x1E3A0];
	v5 =	vadd.f32 v62, v8;
	v8 =	vmul.f32 v0, v17;
	v6 =	vand.u32 $0x7FFFFFFF, v6  }
0x639: {  	v61 =	vld.idx.msk [tilespmem:v52+s16+$0x0], $0xffff;
	v2 =	vadd.f32 v2, v6;
	v4 =	vadd.f32 v12, v4;
	v6 =	vmul.f32 v0, v31  }
0x63a: {  	v52 =	vld [tilespmem:$0x1E530];
	v3 =	vand.u32 $0x7FFFFFFF, v3;
	v5 =	vsub.f32 v5, v8;
	v8 =	vmul.f32 v1, v32  }
0x63b: {  	v44 =	vld [tilespmem:$0x1E340];
	v2 =	vadd.f32 v2, v3;
	v3 =	vsub.f32 v4, v6;
	v4 =	vmul.f32 v1, v33  }
0x63c: {  	v63 =	vld [tilespmem:$0x1E3C0];
	v7 =	vadd.f32 v16, v8;
	v8 =	vmul.f32 v0, v35;
	v5 =	vand.u32 $0x7FFFFFFF, v5  }
0x63d: {  	v46 =	vld.idx.msk [tilespmem:v20+s16+$0x0], $0xffff;
	v2 =	vadd.f32 v2, v5;
	v4 =	vadd.f32 v29, v4;
	v5 =	vmul.f32 v0, v37  }
0x63e: {  	v13 =	vld.idx.msk [tilespmem:v22+s16+$0x0], $0xffff;
	v3 =	vand.u32 $0x7FFFFFFF, v3;
	v7 =	vsub.f32 v7, v8;
	v8 =	vmul.f32 v1, v38  }
0x63f: {  	v20 =	vld [tilespmem:$0x1E420];
	v2 =	vadd.f32 v2, v3;
	v3 =	vsub.f32 v4, v5;
	v4 =	vmul.f32 v1, v39  }
0x640: {  	v22 =	vld [tilespmem:$0x1E430];
	v6 =	vadd.f32 v34, v8;
	v8 =	vmul.f32 v0, v41;
	v7 =	vand.u32 $0x7FFFFFFF, v7  }
0x641: {  	v14 =	vld [tilespmem:$0x1E3E0];
	v2 =	vadd.f32 v2, v7;
	v4 =	vadd.f32 v36, v4;
	v7 =	vmul.f32 v0, v43  }
0x642: {  	v15 =	vld.idx.msk [tilespmem:v53+s16+$0x0], $0xffff;
	v3 =	vand.u32 $0x7FFFFFFF, v3;
	v6 =	vsub.f32 v6, v8;
	v8 =	vmul.f32 v1, v44  }
0x643: {  	v53 =	vld [tilespmem:$0x1E540];
	v2 =	vadd.f32 v2, v3;
	v3 =	vsub.f32 v4, v7;
	v4 =	vmul.f32 v1, v45  }
0x644: {  	v62 =	vld [tilespmem:$0x1E3B0];
	v5 =	vadd.f32 v40, v8;
	v8 =	vmul.f32 v0, v47;
	v6 =	vand.u32 $0x7FFFFFFF, v6  }
0x645: {  	v17 =	vld [tilespmem:$0x1E400];
	v2 =	vadd.f32 v2, v6;
	v4 =	vadd.f32 v42, v4;
	v6 =	vmul.f32 v0, v49  }
0x646: {  	v12 =	vld [tilespmem:$0x1E3D0];
	v3 =	vand.u32 $0x7FFFFFFF, v3;
	v5 =	vsub.f32 v5, v8;
	v8 =	vmul.f32 v1, v50  }
0x647: {  	v31 =	vld.idx.msk [tilespmem:v24+s16+$0x0], $0xffff;
	v2 =	vadd.f32 v2, v3;
	v3 =	vsub.f32 v4, v6;
	v4 =	vmul.f32 v1, v51  }
0x648: {  	v16 =	vld [tilespmem:$0x1E3F0];
	v7 =	vadd.f32 v46, v8;
	v8 =	vmul.f32 v0, v60;
	v5 =	vand.u32 $0x7FFFFFFF, v5  }
0x649: {  	v32 =	vld [tilespmem:$0x1E460];
	v2 =	vadd.f32 v2, v5;
	v4 =	vadd.f32 v48, v4;
	v5 =	vmul.f32 v0, v62  }
0x64a: {  	v33 =	vld.idx.msk [tilespmem:v55+s16+$0x0], $0xffff;
	v3 =	vand.u32 $0x7FFFFFFF, v3;
	v7 =	vsub.f32 v7, v8;
	v8 =	vmul.f32 v1, v63  }
0x64b: {  	v35 =	vld [tilespmem:$0x1E480];
	v2 =	vadd.f32 v2, v3;
	v3 =	vsub.f32 v4, v5;
	v4 =	vmul.f32 v1, v12  }
0x64c: {  	v29 =	vld [tilespmem:$0x1E450];
	v6 =	vadd.f32 v59, v8;
	v8 =	vmul.f32 v0, v14;
	v7 =	vand.u32 $0x7FFFFFFF, v7  }
0x64d: {  	v37 =	vld.idx.msk [tilespmem:v25+s16+$0x0], $0xffff;
	v2 =	vadd.f32 v2, v7;
	v4 =	vadd.f32 v61, v4;
	v7 =	vmul.f32 v0, v16  }
0x64e: {  	v38 =	vld [tilespmem:$0x1E4A0];
	v3 =	vand.u32 $0x7FFFFFFF, v3;
	v6 =	vsub.f32 v6, v8;
	v8 =	vmul.f32 v1, v17  }
0x64f: {  	v39 =	vld.idx.msk [tilespmem:v56+s16+$0x0], $0xffff;
	v2 =	vadd.f32 v2, v3;
	v3 =	vsub.f32 v4, v7;
	v4 =	vmul.f32 v1, v18  }
0x650: {  	v34 =	vld [tilespmem:$0x1E470];
	v5 =	vadd.f32 v13, v8;
	v8 =	vmul.f32 v0, v20;
	v6 =	vand.u32 $0x7FFFFFFF, v6  }
0x651: {  	v56 =	vld [tilespmem:$0x1E560];
	v2 =	vadd.f32 v2, v6;
	v4 =	vadd.f32 v15, v4;
	v6 =	vmul.f32 v0, v22  }
0x652: {  	v36 =	vld [tilespmem:$0x1E490];
	v3 =	vand.u32 $0x7FFFFFFF, v3;
	v5 =	vsub.f32 v5, v8;
	v8 =	vmul.f32 v1, v23  }
0x653: {  	v41 =	vld [tilespmem:$0x1E4C0];
	v2 =	vadd.f32 v2, v3;
	v3 =	vsub.f32 v4, v6;
	v4 =	vmul.f32 v1, v29  }
0x654: {  	v40 =	vld [tilespmem:$0x1E4B0];
	v7 =	vadd.f32 v19, v8;
	v8 =	vmul.f32 v0, v32;
	v5 =	vand.u32 $0x7FFFFFFF, v5  }
0x655: {  	v43 =	vld.idx.msk [tilespmem:v26+s16+$0x0], $0xffff;
	v2 =	vadd.f32 v2, v5;
	v4 =	vadd.f32 v21, v4;
	v5 =	vmul.f32 v0, v34  }
0x656: {  	v42 =	vld [tilespmem:$0x1E4D0];
	v3 =	vand.u32 $0x7FFFFFFF, v3;
	v7 =	vsub.f32 v7, v8;
	v8 =	vmul.f32 v1, v35  }
0x657: {  	v44 =	vld [tilespmem:$0x1E4E0];
	v2 =	vadd.f32 v2, v3;
	v3 =	vsub.f32 v4, v5;
	v4 =	vmul.f32 v1, v36  }
0x658: {  	v46 =	vld [tilespmem:$0x1E4F0];
	v6 =	vadd.f32 v31, v8;
	v8 =	vmul.f32 v0, v38;
	v7 =	vand.u32 $0x7FFFFFFF, v7  }
0x659: {  	v47 =	vld [tilespmem:$0x1E500];
	v2 =	vadd.f32 v2, v7;
	v4 =	vadd.f32 v33, v4;
	v7 =	vmul.f32 v0, v40  }
0x65a: {  	v48 =	vld [tilespmem:$0x1E510];
	v3 =	vand.u32 $0x7FFFFFFF, v3;
	v6 =	vsub.f32 v6, v8;
	v8 =	vmul.f32 v1, v41  }
0x65b: {  	v50 =	vld [tilespmem:$0x1E520];
	v2 =	vadd.f32 v2, v3;
	v3 =	vsub.f32 v4, v7;
	v4 =	vmul.f32 v1, v42  }
0x65c: {  	v45 =	vld.idx.msk [tilespmem:v57+s16+$0x0], $0xffff;
	v5 =	vadd.f32 v37, v8;
	v8 =	vmul.f32 v0, v44;
	v6 =	vand.u32 $0x7FFFFFFF, v6  }
0x65d: {  	v49 =	vld.idx.msk [tilespmem:v27+s16+$0x0], $0xffff;
	v2 =	vadd.f32 v2, v6;
	v4 =	vadd.f32 v39, v4;
	v6 =	vmul.f32 v0, v46  }
0x65e: {  	v51 =	vld.idx.msk [tilespmem:v58+s16+$0x0], $0xffff;
	v3 =	vand.u32 $0x7FFFFFFF, v3;
	v5 =	vsub.f32 v5, v8;
	v8 =	vmul.f32 v1, v47  }
0x65f: {  	v58 =	vld [tilespmem:$0x1E570];
	v2 =	vadd.f32 v2, v3;
	v3 =	vsub.f32 v4, v6;
	v4 =	vmul.f32 v1, v48  }
0x660: {  	v60 =	vld [tilespmem:$0x1E590];
	v7 =	vadd.f32 v43, v8;
	v8 =	vmul.f32 v0, v50;
	v5 =	vand.u32 $0x7FFFFFFF, v5  }
0x661: {  	v59 =	vld [tilespmem:$0x1E580];
	v2 =	vadd.f32 v2, v5;
	v4 =	vadd.f32 v45, v4;
	v5 =	vmul.f32 v0, v52  }
0x662: {  	v62 =	vld [tilespmem:$0x1E5A0];
	v3 =	vand.u32 $0x7FFFFFFF, v3;
	v7 =	vsub.f32 v7, v8;
	v8 =	vmul.f32 v1, v53  }
0x663: {  	v55 =	vld.idx.msk [tilespmem:v28+s16+$0x0], $0xffff;
	v2 =	vadd.f32 v2, v3;
	v3 =	vsub.f32 v4, v5;
	v4 =	vmul.f32 v1, v54  }
0x664: {  	v63 =	vld [tilespmem:$0x1E5B0];
	v6 =	vadd.f32 v49, v8;
	v8 =	vmul.f32 v0, v56;
	v7 =	vand.u32 $0x7FFFFFFF, v7  }
0x665: {  	v57 =	vld.idx.msk [tilespmem:v30+s16+$0x0], $0xffff;
	v9 =	vmul.f32 v0, v58;
	v2 =	vadd.f32 v2, v7;
	v4 =	vadd.f32 v51, v4  }
0x666: {  	v3 =	vand.u32 $0x7FFFFFFF, v3;
	v6 =	vsub.f32 v6, v8;
	v8 =	vmul.f32 v1, v59  }
0x667: {  	v5 =	vmul.f32 v0, v62;
	v1 =	vmul.f32 v1, v60;
	v2 =	vadd.f32 v2, v3  }
0x668: {  	v3 =	vsub.f32 v4, v9;
	v61 =	vadd.f32 v55, v8;
	v6 =	vand.u32 $0x7FFFFFFF, v6  }
0x669: {  	v0 =	vmul.f32 v0, v63;
	v2 =	vadd.f32 v2, v6  }
0x66a: {  	v1 =	vadd.f32 v57, v1;
	v3 =	vand.u32 $0x7FFFFFFF, v3;
	v4 =	vsub.f32 v61, v5  }
0x66b: {  	v2 =	vadd.f32 v2, v3  }
0x66c: {  	v0 =	vsub.f32 v1, v0;
	v1 =	vand.u32 $0x7FFFFFFF, v4  }
0x66d: {  	v1 =	vadd.f32 v2, v1  }
0x66e: {  	v0 =	vand.u32 $0x7FFFFFFF, v0  }
0x66f: {  	v0 =	vadd.f32 v1, v0;
	_ =	sdelay $0x1  }
0x670: {  	s20 =	sadd.s32 $0x1, s20;
	v0 =	vsub.f32 $0.0e+00, v0  }
0x671: {  	p0 =	sne.s32 s20, s9;
	s21 =	sadd.s32 $0x10, s21  }
.Ltmp1:
0x672: {  	[tilespmem:s21+$0x0] =	vst v0;
	(pc) =	sbr.rel @p0 .LBB2_1-.Ltmp1, $4  }
0x673: {  	[hbm4b:s8+s1] =	stream.linear.scatter [tilespmem:s19], [sflag:$0x2], $0x200, $0x38;
	[tilespmem:$0x18800] =	vst v63  }
0x674: {  	_ =	swait.ge [sflag:s10], $0x200  }
0x675: {  	[sflag:s10] =	ssyncset.done $0x0  }
0x676: {  	v1 =	vld [tilespmem:$0x1FFF0];
	[sflag:s10] =	ssyncadd.s32 $0xFFFFFE00  }
0x677: {  	_ =	sfence.sel $0x180000  }
0x678: {  	[bflag:$0x0] =	sbarrier.arrive $0xFFFF  }
0x679: {  	_ =	strace $0x90000047  }
0x67a: {  	s0 =	stileid.u32;
	[bflag:$0x2] =	sbarrier.arrive $0xFFFF  }
0x67b: {  	p0 =	sne.s32 s0, $0x0;
	s0 =	rddreg [dreg:$0x5]  }
0x67c: {  	s0 =	sadd.s32 @!p0 $0x100000, s0  }
0x67d: {  	[sflag:s0] =	ssyncadd.tile.s32 @!p0 $0x1;
	_ =	shalt  }
.Lfunc_end2:
_tile_overlayer_lowered:
.L_overlay_start_2:
0x67e: {  	(tag) =	ssettag $0x2  }
0x67f: {  	s0 =	rddreg [dreg:$0x0];
	s2 =	stileid.u32  }
0x680: {  	s1 =	rddreg [dreg:$0x1];
	p0 =	sne.s32 s2, $0x0  }
0x681: {  	s3 =	rddreg [dreg:$0x2];
	[bflag:$0x3] =	sbarrier.arrive $0xFFFF;
	s2 =	simm.s32 @!p0 $0x1C02  }
0x682: {  	[timem:s3], [sflag:s2] =	dma.local @!p0 [hbm:s0], s1  }
0x683: {  	s0 =	simm.s32 @!p0 $0x2  }
0x684: {  	_ =	swait.ge @!p0 [sflag:s0], s1  }
0x685: {  	s1 =	ssub.s32 @!p0 $0x0, s1;
	[sflag:s0] =	ssyncset.done @!p0 $0x0  }
0x686: {  	[sflag:s0] =	ssyncadd.s32 @!p0 s1  }
0x687: {  	[bflag:$0x3] =	sbarrier.arrive $0xFFFF  }
0x688: {  	_ =	shalt  }

</sc_bundles>
